<compile_context>
chip_gen: v7x
topology: tpu7x:2x2x1
jax: 0.10.2.dev20260603
libtpu: 0.0.44.dev20260713+nightly
codegen_flags: <defaults>
</compile_context>

<pallas_src>
import functools

import jax
import jax.numpy as jnp
from jax import lax
from jax.experimental import pallas as pl
from jax.experimental.pallas import tpu as pltpu
from jax.experimental.pallas import tpu_sc as plsc

N_TERMS = 100000
D = 64
B = 16384
L = 50
N_ROWS = B * L


_NORM_BLK = 20000


def _norm_body(x_ref, o_ref):
    x = x_ref[...].reshape(_NORM_BLK // 2, 2 * D)
    sq = x * x
    sl = jnp.sum(sq[:, :D], axis=1, keepdims=True)
    sr = jnp.sum(sq[:, D:], axis=1, keepdims=True)
    cl = jnp.broadcast_to(lax.rsqrt(jnp.maximum(sl, 1e-24)), (_NORM_BLK // 2, D))
    cr = jnp.broadcast_to(lax.rsqrt(jnp.maximum(sr, 1e-24)), (_NORM_BLK // 2, D))
    xn = x * jnp.concatenate([cl, cr], axis=1)
    o_ref[...] = xn.reshape(_NORM_BLK * D)


def _normalize_table(table_flat):
    return pl.pallas_call(
        _norm_body,
        grid=(N_TERMS // _NORM_BLK,),
        in_specs=[pl.BlockSpec((_NORM_BLK * D,), lambda i: (i,))],
        out_specs=pl.BlockSpec((_NORM_BLK * D,), lambda i: (i,)),
        out_shape=jax.ShapeDtypeStruct((N_TERMS * D,), jnp.float32),
    )(table_flat)



_NC = 2
_NS = 16
_NW = _NC * _NS
_NB0 = B // 128
_B0_W = _NB0 // _NW
_SLABS = L * _B0_W

_sc_mesh = plsc.VectorSubcoreMesh(core_axis_name="c", subcore_axis_name="s")


@functools.partial(
    pl.kernel,
    out_type=jax.ShapeDtypeStruct((L, D // 8, 128, 8, 128), jnp.float32),
    mesh=_sc_mesh,
    compiler_params=pltpu.CompilerParams(
        use_tc_tiling_on_sc=False, needs_layout_passes=False),
    scratch_types=[
        pltpu.VMEM((L, _B0_W, 128), jnp.int32),
        pltpu.VMEM((4, 128, D), jnp.float32),
        pltpu.VMEM((2, D, 128), jnp.float32),
        pltpu.SemaphoreType.DMA,
        pltpu.SemaphoreType.DMA,
        pltpu.SemaphoreType.DMA,
        pltpu.SemaphoreType.DMA,
        pltpu.SemaphoreType.DMA,
        pltpu.SemaphoreType.DMA,
    ],
)
def _gather_kernel(idx_hbm, tab_hbm, out_hbm, idx_v, rows_v, tr_v,
                   gsem0, gsem1, gsem2, gsem3, ssem0, ssem1):
    wid = lax.axis_index("s") * _NC + lax.axis_index("c")

    pltpu.sync_copy(idx_hbm.at[:, pl.ds(wid * _B0_W, _B0_W)], idx_v)

    gsems = (gsem0, gsem1, gsem2, gsem3)
    ssems = (ssem0, ssem1)

    def gather_desc(j, b):
        return pltpu.make_async_copy(
            tab_hbm.at[idx_v.at[j // _B0_W, lax.rem(j, _B0_W)]],
            rows_v.at[b], gsems[b])

    def store_descs(j, b):
        l = j // _B0_W
        b0 = wid * _B0_W + lax.rem(j, _B0_W)
        return [
            pltpu.make_async_copy(
                tr_v.at[b, pl.ds(8 * d0, 8)],
                out_hbm.at[l, d0, b0], ssems[b])
            for d0 in range(D // 8)
        ]

    def start_stores(j, b):
        for d_ in store_descs(j, b):
            d_.start()

    def wait_stores(j, b):
        for d_ in store_descs(j, b):
            d_.wait()

    lane = lax.iota(jnp.int32, 16)

    def transpose(gb, tb):
        src = rows_v.at[gb]
        dst = tr_v.at[tb]
        rowv = [lane + 16 * rb for rb in range(8)]

        def cbody(c, carry):
            t = jnp.bitwise_and(lane + c, 15)
            cols = [t + 16 * cb for cb in range(D // 16)]
            for cb in range(D // 16):
                vs = [plsc.load_gather(src, [rowv[rb], cols[cb]])
                      for rb in range(8)]
                for rb in range(8):
                    plsc.store_scatter(dst, [cols[cb], rowv[rb]], vs[rb])
            return carry

        lax.fori_loop(0, 16, cbody, 0)

    def step(j, gb, tb):
        @pl.when(j >= 2)
        def _():
            wait_stores(j - 2, tb)

        gather_desc(j, gb).wait()
        transpose(gb, tb)

        @pl.when(j + 4 < _SLABS)
        def _():
            gather_desc(j + 4, gb).start()

        start_stores(j, tb)

    for g in range(4):
        gather_desc(g, g).start()

    def quad(p, carry):
        j = 4 * p
        step(j, 0, 0)
        step(j + 1, 1, 1)
        step(j + 2, 2, 0)
        step(j + 3, 3, 1)
        return carry

    lax.fori_loop(0, _SLABS // 4, quad, 0)

    wait_stores(_SLABS - 2, 0)
    wait_stores(_SLABS - 1, 1)


def kernel(term_ids, table):
    norm_tab = _normalize_table(table.reshape(N_TERMS * D)).reshape(N_TERMS, D)
    idx3 = jnp.transpose(term_ids).reshape(L, _NB0, 128)
    phys = _gather_kernel(idx3, norm_tab)
    out = jnp.transpose(phys, (2, 4, 0, 1, 3)).reshape(B, L, D)
    return out

# --- scband reference (transcript-rebuilt; emitter-appended) ---
"""Pipeline reference for scband-goterm-encoder-57114475102382 (READ-ONLY COPY).

The authoritative reference and input builder live on the scoring server;
editing this copy changes nothing except your own understanding.
"""

import jax, jax.numpy as jnp
import numpy as np

N_TERMS = 100000
OUTPUT_DIM = 64


def setup_inputs(seed: int = 0) -> dict:
    key = jax.random.key(seed)
    k_idx, k_tab = jax.random.split(key)
    term_ids = jax.random.randint(k_idx, (16384, 50), 0, N_TERMS, dtype=jnp.int64 if jax.config.jax_enable_x64 else jnp.int32)
    # xavier_uniform init for embedding table [N_TERMS, OUTPUT_DIM]
    limit = float(np.sqrt(6.0 / (N_TERMS + OUTPUT_DIM)))
    table = jax.random.uniform(k_tab, (N_TERMS, OUTPUT_DIM), dtype=jnp.float32, minval=-limit, maxval=limit)
    return {"term_ids": term_ids, "table": table}


def reference(term_ids, table):
    # embedding lookup (gather)
    emb = jnp.take(table, term_ids, axis=0)  # [B, L, D]
    # F.normalize(x, dim=-1): x / max(||x||_2, eps), eps=1e-12
    norm = jnp.linalg.norm(emb, ord=2, axis=-1, keepdims=True)
    return emb / jnp.maximum(norm, 1e-12)

if __name__ == "__main__":
    import jax
    _d = setup_inputs()
    print(jax.jit(kernel)(*tuple(_d.values())))

</pallas_src>

<mosaic_0001>
#map = affine_map<(d0, d1) -> (0, 0, 0)>
#map1 = affine_map<(d0, d1) -> (0, 0)>
#map2 = affine_map<(d0, d1) -> (0, 0, 0, 0, 0)>
module attributes {stable_mosaic.version = 14 : i64} {
  func.func @_gather_kernel(%arg0: i32, %arg1: i32, %arg2: memref<50x128x128xi32, #tpu.memory_space<hbm>>, %arg3: memref<100000x64xf32, #tpu.memory_space<hbm>>, %arg4: memref<50x8x128x8x128xf32, #tpu.memory_space<hbm>>, %arg5: memref<50x4x128xi32, #tpu.memory_space<vmem>>, %arg6: memref<4x128x64xf32, #tpu.memory_space<vmem>>, %arg7: memref<2x64x128xf32, #tpu.memory_space<vmem>>, %arg8: memref<!tpu.dma_semaphore, #tpu.memory_space<semaphore_mem>>, %arg9: memref<!tpu.dma_semaphore, #tpu.memory_space<semaphore_mem>>, %arg10: memref<!tpu.dma_semaphore, #tpu.memory_space<semaphore_mem>>, %arg11: memref<!tpu.dma_semaphore, #tpu.memory_space<semaphore_mem>>, %arg12: memref<!tpu.dma_semaphore, #tpu.memory_space<semaphore_mem>>, %arg13: memref<!tpu.dma_semaphore, #tpu.memory_space<semaphore_mem>>) attributes {dimension_semantics = [#tpu.dimension_semantics<core_parallel>, #tpu.dimension_semantics<subcore_parallel>], iteration_bounds = array<i64: 2, 16>, scalar_prefetch = 0 : i64, scratch_operands = 9 : i64, tpu.core_type = #tpu.core_type<sc_vector_subcore>, window_params = [{transform_indices = #map}, {transform_indices = #map1}, {transform_indices = #map2}]} {
    %mul3A = arith.constant 2 : i32
    %mul3A_0 = arith.muli %arg1, %mul3A : i32
    %add3A = arith.addi %mul3A_0, %arg0 : i32
    %mul3A_1 = arith.constant 4 : i32
    %mul3A_2 = arith.muli %add3A, %mul3A_1 : i32
    "tpu.region"() ({
      %run_scoped3A = tpu.sem_alloc : memref<!tpu.dma_semaphore, #tpu.memory_space<semaphore_mem>>
      %dma_start3A_381 = arith.constant 0 : i32
      %dma_start3A_382 = arith.constant 0 : i32
      %dma_start3A_383 = tpu.memref_slice %arg2[%dma_start3A_381, %mul3A_2, %dma_start3A_382] : memref<50x128x128xi32, #tpu.memory_space<hbm>> -> memref<50x4x128xi32, #tpu.memory_space<hbm>>
      %dma_start3A_384 = arith.constant 0 : i32
      %dma_start3A_385 = arith.constant 0 : i32
      %dma_start3A_386 = tpu.memref_slice %arg2[%dma_start3A_384, %mul3A_2, %dma_start3A_385] : memref<50x128x128xi32, #tpu.memory_space<hbm>> -> memref<50x4x128xi32, #tpu.memory_space<hbm>>
      tpu.enqueue_dma source(%dma_start3A_386 : memref<50x4x128xi32, #tpu.memory_space<hbm>>) target(%arg5 : memref<50x4x128xi32, #tpu.memory_space<vmem>>) target_semaphore(%run_scoped3A : memref<!tpu.dma_semaphore, #tpu.memory_space<semaphore_mem>>)
      %dma_wait3A_387 = arith.constant 0 : i32
      %dma_wait3A_388 = arith.constant 0 : i32
      %dma_wait3A_389 = tpu.memref_slice %arg2[%dma_wait3A_387, %mul3A_2, %dma_wait3A_388] : memref<50x128x128xi32, #tpu.memory_space<hbm>> -> memref<50x4x128xi32, #tpu.memory_space<hbm>>
      %dma_wait3A_390 = arith.constant 0 : i32
      %dma_wait3A_391 = arith.constant 0 : i32
      %dma_wait3A_392 = tpu.memref_slice %arg2[%dma_wait3A_390, %mul3A_2, %dma_wait3A_391] : memref<50x128x128xi32, #tpu.memory_space<hbm>> -> memref<50x4x128xi32, #tpu.memory_space<hbm>>
      tpu.wait_dma2 semaphore(%run_scoped3A : memref<!tpu.dma_semaphore, #tpu.memory_space<semaphore_mem>>) src(%dma_wait3A_392 : memref<50x4x128xi32, #tpu.memory_space<hbm>>) dst(%arg5 : memref<50x4x128xi32, #tpu.memory_space<vmem>>)
      tpu.yield
    }) : () -> ()
    %iota3A = tpu.iota {dimensions = array<i32: 0>} : vector<16xi32>
    %rem3A = arith.constant 0 : i32
    %rem3A_3 = arith.constant 4 : i32
    %rem3A_4 = arith.remsi %rem3A, %rem3A_3 : i32
    %dma_start3A = arith.constant 0 : i32
    %dma_start3A_5 = arith.constant 0 : i32
    %dma_start3A_6 = arith.constant 0 : i32
    %dma_start3A_7 = arith.constant 0 : i32
    %dma_start3A_8 = tpu.memref_slice %arg6[%dma_start3A_5, %dma_start3A_6, %dma_start3A_7] : memref<4x128x64xf32, #tpu.memory_space<vmem>> -> memref<1x128x64xf32, #tpu.memory_space<vmem>>
    %dma_start3A_9 = tpu.memref_squeeze %dma_start3A_8 : memref<1x128x64xf32, #tpu.memory_space<vmem>> -> memref<128x64xf32, #tpu.memory_space<vmem>>
    %dma_start3A_10 = arith.constant 0 : i32
    %dma_start3A_11 = tpu.memref_slice %arg5[%dma_start3A, %rem3A_4, %dma_start3A_10] : memref<50x4x128xi32, #tpu.memory_space<vmem>> -> memref<1x1x128xi32, #tpu.memory_space<vmem>>
    %dma_start3A_12 = tpu.memref_squeeze %dma_start3A_11 : memref<1x1x128xi32, #tpu.memory_space<vmem>> -> memref<128xi32, #tpu.memory_space<vmem>>
    %dma_start3A_13 = arith.constant 0 : i32
    %dma_start3A_14 = arith.constant 0 : i32
    %dma_start3A_15 = tpu.memref_slice %arg3[%dma_start3A_13, %dma_start3A_14] : memref<100000x64xf32, #tpu.memory_space<hbm>> -> memref<100000x64xf32, #tpu.memory_space<hbm>>
    tpu.enqueue_indirect_dma source(%dma_start3A_15 : memref<100000x64xf32, #tpu.memory_space<hbm>>) target(%dma_start3A_9 : memref<128x64xf32, #tpu.memory_space<vmem>>) offsets(%dma_start3A_12 : memref<128xi32, #tpu.memory_space<vmem>>) semaphore(%arg8 : memref<!tpu.dma_semaphore, #tpu.memory_space<semaphore_mem>>)
    %rem3A_16 = arith.constant 1 : i32
    %rem3A_17 = arith.constant 4 : i32
    %rem3A_18 = arith.remsi %rem3A_16, %rem3A_17 : i32
    %dma_start3A_19 = arith.constant 0 : i32
    %dma_start3A_20 = arith.constant 1 : i32
    %dma_start3A_21 = arith.constant 0 : i32
    %dma_start3A_22 = arith.constant 0 : i32
    %dma_start3A_23 = tpu.memref_slice %arg6[%dma_start3A_20, %dma_start3A_21, %dma_start3A_22] : memref<4x128x64xf32, #tpu.memory_space<vmem>> -> memref<1x128x64xf32, #tpu.memory_space<vmem>>
    %dma_start3A_24 = tpu.memref_squeeze %dma_start3A_23 : memref<1x128x64xf32, #tpu.memory_space<vmem>> -> memref<128x64xf32, #tpu.memory_space<vmem>>
    %dma_start3A_25 = arith.constant 0 : i32
    %dma_start3A_26 = tpu.memref_slice %arg5[%dma_start3A_19, %rem3A_18, %dma_start3A_25] : memref<50x4x128xi32, #tpu.memory_space<vmem>> -> memref<1x1x128xi32, #tpu.memory_space<vmem>>
    %dma_start3A_27 = tpu.memref_squeeze %dma_start3A_26 : memref<1x1x128xi32, #tpu.memory_space<vmem>> -> memref<128xi32, #tpu.memory_space<vmem>>
    %dma_start3A_28 = arith.constant 0 : i32
    %dma_start3A_29 = arith.constant 0 : i32
    %dma_start3A_30 = tpu.memref_slice %arg3[%dma_start3A_28, %dma_start3A_29] : memref<100000x64xf32, #tpu.memory_space<hbm>> -> memref<100000x64xf32, #tpu.memory_space<hbm>>
    tpu.enqueue_indirect_dma source(%dma_start3A_30 : memref<100000x64xf32, #tpu.memory_space<hbm>>) target(%dma_start3A_24 : memref<128x64xf32, #tpu.memory_space<vmem>>) offsets(%dma_start3A_27 : memref<128xi32, #tpu.memory_space<vmem>>) semaphore(%arg9 : memref<!tpu.dma_semaphore, #tpu.memory_space<semaphore_mem>>)
    %rem3A_31 = arith.constant 2 : i32
    %rem3A_32 = arith.constant 4 : i32
    %rem3A_33 = arith.remsi %rem3A_31, %rem3A_32 : i32
    %dma_start3A_34 = arith.constant 0 : i32
    %dma_start3A_35 = arith.constant 2 : i32
    %dma_start3A_36 = arith.constant 0 : i32
    %dma_start3A_37 = arith.constant 0 : i32
    %dma_start3A_38 = tpu.memref_slice %arg6[%dma_start3A_35, %dma_start3A_36, %dma_start3A_37] : memref<4x128x64xf32, #tpu.memory_space<vmem>> -> memref<1x128x64xf32, #tpu.memory_space<vmem>>
    %dma_start3A_39 = tpu.memref_squeeze %dma_start3A_38 : memref<1x128x64xf32, #tpu.memory_space<vmem>> -> memref<128x64xf32, #tpu.memory_space<vmem>>
    %dma_start3A_40 = arith.constant 0 : i32
    %dma_start3A_41 = tpu.memref_slice %arg5[%dma_start3A_34, %rem3A_33, %dma_start3A_40] : memref<50x4x128xi32, #tpu.memory_space<vmem>> -> memref<1x1x128xi32, #tpu.memory_space<vmem>>
    %dma_start3A_42 = tpu.memref_squeeze %dma_start3A_41 : memref<1x1x128xi32, #tpu.memory_space<vmem>> -> memref<128xi32, #tpu.memory_space<vmem>>
    %dma_start3A_43 = arith.constant 0 : i32
    %dma_start3A_44 = arith.constant 0 : i32
    %dma_start3A_45 = tpu.memref_slice %arg3[%dma_start3A_43, %dma_start3A_44] : memref<100000x64xf32, #tpu.memory_space<hbm>> -> memref<100000x64xf32, #tpu.memory_space<hbm>>
    tpu.enqueue_indirect_dma source(%dma_start3A_45 : memref<100000x64xf32, #tpu.memory_space<hbm>>) target(%dma_start3A_39 : memref<128x64xf32, #tpu.memory_space<vmem>>) offsets(%dma_start3A_42 : memref<128xi32, #tpu.memory_space<vmem>>) semaphore(%arg10 : memref<!tpu.dma_semaphore, #tpu.memory_space<semaphore_mem>>)
    %rem3A_46 = arith.constant 3 : i32
    %rem3A_47 = arith.constant 4 : i32
    %rem3A_48 = arith.remsi %rem3A_46, %rem3A_47 : i32
    %dma_start3A_49 = arith.constant 0 : i32
    %dma_start3A_50 = arith.constant 3 : i32
    %dma_start3A_51 = arith.constant 0 : i32
    %dma_start3A_52 = arith.constant 0 : i32
    %dma_start3A_53 = tpu.memref_slice %arg6[%dma_start3A_50, %dma_start3A_51, %dma_start3A_52] : memref<4x128x64xf32, #tpu.memory_space<vmem>> -> memref<1x128x64xf32, #tpu.memory_space<vmem>>
    %dma_start3A_54 = tpu.memref_squeeze %dma_start3A_53 : memref<1x128x64xf32, #tpu.memory_space<vmem>> -> memref<128x64xf32, #tpu.memory_space<vmem>>
    %dma_start3A_55 = arith.constant 0 : i32
    %dma_start3A_56 = tpu.memref_slice %arg5[%dma_start3A_49, %rem3A_48, %dma_start3A_55] : memref<50x4x128xi32, #tpu.memory_space<vmem>> -> memref<1x1x128xi32, #tpu.memory_space<vmem>>
    %dma_start3A_57 = tpu.memref_squeeze %dma_start3A_56 : memref<1x1x128xi32, #tpu.memory_space<vmem>> -> memref<128xi32, #tpu.memory_space<vmem>>
    %dma_start3A_58 = arith.constant 0 : i32
    %dma_start3A_59 = arith.constant 0 : i32
    %dma_start3A_60 = tpu.memref_slice %arg3[%dma_start3A_58, %dma_start3A_59] : memref<100000x64xf32, #tpu.memory_space<hbm>> -> memref<100000x64xf32, #tpu.memory_space<hbm>>
    tpu.enqueue_indirect_dma source(%dma_start3A_60 : memref<100000x64xf32, #tpu.memory_space<hbm>>) target(%dma_start3A_54 : memref<128x64xf32, #tpu.memory_space<vmem>>) offsets(%dma_start3A_57 : memref<128xi32, #tpu.memory_space<vmem>>) semaphore(%arg11 : memref<!tpu.dma_semaphore, #tpu.memory_space<semaphore_mem>>)
    %scan3A = arith.constant 0 : i32
    %scan3A_61 = arith.constant 0 : i32
    %scan3A_62 = arith.constant 50 : i32
    %scan3A_63 = arith.addi %scan3A_61, %scan3A_62 : i32
    %scan3A_64 = arith.constant 1 : i32
    scf.for %scan3A_381 = %scan3A_61 to %scan3A_63 step %scan3A_64  : i32 {
      %mul3A_382 = arith.constant 4 : i32
      %mul3A_383 = arith.muli %mul3A_382, %scan3A_381 : i32
      %ge3A = arith.constant 2 : i32
      %ge3A_384 = arith.cmpi sge, %mul3A_383, %ge3A : i32
      %convert_element_type3A = arith.extui %ge3A_384 : i1 to i32
      %cond3A = arith.constant 0 : i32
      %cond3A_385 = arith.cmpi ne, %convert_element_type3A, %cond3A : i32
      scf.if %cond3A_385 {
        %sub3A_1395 = arith.constant 2 : i32
        %sub3A_1396 = arith.subi %mul3A_383, %sub3A_1395 : i32
        %jit3A_1397 = arith.constant 4 : i32
        %div3A_1398 = arith.divsi %sub3A_1396, %jit3A_1397 : i32
        %sign3A_1399 = arith.constant 0 : i32
        %sign3A_1400 = arith.cmpi sgt, %sub3A_1396, %sign3A_1399 : i32
        %sign3A_1401 = arith.extui %sign3A_1400 : i1 to i32
        %sign3A_1402 = arith.constant 0 : i32
        %sign3A_1403 = arith.cmpi slt, %sub3A_1396, %sign3A_1402 : i32
        %sign3A_1404 = arith.extui %sign3A_1403 : i1 to i32
        %sign3A_1405 = arith.subi %sign3A_1401, %sign3A_1404 : i32
        %sign3A_1406 = arith.constant 0 : i32
        %sign3A_1407 = arith.cmpi sgt, %jit3A_1397, %sign3A_1406 : i32
        %sign3A_1408 = arith.extui %sign3A_1407 : i1 to i32
        %sign3A_1409 = arith.constant 0 : i32
        %sign3A_1410 = arith.cmpi slt, %jit3A_1397, %sign3A_1409 : i32
        %sign3A_1411 = arith.extui %sign3A_1410 : i1 to i32
        %sign3A_1412 = arith.subi %sign3A_1408, %sign3A_1411 : i32
        %ne3A_1413 = arith.cmpi ne, %sign3A_1405, %sign3A_1412 : i32
        %rem3A_1414 = arith.remsi %sub3A_1396, %jit3A_1397 : i32
        %ne3A_1415 = arith.constant 0 : i32
        %ne3A_1416 = arith.cmpi ne, %rem3A_1414, %ne3A_1415 : i32
        %and3A_1417 = arith.andi %ne3A_1413, %ne3A_1416 : i1
        %sub3A_1418 = arith.constant 1 : i32
        %sub3A_1419 = arith.subi %div3A_1398, %sub3A_1418 : i32
        %select_n3A_1420 = arith.select %and3A_1417, %sub3A_1419, %div3A_1398 : i32
        %mul3A_1421 = arith.constant 4 : i32
        %mul3A_1422 = arith.muli %add3A, %mul3A_1421 : i32
        %rem3A_1423 = arith.constant 4 : i32
        %rem3A_1424 = arith.remsi %sub3A_1396, %rem3A_1423 : i32
        %add3A_1425 = arith.addi %mul3A_1422, %rem3A_1424 : i32
        %dma_wait3A_1426 = arith.constant 0 : i32
        %dma_wait3A_1427 = arith.constant 0 : i32
        %dma_wait3A_1428 = arith.constant 0 : i32
        %dma_wait3A_1429 = arith.constant 0 : i32
        %dma_wait3A_1430 = tpu.memref_slice %arg7[%dma_wait3A_1426, %dma_wait3A_1428, %dma_wait3A_1429] : memref<2x64x128xf32, #tpu.memory_space<vmem>> -> memref<1x8x128xf32, #tpu.memory_space<vmem>>
        %dma_wait3A_1431 = tpu.memref_squeeze %dma_wait3A_1430 : memref<1x8x128xf32, #tpu.memory_space<vmem>> -> memref<8x128xf32, #tpu.memory_space<vmem>>
        %dma_wait3A_1432 = arith.constant 0 : i32
        %dma_wait3A_1433 = arith.constant 0 : i32
        %dma_wait3A_1434 = tpu.memref_slice %arg4[%select_n3A_1420, %dma_wait3A_1427, %add3A_1425, %dma_wait3A_1432, %dma_wait3A_1433] : memref<50x8x128x8x128xf32, #tpu.memory_space<hbm>> -> memref<1x1x1x8x128xf32, #tpu.memory_space<hbm>>
        %dma_wait3A_1435 = tpu.memref_squeeze %dma_wait3A_1434 : memref<1x1x1x8x128xf32, #tpu.memory_space<hbm>> -> memref<8x128xf32, #tpu.memory_space<hbm>>
        %dma_wait3A_1436 = arith.constant 0 : i32
        %dma_wait3A_1437 = arith.constant 0 : i32
        %dma_wait3A_1438 = tpu.memref_slice %arg4[%select_n3A_1420, %dma_wait3A_1427, %add3A_1425, %dma_wait3A_1436, %dma_wait3A_1437] : memref<50x8x128x8x128xf32, #tpu.memory_space<hbm>> -> memref<1x1x1x8x128xf32, #tpu.memory_space<hbm>>
        %dma_wait3A_1439 = tpu.memref_squeeze %dma_wait3A_1438 : memref<1x1x1x8x128xf32, #tpu.memory_space<hbm>> -> memref<8x128xf32, #tpu.memory_space<hbm>>
        %dma_wait3A_1440 = arith.constant 0 : i32
        %dma_wait3A_1441 = arith.constant 0 : i32
        %dma_wait3A_1442 = tpu.memref_slice %arg7[%dma_wait3A_1426, %dma_wait3A_1440, %dma_wait3A_1441] : memref<2x64x128xf32, #tpu.memory_space<vmem>> -> memref<1x8x128xf32, #tpu.memory_space<vmem>>
        %dma_wait3A_1443 = tpu.memref_squeeze %dma_wait3A_1442 : memref<1x8x128xf32, #tpu.memory_space<vmem>> -> memref<8x128xf32, #tpu.memory_space<vmem>>
        tpu.wait_dma2 semaphore(%arg12 : memref<!tpu.dma_semaphore, #tpu.memory_space<semaphore_mem>>) src(%dma_wait3A_1443 : memref<8x128xf32, #tpu.memory_space<vmem>>) dst(%dma_wait3A_1439 : memref<8x128xf32, #tpu.memory_space<hbm>>)
        %dma_wait3A_1444 = arith.constant 0 : i32
        %dma_wait3A_1445 = arith.constant 1 : i32
        %dma_wait3A_1446 = arith.constant 8 : i32
        %dma_wait3A_1447 = arith.constant 0 : i32
        %dma_wait3A_1448 = tpu.memref_slice %arg7[%dma_wait3A_1444, %dma_wait3A_1446, %dma_wait3A_1447] : memref<2x64x128xf32, #tpu.memory_space<vmem>> -> memref<1x8x128xf32, #tpu.memory_space<vmem>>
        %dma_wait3A_1449 = tpu.memref_squeeze %dma_wait3A_1448 : memref<1x8x128xf32, #tpu.memory_space<vmem>> -> memref<8x128xf32, #tpu.memory_space<vmem>>
        %dma_wait3A_1450 = arith.constant 0 : i32
        %dma_wait3A_1451 = arith.constant 0 : i32
        %dma_wait3A_1452 = tpu.memref_slice %arg4[%select_n3A_1420, %dma_wait3A_1445, %add3A_1425, %dma_wait3A_1450, %dma_wait3A_1451] : memref<50x8x128x8x128xf32, #tpu.memory_space<hbm>> -> memref<1x1x1x8x128xf32, #tpu.memory_space<hbm>>
        %dma_wait3A_1453 = tpu.memref_squeeze %dma_wait3A_1452 : memref<1x1x1x8x128xf32, #tpu.memory_space<hbm>> -> memref<8x128xf32, #tpu.memory_space<hbm>>
        %dma_wait3A_1454 = arith.constant 0 : i32
        %dma_wait3A_1455 = arith.constant 0 : i32
        %dma_wait3A_1456 = tpu.memref_slice %arg4[%select_n3A_1420, %dma_wait3A_1445, %add3A_1425, %dma_wait3A_1454, %dma_wait3A_1455] : memref<50x8x128x8x128xf32, #tpu.memory_space<hbm>> -> memref<1x1x1x8x128xf32, #tpu.memory_space<hbm>>
        %dma_wait3A_1457 = tpu.memref_squeeze %dma_wait3A_1456 : memref<1x1x1x8x128xf32, #tpu.memory_space<hbm>> -> memref<8x128xf32, #tpu.memory_space<hbm>>
        %dma_wait3A_1458 = arith.constant 8 : i32
        %dma_wait3A_1459 = arith.constant 0 : i32
        %dma_wait3A_1460 = tpu.memref_slice %arg7[%dma_wait3A_1444, %dma_wait3A_1458, %dma_wait3A_1459] : memref<2x64x128xf32, #tpu.memory_space<vmem>> -> memref<1x8x128xf32, #tpu.memory_space<vmem>>
        %dma_wait3A_1461 = tpu.memref_squeeze %dma_wait3A_1460 : memref<1x8x128xf32, #tpu.memory_space<vmem>> -> memref<8x128xf32, #tpu.memory_space<vmem>>
        tpu.wait_dma2 semaphore(%arg12 : memref<!tpu.dma_semaphore, #tpu.memory_space<semaphore_mem>>) src(%dma_wait3A_1461 : memref<8x128xf32, #tpu.memory_space<vmem>>) dst(%dma_wait3A_1457 : memref<8x128xf32, #tpu.memory_space<hbm>>)
        %dma_wait3A_1462 = arith.constant 0 : i32
        %dma_wait3A_1463 = arith.constant 2 : i32
        %dma_wait3A_1464 = arith.constant 16 : i32
        %dma_wait3A_1465 = arith.constant 0 : i32
        %dma_wait3A_1466 = tpu.memref_slice %arg7[%dma_wait3A_1462, %dma_wait3A_1464, %dma_wait3A_1465] : memref<2x64x128xf32, #tpu.memory_space<vmem>> -> memref<1x8x128xf32, #tpu.memory_space<vmem>>
        %dma_wait3A_1467 = tpu.memref_squeeze %dma_wait3A_1466 : memref<1x8x128xf32, #tpu.memory_space<vmem>> -> memref<8x128xf32, #tpu.memory_space<vmem>>
        %dma_wait3A_1468 = arith.constant 0 : i32
        %dma_wait3A_1469 = arith.constant 0 : i32
        %dma_wait3A_1470 = tpu.memref_slice %arg4[%select_n3A_1420, %dma_wait3A_1463, %add3A_1425, %dma_wait3A_1468, %dma_wait3A_1469] : memref<50x8x128x8x128xf32, #tpu.memory_space<hbm>> -> memref<1x1x1x8x128xf32, #tpu.memory_space<hbm>>
        %dma_wait3A_1471 = tpu.memref_squeeze %dma_wait3A_1470 : memref<1x1x1x8x128xf32, #tpu.memory_space<hbm>> -> memref<8x128xf32, #tpu.memory_space<hbm>>
        %dma_wait3A_1472 = arith.constant 0 : i32
        %dma_wait3A_1473 = arith.constant 0 : i32
        %dma_wait3A_1474 = tpu.memref_slice %arg4[%select_n3A_1420, %dma_wait3A_1463, %add3A_1425, %dma_wait3A_1472, %dma_wait3A_1473] : memref<50x8x128x8x128xf32, #tpu.memory_space<hbm>> -> memref<1x1x1x8x128xf32, #tpu.memory_space<hbm>>
        %dma_wait3A_1475 = tpu.memref_squeeze %dma_wait3A_1474 : memref<1x1x1x8x128xf32, #tpu.memory_space<hbm>> -> memref<8x128xf32, #tpu.memory_space<hbm>>
        %dma_wait3A_1476 = arith.constant 16 : i32
        %dma_wait3A_1477 = arith.constant 0 : i32
        %dma_wait3A_1478 = tpu.memref_slice %arg7[%dma_wait3A_1462, %dma_wait3A_1476, %dma_wait3A_1477] : memref<2x64x128xf32, #tpu.memory_space<vmem>> -> memref<1x8x128xf32, #tpu.memory_space<vmem>>
        %dma_wait3A_1479 = tpu.memref_squeeze %dma_wait3A_1478 : memref<1x8x128xf32, #tpu.memory_space<vmem>> -> memref<8x128xf32, #tpu.memory_space<vmem>>
        tpu.wait_dma2 semaphore(%arg12 : memref<!tpu.dma_semaphore, #tpu.memory_space<semaphore_mem>>) src(%dma_wait3A_1479 : memref<8x128xf32, #tpu.memory_space<vmem>>) dst(%dma_wait3A_1475 : memref<8x128xf32, #tpu.memory_space<hbm>>)
        %dma_wait3A_1480 = arith.constant 0 : i32
        %dma_wait3A_1481 = arith.constant 3 : i32
        %dma_wait3A_1482 = arith.constant 24 : i32
        %dma_wait3A_1483 = arith.constant 0 : i32
        %dma_wait3A_1484 = tpu.memref_slice %arg7[%dma_wait3A_1480, %dma_wait3A_1482, %dma_wait3A_1483] : memref<2x64x128xf32, #tpu.memory_space<vmem>> -> memref<1x8x128xf32, #tpu.memory_space<vmem>>
        %dma_wait3A_1485 = tpu.memref_squeeze %dma_wait3A_1484 : memref<1x8x128xf32, #tpu.memory_space<vmem>> -> memref<8x128xf32, #tpu.memory_space<vmem>>
        %dma_wait3A_1486 = arith.constant 0 : i32
        %dma_wait3A_1487 = arith.constant 0 : i32
        %dma_wait3A_1488 = tpu.memref_slice %arg4[%select_n3A_1420, %dma_wait3A_1481, %add3A_1425, %dma_wait3A_1486, %dma_wait3A_1487] : memref<50x8x128x8x128xf32, #tpu.memory_space<hbm>> -> memref<1x1x1x8x128xf32, #tpu.memory_space<hbm>>
        %dma_wait3A_1489 = tpu.memref_squeeze %dma_wait3A_1488 : memref<1x1x1x8x128xf32, #tpu.memory_space<hbm>> -> memref<8x128xf32, #tpu.memory_space<hbm>>
        %dma_wait3A_1490 = arith.constant 0 : i32
        %dma_wait3A_1491 = arith.constant 0 : i32
        %dma_wait3A_1492 = tpu.memref_slice %arg4[%select_n3A_1420, %dma_wait3A_1481, %add3A_1425, %dma_wait3A_1490, %dma_wait3A_1491] : memref<50x8x128x8x128xf32, #tpu.memory_space<hbm>> -> memref<1x1x1x8x128xf32, #tpu.memory_space<hbm>>
        %dma_wait3A_1493 = tpu.memref_squeeze %dma_wait3A_1492 : memref<1x1x1x8x128xf32, #tpu.memory_space<hbm>> -> memref<8x128xf32, #tpu.memory_space<hbm>>
        %dma_wait3A_1494 = arith.constant 24 : i32
        %dma_wait3A_1495 = arith.constant 0 : i32
        %dma_wait3A_1496 = tpu.memref_slice %arg7[%dma_wait3A_1480, %dma_wait3A_1494, %dma_wait3A_1495] : memref<2x64x128xf32, #tpu.memory_space<vmem>> -> memref<1x8x128xf32, #tpu.memory_space<vmem>>
        %dma_wait3A_1497 = tpu.memref_squeeze %dma_wait3A_1496 : memref<1x8x128xf32, #tpu.memory_space<vmem>> -> memref<8x128xf32, #tpu.memory_space<vmem>>
        tpu.wait_dma2 semaphore(%arg12 : memref<!tpu.dma_semaphore, #tpu.memory_space<semaphore_mem>>) src(%dma_wait3A_1497 : memref<8x128xf32, #tpu.memory_space<vmem>>) dst(%dma_wait3A_1493 : memref<8x128xf32, #tpu.memory_space<hbm>>)
        %dma_wait3A_1498 = arith.constant 0 : i32
        %dma_wait3A_1499 = arith.constant 4 : i32
        %dma_wait3A_1500 = arith.constant 32 : i32
        %dma_wait3A_1501 = arith.constant 0 : i32
        %dma_wait3A_1502 = tpu.memref_slice %arg7[%dma_wait3A_1498, %dma_wait3A_1500, %dma_wait3A_1501] : memref<2x64x128xf32, #tpu.memory_space<vmem>> -> memref<1x8x128xf32, #tpu.memory_space<vmem>>
        %dma_wait3A_1503 = tpu.memref_squeeze %dma_wait3A_1502 : memref<1x8x128xf32, #tpu.memory_space<vmem>> -> memref<8x128xf32, #tpu.memory_space<vmem>>
        %dma_wait3A_1504 = arith.constant 0 : i32
        %dma_wait3A_1505 = arith.constant 0 : i32
        %dma_wait3A_1506 = tpu.memref_slice %arg4[%select_n3A_1420, %dma_wait3A_1499, %add3A_1425, %dma_wait3A_1504, %dma_wait3A_1505] : memref<50x8x128x8x128xf32, #tpu.memory_space<hbm>> -> memref<1x1x1x8x128xf32, #tpu.memory_space<hbm>>
        %dma_wait3A_1507 = tpu.memref_squeeze %dma_wait3A_1506 : memref<1x1x1x8x128xf32, #tpu.memory_space<hbm>> -> memref<8x128xf32, #tpu.memory_space<hbm>>
        %dma_wait3A_1508 = arith.constant 0 : i32
        %dma_wait3A_1509 = arith.constant 0 : i32
        %dma_wait3A_1510 = tpu.memref_slice %arg4[%select_n3A_1420, %dma_wait3A_1499, %add3A_1425, %dma_wait3A_1508, %dma_wait3A_1509] : memref<50x8x128x8x128xf32, #tpu.memory_space<hbm>> -> memref<1x1x1x8x128xf32, #tpu.memory_space<hbm>>
        %dma_wait3A_1511 = tpu.memref_squeeze %dma_wait3A_1510 : memref<1x1x1x8x128xf32, #tpu.memory_space<hbm>> -> memref<8x128xf32, #tpu.memory_space<hbm>>
        %dma_wait3A_1512 = arith.constant 32 : i32
        %dma_wait3A_1513 = arith.constant 0 : i32
        %dma_wait3A_1514 = tpu.memref_slice %arg7[%dma_wait3A_1498, %dma_wait3A_1512, %dma_wait3A_1513] : memref<2x64x128xf32, #tpu.memory_space<vmem>> -> memref<1x8x128xf32, #tpu.memory_space<vmem>>
        %dma_wait3A_1515 = tpu.memref_squeeze %dma_wait3A_1514 : memref<1x8x128xf32, #tpu.memory_space<vmem>> -> memref<8x128xf32, #tpu.memory_space<vmem>>
        tpu.wait_dma2 semaphore(%arg12 : memref<!tpu.dma_semaphore, #tpu.memory_space<semaphore_mem>>) src(%dma_wait3A_1515 : memref<8x128xf32, #tpu.memory_space<vmem>>) dst(%dma_wait3A_1511 : memref<8x128xf32, #tpu.memory_space<hbm>>)
        %dma_wait3A_1516 = arith.constant 0 : i32
        %dma_wait3A_1517 = arith.constant 5 : i32
        %dma_wait3A_1518 = arith.constant 40 : i32
        %dma_wait3A_1519 = arith.constant 0 : i32
        %dma_wait3A_1520 = tpu.memref_slice %arg7[%dma_wait3A_1516, %dma_wait3A_1518, %dma_wait3A_1519] : memref<2x64x128xf32, #tpu.memory_space<vmem>> -> memref<1x8x128xf32, #tpu.memory_space<vmem>>
        %dma_wait3A_1521 = tpu.memref_squeeze %dma_wait3A_1520 : memref<1x8x128xf32, #tpu.memory_space<vmem>> -> memref<8x128xf32, #tpu.memory_space<vmem>>
        %dma_wait3A_1522 = arith.constant 0 : i32
        %dma_wait3A_1523 = arith.constant 0 : i32
        %dma_wait3A_1524 = tpu.memref_slice %arg4[%select_n3A_1420, %dma_wait3A_1517, %add3A_1425, %dma_wait3A_1522, %dma_wait3A_1523] : memref<50x8x128x8x128xf32, #tpu.memory_space<hbm>> -> memref<1x1x1x8x128xf32, #tpu.memory_space<hbm>>
        %dma_wait3A_1525 = tpu.memref_squeeze %dma_wait3A_1524 : memref<1x1x1x8x128xf32, #tpu.memory_space<hbm>> -> memref<8x128xf32, #tpu.memory_space<hbm>>
        %dma_wait3A_1526 = arith.constant 0 : i32
        %dma_wait3A_1527 = arith.constant 0 : i32
        %dma_wait3A_1528 = tpu.memref_slice %arg4[%select_n3A_1420, %dma_wait3A_1517, %add3A_1425, %dma_wait3A_1526, %dma_wait3A_1527] : memref<50x8x128x8x128xf32, #tpu.memory_space<hbm>> -> memref<1x1x1x8x128xf32, #tpu.memory_space<hbm>>
        %dma_wait3A_1529 = tpu.memref_squeeze %dma_wait3A_1528 : memref<1x1x1x8x128xf32, #tpu.memory_space<hbm>> -> memref<8x128xf32, #tpu.memory_space<hbm>>
        %dma_wait3A_1530 = arith.constant 40 : i32
        %dma_wait3A_1531 = arith.constant 0 : i32
        %dma_wait3A_1532 = tpu.memref_slice %arg7[%dma_wait3A_1516, %dma_wait3A_1530, %dma_wait3A_1531] : memref<2x64x128xf32, #tpu.memory_space<vmem>> -> memref<1x8x128xf32, #tpu.memory_space<vmem>>
        %dma_wait3A_1533 = tpu.memref_squeeze %dma_wait3A_1532 : memref<1x8x128xf32, #tpu.memory_space<vmem>> -> memref<8x128xf32, #tpu.memory_space<vmem>>
        tpu.wait_dma2 semaphore(%arg12 : memref<!tpu.dma_semaphore, #tpu.memory_space<semaphore_mem>>) src(%dma_wait3A_1533 : memref<8x128xf32, #tpu.memory_space<vmem>>) dst(%dma_wait3A_1529 : memref<8x128xf32, #tpu.memory_space<hbm>>)
        %dma_wait3A_1534 = arith.constant 0 : i32
        %dma_wait3A_1535 = arith.constant 6 : i32
        %dma_wait3A_1536 = arith.constant 48 : i32
        %dma_wait3A_1537 = arith.constant 0 : i32
        %dma_wait3A_1538 = tpu.memref_slice %arg7[%dma_wait3A_1534, %dma_wait3A_1536, %dma_wait3A_1537] : memref<2x64x128xf32, #tpu.memory_space<vmem>> -> memref<1x8x128xf32, #tpu.memory_space<vmem>>
        %dma_wait3A_1539 = tpu.memref_squeeze %dma_wait3A_1538 : memref<1x8x128xf32, #tpu.memory_space<vmem>> -> memref<8x128xf32, #tpu.memory_space<vmem>>
        %dma_wait3A_1540 = arith.constant 0 : i32
        %dma_wait3A_1541 = arith.constant 0 : i32
        %dma_wait3A_1542 = tpu.memref_slice %arg4[%select_n3A_1420, %dma_wait3A_1535, %add3A_1425, %dma_wait3A_1540, %dma_wait3A_1541] : memref<50x8x128x8x128xf32, #tpu.memory_space<hbm>> -> memref<1x1x1x8x128xf32, #tpu.memory_space<hbm>>
        %dma_wait3A_1543 = tpu.memref_squeeze %dma_wait3A_1542 : memref<1x1x1x8x128xf32, #tpu.memory_space<hbm>> -> memref<8x128xf32, #tpu.memory_space<hbm>>
        %dma_wait3A_1544 = arith.constant 0 : i32
        %dma_wait3A_1545 = arith.constant 0 : i32
        %dma_wait3A_1546 = tpu.memref_slice %arg4[%select_n3A_1420, %dma_wait3A_1535, %add3A_1425, %dma_wait3A_1544, %dma_wait3A_1545] : memref<50x8x128x8x128xf32, #tpu.memory_space<hbm>> -> memref<1x1x1x8x128xf32, #tpu.memory_space<hbm>>
        %dma_wait3A_1547 = tpu.memref_squeeze %dma_wait3A_1546 : memref<1x1x1x8x128xf32, #tpu.memory_space<hbm>> -> memref<8x128xf32, #tpu.memory_space<hbm>>
        %dma_wait3A_1548 = arith.constant 48 : i32
        %dma_wait3A_1549 = arith.constant 0 : i32
        %dma_wait3A_1550 = tpu.memref_slice %arg7[%dma_wait3A_1534, %dma_wait3A_1548, %dma_wait3A_1549] : memref<2x64x128xf32, #tpu.memory_space<vmem>> -> memref<1x8x128xf32, #tpu.memory_space<vmem>>
        %dma_wait3A_1551 = tpu.memref_squeeze %dma_wait3A_1550 : memref<1x8x128xf32, #tpu.memory_space<vmem>> -> memref<8x128xf32, #tpu.memory_space<vmem>>
        tpu.wait_dma2 semaphore(%arg12 : memref<!tpu.dma_semaphore, #tpu.memory_space<semaphore_mem>>) src(%dma_wait3A_1551 : memref<8x128xf32, #tpu.memory_space<vmem>>) dst(%dma_wait3A_1547 : memref<8x128xf32, #tpu.memory_space<hbm>>)
        %dma_wait3A_1552 = arith.constant 0 : i32
        %dma_wait3A_1553 = arith.constant 7 : i32
        %dma_wait3A_1554 = arith.constant 56 : i32
        %dma_wait3A_1555 = arith.constant 0 : i32
        %dma_wait3A_1556 = tpu.memref_slice %arg7[%dma_wait3A_1552, %dma_wait3A_1554, %dma_wait3A_1555] : memref<2x64x128xf32, #tpu.memory_space<vmem>> -> memref<1x8x128xf32, #tpu.memory_space<vmem>>
        %dma_wait3A_1557 = tpu.memref_squeeze %dma_wait3A_1556 : memref<1x8x128xf32, #tpu.memory_space<vmem>> -> memref<8x128xf32, #tpu.memory_space<vmem>>
        %dma_wait3A_1558 = arith.constant 0 : i32
        %dma_wait3A_1559 = arith.constant 0 : i32
        %dma_wait3A_1560 = tpu.memref_slice %arg4[%select_n3A_1420, %dma_wait3A_1553, %add3A_1425, %dma_wait3A_1558, %dma_wait3A_1559] : memref<50x8x128x8x128xf32, #tpu.memory_space<hbm>> -> memref<1x1x1x8x128xf32, #tpu.memory_space<hbm>>
        %dma_wait3A_1561 = tpu.memref_squeeze %dma_wait3A_1560 : memref<1x1x1x8x128xf32, #tpu.memory_space<hbm>> -> memref<8x128xf32, #tpu.memory_space<hbm>>
        %dma_wait3A_1562 = arith.constant 0 : i32
        %dma_wait3A_1563 = arith.constant 0 : i32
        %dma_wait3A_1564 = tpu.memref_slice %arg4[%select_n3A_1420, %dma_wait3A_1553, %add3A_1425, %dma_wait3A_1562, %dma_wait3A_1563] : memref<50x8x128x8x128xf32, #tpu.memory_space<hbm>> -> memref<1x1x1x8x128xf32, #tpu.memory_space<hbm>>
        %dma_wait3A_1565 = tpu.memref_squeeze %dma_wait3A_1564 : memref<1x1x1x8x128xf32, #tpu.memory_space<hbm>> -> memref<8x128xf32, #tpu.memory_space<hbm>>
        %dma_wait3A_1566 = arith.constant 56 : i32
        %dma_wait3A_1567 = arith.constant 0 : i32
        %dma_wait3A_1568 = tpu.memref_slice %arg7[%dma_wait3A_1552, %dma_wait3A_1566, %dma_wait3A_1567] : memref<2x64x128xf32, #tpu.memory_space<vmem>> -> memref<1x8x128xf32, #tpu.memory_space<vmem>>
        %dma_wait3A_1569 = tpu.memref_squeeze %dma_wait3A_1568 : memref<1x8x128xf32, #tpu.memory_space<vmem>> -> memref<8x128xf32, #tpu.memory_space<vmem>>
        tpu.wait_dma2 semaphore(%arg12 : memref<!tpu.dma_semaphore, #tpu.memory_space<semaphore_mem>>) src(%dma_wait3A_1569 : memref<8x128xf32, #tpu.memory_space<vmem>>) dst(%dma_wait3A_1565 : memref<8x128xf32, #tpu.memory_space<hbm>>)
      } else {
      }
      %jit3A = arith.constant 4 : i32
      %div3A = arith.divsi %mul3A_383, %jit3A : i32
      %sign3A = arith.constant 0 : i32
      %sign3A_386 = arith.cmpi sgt, %mul3A_383, %sign3A : i32
      %sign3A_387 = arith.extui %sign3A_386 : i1 to i32
      %sign3A_388 = arith.constant 0 : i32
      %sign3A_389 = arith.cmpi slt, %mul3A_383, %sign3A_388 : i32
      %sign3A_390 = arith.extui %sign3A_389 : i1 to i32
      %sign3A_391 = arith.subi %sign3A_387, %sign3A_390 : i32
      %sign3A_392 = arith.constant 0 : i32
      %sign3A_393 = arith.cmpi sgt, %jit3A, %sign3A_392 : i32
      %sign3A_394 = arith.extui %sign3A_393 : i1 to i32
      %sign3A_395 = arith.constant 0 : i32
      %sign3A_396 = arith.cmpi slt, %jit3A, %sign3A_395 : i32
      %sign3A_397 = arith.extui %sign3A_396 : i1 to i32
      %sign3A_398 = arith.subi %sign3A_394, %sign3A_397 : i32
      %ne3A = arith.cmpi ne, %sign3A_391, %sign3A_398 : i32
      %rem3A_399 = arith.remsi %mul3A_383, %jit3A : i32
      %ne3A_400 = arith.constant 0 : i32
      %ne3A_401 = arith.cmpi ne, %rem3A_399, %ne3A_400 : i32
      %and3A = arith.andi %ne3A, %ne3A_401 : i1
      %sub3A = arith.constant 1 : i32
      %sub3A_402 = arith.subi %div3A, %sub3A : i32
      %select_n3A = arith.select %and3A, %sub3A_402, %div3A : i32
      %rem3A_403 = arith.constant 4 : i32
      %rem3A_404 = arith.remsi %mul3A_383, %rem3A_403 : i32
      %dma_wait3A_405 = arith.constant 0 : i32
      %dma_wait3A_406 = arith.constant 0 : i32
      %dma_wait3A_407 = arith.constant 0 : i32
      %dma_wait3A_408 = tpu.memref_slice %arg6[%dma_wait3A_405, %dma_wait3A_406, %dma_wait3A_407] : memref<4x128x64xf32, #tpu.memory_space<vmem>> -> memref<1x128x64xf32, #tpu.memory_space<vmem>>
      %dma_wait3A_409 = tpu.memref_squeeze %dma_wait3A_408 : memref<1x128x64xf32, #tpu.memory_space<vmem>> -> memref<128x64xf32, #tpu.memory_space<vmem>>
      %dma_wait3A_410 = arith.constant 0 : i32
      %dma_wait3A_411 = tpu.memref_slice %arg5[%select_n3A, %rem3A_404, %dma_wait3A_410] : memref<50x4x128xi32, #tpu.memory_space<vmem>> -> memref<1x1x128xi32, #tpu.memory_space<vmem>>
      %dma_wait3A_412 = tpu.memref_squeeze %dma_wait3A_411 : memref<1x1x128xi32, #tpu.memory_space<vmem>> -> memref<128xi32, #tpu.memory_space<vmem>>
      %dma_wait3A_413 = arith.constant 0 : i32
      %dma_wait3A_414 = arith.constant 0 : i32
      %dma_wait3A_415 = tpu.memref_slice %arg3[%dma_wait3A_413, %dma_wait3A_414] : memref<100000x64xf32, #tpu.memory_space<hbm>> -> memref<100000x64xf32, #tpu.memory_space<hbm>>
      tpu.wait_indirect_dma semaphore(%arg8 : memref<!tpu.dma_semaphore, #tpu.memory_space<semaphore_mem>>) src(%dma_wait3A_415 : memref<100000x64xf32, #tpu.memory_space<hbm>>) dst(%dma_wait3A_409 : memref<128x64xf32, #tpu.memory_space<vmem>>)
      %add3A_416 = arith.constant 0 : i32
      %add3A_417 = vector.broadcast %add3A_416 : i32 to vector<16xi32>
      %add3A_418 = arith.addi %iota3A, %add3A_417 : vector<16xi32>
      %add3A_419 = arith.constant 16 : i32
      %add3A_420 = vector.broadcast %add3A_419 : i32 to vector<16xi32>
      %add3A_421 = arith.addi %iota3A, %add3A_420 : vector<16xi32>
      %add3A_422 = arith.constant 32 : i32
      %add3A_423 = vector.broadcast %add3A_422 : i32 to vector<16xi32>
      %add3A_424 = arith.addi %iota3A, %add3A_423 : vector<16xi32>
      %add3A_425 = arith.constant 48 : i32
      %add3A_426 = vector.broadcast %add3A_425 : i32 to vector<16xi32>
      %add3A_427 = arith.addi %iota3A, %add3A_426 : vector<16xi32>
      %add3A_428 = arith.constant 64 : i32
      %add3A_429 = vector.broadcast %add3A_428 : i32 to vector<16xi32>
      %add3A_430 = arith.addi %iota3A, %add3A_429 : vector<16xi32>
      %add3A_431 = arith.constant 80 : i32
      %add3A_432 = vector.broadcast %add3A_431 : i32 to vector<16xi32>
      %add3A_433 = arith.addi %iota3A, %add3A_432 : vector<16xi32>
      %add3A_434 = arith.constant 96 : i32
      %add3A_435 = vector.broadcast %add3A_434 : i32 to vector<16xi32>
      %add3A_436 = arith.addi %iota3A, %add3A_435 : vector<16xi32>
      %add3A_437 = arith.constant 112 : i32
      %add3A_438 = vector.broadcast %add3A_437 : i32 to vector<16xi32>
      %add3A_439 = arith.addi %iota3A, %add3A_438 : vector<16xi32>
      %scan3A_440 = arith.constant 0 : i32
      %scan3A_441 = arith.constant 0 : i32
      %scan3A_442 = arith.constant 0 : i32
      %scan3A_443 = arith.constant 0 : i32
      %scan3A_444 = arith.constant 16 : i32
      %scan3A_445 = arith.addi %scan3A_443, %scan3A_444 : i32
      %scan3A_446 = arith.constant 1 : i32
      scf.for %scan3A_1395 = %scan3A_443 to %scan3A_445 step %scan3A_446  : i32 {
        %add3A_1396 = vector.broadcast %scan3A_1395 : i32 to vector<16xi32>
        %add3A_1397 = arith.addi %iota3A, %add3A_1396 : vector<16xi32>
        %and3A_1398 = arith.constant 15 : i32
        %and3A_1399 = vector.broadcast %and3A_1398 : i32 to vector<16xi32>
        %and3A_1400 = arith.andi %add3A_1397, %and3A_1399 : vector<16xi32>
        %add3A_1401 = arith.constant 0 : i32
        %add3A_1402 = vector.broadcast %add3A_1401 : i32 to vector<16xi32>
        %add3A_1403 = arith.addi %and3A_1400, %add3A_1402 : vector<16xi32>
        %add3A_1404 = arith.constant 16 : i32
        %add3A_1405 = vector.broadcast %add3A_1404 : i32 to vector<16xi32>
        %add3A_1406 = arith.addi %and3A_1400, %add3A_1405 : vector<16xi32>
        %add3A_1407 = arith.constant 32 : i32
        %add3A_1408 = vector.broadcast %add3A_1407 : i32 to vector<16xi32>
        %add3A_1409 = arith.addi %and3A_1400, %add3A_1408 : vector<16xi32>
        %add3A_1410 = arith.constant 48 : i32
        %add3A_1411 = vector.broadcast %add3A_1410 : i32 to vector<16xi32>
        %add3A_1412 = arith.addi %and3A_1400, %add3A_1411 : vector<16xi32>
        %gather3A = arith.constant 0 : i32
        %gather3A_1413 = arith.constant 0 : i32
        %gather3A_1414 = tpu.memref_slice %arg6[%scan3A_441, %gather3A, %gather3A_1413] : memref<4x128x64xf32, #tpu.memory_space<vmem>> -> memref<1x128x64xf32, #tpu.memory_space<vmem>>
        %gather3A_1415 = tpu.memref_squeeze %gather3A_1414 : memref<1x128x64xf32, #tpu.memory_space<vmem>> -> memref<128x64xf32, #tpu.memory_space<vmem>>
        %gather3A_1416 = tpu.vector_load_idx %gather3A_1415[%add3A_418, %add3A_1403] : memref<128x64xf32, #tpu.memory_space<vmem>>[vector<16xi32>, vector<16xi32>], vector<16xf32>,
        %gather3A_1417 = arith.constant 0 : i32
        %gather3A_1418 = arith.constant 0 : i32
        %gather3A_1419 = tpu.memref_slice %arg6[%scan3A_441, %gather3A_1417, %gather3A_1418] : memref<4x128x64xf32, #tpu.memory_space<vmem>> -> memref<1x128x64xf32, #tpu.memory_space<vmem>>
        %gather3A_1420 = tpu.memref_squeeze %gather3A_1419 : memref<1x128x64xf32, #tpu.memory_space<vmem>> -> memref<128x64xf32, #tpu.memory_space<vmem>>
        %gather3A_1421 = tpu.vector_load_idx %gather3A_1420[%add3A_421, %add3A_1403] : memref<128x64xf32, #tpu.memory_space<vmem>>[vector<16xi32>, vector<16xi32>], vector<16xf32>,
        %gather3A_1422 = arith.constant 0 : i32
        %gather3A_1423 = arith.constant 0 : i32
        %gather3A_1424 = tpu.memref_slice %arg6[%scan3A_441, %gather3A_1422, %gather3A_1423] : memref<4x128x64xf32, #tpu.memory_space<vmem>> -> memref<1x128x64xf32, #tpu.memory_space<vmem>>
        %gather3A_1425 = tpu.memref_squeeze %gather3A_1424 : memref<1x128x64xf32, #tpu.memory_space<vmem>> -> memref<128x64xf32, #tpu.memory_space<vmem>>
        %gather3A_1426 = tpu.vector_load_idx %gather3A_1425[%add3A_424, %add3A_1403] : memref<128x64xf32, #tpu.memory_space<vmem>>[vector<16xi32>, vector<16xi32>], vector<16xf32>,
        %gather3A_1427 = arith.constant 0 : i32
        %gather3A_1428 = arith.constant 0 : i32
        %gather3A_1429 = tpu.memref_slice %arg6[%scan3A_441, %gather3A_1427, %gather3A_1428] : memref<4x128x64xf32, #tpu.memory_space<vmem>> -> memref<1x128x64xf32, #tpu.memory_space<vmem>>
        %gather3A_1430 = tpu.memref_squeeze %gather3A_1429 : memref<1x128x64xf32, #tpu.memory_space<vmem>> -> memref<128x64xf32, #tpu.memory_space<vmem>>
        %gather3A_1431 = tpu.vector_load_idx %gather3A_1430[%add3A_427, %add3A_1403] : memref<128x64xf32, #tpu.memory_space<vmem>>[vector<16xi32>, vector<16xi32>], vector<16xf32>,
        %gather3A_1432 = arith.constant 0 : i32
        %gather3A_1433 = arith.constant 0 : i32
        %gather3A_1434 = tpu.memref_slice %arg6[%scan3A_441, %gather3A_1432, %gather3A_1433] : memref<4x128x64xf32, #tpu.memory_space<vmem>> -> memref<1x128x64xf32, #tpu.memory_space<vmem>>
        %gather3A_1435 = tpu.memref_squeeze %gather3A_1434 : memref<1x128x64xf32, #tpu.memory_space<vmem>> -> memref<128x64xf32, #tpu.memory_space<vmem>>
        %gather3A_1436 = tpu.vector_load_idx %gather3A_1435[%add3A_430, %add3A_1403] : memref<128x64xf32, #tpu.memory_space<vmem>>[vector<16xi32>, vector<16xi32>], vector<16xf32>,
        %gather3A_1437 = arith.constant 0 : i32
        %gather3A_1438 = arith.constant 0 : i32
        %gather3A_1439 = tpu.memref_slice %arg6[%scan3A_441, %gather3A_1437, %gather3A_1438] : memref<4x128x64xf32, #tpu.memory_space<vmem>> -> memref<1x128x64xf32, #tpu.memory_space<vmem>>
        %gather3A_1440 = tpu.memref_squeeze %gather3A_1439 : memref<1x128x64xf32, #tpu.memory_space<vmem>> -> memref<128x64xf32, #tpu.memory_space<vmem>>
        %gather3A_1441 = tpu.vector_load_idx %gather3A_1440[%add3A_433, %add3A_1403] : memref<128x64xf32, #tpu.memory_space<vmem>>[vector<16xi32>, vector<16xi32>], vector<16xf32>,
        %gather3A_1442 = arith.constant 0 : i32
        %gather3A_1443 = arith.constant 0 : i32
        %gather3A_1444 = tpu.memref_slice %arg6[%scan3A_441, %gather3A_1442, %gather3A_1443] : memref<4x128x64xf32, #tpu.memory_space<vmem>> -> memref<1x128x64xf32, #tpu.memory_space<vmem>>
        %gather3A_1445 = tpu.memref_squeeze %gather3A_1444 : memref<1x128x64xf32, #tpu.memory_space<vmem>> -> memref<128x64xf32, #tpu.memory_space<vmem>>
        %gather3A_1446 = tpu.vector_load_idx %gather3A_1445[%add3A_436, %add3A_1403] : memref<128x64xf32, #tpu.memory_space<vmem>>[vector<16xi32>, vector<16xi32>], vector<16xf32>,
        %gather3A_1447 = arith.constant 0 : i32
        %gather3A_1448 = arith.constant 0 : i32
        %gather3A_1449 = tpu.memref_slice %arg6[%scan3A_441, %gather3A_1447, %gather3A_1448] : memref<4x128x64xf32, #tpu.memory_space<vmem>> -> memref<1x128x64xf32, #tpu.memory_space<vmem>>
        %gather3A_1450 = tpu.memref_squeeze %gather3A_1449 : memref<1x128x64xf32, #tpu.memory_space<vmem>> -> memref<128x64xf32, #tpu.memory_space<vmem>>
        %gather3A_1451 = tpu.vector_load_idx %gather3A_1450[%add3A_439, %add3A_1403] : memref<128x64xf32, #tpu.memory_space<vmem>>[vector<16xi32>, vector<16xi32>], vector<16xf32>,
        %scatter3A = arith.constant 0 : i32
        %scatter3A_1452 = arith.constant 0 : i32
        %scatter3A_1453 = tpu.memref_slice %arg7[%scan3A_442, %scatter3A, %scatter3A_1452] : memref<2x64x128xf32, #tpu.memory_space<vmem>> -> memref<1x64x128xf32, #tpu.memory_space<vmem>>
        %scatter3A_1454 = tpu.memref_squeeze %scatter3A_1453 : memref<1x64x128xf32, #tpu.memory_space<vmem>> -> memref<64x128xf32, #tpu.memory_space<vmem>>
        tpu.vector_store_idx %scatter3A_1454[%add3A_1403, %add3A_418], %gather3A_1416 : memref<64x128xf32, #tpu.memory_space<vmem>>[vector<16xi32>, vector<16xi32>], vector<16xf32>,
        %scatter3A_1455 = arith.constant 0 : i32
        %scatter3A_1456 = arith.constant 0 : i32
        %scatter3A_1457 = tpu.memref_slice %arg7[%scan3A_442, %scatter3A_1455, %scatter3A_1456] : memref<2x64x128xf32, #tpu.memory_space<vmem>> -> memref<1x64x128xf32, #tpu.memory_space<vmem>>
        %scatter3A_1458 = tpu.memref_squeeze %scatter3A_1457 : memref<1x64x128xf32, #tpu.memory_space<vmem>> -> memref<64x128xf32, #tpu.memory_space<vmem>>
        tpu.vector_store_idx %scatter3A_1458[%add3A_1403, %add3A_421], %gather3A_1421 : memref<64x128xf32, #tpu.memory_space<vmem>>[vector<16xi32>, vector<16xi32>], vector<16xf32>,
        %scatter3A_1459 = arith.constant 0 : i32
        %scatter3A_1460 = arith.constant 0 : i32
        %scatter3A_1461 = tpu.memref_slice %arg7[%scan3A_442, %scatter3A_1459, %scatter3A_1460] : memref<2x64x128xf32, #tpu.memory_space<vmem>> -> memref<1x64x128xf32, #tpu.memory_space<vmem>>
        %scatter3A_1462 = tpu.memref_squeeze %scatter3A_1461 : memref<1x64x128xf32, #tpu.memory_space<vmem>> -> memref<64x128xf32, #tpu.memory_space<vmem>>
        tpu.vector_store_idx %scatter3A_1462[%add3A_1403, %add3A_424], %gather3A_1426 : memref<64x128xf32, #tpu.memory_space<vmem>>[vector<16xi32>, vector<16xi32>], vector<16xf32>,
        %scatter3A_1463 = arith.constant 0 : i32
        %scatter3A_1464 = arith.constant 0 : i32
        %scatter3A_1465 = tpu.memref_slice %arg7[%scan3A_442, %scatter3A_1463, %scatter3A_1464] : memref<2x64x128xf32, #tpu.memory_space<vmem>> -> memref<1x64x128xf32, #tpu.memory_space<vmem>>
        %scatter3A_1466 = tpu.memref_squeeze %scatter3A_1465 : memref<1x64x128xf32, #tpu.memory_space<vmem>> -> memref<64x128xf32, #tpu.memory_space<vmem>>
        tpu.vector_store_idx %scatter3A_1466[%add3A_1403, %add3A_427], %gather3A_1431 : memref<64x128xf32, #tpu.memory_space<vmem>>[vector<16xi32>, vector<16xi32>], vector<16xf32>,
        %scatter3A_1467 = arith.constant 0 : i32
        %scatter3A_1468 = arith.constant 0 : i32
        %scatter3A_1469 = tpu.memref_slice %arg7[%scan3A_442, %scatter3A_1467, %scatter3A_1468] : memref<2x64x128xf32, #tpu.memory_space<vmem>> -> memref<1x64x128xf32, #tpu.memory_space<vmem>>
        %scatter3A_1470 = tpu.memref_squeeze %scatter3A_1469 : memref<1x64x128xf32, #tpu.memory_space<vmem>> -> memref<64x128xf32, #tpu.memory_space<vmem>>
        tpu.vector_store_idx %scatter3A_1470[%add3A_1403, %add3A_430], %gather3A_1436 : memref<64x128xf32, #tpu.memory_space<vmem>>[vector<16xi32>, vector<16xi32>], vector<16xf32>,
        %scatter3A_1471 = arith.constant 0 : i32
        %scatter3A_1472 = arith.constant 0 : i32
        %scatter3A_1473 = tpu.memref_slice %arg7[%scan3A_442, %scatter3A_1471, %scatter3A_1472] : memref<2x64x128xf32, #tpu.memory_space<vmem>> -> memref<1x64x128xf32, #tpu.memory_space<vmem>>
        %scatter3A_1474 = tpu.memref_squeeze %scatter3A_1473 : memref<1x64x128xf32, #tpu.memory_space<vmem>> -> memref<64x128xf32, #tpu.memory_space<vmem>>
        tpu.vector_store_idx %scatter3A_1474[%add3A_1403, %add3A_433], %gather3A_1441 : memref<64x128xf32, #tpu.memory_space<vmem>>[vector<16xi32>, vector<16xi32>], vector<16xf32>,
        %scatter3A_1475 = arith.constant 0 : i32
        %scatter3A_1476 = arith.constant 0 : i32
        %scatter3A_1477 = tpu.memref_slice %arg7[%scan3A_442, %scatter3A_1475, %scatter3A_1476] : memref<2x64x128xf32, #tpu.memory_space<vmem>> -> memref<1x64x128xf32, #tpu.memory_space<vmem>>
        %scatter3A_1478 = tpu.memref_squeeze %scatter3A_1477 : memref<1x64x128xf32, #tpu.memory_space<vmem>> -> memref<64x128xf32, #tpu.memory_space<vmem>>
        tpu.vector_store_idx %scatter3A_1478[%add3A_1403, %add3A_436], %gather3A_1446 : memref<64x128xf32, #tpu.memory_space<vmem>>[vector<16xi32>, vector<16xi32>], vector<16xf32>,
        %scatter3A_1479 = arith.constant 0 : i32
        %scatter3A_1480 = arith.constant 0 : i32
        %scatter3A_1481 = tpu.memref_slice %arg7[%scan3A_442, %scatter3A_1479, %scatter3A_1480] : memref<2x64x128xf32, #tpu.memory_space<vmem>> -> memref<1x64x128xf32, #tpu.memory_space<vmem>>
        %scatter3A_1482 = tpu.memref_squeeze %scatter3A_1481 : memref<1x64x128xf32, #tpu.memory_space<vmem>> -> memref<64x128xf32, #tpu.memory_space<vmem>>
        tpu.vector_store_idx %scatter3A_1482[%add3A_1403, %add3A_439], %gather3A_1451 : memref<64x128xf32, #tpu.memory_space<vmem>>[vector<16xi32>, vector<16xi32>], vector<16xf32>,
        %gather3A_1483 = arith.constant 0 : i32
        %gather3A_1484 = arith.constant 0 : i32
        %gather3A_1485 = tpu.memref_slice %arg6[%scan3A_441, %gather3A_1483, %gather3A_1484] : memref<4x128x64xf32, #tpu.memory_space<vmem>> -> memref<1x128x64xf32, #tpu.memory_space<vmem>>
        %gather3A_1486 = tpu.memref_squeeze %gather3A_1485 : memref<1x128x64xf32, #tpu.memory_space<vmem>> -> memref<128x64xf32, #tpu.memory_space<vmem>>
        %gather3A_1487 = tpu.vector_load_idx %gather3A_1486[%add3A_418, %add3A_1406] : memref<128x64xf32, #tpu.memory_space<vmem>>[vector<16xi32>, vector<16xi32>], vector<16xf32>,
        %gather3A_1488 = arith.constant 0 : i32
        %gather3A_1489 = arith.constant 0 : i32
        %gather3A_1490 = tpu.memref_slice %arg6[%scan3A_441, %gather3A_1488, %gather3A_1489] : memref<4x128x64xf32, #tpu.memory_space<vmem>> -> memref<1x128x64xf32, #tpu.memory_space<vmem>>
        %gather3A_1491 = tpu.memref_squeeze %gather3A_1490 : memref<1x128x64xf32, #tpu.memory_space<vmem>> -> memref<128x64xf32, #tpu.memory_space<vmem>>
        %gather3A_1492 = tpu.vector_load_idx %gather3A_1491[%add3A_421, %add3A_1406] : memref<128x64xf32, #tpu.memory_space<vmem>>[vector<16xi32>, vector<16xi32>], vector<16xf32>,
        %gather3A_1493 = arith.constant 0 : i32
        %gather3A_1494 = arith.constant 0 : i32
        %gather3A_1495 = tpu.memref_slice %arg6[%scan3A_441, %gather3A_1493, %gather3A_1494] : memref<4x128x64xf32, #tpu.memory_space<vmem>> -> memref<1x128x64xf32, #tpu.memory_space<vmem>>
        %gather3A_1496 = tpu.memref_squeeze %gather3A_1495 : memref<1x128x64xf32, #tpu.memory_space<vmem>> -> memref<128x64xf32, #tpu.memory_space<vmem>>
        %gather3A_1497 = tpu.vector_load_idx %gather3A_1496[%add3A_424, %add3A_1406] : memref<128x64xf32, #tpu.memory_space<vmem>>[vector<16xi32>, vector<16xi32>], vector<16xf32>,
        %gather3A_1498 = arith.constant 0 : i32
        %gather3A_1499 = arith.constant 0 : i32
        %gather3A_1500 = tpu.memref_slice %arg6[%scan3A_441, %gather3A_1498, %gather3A_1499] : memref<4x128x64xf32, #tpu.memory_space<vmem>> -> memref<1x128x64xf32, #tpu.memory_space<vmem>>
        %gather3A_1501 = tpu.memref_squeeze %gather3A_1500 : memref<1x128x64xf32, #tpu.memory_space<vmem>> -> memref<128x64xf32, #tpu.memory_space<vmem>>
        %gather3A_1502 = tpu.vector_load_idx %gather3A_1501[%add3A_427, %add3A_1406] : memref<128x64xf32, #tpu.memory_space<vmem>>[vector<16xi32>, vector<16xi32>], vector<16xf32>,
        %gather3A_1503 = arith.constant 0 : i32
        %gather3A_1504 = arith.constant 0 : i32
        %gather3A_1505 = tpu.memref_slice %arg6[%scan3A_441, %gather3A_1503, %gather3A_1504] : memref<4x128x64xf32, #tpu.memory_space<vmem>> -> memref<1x128x64xf32, #tpu.memory_space<vmem>>
        %gather3A_1506 = tpu.memref_squeeze %gather3A_1505 : memref<1x128x64xf32, #tpu.memory_space<vmem>> -> memref<128x64xf32, #tpu.memory_space<vmem>>
        %gather3A_1507 = tpu.vector_load_idx %gather3A_1506[%add3A_430, %add3A_1406] : memref<128x64xf32, #tpu.memory_space<vmem>>[vector<16xi32>, vector<16xi32>], vector<16xf32>,
        %gather3A_1508 = arith.constant 0 : i32
        %gather3A_1509 = arith.constant 0 : i32
        %gather3A_1510 = tpu.memref_slice %arg6[%scan3A_441, %gather3A_1508, %gather3A_1509] : memref<4x128x64xf32, #tpu.memory_space<vmem>> -> memref<1x128x64xf32, #tpu.memory_space<vmem>>
        %gather3A_1511 = tpu.memref_squeeze %gather3A_1510 : memref<1x128x64xf32, #tpu.memory_space<vmem>> -> memref<128x64xf32, #tpu.memory_space<vmem>>
        %gather3A_1512 = tpu.vector_load_idx %gather3A_1511[%add3A_433, %add3A_1406] : memref<128x64xf32, #tpu.memory_space<vmem>>[vector<16xi32>, vector<16xi32>], vector<16xf32>,
        %gather3A_1513 = arith.constant 0 : i32
        %gather3A_1514 = arith.constant 0 : i32
        %gather3A_1515 = tpu.memref_slice %arg6[%scan3A_441, %gather3A_1513, %gather3A_1514] : memref<4x128x64xf32, #tpu.memory_space<vmem>> -> memref<1x128x64xf32, #tpu.memory_space<vmem>>
        %gather3A_1516 = tpu.memref_squeeze %gather3A_1515 : memref<1x128x64xf32, #tpu.memory_space<vmem>> -> memref<128x64xf32, #tpu.memory_space<vmem>>
        %gather3A_1517 = tpu.vector_load_idx %gather3A_1516[%add3A_436, %add3A_1406] : memref<128x64xf32, #tpu.memory_space<vmem>>[vector<16xi32>, vector<16xi32>], vector<16xf32>,
        %gather3A_1518 = arith.constant 0 : i32
        %gather3A_1519 = arith.constant 0 : i32
        %gather3A_1520 = tpu.memref_slice %arg6[%scan3A_441, %gather3A_1518, %gather3A_1519] : memref<4x128x64xf32, #tpu.memory_space<vmem>> -> memref<1x128x64xf32, #tpu.memory_space<vmem>>
        %gather3A_1521 = tpu.memref_squeeze %gather3A_1520 : memref<1x128x64xf32, #tpu.memory_space<vmem>> -> memref<128x64xf32, #tpu.memory_space<vmem>>
        %gather3A_1522 = tpu.vector_load_idx %gather3A_1521[%add3A_439, %add3A_1406] : memref<128x64xf32, #tpu.memory_space<vmem>>[vector<16xi32>, vector<16xi32>], vector<16xf32>,
        %scatter3A_1523 = arith.constant 0 : i32
        %scatter3A_1524 = arith.constant 0 : i32
        %scatter3A_1525 = tpu.memref_slice %arg7[%scan3A_442, %scatter3A_1523, %scatter3A_1524] : memref<2x64x128xf32, #tpu.memory_space<vmem>> -> memref<1x64x128xf32, #tpu.memory_space<vmem>>
        %scatter3A_1526 = tpu.memref_squeeze %scatter3A_1525 : memref<1x64x128xf32, #tpu.memory_space<vmem>> -> memref<64x128xf32, #tpu.memory_space<vmem>>
        tpu.vector_store_idx %scatter3A_1526[%add3A_1406, %add3A_418], %gather3A_1487 : memref<64x128xf32, #tpu.memory_space<vmem>>[vector<16xi32>, vector<16xi32>], vector<16xf32>,
        %scatter3A_1527 = arith.constant 0 : i32
        %scatter3A_1528 = arith.constant 0 : i32
        %scatter3A_1529 = tpu.memref_slice %arg7[%scan3A_442, %scatter3A_1527, %scatter3A_1528] : memref<2x64x128xf32, #tpu.memory_space<vmem>> -> memref<1x64x128xf32, #tpu.memory_space<vmem>>
        %scatter3A_1530 = tpu.memref_squeeze %scatter3A_1529 : memref<1x64x128xf32, #tpu.memory_space<vmem>> -> memref<64x128xf32, #tpu.memory_space<vmem>>
        tpu.vector_store_idx %scatter3A_1530[%add3A_1406, %add3A_421], %gather3A_1492 : memref<64x128xf32, #tpu.memory_space<vmem>>[vector<16xi32>, vector<16xi32>], vector<16xf32>,
        %scatter3A_1531 = arith.constant 0 : i32
        %scatter3A_1532 = arith.constant 0 : i32
        %scatter3A_1533 = tpu.memref_slice %arg7[%scan3A_442, %scatter3A_1531, %scatter3A_1532] : memref<2x64x128xf32, #tpu.memory_space<vmem>> -> memref<1x64x128xf32, #tpu.memory_space<vmem>>
        %scatter3A_1534 = tpu.memref_squeeze %scatter3A_1533 : memref<1x64x128xf32, #tpu.memory_space<vmem>> -> memref<64x128xf32, #tpu.memory_space<vmem>>
        tpu.vector_store_idx %scatter3A_1534[%add3A_1406, %add3A_424], %gather3A_1497 : memref<64x128xf32, #tpu.memory_space<vmem>>[vector<16xi32>, vector<16xi32>], vector<16xf32>,
        %scatter3A_1535 = arith.constant 0 : i32
        %scatter3A_1536 = arith.constant 0 : i32
        %scatter3A_1537 = tpu.memref_slice %arg7[%scan3A_442, %scatter3A_1535, %scatter3A_1536] : memref<2x64x128xf32, #tpu.memory_space<vmem>> -> memref<1x64x128xf32, #tpu.memory_space<vmem>>
        %scatter3A_1538 = tpu.memref_squeeze %scatter3A_1537 : memref<1x64x128xf32, #tpu.memory_space<vmem>> -> memref<64x128xf32, #tpu.memory_space<vmem>>
        tpu.vector_store_idx %scatter3A_1538[%add3A_1406, %add3A_427], %gather3A_1502 : memref<64x128xf32, #tpu.memory_space<vmem>>[vector<16xi32>, vector<16xi32>], vector<16xf32>,
        %scatter3A_1539 = arith.constant 0 : i32
        %scatter3A_1540 = arith.constant 0 : i32
        %scatter3A_1541 = tpu.memref_slice %arg7[%scan3A_442, %scatter3A_1539, %scatter3A_1540] : memref<2x64x128xf32, #tpu.memory_space<vmem>> -> memref<1x64x128xf32, #tpu.memory_space<vmem>>
        %scatter3A_1542 = tpu.memref_squeeze %scatter3A_1541 : memref<1x64x128xf32, #tpu.memory_space<vmem>> -> memref<64x128xf32, #tpu.memory_space<vmem>>
        tpu.vector_store_idx %scatter3A_1542[%add3A_1406, %add3A_430], %gather3A_1507 : memref<64x128xf32, #tpu.memory_space<vmem>>[vector<16xi32>, vector<16xi32>], vector<16xf32>,
        %scatter3A_1543 = arith.constant 0 : i32
        %scatter3A_1544 = arith.constant 0 : i32
        %scatter3A_1545 = tpu.memref_slice %arg7[%scan3A_442, %scatter3A_1543, %scatter3A_1544] : memref<2x64x128xf32, #tpu.memory_space<vmem>> -> memref<1x64x128xf32, #tpu.memory_space<vmem>>
        %scatter3A_1546 = tpu.memref_squeeze %scatter3A_1545 : memref<1x64x128xf32, #tpu.memory_space<vmem>> -> memref<64x128xf32, #tpu.memory_space<vmem>>
        tpu.vector_store_idx %scatter3A_1546[%add3A_1406, %add3A_433], %gather3A_1512 : memref<64x128xf32, #tpu.memory_space<vmem>>[vector<16xi32>, vector<16xi32>], vector<16xf32>,
        %scatter3A_1547 = arith.constant 0 : i32
        %scatter3A_1548 = arith.constant 0 : i32
        %scatter3A_1549 = tpu.memref_slice %arg7[%scan3A_442, %scatter3A_1547, %scatter3A_1548] : memref<2x64x128xf32, #tpu.memory_space<vmem>> -> memref<1x64x128xf32, #tpu.memory_space<vmem>>
        %scatter3A_1550 = tpu.memref_squeeze %scatter3A_1549 : memref<1x64x128xf32, #tpu.memory_space<vmem>> -> memref<64x128xf32, #tpu.memory_space<vmem>>
        tpu.vector_store_idx %scatter3A_1550[%add3A_1406, %add3A_436], %gather3A_1517 : memref<64x128xf32, #tpu.memory_space<vmem>>[vector<16xi32>, vector<16xi32>], vector<16xf32>,
        %scatter3A_1551 = arith.constant 0 : i32
        %scatter3A_1552 = arith.constant 0 : i32
        %scatter3A_1553 = tpu.memref_slice %arg7[%scan3A_442, %scatter3A_1551, %scatter3A_1552] : memref<2x64x128xf32, #tpu.memory_space<vmem>> -> memref<1x64x128xf32, #tpu.memory_space<vmem>>
        %scatter3A_1554 = tpu.memref_squeeze %scatter3A_1553 : memref<1x64x128xf32, #tpu.memory_space<vmem>> -> memref<64x128xf32, #tpu.memory_space<vmem>>
        tpu.vector_store_idx %scatter3A_1554[%add3A_1406, %add3A_439], %gather3A_1522 : memref<64x128xf32, #tpu.memory_space<vmem>>[vector<16xi32>, vector<16xi32>], vector<16xf32>,
        %gather3A_1555 = arith.constant 0 : i32
        %gather3A_1556 = arith.constant 0 : i32
        %gather3A_1557 = tpu.memref_slice %arg6[%scan3A_441, %gather3A_1555, %gather3A_1556] : memref<4x128x64xf32, #tpu.memory_space<vmem>> -> memref<1x128x64xf32, #tpu.memory_space<vmem>>
        %gather3A_1558 = tpu.memref_squeeze %gather3A_1557 : memref<1x128x64xf32, #tpu.memory_space<vmem>> -> memref<128x64xf32, #tpu.memory_space<vmem>>
        %gather3A_1559 = tpu.vector_load_idx %gather3A_1558[%add3A_418, %add3A_1409] : memref<128x64xf32, #tpu.memory_space<vmem>>[vector<16xi32>, vector<16xi32>], vector<16xf32>,
        %gather3A_1560 = arith.constant 0 : i32
        %gather3A_1561 = arith.constant 0 : i32
        %gather3A_1562 = tpu.memref_slice %arg6[%scan3A_441, %gather3A_1560, %gather3A_1561] : memref<4x128x64xf32, #tpu.memory_space<vmem>> -> memref<1x128x64xf32, #tpu.memory_space<vmem>>
        %gather3A_1563 = tpu.memref_squeeze %gather3A_1562 : memref<1x128x64xf32, #tpu.memory_space<vmem>> -> memref<128x64xf32, #tpu.memory_space<vmem>>
        %gather3A_1564 = tpu.vector_load_idx %gather3A_1563[%add3A_421, %add3A_1409] : memref<128x64xf32, #tpu.memory_space<vmem>>[vector<16xi32>, vector<16xi32>], vector<16xf32>,
        %gather3A_1565 = arith.constant 0 : i32
        %gather3A_1566 = arith.constant 0 : i32
        %gather3A_1567 = tpu.memref_slice %arg6[%scan3A_441, %gather3A_1565, %gather3A_1566] : memref<4x128x64xf32, #tpu.memory_space<vmem>> -> memref<1x128x64xf32, #tpu.memory_space<vmem>>
        %gather3A_1568 = tpu.memref_squeeze %gather3A_1567 : memref<1x128x64xf32, #tpu.memory_space<vmem>> -> memref<128x64xf32, #tpu.memory_space<vmem>>
        %gather3A_1569 = tpu.vector_load_idx %gather3A_1568[%add3A_424, %add3A_1409] : memref<128x64xf32, #tpu.memory_space<vmem>>[vector<16xi32>, vector<16xi32>], vector<16xf32>,
        %gather3A_1570 = arith.constant 0 : i32
        %gather3A_1571 = arith.constant 0 : i32
        %gather3A_1572 = tpu.memref_slice %arg6[%scan3A_441, %gather3A_1570, %gather3A_1571] : memref<4x128x64xf32, #tpu.memory_space<vmem>> -> memref<1x128x64xf32, #tpu.memory_space<vmem>>
        %gather3A_1573 = tpu.memref_squeeze %gather3A_1572 : memref<1x128x64xf32, #tpu.memory_space<vmem>> -> memref<128x64xf32, #tpu.memory_space<vmem>>
        %gather3A_1574 = tpu.vector_load_idx %gather3A_1573[%add3A_427, %add3A_1409] : memref<128x64xf32, #tpu.memory_space<vmem>>[vector<16xi32>, vector<16xi32>], vector<16xf32>,
        %gather3A_1575 = arith.constant 0 : i32
        %gather3A_1576 = arith.constant 0 : i32
        %gather3A_1577 = tpu.memref_slice %arg6[%scan3A_441, %gather3A_1575, %gather3A_1576] : memref<4x128x64xf32, #tpu.memory_space<vmem>> -> memref<1x128x64xf32, #tpu.memory_space<vmem>>
        %gather3A_1578 = tpu.memref_squeeze %gather3A_1577 : memref<1x128x64xf32, #tpu.memory_space<vmem>> -> memref<128x64xf32, #tpu.memory_space<vmem>>
        %gather3A_1579 = tpu.vector_load_idx %gather3A_1578[%add3A_430, %add3A_1409] : memref<128x64xf32, #tpu.memory_space<vmem>>[vector<16xi32>, vector<16xi32>], vector<16xf32>,
        %gather3A_1580 = arith.constant 0 : i32
        %gather3A_1581 = arith.constant 0 : i32
        %gather3A_1582 = tpu.memref_slice %arg6[%scan3A_441, %gather3A_1580, %gather3A_1581] : memref<4x128x64xf32, #tpu.memory_space<vmem>> -> memref<1x128x64xf32, #tpu.memory_space<vmem>>
        %gather3A_1583 = tpu.memref_squeeze %gather3A_1582 : memref<1x128x64xf32, #tpu.memory_space<vmem>> -> memref<128x64xf32, #tpu.memory_space<vmem>>
        %gather3A_1584 = tpu.vector_load_idx %gather3A_1583[%add3A_433, %add3A_1409] : memref<128x64xf32, #tpu.memory_space<vmem>>[vector<16xi32>, vector<16xi32>], vector<16xf32>,
        %gather3A_1585 = arith.constant 0 : i32
        %gather3A_1586 = arith.constant 0 : i32
        %gather3A_1587 = tpu.memref_slice %arg6[%scan3A_441, %gather3A_1585, %gather3A_1586] : memref<4x128x64xf32, #tpu.memory_space<vmem>> -> memref<1x128x64xf32, #tpu.memory_space<vmem>>
        %gather3A_1588 = tpu.memref_squeeze %gather3A_1587 : memref<1x128x64xf32, #tpu.memory_space<vmem>> -> memref<128x64xf32, #tpu.memory_space<vmem>>
        %gather3A_1589 = tpu.vector_load_idx %gather3A_1588[%add3A_436, %add3A_1409] : memref<128x64xf32, #tpu.memory_space<vmem>>[vector<16xi32>, vector<16xi32>], vector<16xf32>,
        %gather3A_1590 = arith.constant 0 : i32
        %gather3A_1591 = arith.constant 0 : i32
        %gather3A_1592 = tpu.memref_slice %arg6[%scan3A_441, %gather3A_1590, %gather3A_1591] : memref<4x128x64xf32, #tpu.memory_space<vmem>> -> memref<1x128x64xf32, #tpu.memory_space<vmem>>
        %gather3A_1593 = tpu.memref_squeeze %gather3A_1592 : memref<1x128x64xf32, #tpu.memory_space<vmem>> -> memref<128x64xf32, #tpu.memory_space<vmem>>
        %gather3A_1594 = tpu.vector_load_idx %gather3A_1593[%add3A_439, %add3A_1409] : memref<128x64xf32, #tpu.memory_space<vmem>>[vector<16xi32>, vector<16xi32>], vector<16xf32>,
        %scatter3A_1595 = arith.constant 0 : i32
        %scatter3A_1596 = arith.constant 0 : i32
        %scatter3A_1597 = tpu.memref_slice %arg7[%scan3A_442, %scatter3A_1595, %scatter3A_1596] : memref<2x64x128xf32, #tpu.memory_space<vmem>> -> memref<1x64x128xf32, #tpu.memory_space<vmem>>
        %scatter3A_1598 = tpu.memref_squeeze %scatter3A_1597 : memref<1x64x128xf32, #tpu.memory_space<vmem>> -> memref<64x128xf32, #tpu.memory_space<vmem>>
        tpu.vector_store_idx %scatter3A_1598[%add3A_1409, %add3A_418], %gather3A_1559 : memref<64x128xf32, #tpu.memory_space<vmem>>[vector<16xi32>, vector<16xi32>], vector<16xf32>,
        %scatter3A_1599 = arith.constant 0 : i32
        %scatter3A_1600 = arith.constant 0 : i32
        %scatter3A_1601 = tpu.memref_slice %arg7[%scan3A_442, %scatter3A_1599, %scatter3A_1600] : memref<2x64x128xf32, #tpu.memory_space<vmem>> -> memref<1x64x128xf32, #tpu.memory_space<vmem>>
        %scatter3A_1602 = tpu.memref_squeeze %scatter3A_1601 : memref<1x64x128xf32, #tpu.memory_space<vmem>> -> memref<64x128xf32, #tpu.memory_space<vmem>>
        tpu.vector_store_idx %scatter3A_1602[%add3A_1409, %add3A_421], %gather3A_1564 : memref<64x128xf32, #tpu.memory_space<vmem>>[vector<16xi32>, vector<16xi32>], vector<16xf32>,
        %scatter3A_1603 = arith.constant 0 : i32
        %scatter3A_1604 = arith.constant 0 : i32
        %scatter3A_1605 = tpu.memref_slice %arg7[%scan3A_442, %scatter3A_1603, %scatter3A_1604] : memref<2x64x128xf32, #tpu.memory_space<vmem>> -> memref<1x64x128xf32, #tpu.memory_space<vmem>>
        %scatter3A_1606 = tpu.memref_squeeze %scatter3A_1605 : memref<1x64x128xf32, #tpu.memory_space<vmem>> -> memref<64x128xf32, #tpu.memory_space<vmem>>
        tpu.vector_store_idx %scatter3A_1606[%add3A_1409, %add3A_424], %gather3A_1569 : memref<64x128xf32, #tpu.memory_space<vmem>>[vector<16xi32>, vector<16xi32>], vector<16xf32>,
        %scatter3A_1607 = arith.constant 0 : i32
        %scatter3A_1608 = arith.constant 0 : i32
        %scatter3A_1609 = tpu.memref_slice %arg7[%scan3A_442, %scatter3A_1607, %scatter3A_1608] : memref<2x64x128xf32, #tpu.memory_space<vmem>> -> memref<1x64x128xf32, #tpu.memory_space<vmem>>
        %scatter3A_1610 = tpu.memref_squeeze %scatter3A_1609 : memref<1x64x128xf32, #tpu.memory_space<vmem>> -> memref<64x128xf32, #tpu.memory_space<vmem>>
        tpu.vector_store_idx %scatter3A_1610[%add3A_1409, %add3A_427], %gather3A_1574 : memref<64x128xf32, #tpu.memory_space<vmem>>[vector<16xi32>, vector<16xi32>], vector<16xf32>,
        %scatter3A_1611 = arith.constant 0 : i32
        %scatter3A_1612 = arith.constant 0 : i32
        %scatter3A_1613 = tpu.memref_slice %arg7[%scan3A_442, %scatter3A_1611, %scatter3A_1612] : memref<2x64x128xf32, #tpu.memory_space<vmem>> -> memref<1x64x128xf32, #tpu.memory_space<vmem>>
        %scatter3A_1614 = tpu.memref_squeeze %scatter3A_1613 : memref<1x64x128xf32, #tpu.memory_space<vmem>> -> memref<64x128xf32, #tpu.memory_space<vmem>>
        tpu.vector_store_idx %scatter3A_1614[%add3A_1409, %add3A_430], %gather3A_1579 : memref<64x128xf32, #tpu.memory_space<vmem>>[vector<16xi32>, vector<16xi32>], vector<16xf32>,
        %scatter3A_1615 = arith.constant 0 : i32
        %scatter3A_1616 = arith.constant 0 : i32
        %scatter3A_1617 = tpu.memref_slice %arg7[%scan3A_442, %scatter3A_1615, %scatter3A_1616] : memref<2x64x128xf32, #tpu.memory_space<vmem>> -> memref<1x64x128xf32, #tpu.memory_space<vmem>>
        %scatter3A_1618 = tpu.memref_squeeze %scatter3A_1617 : memref<1x64x128xf32, #tpu.memory_space<vmem>> -> memref<64x128xf32, #tpu.memory_space<vmem>>
        tpu.vector_store_idx %scatter3A_1618[%add3A_1409, %add3A_433], %gather3A_1584 : memref<64x128xf32, #tpu.memory_space<vmem>>[vector<16xi32>, vector<16xi32>], vector<16xf32>,
        %scatter3A_1619 = arith.constant 0 : i32
        %scatter3A_1620 = arith.constant 0 : i32
        %scatter3A_1621 = tpu.memref_slice %arg7[%scan3A_442, %scatter3A_1619, %scatter3A_1620] : memref<2x64x128xf32, #tpu.memory_space<vmem>> -> memref<1x64x128xf32, #tpu.memory_space<vmem>>
        %scatter3A_1622 = tpu.memref_squeeze %scatter3A_1621 : memref<1x64x128xf32, #tpu.memory_space<vmem>> -> memref<64x128xf32, #tpu.memory_space<vmem>>
        tpu.vector_store_idx %scatter3A_1622[%add3A_1409, %add3A_436], %gather3A_1589 : memref<64x128xf32, #tpu.memory_space<vmem>>[vector<16xi32>, vector<16xi32>], vector<16xf32>,
        %scatter3A_1623 = arith.constant 0 : i32
        %scatter3A_1624 = arith.constant 0 : i32
        %scatter3A_1625 = tpu.memref_slice %arg7[%scan3A_442, %scatter3A_1623, %scatter3A_1624] : memref<2x64x128xf32, #tpu.memory_space<vmem>> -> memref<1x64x128xf32, #tpu.memory_space<vmem>>
        %scatter3A_1626 = tpu.memref_squeeze %scatter3A_1625 : memref<1x64x128xf32, #tpu.memory_space<vmem>> -> memref<64x128xf32, #tpu.memory_space<vmem>>
        tpu.vector_store_idx %scatter3A_1626[%add3A_1409, %add3A_439], %gather3A_1594 : memref<64x128xf32, #tpu.memory_space<vmem>>[vector<16xi32>, vector<16xi32>], vector<16xf32>,
        %gather3A_1627 = arith.constant 0 : i32
        %gather3A_1628 = arith.constant 0 : i32
        %gather3A_1629 = tpu.memref_slice %arg6[%scan3A_441, %gather3A_1627, %gather3A_1628] : memref<4x128x64xf32, #tpu.memory_space<vmem>> -> memref<1x128x64xf32, #tpu.memory_space<vmem>>
        %gather3A_1630 = tpu.memref_squeeze %gather3A_1629 : memref<1x128x64xf32, #tpu.memory_space<vmem>> -> memref<128x64xf32, #tpu.memory_space<vmem>>
        %gather3A_1631 = tpu.vector_load_idx %gather3A_1630[%add3A_418, %add3A_1412] : memref<128x64xf32, #tpu.memory_space<vmem>>[vector<16xi32>, vector<16xi32>], vector<16xf32>,
        %gather3A_1632 = arith.constant 0 : i32
        %gather3A_1633 = arith.constant 0 : i32
        %gather3A_1634 = tpu.memref_slice %arg6[%scan3A_441, %gather3A_1632, %gather3A_1633] : memref<4x128x64xf32, #tpu.memory_space<vmem>> -> memref<1x128x64xf32, #tpu.memory_space<vmem>>
        %gather3A_1635 = tpu.memref_squeeze %gather3A_1634 : memref<1x128x64xf32, #tpu.memory_space<vmem>> -> memref<128x64xf32, #tpu.memory_space<vmem>>
        %gather3A_1636 = tpu.vector_load_idx %gather3A_1635[%add3A_421, %add3A_1412] : memref<128x64xf32, #tpu.memory_space<vmem>>[vector<16xi32>, vector<16xi32>], vector<16xf32>,
        %gather3A_1637 = arith.constant 0 : i32
        %gather3A_1638 = arith.constant 0 : i32
        %gather3A_1639 = tpu.memref_slice %arg6[%scan3A_441, %gather3A_1637, %gather3A_1638] : memref<4x128x64xf32, #tpu.memory_space<vmem>> -> memref<1x128x64xf32, #tpu.memory_space<vmem>>
        %gather3A_1640 = tpu.memref_squeeze %gather3A_1639 : memref<1x128x64xf32, #tpu.memory_space<vmem>> -> memref<128x64xf32, #tpu.memory_space<vmem>>
        %gather3A_1641 = tpu.vector_load_idx %gather3A_1640[%add3A_424, %add3A_1412] : memref<128x64xf32, #tpu.memory_space<vmem>>[vector<16xi32>, vector<16xi32>], vector<16xf32>,
        %gather3A_1642 = arith.constant 0 : i32
        %gather3A_1643 = arith.constant 0 : i32
        %gather3A_1644 = tpu.memref_slice %arg6[%scan3A_441, %gather3A_1642, %gather3A_1643] : memref<4x128x64xf32, #tpu.memory_space<vmem>> -> memref<1x128x64xf32, #tpu.memory_space<vmem>>
        %gather3A_1645 = tpu.memref_squeeze %gather3A_1644 : memref<1x128x64xf32, #tpu.memory_space<vmem>> -> memref<128x64xf32, #tpu.memory_space<vmem>>
        %gather3A_1646 = tpu.vector_load_idx %gather3A_1645[%add3A_427, %add3A_1412] : memref<128x64xf32, #tpu.memory_space<vmem>>[vector<16xi32>, vector<16xi32>], vector<16xf32>,
        %gather3A_1647 = arith.constant 0 : i32
        %gather3A_1648 = arith.constant 0 : i32
        %gather3A_1649 = tpu.memref_slice %arg6[%scan3A_441, %gather3A_1647, %gather3A_1648] : memref<4x128x64xf32, #tpu.memory_space<vmem>> -> memref<1x128x64xf32, #tpu.memory_space<vmem>>
        %gather3A_1650 = tpu.memref_squeeze %gather3A_1649 : memref<1x128x64xf32, #tpu.memory_space<vmem>> -> memref<128x64xf32, #tpu.memory_space<vmem>>
        %gather3A_1651 = tpu.vector_load_idx %gather3A_1650[%add3A_430, %add3A_1412] : memref<128x64xf32, #tpu.memory_space<vmem>>[vector<16xi32>, vector<16xi32>], vector<16xf32>,
        %gather3A_1652 = arith.constant 0 : i32
        %gather3A_1653 = arith.constant 0 : i32
        %gather3A_1654 = tpu.memref_slice %arg6[%scan3A_441, %gather3A_1652, %gather3A_1653] : memref<4x128x64xf32, #tpu.memory_space<vmem>> -> memref<1x128x64xf32, #tpu.memory_space<vmem>>
        %gather3A_1655 = tpu.memref_squeeze %gather3A_1654 : memref<1x128x64xf32, #tpu.memory_space<vmem>> -> memref<128x64xf32, #tpu.memory_space<vmem>>
        %gather3A_1656 = tpu.vector_load_idx %gather3A_1655[%add3A_433, %add3A_1412] : memref<128x64xf32, #tpu.memory_space<vmem>>[vector<16xi32>, vector<16xi32>], vector<16xf32>,
        %gather3A_1657 = arith.constant 0 : i32
        %gather3A_1658 = arith.constant 0 : i32
        %gather3A_1659 = tpu.memref_slice %arg6[%scan3A_441, %gather3A_1657, %gather3A_1658] : memref<4x128x64xf32, #tpu.memory_space<vmem>> -> memref<1x128x64xf32, #tpu.memory_space<vmem>>
        %gather3A_1660 = tpu.memref_squeeze %gather3A_1659 : memref<1x128x64xf32, #tpu.memory_space<vmem>> -> memref<128x64xf32, #tpu.memory_space<vmem>>
        %gather3A_1661 = tpu.vector_load_idx %gather3A_1660[%add3A_436, %add3A_1412] : memref<128x64xf32, #tpu.memory_space<vmem>>[vector<16xi32>, vector<16xi32>], vector<16xf32>,
        %gather3A_1662 = arith.constant 0 : i32
        %gather3A_1663 = arith.constant 0 : i32
        %gather3A_1664 = tpu.memref_slice %arg6[%scan3A_441, %gather3A_1662, %gather3A_1663] : memref<4x128x64xf32, #tpu.memory_space<vmem>> -> memref<1x128x64xf32, #tpu.memory_space<vmem>>
        %gather3A_1665 = tpu.memref_squeeze %gather3A_1664 : memref<1x128x64xf32, #tpu.memory_space<vmem>> -> memref<128x64xf32, #tpu.memory_space<vmem>>
        %gather3A_1666 = tpu.vector_load_idx %gather3A_1665[%add3A_439, %add3A_1412] : memref<128x64xf32, #tpu.memory_space<vmem>>[vector<16xi32>, vector<16xi32>], vector<16xf32>,
        %scatter3A_1667 = arith.constant 0 : i32
        %scatter3A_1668 = arith.constant 0 : i32
        %scatter3A_1669 = tpu.memref_slice %arg7[%scan3A_442, %scatter3A_1667, %scatter3A_1668] : memref<2x64x128xf32, #tpu.memory_space<vmem>> -> memref<1x64x128xf32, #tpu.memory_space<vmem>>
        %scatter3A_1670 = tpu.memref_squeeze %scatter3A_1669 : memref<1x64x128xf32, #tpu.memory_space<vmem>> -> memref<64x128xf32, #tpu.memory_space<vmem>>
        tpu.vector_store_idx %scatter3A_1670[%add3A_1412, %add3A_418], %gather3A_1631 : memref<64x128xf32, #tpu.memory_space<vmem>>[vector<16xi32>, vector<16xi32>], vector<16xf32>,
        %scatter3A_1671 = arith.constant 0 : i32
        %scatter3A_1672 = arith.constant 0 : i32
        %scatter3A_1673 = tpu.memref_slice %arg7[%scan3A_442, %scatter3A_1671, %scatter3A_1672] : memref<2x64x128xf32, #tpu.memory_space<vmem>> -> memref<1x64x128xf32, #tpu.memory_space<vmem>>
        %scatter3A_1674 = tpu.memref_squeeze %scatter3A_1673 : memref<1x64x128xf32, #tpu.memory_space<vmem>> -> memref<64x128xf32, #tpu.memory_space<vmem>>
        tpu.vector_store_idx %scatter3A_1674[%add3A_1412, %add3A_421], %gather3A_1636 : memref<64x128xf32, #tpu.memory_space<vmem>>[vector<16xi32>, vector<16xi32>], vector<16xf32>,
        %scatter3A_1675 = arith.constant 0 : i32
        %scatter3A_1676 = arith.constant 0 : i32
        %scatter3A_1677 = tpu.memref_slice %arg7[%scan3A_442, %scatter3A_1675, %scatter3A_1676] : memref<2x64x128xf32, #tpu.memory_space<vmem>> -> memref<1x64x128xf32, #tpu.memory_space<vmem>>
        %scatter3A_1678 = tpu.memref_squeeze %scatter3A_1677 : memref<1x64x128xf32, #tpu.memory_space<vmem>> -> memref<64x128xf32, #tpu.memory_space<vmem>>
        tpu.vector_store_idx %scatter3A_1678[%add3A_1412, %add3A_424], %gather3A_1641 : memref<64x128xf32, #tpu.memory_space<vmem>>[vector<16xi32>, vector<16xi32>], vector<16xf32>,
        %scatter3A_1679 = arith.constant 0 : i32
        %scatter3A_1680 = arith.constant 0 : i32
        %scatter3A_1681 = tpu.memref_slice %arg7[%scan3A_442, %scatter3A_1679, %scatter3A_1680] : memref<2x64x128xf32, #tpu.memory_space<vmem>> -> memref<1x64x128xf32, #tpu.memory_space<vmem>>
        %scatter3A_1682 = tpu.memref_squeeze %scatter3A_1681 : memref<1x64x128xf32, #tpu.memory_space<vmem>> -> memref<64x128xf32, #tpu.memory_space<vmem>>
        tpu.vector_store_idx %scatter3A_1682[%add3A_1412, %add3A_427], %gather3A_1646 : memref<64x128xf32, #tpu.memory_space<vmem>>[vector<16xi32>, vector<16xi32>], vector<16xf32>,
        %scatter3A_1683 = arith.constant 0 : i32
        %scatter3A_1684 = arith.constant 0 : i32
        %scatter3A_1685 = tpu.memref_slice %arg7[%scan3A_442, %scatter3A_1683, %scatter3A_1684] : memref<2x64x128xf32, #tpu.memory_space<vmem>> -> memref<1x64x128xf32, #tpu.memory_space<vmem>>
        %scatter3A_1686 = tpu.memref_squeeze %scatter3A_1685 : memref<1x64x128xf32, #tpu.memory_space<vmem>> -> memref<64x128xf32, #tpu.memory_space<vmem>>
        tpu.vector_store_idx %scatter3A_1686[%add3A_1412, %add3A_430], %gather3A_1651 : memref<64x128xf32, #tpu.memory_space<vmem>>[vector<16xi32>, vector<16xi32>], vector<16xf32>,
        %scatter3A_1687 = arith.constant 0 : i32
        %scatter3A_1688 = arith.constant 0 : i32
        %scatter3A_1689 = tpu.memref_slice %arg7[%scan3A_442, %scatter3A_1687, %scatter3A_1688] : memref<2x64x128xf32, #tpu.memory_space<vmem>> -> memref<1x64x128xf32, #tpu.memory_space<vmem>>
        %scatter3A_1690 = tpu.memref_squeeze %scatter3A_1689 : memref<1x64x128xf32, #tpu.memory_space<vmem>> -> memref<64x128xf32, #tpu.memory_space<vmem>>
        tpu.vector_store_idx %scatter3A_1690[%add3A_1412, %add3A_433], %gather3A_1656 : memref<64x128xf32, #tpu.memory_space<vmem>>[vector<16xi32>, vector<16xi32>], vector<16xf32>,
        %scatter3A_1691 = arith.constant 0 : i32
        %scatter3A_1692 = arith.constant 0 : i32
        %scatter3A_1693 = tpu.memref_slice %arg7[%scan3A_442, %scatter3A_1691, %scatter3A_1692] : memref<2x64x128xf32, #tpu.memory_space<vmem>> -> memref<1x64x128xf32, #tpu.memory_space<vmem>>
        %scatter3A_1694 = tpu.memref_squeeze %scatter3A_1693 : memref<1x64x128xf32, #tpu.memory_space<vmem>> -> memref<64x128xf32, #tpu.memory_space<vmem>>
        tpu.vector_store_idx %scatter3A_1694[%add3A_1412, %add3A_436], %gather3A_1661 : memref<64x128xf32, #tpu.memory_space<vmem>>[vector<16xi32>, vector<16xi32>], vector<16xf32>,
        %scatter3A_1695 = arith.constant 0 : i32
        %scatter3A_1696 = arith.constant 0 : i32
        %scatter3A_1697 = tpu.memref_slice %arg7[%scan3A_442, %scatter3A_1695, %scatter3A_1696] : memref<2x64x128xf32, #tpu.memory_space<vmem>> -> memref<1x64x128xf32, #tpu.memory_space<vmem>>
        %scatter3A_1698 = tpu.memref_squeeze %scatter3A_1697 : memref<1x64x128xf32, #tpu.memory_space<vmem>> -> memref<64x128xf32, #tpu.memory_space<vmem>>
        tpu.vector_store_idx %scatter3A_1698[%add3A_1412, %add3A_439], %gather3A_1666 : memref<64x128xf32, #tpu.memory_space<vmem>>[vector<16xi32>, vector<16xi32>], vector<16xf32>,
      }
      %scan3A_447 = arith.constant 16 : i32
      %add3A_448 = arith.constant 4 : i32
      %add3A_449 = arith.addi %mul3A_383, %add3A_448 : i32
      %lt3A = arith.constant 200 : i32
      %lt3A_450 = arith.cmpi slt, %add3A_449, %lt3A : i32
      %convert_element_type3A_451 = arith.extui %lt3A_450 : i1 to i32
      %cond3A_452 = arith.constant 0 : i32
      %cond3A_453 = arith.cmpi ne, %convert_element_type3A_451, %cond3A_452 : i32
      scf.if %cond3A_453 {
        %add3A_1395 = arith.constant 4 : i32
        %add3A_1396 = arith.addi %mul3A_383, %add3A_1395 : i32
        %jit3A_1397 = arith.constant 4 : i32
        %div3A_1398 = arith.divsi %add3A_1396, %jit3A_1397 : i32
        %sign3A_1399 = arith.constant 0 : i32
        %sign3A_1400 = arith.cmpi sgt, %add3A_1396, %sign3A_1399 : i32
        %sign3A_1401 = arith.extui %sign3A_1400 : i1 to i32
        %sign3A_1402 = arith.constant 0 : i32
        %sign3A_1403 = arith.cmpi slt, %add3A_1396, %sign3A_1402 : i32
        %sign3A_1404 = arith.extui %sign3A_1403 : i1 to i32
        %sign3A_1405 = arith.subi %sign3A_1401, %sign3A_1404 : i32
        %sign3A_1406 = arith.constant 0 : i32
        %sign3A_1407 = arith.cmpi sgt, %jit3A_1397, %sign3A_1406 : i32
        %sign3A_1408 = arith.extui %sign3A_1407 : i1 to i32
        %sign3A_1409 = arith.constant 0 : i32
        %sign3A_1410 = arith.cmpi slt, %jit3A_1397, %sign3A_1409 : i32
        %sign3A_1411 = arith.extui %sign3A_1410 : i1 to i32
        %sign3A_1412 = arith.subi %sign3A_1408, %sign3A_1411 : i32
        %ne3A_1413 = arith.cmpi ne, %sign3A_1405, %sign3A_1412 : i32
        %rem3A_1414 = arith.remsi %add3A_1396, %jit3A_1397 : i32
        %ne3A_1415 = arith.constant 0 : i32
        %ne3A_1416 = arith.cmpi ne, %rem3A_1414, %ne3A_1415 : i32
        %and3A_1417 = arith.andi %ne3A_1413, %ne3A_1416 : i1
        %sub3A_1418 = arith.constant 1 : i32
        %sub3A_1419 = arith.subi %div3A_1398, %sub3A_1418 : i32
        %select_n3A_1420 = arith.select %and3A_1417, %sub3A_1419, %div3A_1398 : i32
        %rem3A_1421 = arith.constant 4 : i32
        %rem3A_1422 = arith.remsi %add3A_1396, %rem3A_1421 : i32
        %dma_start3A_1423 = arith.constant 0 : i32
        %dma_start3A_1424 = arith.constant 0 : i32
        %dma_start3A_1425 = arith.constant 0 : i32
        %dma_start3A_1426 = tpu.memref_slice %arg6[%dma_start3A_1423, %dma_start3A_1424, %dma_start3A_1425] : memref<4x128x64xf32, #tpu.memory_space<vmem>> -> memref<1x128x64xf32, #tpu.memory_space<vmem>>
        %dma_start3A_1427 = tpu.memref_squeeze %dma_start3A_1426 : memref<1x128x64xf32, #tpu.memory_space<vmem>> -> memref<128x64xf32, #tpu.memory_space<vmem>>
        %dma_start3A_1428 = arith.constant 0 : i32
        %dma_start3A_1429 = tpu.memref_slice %arg5[%select_n3A_1420, %rem3A_1422, %dma_start3A_1428] : memref<50x4x128xi32, #tpu.memory_space<vmem>> -> memref<1x1x128xi32, #tpu.memory_space<vmem>>
        %dma_start3A_1430 = tpu.memref_squeeze %dma_start3A_1429 : memref<1x1x128xi32, #tpu.memory_space<vmem>> -> memref<128xi32, #tpu.memory_space<vmem>>
        %dma_start3A_1431 = arith.constant 0 : i32
        %dma_start3A_1432 = arith.constant 0 : i32
        %dma_start3A_1433 = tpu.memref_slice %arg3[%dma_start3A_1431, %dma_start3A_1432] : memref<100000x64xf32, #tpu.memory_space<hbm>> -> memref<100000x64xf32, #tpu.memory_space<hbm>>
        tpu.enqueue_indirect_dma source(%dma_start3A_1433 : memref<100000x64xf32, #tpu.memory_space<hbm>>) target(%dma_start3A_1427 : memref<128x64xf32, #tpu.memory_space<vmem>>) offsets(%dma_start3A_1430 : memref<128xi32, #tpu.memory_space<vmem>>) semaphore(%arg8 : memref<!tpu.dma_semaphore, #tpu.memory_space<semaphore_mem>>)
      } else {
      }
      %jit3A_454 = arith.constant 4 : i32
      %div3A_455 = arith.divsi %mul3A_383, %jit3A_454 : i32
      %sign3A_456 = arith.constant 0 : i32
      %sign3A_457 = arith.cmpi sgt, %mul3A_383, %sign3A_456 : i32
      %sign3A_458 = arith.extui %sign3A_457 : i1 to i32
      %sign3A_459 = arith.constant 0 : i32
      %sign3A_460 = arith.cmpi slt, %mul3A_383, %sign3A_459 : i32
      %sign3A_461 = arith.extui %sign3A_460 : i1 to i32
      %sign3A_462 = arith.subi %sign3A_458, %sign3A_461 : i32
      %sign3A_463 = arith.constant 0 : i32
      %sign3A_464 = arith.cmpi sgt, %jit3A_454, %sign3A_463 : i32
      %sign3A_465 = arith.extui %sign3A_464 : i1 to i32
      %sign3A_466 = arith.constant 0 : i32
      %sign3A_467 = arith.cmpi slt, %jit3A_454, %sign3A_466 : i32
      %sign3A_468 = arith.extui %sign3A_467 : i1 to i32
      %sign3A_469 = arith.subi %sign3A_465, %sign3A_468 : i32
      %ne3A_470 = arith.cmpi ne, %sign3A_462, %sign3A_469 : i32
      %rem3A_471 = arith.remsi %mul3A_383, %jit3A_454 : i32
      %ne3A_472 = arith.constant 0 : i32
      %ne3A_473 = arith.cmpi ne, %rem3A_471, %ne3A_472 : i32
      %and3A_474 = arith.andi %ne3A_470, %ne3A_473 : i1
      %sub3A_475 = arith.constant 1 : i32
      %sub3A_476 = arith.subi %div3A_455, %sub3A_475 : i32
      %select_n3A_477 = arith.select %and3A_474, %sub3A_476, %div3A_455 : i32
      %mul3A_478 = arith.constant 4 : i32
      %mul3A_479 = arith.muli %add3A, %mul3A_478 : i32
      %rem3A_480 = arith.constant 4 : i32
      %rem3A_481 = arith.remsi %mul3A_383, %rem3A_480 : i32
      %add3A_482 = arith.addi %mul3A_479, %rem3A_481 : i32
      %dma_start3A_483 = arith.constant 0 : i32
      %dma_start3A_484 = arith.constant 0 : i32
      %dma_start3A_485 = arith.constant 0 : i32
      %dma_start3A_486 = arith.constant 0 : i32
      %dma_start3A_487 = tpu.memref_slice %arg7[%dma_start3A_483, %dma_start3A_485, %dma_start3A_486] : memref<2x64x128xf32, #tpu.memory_space<vmem>> -> memref<1x8x128xf32, #tpu.memory_space<vmem>>
      %dma_start3A_488 = tpu.memref_squeeze %dma_start3A_487 : memref<1x8x128xf32, #tpu.memory_space<vmem>> -> memref<8x128xf32, #tpu.memory_space<vmem>>
      %dma_start3A_489 = arith.constant 0 : i32
      %dma_start3A_490 = arith.constant 0 : i32
      %dma_start3A_491 = tpu.memref_slice %arg4[%select_n3A_477, %dma_start3A_484, %add3A_482, %dma_start3A_489, %dma_start3A_490] : memref<50x8x128x8x128xf32, #tpu.memory_space<hbm>> -> memref<1x1x1x8x128xf32, #tpu.memory_space<hbm>>
      %dma_start3A_492 = tpu.memref_squeeze %dma_start3A_491 : memref<1x1x1x8x128xf32, #tpu.memory_space<hbm>> -> memref<8x128xf32, #tpu.memory_space<hbm>>
      %dma_start3A_493 = arith.constant 0 : i32
      %dma_start3A_494 = arith.constant 0 : i32
      %dma_start3A_495 = tpu.memref_slice %arg4[%select_n3A_477, %dma_start3A_484, %add3A_482, %dma_start3A_493, %dma_start3A_494] : memref<50x8x128x8x128xf32, #tpu.memory_space<hbm>> -> memref<1x1x1x8x128xf32, #tpu.memory_space<hbm>>
      %dma_start3A_496 = tpu.memref_squeeze %dma_start3A_495 : memref<1x1x1x8x128xf32, #tpu.memory_space<hbm>> -> memref<8x128xf32, #tpu.memory_space<hbm>>
      %dma_start3A_497 = arith.constant 0 : i32
      %dma_start3A_498 = arith.constant 0 : i32
      %dma_start3A_499 = tpu.memref_slice %arg7[%dma_start3A_483, %dma_start3A_497, %dma_start3A_498] : memref<2x64x128xf32, #tpu.memory_space<vmem>> -> memref<1x8x128xf32, #tpu.memory_space<vmem>>
      %dma_start3A_500 = tpu.memref_squeeze %dma_start3A_499 : memref<1x8x128xf32, #tpu.memory_space<vmem>> -> memref<8x128xf32, #tpu.memory_space<vmem>>
      tpu.enqueue_dma source(%dma_start3A_500 : memref<8x128xf32, #tpu.memory_space<vmem>>) target(%dma_start3A_496 : memref<8x128xf32, #tpu.memory_space<hbm>>) target_semaphore(%arg12 : memref<!tpu.dma_semaphore, #tpu.memory_space<semaphore_mem>>)
      %dma_start3A_501 = arith.constant 0 : i32
      %dma_start3A_502 = arith.constant 1 : i32
      %dma_start3A_503 = arith.constant 8 : i32
      %dma_start3A_504 = arith.constant 0 : i32
      %dma_start3A_505 = tpu.memref_slice %arg7[%dma_start3A_501, %dma_start3A_503, %dma_start3A_504] : memref<2x64x128xf32, #tpu.memory_space<vmem>> -> memref<1x8x128xf32, #tpu.memory_space<vmem>>
      %dma_start3A_506 = tpu.memref_squeeze %dma_start3A_505 : memref<1x8x128xf32, #tpu.memory_space<vmem>> -> memref<8x128xf32, #tpu.memory_space<vmem>>
      %dma_start3A_507 = arith.constant 0 : i32
      %dma_start3A_508 = arith.constant 0 : i32
      %dma_start3A_509 = tpu.memref_slice %arg4[%select_n3A_477, %dma_start3A_502, %add3A_482, %dma_start3A_507, %dma_start3A_508] : memref<50x8x128x8x128xf32, #tpu.memory_space<hbm>> -> memref<1x1x1x8x128xf32, #tpu.memory_space<hbm>>
      %dma_start3A_510 = tpu.memref_squeeze %dma_start3A_509 : memref<1x1x1x8x128xf32, #tpu.memory_space<hbm>> -> memref<8x128xf32, #tpu.memory_space<hbm>>
      %dma_start3A_511 = arith.constant 0 : i32
      %dma_start3A_512 = arith.constant 0 : i32
      %dma_start3A_513 = tpu.memref_slice %arg4[%select_n3A_477, %dma_start3A_502, %add3A_482, %dma_start3A_511, %dma_start3A_512] : memref<50x8x128x8x128xf32, #tpu.memory_space<hbm>> -> memref<1x1x1x8x128xf32, #tpu.memory_space<hbm>>
      %dma_start3A_514 = tpu.memref_squeeze %dma_start3A_513 : memref<1x1x1x8x128xf32, #tpu.memory_space<hbm>> -> memref<8x128xf32, #tpu.memory_space<hbm>>
      %dma_start3A_515 = arith.constant 8 : i32
      %dma_start3A_516 = arith.constant 0 : i32
      %dma_start3A_517 = tpu.memref_slice %arg7[%dma_start3A_501, %dma_start3A_515, %dma_start3A_516] : memref<2x64x128xf32, #tpu.memory_space<vmem>> -> memref<1x8x128xf32, #tpu.memory_space<vmem>>
      %dma_start3A_518 = tpu.memref_squeeze %dma_start3A_517 : memref<1x8x128xf32, #tpu.memory_space<vmem>> -> memref<8x128xf32, #tpu.memory_space<vmem>>
      tpu.enqueue_dma source(%dma_start3A_518 : memref<8x128xf32, #tpu.memory_space<vmem>>) target(%dma_start3A_514 : memref<8x128xf32, #tpu.memory_space<hbm>>) target_semaphore(%arg12 : memref<!tpu.dma_semaphore, #tpu.memory_space<semaphore_mem>>)
      %dma_start3A_519 = arith.constant 0 : i32
      %dma_start3A_520 = arith.constant 2 : i32
      %dma_start3A_521 = arith.constant 16 : i32
      %dma_start3A_522 = arith.constant 0 : i32
      %dma_start3A_523 = tpu.memref_slice %arg7[%dma_start3A_519, %dma_start3A_521, %dma_start3A_522] : memref<2x64x128xf32, #tpu.memory_space<vmem>> -> memref<1x8x128xf32, #tpu.memory_space<vmem>>
      %dma_start3A_524 = tpu.memref_squeeze %dma_start3A_523 : memref<1x8x128xf32, #tpu.memory_space<vmem>> -> memref<8x128xf32, #tpu.memory_space<vmem>>
      %dma_start3A_525 = arith.constant 0 : i32
      %dma_start3A_526 = arith.constant 0 : i32
      %dma_start3A_527 = tpu.memref_slice %arg4[%select_n3A_477, %dma_start3A_520, %add3A_482, %dma_start3A_525, %dma_start3A_526] : memref<50x8x128x8x128xf32, #tpu.memory_space<hbm>> -> memref<1x1x1x8x128xf32, #tpu.memory_space<hbm>>
      %dma_start3A_528 = tpu.memref_squeeze %dma_start3A_527 : memref<1x1x1x8x128xf32, #tpu.memory_space<hbm>> -> memref<8x128xf32, #tpu.memory_space<hbm>>
      %dma_start3A_529 = arith.constant 0 : i32
      %dma_start3A_530 = arith.constant 0 : i32
      %dma_start3A_531 = tpu.memref_slice %arg4[%select_n3A_477, %dma_start3A_520, %add3A_482, %dma_start3A_529, %dma_start3A_530] : memref<50x8x128x8x128xf32, #tpu.memory_space<hbm>> -> memref<1x1x1x8x128xf32, #tpu.memory_space<hbm>>
      %dma_start3A_532 = tpu.memref_squeeze %dma_start3A_531 : memref<1x1x1x8x128xf32, #tpu.memory_space<hbm>> -> memref<8x128xf32, #tpu.memory_space<hbm>>
      %dma_start3A_533 = arith.constant 16 : i32
      %dma_start3A_534 = arith.constant 0 : i32
      %dma_start3A_535 = tpu.memref_slice %arg7[%dma_start3A_519, %dma_start3A_533, %dma_start3A_534] : memref<2x64x128xf32, #tpu.memory_space<vmem>> -> memref<1x8x128xf32, #tpu.memory_space<vmem>>
      %dma_start3A_536 = tpu.memref_squeeze %dma_start3A_535 : memref<1x8x128xf32, #tpu.memory_space<vmem>> -> memref<8x128xf32, #tpu.memory_space<vmem>>
      tpu.enqueue_dma source(%dma_start3A_536 : memref<8x128xf32, #tpu.memory_space<vmem>>) target(%dma_start3A_532 : memref<8x128xf32, #tpu.memory_space<hbm>>) target_semaphore(%arg12 : memref<!tpu.dma_semaphore, #tpu.memory_space<semaphore_mem>>)
      %dma_start3A_537 = arith.constant 0 : i32
      %dma_start3A_538 = arith.constant 3 : i32
      %dma_start3A_539 = arith.constant 24 : i32
      %dma_start3A_540 = arith.constant 0 : i32
      %dma_start3A_541 = tpu.memref_slice %arg7[%dma_start3A_537, %dma_start3A_539, %dma_start3A_540] : memref<2x64x128xf32, #tpu.memory_space<vmem>> -> memref<1x8x128xf32, #tpu.memory_space<vmem>>
      %dma_start3A_542 = tpu.memref_squeeze %dma_start3A_541 : memref<1x8x128xf32, #tpu.memory_space<vmem>> -> memref<8x128xf32, #tpu.memory_space<vmem>>
      %dma_start3A_543 = arith.constant 0 : i32
      %dma_start3A_544 = arith.constant 0 : i32
      %dma_start3A_545 = tpu.memref_slice %arg4[%select_n3A_477, %dma_start3A_538, %add3A_482, %dma_start3A_543, %dma_start3A_544] : memref<50x8x128x8x128xf32, #tpu.memory_space<hbm>> -> memref<1x1x1x8x128xf32, #tpu.memory_space<hbm>>
      %dma_start3A_546 = tpu.memref_squeeze %dma_start3A_545 : memref<1x1x1x8x128xf32, #tpu.memory_space<hbm>> -> memref<8x128xf32, #tpu.memory_space<hbm>>
      %dma_start3A_547 = arith.constant 0 : i32
      %dma_start3A_548 = arith.constant 0 : i32
      %dma_start3A_549 = tpu.memref_slice %arg4[%select_n3A_477, %dma_start3A_538, %add3A_482, %dma_start3A_547, %dma_start3A_548] : memref<50x8x128x8x128xf32, #tpu.memory_space<hbm>> -> memref<1x1x1x8x128xf32, #tpu.memory_space<hbm>>
      %dma_start3A_550 = tpu.memref_squeeze %dma_start3A_549 : memref<1x1x1x8x128xf32, #tpu.memory_space<hbm>> -> memref<8x128xf32, #tpu.memory_space<hbm>>
      %dma_start3A_551 = arith.constant 24 : i32
      %dma_start3A_552 = arith.constant 0 : i32
      %dma_start3A_553 = tpu.memref_slice %arg7[%dma_start3A_537, %dma_start3A_551, %dma_start3A_552] : memref<2x64x128xf32, #tpu.memory_space<vmem>> -> memref<1x8x128xf32, #tpu.memory_space<vmem>>
      %dma_start3A_554 = tpu.memref_squeeze %dma_start3A_553 : memref<1x8x128xf32, #tpu.memory_space<vmem>> -> memref<8x128xf32, #tpu.memory_space<vmem>>
      tpu.enqueue_dma source(%dma_start3A_554 : memref<8x128xf32, #tpu.memory_space<vmem>>) target(%dma_start3A_550 : memref<8x128xf32, #tpu.memory_space<hbm>>) target_semaphore(%arg12 : memref<!tpu.dma_semaphore, #tpu.memory_space<semaphore_mem>>)
      %dma_start3A_555 = arith.constant 0 : i32
      %dma_start3A_556 = arith.constant 4 : i32
      %dma_start3A_557 = arith.constant 32 : i32
      %dma_start3A_558 = arith.constant 0 : i32
      %dma_start3A_559 = tpu.memref_slice %arg7[%dma_start3A_555, %dma_start3A_557, %dma_start3A_558] : memref<2x64x128xf32, #tpu.memory_space<vmem>> -> memref<1x8x128xf32, #tpu.memory_space<vmem>>
      %dma_start3A_560 = tpu.memref_squeeze %dma_start3A_559 : memref<1x8x128xf32, #tpu.memory_space<vmem>> -> memref<8x128xf32, #tpu.memory_space<vmem>>
      %dma_start3A_561 = arith.constant 0 : i32
      %dma_start3A_562 = arith.constant 0 : i32
      %dma_start3A_563 = tpu.memref_slice %arg4[%select_n3A_477, %dma_start3A_556, %add3A_482, %dma_start3A_561, %dma_start3A_562] : memref<50x8x128x8x128xf32, #tpu.memory_space<hbm>> -> memref<1x1x1x8x128xf32, #tpu.memory_space<hbm>>
      %dma_start3A_564 = tpu.memref_squeeze %dma_start3A_563 : memref<1x1x1x8x128xf32, #tpu.memory_space<hbm>> -> memref<8x128xf32, #tpu.memory_space<hbm>>
      %dma_start3A_565 = arith.constant 0 : i32
      %dma_start3A_566 = arith.constant 0 : i32
      %dma_start3A_567 = tpu.memref_slice %arg4[%select_n3A_477, %dma_start3A_556, %add3A_482, %dma_start3A_565, %dma_start3A_566] : memref<50x8x128x8x128xf32, #tpu.memory_space<hbm>> -> memref<1x1x1x8x128xf32, #tpu.memory_space<hbm>>
      %dma_start3A_568 = tpu.memref_squeeze %dma_start3A_567 : memref<1x1x1x8x128xf32, #tpu.memory_space<hbm>> -> memref<8x128xf32, #tpu.memory_space<hbm>>
      %dma_start3A_569 = arith.constant 32 : i32
      %dma_start3A_570 = arith.constant 0 : i32
      %dma_start3A_571 = tpu.memref_slice %arg7[%dma_start3A_555, %dma_start3A_569, %dma_start3A_570] : memref<2x64x128xf32, #tpu.memory_space<vmem>> -> memref<1x8x128xf32, #tpu.memory_space<vmem>>
      %dma_start3A_572 = tpu.memref_squeeze %dma_start3A_571 : memref<1x8x128xf32, #tpu.memory_space<vmem>> -> memref<8x128xf32, #tpu.memory_space<vmem>>
      tpu.enqueue_dma source(%dma_start3A_572 : memref<8x128xf32, #tpu.memory_space<vmem>>) target(%dma_start3A_568 : memref<8x128xf32, #tpu.memory_space<hbm>>) target_semaphore(%arg12 : memref<!tpu.dma_semaphore, #tpu.memory_space<semaphore_mem>>)
      %dma_start3A_573 = arith.constant 0 : i32
      %dma_start3A_574 = arith.constant 5 : i32
      %dma_start3A_575 = arith.constant 40 : i32
      %dma_start3A_576 = arith.constant 0 : i32
      %dma_start3A_577 = tpu.memref_slice %arg7[%dma_start3A_573, %dma_start3A_575, %dma_start3A_576] : memref<2x64x128xf32, #tpu.memory_space<vmem>> -> memref<1x8x128xf32, #tpu.memory_space<vmem>>
      %dma_start3A_578 = tpu.memref_squeeze %dma_start3A_577 : memref<1x8x128xf32, #tpu.memory_space<vmem>> -> memref<8x128xf32, #tpu.memory_space<vmem>>
      %dma_start3A_579 = arith.constant 0 : i32
      %dma_start3A_580 = arith.constant 0 : i32
      %dma_start3A_581 = tpu.memref_slice %arg4[%select_n3A_477, %dma_start3A_574, %add3A_482, %dma_start3A_579, %dma_start3A_580] : memref<50x8x128x8x128xf32, #tpu.memory_space<hbm>> -> memref<1x1x1x8x128xf32, #tpu.memory_space<hbm>>
      %dma_start3A_582 = tpu.memref_squeeze %dma_start3A_581 : memref<1x1x1x8x128xf32, #tpu.memory_space<hbm>> -> memref<8x128xf32, #tpu.memory_space<hbm>>
      %dma_start3A_583 = arith.constant 0 : i32
      %dma_start3A_584 = arith.constant 0 : i32
      %dma_start3A_585 = tpu.memref_slice %arg4[%select_n3A_477, %dma_start3A_574, %add3A_482, %dma_start3A_583, %dma_start3A_584] : memref<50x8x128x8x128xf32, #tpu.memory_space<hbm>> -> memref<1x1x1x8x128xf32, #tpu.memory_space<hbm>>
      %dma_start3A_586 = tpu.memref_squeeze %dma_start3A_585 : memref<1x1x1x8x128xf32, #tpu.memory_space<hbm>> -> memref<8x128xf32, #tpu.memory_space<hbm>>
      %dma_start3A_587 = arith.constant 40 : i32
      %dma_start3A_588 = arith.constant 0 : i32
      %dma_start3A_589 = tpu.memref_slice %arg7[%dma_start3A_573, %dma_start3A_587, %dma_start3A_588] : memref<2x64x128xf32, #tpu.memory_space<vmem>> -> memref<1x8x128xf32, #tpu.memory_space<vmem>>
      %dma_start3A_590 = tpu.memref_squeeze %dma_start3A_589 : memref<1x8x128xf32, #tpu.memory_space<vmem>> -> memref<8x128xf32, #tpu.memory_space<vmem>>
      tpu.enqueue_dma source(%dma_start3A_590 : memref<8x128xf32, #tpu.memory_space<vmem>>) target(%dma_start3A_586 : memref<8x128xf32, #tpu.memory_space<hbm>>) target_semaphore(%arg12 : memref<!tpu.dma_semaphore, #tpu.memory_space<semaphore_mem>>)
      %dma_start3A_591 = arith.constant 0 : i32
      %dma_start3A_592 = arith.constant 6 : i32
      %dma_start3A_593 = arith.constant 48 : i32
      %dma_start3A_594 = arith.constant 0 : i32
      %dma_start3A_595 = tpu.memref_slice %arg7[%dma_start3A_591, %dma_start3A_593, %dma_start3A_594] : memref<2x64x128xf32, #tpu.memory_space<vmem>> -> memref<1x8x128xf32, #tpu.memory_space<vmem>>
      %dma_start3A_596 = tpu.memref_squeeze %dma_start3A_595 : memref<1x8x128xf32, #tpu.memory_space<vmem>> -> memref<8x128xf32, #tpu.memory_space<vmem>>
      %dma_start3A_597 = arith.constant 0 : i32
      %dma_start3A_598 = arith.constant 0 : i32
      %dma_start3A_599 = tpu.memref_slice %arg4[%select_n3A_477, %dma_start3A_592, %add3A_482, %dma_start3A_597, %dma_start3A_598] : memref<50x8x128x8x128xf32, #tpu.memory_space<hbm>> -> memref<1x1x1x8x128xf32, #tpu.memory_space<hbm>>
      %dma_start3A_600 = tpu.memref_squeeze %dma_start3A_599 : memref<1x1x1x8x128xf32, #tpu.memory_space<hbm>> -> memref<8x128xf32, #tpu.memory_space<hbm>>
      %dma_start3A_601 = arith.constant 0 : i32
      %dma_start3A_602 = arith.constant 0 : i32
      %dma_start3A_603 = tpu.memref_slice %arg4[%select_n3A_477, %dma_start3A_592, %add3A_482, %dma_start3A_601, %dma_start3A_602] : memref<50x8x128x8x128xf32, #tpu.memory_space<hbm>> -> memref<1x1x1x8x128xf32, #tpu.memory_space<hbm>>
      %dma_start3A_604 = tpu.memref_squeeze %dma_start3A_603 : memref<1x1x1x8x128xf32, #tpu.memory_space<hbm>> -> memref<8x128xf32, #tpu.memory_space<hbm>>
      %dma_start3A_605 = arith.constant 48 : i32
      %dma_start3A_606 = arith.constant 0 : i32
      %dma_start3A_607 = tpu.memref_slice %arg7[%dma_start3A_591, %dma_start3A_605, %dma_start3A_606] : memref<2x64x128xf32, #tpu.memory_space<vmem>> -> memref<1x8x128xf32, #tpu.memory_space<vmem>>
      %dma_start3A_608 = tpu.memref_squeeze %dma_start3A_607 : memref<1x8x128xf32, #tpu.memory_space<vmem>> -> memref<8x128xf32, #tpu.memory_space<vmem>>
      tpu.enqueue_dma source(%dma_start3A_608 : memref<8x128xf32, #tpu.memory_space<vmem>>) target(%dma_start3A_604 : memref<8x128xf32, #tpu.memory_space<hbm>>) target_semaphore(%arg12 : memref<!tpu.dma_semaphore, #tpu.memory_space<semaphore_mem>>)
      %dma_start3A_609 = arith.constant 0 : i32
      %dma_start3A_610 = arith.constant 7 : i32
      %dma_start3A_611 = arith.constant 56 : i32
      %dma_start3A_612 = arith.constant 0 : i32
      %dma_start3A_613 = tpu.memref_slice %arg7[%dma_start3A_609, %dma_start3A_611, %dma_start3A_612] : memref<2x64x128xf32, #tpu.memory_space<vmem>> -> memref<1x8x128xf32, #tpu.memory_space<vmem>>
      %dma_start3A_614 = tpu.memref_squeeze %dma_start3A_613 : memref<1x8x128xf32, #tpu.memory_space<vmem>> -> memref<8x128xf32, #tpu.memory_space<vmem>>
      %dma_start3A_615 = arith.constant 0 : i32
      %dma_start3A_616 = arith.constant 0 : i32
      %dma_start3A_617 = tpu.memref_slice %arg4[%select_n3A_477, %dma_start3A_610, %add3A_482, %dma_start3A_615, %dma_start3A_616] : memref<50x8x128x8x128xf32, #tpu.memory_space<hbm>> -> memref<1x1x1x8x128xf32, #tpu.memory_space<hbm>>
      %dma_start3A_618 = tpu.memref_squeeze %dma_start3A_617 : memref<1x1x1x8x128xf32, #tpu.memory_space<hbm>> -> memref<8x128xf32, #tpu.memory_space<hbm>>
      %dma_start3A_619 = arith.constant 0 : i32
      %dma_start3A_620 = arith.constant 0 : i32
      %dma_start3A_621 = tpu.memref_slice %arg4[%select_n3A_477, %dma_start3A_610, %add3A_482, %dma_start3A_619, %dma_start3A_620] : memref<50x8x128x8x128xf32, #tpu.memory_space<hbm>> -> memref<1x1x1x8x128xf32, #tpu.memory_space<hbm>>
      %dma_start3A_622 = tpu.memref_squeeze %dma_start3A_621 : memref<1x1x1x8x128xf32, #tpu.memory_space<hbm>> -> memref<8x128xf32, #tpu.memory_space<hbm>>
      %dma_start3A_623 = arith.constant 56 : i32
      %dma_start3A_624 = arith.constant 0 : i32
      %dma_start3A_625 = tpu.memref_slice %arg7[%dma_start3A_609, %dma_start3A_623, %dma_start3A_624] : memref<2x64x128xf32, #tpu.memory_space<vmem>> -> memref<1x8x128xf32, #tpu.memory_space<vmem>>
      %dma_start3A_626 = tpu.memref_squeeze %dma_start3A_625 : memref<1x8x128xf32, #tpu.memory_space<vmem>> -> memref<8x128xf32, #tpu.memory_space<vmem>>
      tpu.enqueue_dma source(%dma_start3A_626 : memref<8x128xf32, #tpu.memory_space<vmem>>) target(%dma_start3A_622 : memref<8x128xf32, #tpu.memory_space<hbm>>) target_semaphore(%arg12 : memref<!tpu.dma_semaphore, #tpu.memory_space<semaphore_mem>>)
      %add3A_627 = arith.constant 1 : i32
      %add3A_628 = arith.addi %mul3A_383, %add3A_627 : i32
      %ge3A_629 = arith.constant 2 : i32
      %ge3A_630 = arith.cmpi sge, %add3A_628, %ge3A_629 : i32
      %convert_element_type3A_631 = arith.extui %ge3A_630 : i1 to i32
      %cond3A_632 = arith.constant 0 : i32
      %cond3A_633 = arith.cmpi ne, %convert_element_type3A_631, %cond3A_632 : i32
      scf.if %cond3A_633 {
        %sub3A_1395 = arith.constant 2 : i32
        %sub3A_1396 = arith.subi %add3A_628, %sub3A_1395 : i32
        %jit3A_1397 = arith.constant 4 : i32
        %div3A_1398 = arith.divsi %sub3A_1396, %jit3A_1397 : i32
        %sign3A_1399 = arith.constant 0 : i32
        %sign3A_1400 = arith.cmpi sgt, %sub3A_1396, %sign3A_1399 : i32
        %sign3A_1401 = arith.extui %sign3A_1400 : i1 to i32
        %sign3A_1402 = arith.constant 0 : i32
        %sign3A_1403 = arith.cmpi slt, %sub3A_1396, %sign3A_1402 : i32
        %sign3A_1404 = arith.extui %sign3A_1403 : i1 to i32
        %sign3A_1405 = arith.subi %sign3A_1401, %sign3A_1404 : i32
        %sign3A_1406 = arith.constant 0 : i32
        %sign3A_1407 = arith.cmpi sgt, %jit3A_1397, %sign3A_1406 : i32
        %sign3A_1408 = arith.extui %sign3A_1407 : i1 to i32
        %sign3A_1409 = arith.constant 0 : i32
        %sign3A_1410 = arith.cmpi slt, %jit3A_1397, %sign3A_1409 : i32
        %sign3A_1411 = arith.extui %sign3A_1410 : i1 to i32
        %sign3A_1412 = arith.subi %sign3A_1408, %sign3A_1411 : i32
        %ne3A_1413 = arith.cmpi ne, %sign3A_1405, %sign3A_1412 : i32
        %rem3A_1414 = arith.remsi %sub3A_1396, %jit3A_1397 : i32
        %ne3A_1415 = arith.constant 0 : i32
        %ne3A_1416 = arith.cmpi ne, %rem3A_1414, %ne3A_1415 : i32
        %and3A_1417 = arith.andi %ne3A_1413, %ne3A_1416 : i1
        %sub3A_1418 = arith.constant 1 : i32
        %sub3A_1419 = arith.subi %div3A_1398, %sub3A_1418 : i32
        %select_n3A_1420 = arith.select %and3A_1417, %sub3A_1419, %div3A_1398 : i32
        %mul3A_1421 = arith.constant 4 : i32
        %mul3A_1422 = arith.muli %add3A, %mul3A_1421 : i32
        %rem3A_1423 = arith.constant 4 : i32
        %rem3A_1424 = arith.remsi %sub3A_1396, %rem3A_1423 : i32
        %add3A_1425 = arith.addi %mul3A_1422, %rem3A_1424 : i32
        %dma_wait3A_1426 = arith.constant 1 : i32
        %dma_wait3A_1427 = arith.constant 0 : i32
        %dma_wait3A_1428 = arith.constant 0 : i32
        %dma_wait3A_1429 = arith.constant 0 : i32
        %dma_wait3A_1430 = tpu.memref_slice %arg7[%dma_wait3A_1426, %dma_wait3A_1428, %dma_wait3A_1429] : memref<2x64x128xf32, #tpu.memory_space<vmem>> -> memref<1x8x128xf32, #tpu.memory_space<vmem>>
        %dma_wait3A_1431 = tpu.memref_squeeze %dma_wait3A_1430 : memref<1x8x128xf32, #tpu.memory_space<vmem>> -> memref<8x128xf32, #tpu.memory_space<vmem>>
        %dma_wait3A_1432 = arith.constant 0 : i32
        %dma_wait3A_1433 = arith.constant 0 : i32
        %dma_wait3A_1434 = tpu.memref_slice %arg4[%select_n3A_1420, %dma_wait3A_1427, %add3A_1425, %dma_wait3A_1432, %dma_wait3A_1433] : memref<50x8x128x8x128xf32, #tpu.memory_space<hbm>> -> memref<1x1x1x8x128xf32, #tpu.memory_space<hbm>>
        %dma_wait3A_1435 = tpu.memref_squeeze %dma_wait3A_1434 : memref<1x1x1x8x128xf32, #tpu.memory_space<hbm>> -> memref<8x128xf32, #tpu.memory_space<hbm>>
        %dma_wait3A_1436 = arith.constant 0 : i32
        %dma_wait3A_1437 = arith.constant 0 : i32
        %dma_wait3A_1438 = tpu.memref_slice %arg4[%select_n3A_1420, %dma_wait3A_1427, %add3A_1425, %dma_wait3A_1436, %dma_wait3A_1437] : memref<50x8x128x8x128xf32, #tpu.memory_space<hbm>> -> memref<1x1x1x8x128xf32, #tpu.memory_space<hbm>>
        %dma_wait3A_1439 = tpu.memref_squeeze %dma_wait3A_1438 : memref<1x1x1x8x128xf32, #tpu.memory_space<hbm>> -> memref<8x128xf32, #tpu.memory_space<hbm>>
        %dma_wait3A_1440 = arith.constant 0 : i32
        %dma_wait3A_1441 = arith.constant 0 : i32
        %dma_wait3A_1442 = tpu.memref_slice %arg7[%dma_wait3A_1426, %dma_wait3A_1440, %dma_wait3A_1441] : memref<2x64x128xf32, #tpu.memory_space<vmem>> -> memref<1x8x128xf32, #tpu.memory_space<vmem>>
        %dma_wait3A_1443 = tpu.memref_squeeze %dma_wait3A_1442 : memref<1x8x128xf32, #tpu.memory_space<vmem>> -> memref<8x128xf32, #tpu.memory_space<vmem>>
        tpu.wait_dma2 semaphore(%arg13 : memref<!tpu.dma_semaphore, #tpu.memory_space<semaphore_mem>>) src(%dma_wait3A_1443 : memref<8x128xf32, #tpu.memory_space<vmem>>) dst(%dma_wait3A_1439 : memref<8x128xf32, #tpu.memory_space<hbm>>)
        %dma_wait3A_1444 = arith.constant 1 : i32
        %dma_wait3A_1445 = arith.constant 1 : i32
        %dma_wait3A_1446 = arith.constant 8 : i32
        %dma_wait3A_1447 = arith.constant 0 : i32
        %dma_wait3A_1448 = tpu.memref_slice %arg7[%dma_wait3A_1444, %dma_wait3A_1446, %dma_wait3A_1447] : memref<2x64x128xf32, #tpu.memory_space<vmem>> -> memref<1x8x128xf32, #tpu.memory_space<vmem>>
        %dma_wait3A_1449 = tpu.memref_squeeze %dma_wait3A_1448 : memref<1x8x128xf32, #tpu.memory_space<vmem>> -> memref<8x128xf32, #tpu.memory_space<vmem>>
        %dma_wait3A_1450 = arith.constant 0 : i32
        %dma_wait3A_1451 = arith.constant 0 : i32
        %dma_wait3A_1452 = tpu.memref_slice %arg4[%select_n3A_1420, %dma_wait3A_1445, %add3A_1425, %dma_wait3A_1450, %dma_wait3A_1451] : memref<50x8x128x8x128xf32, #tpu.memory_space<hbm>> -> memref<1x1x1x8x128xf32, #tpu.memory_space<hbm>>
        %dma_wait3A_1453 = tpu.memref_squeeze %dma_wait3A_1452 : memref<1x1x1x8x128xf32, #tpu.memory_space<hbm>> -> memref<8x128xf32, #tpu.memory_space<hbm>>
        %dma_wait3A_1454 = arith.constant 0 : i32
        %dma_wait3A_1455 = arith.constant 0 : i32
        %dma_wait3A_1456 = tpu.memref_slice %arg4[%select_n3A_1420, %dma_wait3A_1445, %add3A_1425, %dma_wait3A_1454, %dma_wait3A_1455] : memref<50x8x128x8x128xf32, #tpu.memory_space<hbm>> -> memref<1x1x1x8x128xf32, #tpu.memory_space<hbm>>
        %dma_wait3A_1457 = tpu.memref_squeeze %dma_wait3A_1456 : memref<1x1x1x8x128xf32, #tpu.memory_space<hbm>> -> memref<8x128xf32, #tpu.memory_space<hbm>>
        %dma_wait3A_1458 = arith.constant 8 : i32
        %dma_wait3A_1459 = arith.constant 0 : i32
        %dma_wait3A_1460 = tpu.memref_slice %arg7[%dma_wait3A_1444, %dma_wait3A_1458, %dma_wait3A_1459] : memref<2x64x128xf32, #tpu.memory_space<vmem>> -> memref<1x8x128xf32, #tpu.memory_space<vmem>>
        %dma_wait3A_1461 = tpu.memref_squeeze %dma_wait3A_1460 : memref<1x8x128xf32, #tpu.memory_space<vmem>> -> memref<8x128xf32, #tpu.memory_space<vmem>>
        tpu.wait_dma2 semaphore(%arg13 : memref<!tpu.dma_semaphore, #tpu.memory_space<semaphore_mem>>) src(%dma_wait3A_1461 : memref<8x128xf32, #tpu.memory_space<vmem>>) dst(%dma_wait3A_1457 : memref<8x128xf32, #tpu.memory_space<hbm>>)
        %dma_wait3A_1462 = arith.constant 1 : i32
        %dma_wait3A_1463 = arith.constant 2 : i32
        %dma_wait3A_1464 = arith.constant 16 : i32
        %dma_wait3A_1465 = arith.constant 0 : i32
        %dma_wait3A_1466 = tpu.memref_slice %arg7[%dma_wait3A_1462, %dma_wait3A_1464, %dma_wait3A_1465] : memref<2x64x128xf32, #tpu.memory_space<vmem>> -> memref<1x8x128xf32, #tpu.memory_space<vmem>>
        %dma_wait3A_1467 = tpu.memref_squeeze %dma_wait3A_1466 : memref<1x8x128xf32, #tpu.memory_space<vmem>> -> memref<8x128xf32, #tpu.memory_space<vmem>>
        %dma_wait3A_1468 = arith.constant 0 : i32
        %dma_wait3A_1469 = arith.constant 0 : i32
        %dma_wait3A_1470 = tpu.memref_slice %arg4[%select_n3A_1420, %dma_wait3A_1463, %add3A_1425, %dma_wait3A_1468, %dma_wait3A_1469] : memref<50x8x128x8x128xf32, #tpu.memory_space<hbm>> -> memref<1x1x1x8x128xf32, #tpu.memory_space<hbm>>
        %dma_wait3A_1471 = tpu.memref_squeeze %dma_wait3A_1470 : memref<1x1x1x8x128xf32, #tpu.memory_space<hbm>> -> memref<8x128xf32, #tpu.memory_space<hbm>>
        %dma_wait3A_1472 = arith.constant 0 : i32
        %dma_wait3A_1473 = arith.constant 0 : i32
        %dma_wait3A_1474 = tpu.memref_slice %arg4[%select_n3A_1420, %dma_wait3A_1463, %add3A_1425, %dma_wait3A_1472, %dma_wait3A_1473] : memref<50x8x128x8x128xf32, #tpu.memory_space<hbm>> -> memref<1x1x1x8x128xf32, #tpu.memory_space<hbm>>
        %dma_wait3A_1475 = tpu.memref_squeeze %dma_wait3A_1474 : memref<1x1x1x8x128xf32, #tpu.memory_space<hbm>> -> memref<8x128xf32, #tpu.memory_space<hbm>>
        %dma_wait3A_1476 = arith.constant 16 : i32
        %dma_wait3A_1477 = arith.constant 0 : i32
        %dma_wait3A_1478 = tpu.memref_slice %arg7[%dma_wait3A_1462, %dma_wait3A_1476, %dma_wait3A_1477] : memref<2x64x128xf32, #tpu.memory_space<vmem>> -> memref<1x8x128xf32, #tpu.memory_space<vmem>>
        %dma_wait3A_1479 = tpu.memref_squeeze %dma_wait3A_1478 : memref<1x8x128xf32, #tpu.memory_space<vmem>> -> memref<8x128xf32, #tpu.memory_space<vmem>>
        tpu.wait_dma2 semaphore(%arg13 : memref<!tpu.dma_semaphore, #tpu.memory_space<semaphore_mem>>) src(%dma_wait3A_1479 : memref<8x128xf32, #tpu.memory_space<vmem>>) dst(%dma_wait3A_1475 : memref<8x128xf32, #tpu.memory_space<hbm>>)
        %dma_wait3A_1480 = arith.constant 1 : i32
        %dma_wait3A_1481 = arith.constant 3 : i32
        %dma_wait3A_1482 = arith.constant 24 : i32
        %dma_wait3A_1483 = arith.constant 0 : i32
        %dma_wait3A_1484 = tpu.memref_slice %arg7[%dma_wait3A_1480, %dma_wait3A_1482, %dma_wait3A_1483] : memref<2x64x128xf32, #tpu.memory_space<vmem>> -> memref<1x8x128xf32, #tpu.memory_space<vmem>>
        %dma_wait3A_1485 = tpu.memref_squeeze %dma_wait3A_1484 : memref<1x8x128xf32, #tpu.memory_space<vmem>> -> memref<8x128xf32, #tpu.memory_space<vmem>>
        %dma_wait3A_1486 = arith.constant 0 : i32
        %dma_wait3A_1487 = arith.constant 0 : i32
        %dma_wait3A_1488 = tpu.memref_slice %arg4[%select_n3A_1420, %dma_wait3A_1481, %add3A_1425, %dma_wait3A_1486, %dma_wait3A_1487] : memref<50x8x128x8x128xf32, #tpu.memory_space<hbm>> -> memref<1x1x1x8x128xf32, #tpu.memory_space<hbm>>
        %dma_wait3A_1489 = tpu.memref_squeeze %dma_wait3A_1488 : memref<1x1x1x8x128xf32, #tpu.memory_space<hbm>> -> memref<8x128xf32, #tpu.memory_space<hbm>>
        %dma_wait3A_1490 = arith.constant 0 : i32
        %dma_wait3A_1491 = arith.constant 0 : i32
        %dma_wait3A_1492 = tpu.memref_slice %arg4[%select_n3A_1420, %dma_wait3A_1481, %add3A_1425, %dma_wait3A_1490, %dma_wait3A_1491] : memref<50x8x128x8x128xf32, #tpu.memory_space<hbm>> -> memref<1x1x1x8x128xf32, #tpu.memory_space<hbm>>
        %dma_wait3A_1493 = tpu.memref_squeeze %dma_wait3A_1492 : memref<1x1x1x8x128xf32, #tpu.memory_space<hbm>> -> memref<8x128xf32, #tpu.memory_space<hbm>>
        %dma_wait3A_1494 = arith.constant 24 : i32
        %dma_wait3A_1495 = arith.constant 0 : i32
        %dma_wait3A_1496 = tpu.memref_slice %arg7[%dma_wait3A_1480, %dma_wait3A_1494, %dma_wait3A_1495] : memref<2x64x128xf32, #tpu.memory_space<vmem>> -> memref<1x8x128xf32, #tpu.memory_space<vmem>>
        %dma_wait3A_1497 = tpu.memref_squeeze %dma_wait3A_1496 : memref<1x8x128xf32, #tpu.memory_space<vmem>> -> memref<8x128xf32, #tpu.memory_space<vmem>>
        tpu.wait_dma2 semaphore(%arg13 : memref<!tpu.dma_semaphore, #tpu.memory_space<semaphore_mem>>) src(%dma_wait3A_1497 : memref<8x128xf32, #tpu.memory_space<vmem>>) dst(%dma_wait3A_1493 : memref<8x128xf32, #tpu.memory_space<hbm>>)
        %dma_wait3A_1498 = arith.constant 1 : i32
        %dma_wait3A_1499 = arith.constant 4 : i32
        %dma_wait3A_1500 = arith.constant 32 : i32
        %dma_wait3A_1501 = arith.constant 0 : i32
        %dma_wait3A_1502 = tpu.memref_slice %arg7[%dma_wait3A_1498, %dma_wait3A_1500, %dma_wait3A_1501] : memref<2x64x128xf32, #tpu.memory_space<vmem>> -> memref<1x8x128xf32, #tpu.memory_space<vmem>>
        %dma_wait3A_1503 = tpu.memref_squeeze %dma_wait3A_1502 : memref<1x8x128xf32, #tpu.memory_space<vmem>> -> memref<8x128xf32, #tpu.memory_space<vmem>>
        %dma_wait3A_1504 = arith.constant 0 : i32
        %dma_wait3A_1505 = arith.constant 0 : i32
        %dma_wait3A_1506 = tpu.memref_slice %arg4[%select_n3A_1420, %dma_wait3A_1499, %add3A_1425, %dma_wait3A_1504, %dma_wait3A_1505] : memref<50x8x128x8x128xf32, #tpu.memory_space<hbm>> -> memref<1x1x1x8x128xf32, #tpu.memory_space<hbm>>
        %dma_wait3A_1507 = tpu.memref_squeeze %dma_wait3A_1506 : memref<1x1x1x8x128xf32, #tpu.memory_space<hbm>> -> memref<8x128xf32, #tpu.memory_space<hbm>>
        %dma_wait3A_1508 = arith.constant 0 : i32
        %dma_wait3A_1509 = arith.constant 0 : i32
        %dma_wait3A_1510 = tpu.memref_slice %arg4[%select_n3A_1420, %dma_wait3A_1499, %add3A_1425, %dma_wait3A_1508, %dma_wait3A_1509] : memref<50x8x128x8x128xf32, #tpu.memory_space<hbm>> -> memref<1x1x1x8x128xf32, #tpu.memory_space<hbm>>
        %dma_wait3A_1511 = tpu.memref_squeeze %dma_wait3A_1510 : memref<1x1x1x8x128xf32, #tpu.memory_space<hbm>> -> memref<8x128xf32, #tpu.memory_space<hbm>>
        %dma_wait3A_1512 = arith.constant 32 : i32
        %dma_wait3A_1513 = arith.constant 0 : i32
        %dma_wait3A_1514 = tpu.memref_slice %arg7[%dma_wait3A_1498, %dma_wait3A_1512, %dma_wait3A_1513] : memref<2x64x128xf32, #tpu.memory_space<vmem>> -> memref<1x8x128xf32, #tpu.memory_space<vmem>>
        %dma_wait3A_1515 = tpu.memref_squeeze %dma_wait3A_1514 : memref<1x8x128xf32, #tpu.memory_space<vmem>> -> memref<8x128xf32, #tpu.memory_space<vmem>>
        tpu.wait_dma2 semaphore(%arg13 : memref<!tpu.dma_semaphore, #tpu.memory_space<semaphore_mem>>) src(%dma_wait3A_1515 : memref<8x128xf32, #tpu.memory_space<vmem>>) dst(%dma_wait3A_1511 : memref<8x128xf32, #tpu.memory_space<hbm>>)
        %dma_wait3A_1516 = arith.constant 1 : i32
        %dma_wait3A_1517 = arith.constant 5 : i32
        %dma_wait3A_1518 = arith.constant 40 : i32
        %dma_wait3A_1519 = arith.constant 0 : i32
        %dma_wait3A_1520 = tpu.memref_slice %arg7[%dma_wait3A_1516, %dma_wait3A_1518, %dma_wait3A_1519] : memref<2x64x128xf32, #tpu.memory_space<vmem>> -> memref<1x8x128xf32, #tpu.memory_space<vmem>>
        %dma_wait3A_1521 = tpu.memref_squeeze %dma_wait3A_1520 : memref<1x8x128xf32, #tpu.memory_space<vmem>> -> memref<8x128xf32, #tpu.memory_space<vmem>>
        %dma_wait3A_1522 = arith.constant 0 : i32
        %dma_wait3A_1523 = arith.constant 0 : i32
        %dma_wait3A_1524 = tpu.memref_slice %arg4[%select_n3A_1420, %dma_wait3A_1517, %add3A_1425, %dma_wait3A_1522, %dma_wait3A_1523] : memref<50x8x128x8x128xf32, #tpu.memory_space<hbm>> -> memref<1x1x1x8x128xf32, #tpu.memory_space<hbm>>
        %dma_wait3A_1525 = tpu.memref_squeeze %dma_wait3A_1524 : memref<1x1x1x8x128xf32, #tpu.memory_space<hbm>> -> memref<8x128xf32, #tpu.memory_space<hbm>>
        %dma_wait3A_1526 = arith.constant 0 : i32
        %dma_wait3A_1527 = arith.constant 0 : i32
        %dma_wait3A_1528 = tpu.memref_slice %arg4[%select_n3A_1420, %dma_wait3A_1517, %add3A_1425, %dma_wait3A_1526, %dma_wait3A_1527] : memref<50x8x128x8x128xf32, #tpu.memory_space<hbm>> -> memref<1x1x1x8x128xf32, #tpu.memory_space<hbm>>
        %dma_wait3A_1529 = tpu.memref_squeeze %dma_wait3A_1528 : memref<1x1x1x8x128xf32, #tpu.memory_space<hbm>> -> memref<8x128xf32, #tpu.memory_space<hbm>>
        %dma_wait3A_1530 = arith.constant 40 : i32
        %dma_wait3A_1531 = arith.constant 0 : i32
        %dma_wait3A_1532 = tpu.memref_slice %arg7[%dma_wait3A_1516, %dma_wait3A_1530, %dma_wait3A_1531] : memref<2x64x128xf32, #tpu.memory_space<vmem>> -> memref<1x8x128xf32, #tpu.memory_space<vmem>>
        %dma_wait3A_1533 = tpu.memref_squeeze %dma_wait3A_1532 : memref<1x8x128xf32, #tpu.memory_space<vmem>> -> memref<8x128xf32, #tpu.memory_space<vmem>>
        tpu.wait_dma2 semaphore(%arg13 : memref<!tpu.dma_semaphore, #tpu.memory_space<semaphore_mem>>) src(%dma_wait3A_1533 : memref<8x128xf32, #tpu.memory_space<vmem>>) dst(%dma_wait3A_1529 : memref<8x128xf32, #tpu.memory_space<hbm>>)
        %dma_wait3A_1534 = arith.constant 1 : i32
        %dma_wait3A_1535 = arith.constant 6 : i32
        %dma_wait3A_1536 = arith.constant 48 : i32
        %dma_wait3A_1537 = arith.constant 0 : i32
        %dma_wait3A_1538 = tpu.memref_slice %arg7[%dma_wait3A_1534, %dma_wait3A_1536, %dma_wait3A_1537] : memref<2x64x128xf32, #tpu.memory_space<vmem>> -> memref<1x8x128xf32, #tpu.memory_space<vmem>>
        %dma_wait3A_1539 = tpu.memref_squeeze %dma_wait3A_1538 : memref<1x8x128xf32, #tpu.memory_space<vmem>> -> memref<8x128xf32, #tpu.memory_space<vmem>>
        %dma_wait3A_1540 = arith.constant 0 : i32
        %dma_wait3A_1541 = arith.constant 0 : i32
        %dma_wait3A_1542 = tpu.memref_slice %arg4[%select_n3A_1420, %dma_wait3A_1535, %add3A_1425, %dma_wait3A_1540, %dma_wait3A_1541] : memref<50x8x128x8x128xf32, #tpu.memory_space<hbm>> -> memref<1x1x1x8x128xf32, #tpu.memory_space<hbm>>
        %dma_wait3A_1543 = tpu.memref_squeeze %dma_wait3A_1542 : memref<1x1x1x8x128xf32, #tpu.memory_space<hbm>> -> memref<8x128xf32, #tpu.memory_space<hbm>>
        %dma_wait3A_1544 = arith.constant 0 : i32
        %dma_wait3A_1545 = arith.constant 0 : i32
        %dma_wait3A_1546 = tpu.memref_slice %arg4[%select_n3A_1420, %dma_wait3A_1535, %add3A_1425, %dma_wait3A_1544, %dma_wait3A_1545] : memref<50x8x128x8x128xf32, #tpu.memory_space<hbm>> -> memref<1x1x1x8x128xf32, #tpu.memory_space<hbm>>
        %dma_wait3A_1547 = tpu.memref_squeeze %dma_wait3A_1546 : memref<1x1x1x8x128xf32, #tpu.memory_space<hbm>> -> memref<8x128xf32, #tpu.memory_space<hbm>>
        %dma_wait3A_1548 = arith.constant 48 : i32
        %dma_wait3A_1549 = arith.constant 0 : i32
        %dma_wait3A_1550 = tpu.memref_slice %arg7[%dma_wait3A_1534, %dma_wait3A_1548, %dma_wait3A_1549] : memref<2x64x128xf32, #tpu.memory_space<vmem>> -> memref<1x8x128xf32, #tpu.memory_space<vmem>>
        %dma_wait3A_1551 = tpu.memref_squeeze %dma_wait3A_1550 : memref<1x8x128xf32, #tpu.memory_space<vmem>> -> memref<8x128xf32, #tpu.memory_space<vmem>>
        tpu.wait_dma2 semaphore(%arg13 : memref<!tpu.dma_semaphore, #tpu.memory_space<semaphore_mem>>) src(%dma_wait3A_1551 : memref<8x128xf32, #tpu.memory_space<vmem>>) dst(%dma_wait3A_1547 : memref<8x128xf32, #tpu.memory_space<hbm>>)
        %dma_wait3A_1552 = arith.constant 1 : i32
        %dma_wait3A_1553 = arith.constant 7 : i32
        %dma_wait3A_1554 = arith.constant 56 : i32
        %dma_wait3A_1555 = arith.constant 0 : i32
        %dma_wait3A_1556 = tpu.memref_slice %arg7[%dma_wait3A_1552, %dma_wait3A_1554, %dma_wait3A_1555] : memref<2x64x128xf32, #tpu.memory_space<vmem>> -> memref<1x8x128xf32, #tpu.memory_space<vmem>>
        %dma_wait3A_1557 = tpu.memref_squeeze %dma_wait3A_1556 : memref<1x8x128xf32, #tpu.memory_space<vmem>> -> memref<8x128xf32, #tpu.memory_space<vmem>>
        %dma_wait3A_1558 = arith.constant 0 : i32
        %dma_wait3A_1559 = arith.constant 0 : i32
        %dma_wait3A_1560 = tpu.memref_slice %arg4[%select_n3A_1420, %dma_wait3A_1553, %add3A_1425, %dma_wait3A_1558, %dma_wait3A_1559] : memref<50x8x128x8x128xf32, #tpu.memory_space<hbm>> -> memref<1x1x1x8x128xf32, #tpu.memory_space<hbm>>
        %dma_wait3A_1561 = tpu.memref_squeeze %dma_wait3A_1560 : memref<1x1x1x8x128xf32, #tpu.memory_space<hbm>> -> memref<8x128xf32, #tpu.memory_space<hbm>>
        %dma_wait3A_1562 = arith.constant 0 : i32
        %dma_wait3A_1563 = arith.constant 0 : i32
        %dma_wait3A_1564 = tpu.memref_slice %arg4[%select_n3A_1420, %dma_wait3A_1553, %add3A_1425, %dma_wait3A_1562, %dma_wait3A_1563] : memref<50x8x128x8x128xf32, #tpu.memory_space<hbm>> -> memref<1x1x1x8x128xf32, #tpu.memory_space<hbm>>
        %dma_wait3A_1565 = tpu.memref_squeeze %dma_wait3A_1564 : memref<1x1x1x8x128xf32, #tpu.memory_space<hbm>> -> memref<8x128xf32, #tpu.memory_space<hbm>>
        %dma_wait3A_1566 = arith.constant 56 : i32
        %dma_wait3A_1567 = arith.constant 0 : i32
        %dma_wait3A_1568 = tpu.memref_slice %arg7[%dma_wait3A_1552, %dma_wait3A_1566, %dma_wait3A_1567] : memref<2x64x128xf32, #tpu.memory_space<vmem>> -> memref<1x8x128xf32, #tpu.memory_space<vmem>>
        %dma_wait3A_1569 = tpu.memref_squeeze %dma_wait3A_1568 : memref<1x8x128xf32, #tpu.memory_space<vmem>> -> memref<8x128xf32, #tpu.memory_space<vmem>>
        tpu.wait_dma2 semaphore(%arg13 : memref<!tpu.dma_semaphore, #tpu.memory_space<semaphore_mem>>) src(%dma_wait3A_1569 : memref<8x128xf32, #tpu.memory_space<vmem>>) dst(%dma_wait3A_1565 : memref<8x128xf32, #tpu.memory_space<hbm>>)
      } else {
      }
      %jit3A_634 = arith.constant 4 : i32
      %div3A_635 = arith.divsi %add3A_628, %jit3A_634 : i32
      %sign3A_636 = arith.constant 0 : i32
      %sign3A_637 = arith.cmpi sgt, %add3A_628, %sign3A_636 : i32
      %sign3A_638 = arith.extui %sign3A_637 : i1 to i32
      %sign3A_639 = arith.constant 0 : i32
      %sign3A_640 = arith.cmpi slt, %add3A_628, %sign3A_639 : i32
      %sign3A_641 = arith.extui %sign3A_640 : i1 to i32
      %sign3A_642 = arith.subi %sign3A_638, %sign3A_641 : i32
      %sign3A_643 = arith.constant 0 : i32
      %sign3A_644 = arith.cmpi sgt, %jit3A_634, %sign3A_643 : i32
      %sign3A_645 = arith.extui %sign3A_644 : i1 to i32
      %sign3A_646 = arith.constant 0 : i32
      %sign3A_647 = arith.cmpi slt, %jit3A_634, %sign3A_646 : i32
      %sign3A_648 = arith.extui %sign3A_647 : i1 to i32
      %sign3A_649 = arith.subi %sign3A_645, %sign3A_648 : i32
      %ne3A_650 = arith.cmpi ne, %sign3A_642, %sign3A_649 : i32
      %rem3A_651 = arith.remsi %add3A_628, %jit3A_634 : i32
      %ne3A_652 = arith.constant 0 : i32
      %ne3A_653 = arith.cmpi ne, %rem3A_651, %ne3A_652 : i32
      %and3A_654 = arith.andi %ne3A_650, %ne3A_653 : i1
      %sub3A_655 = arith.constant 1 : i32
      %sub3A_656 = arith.subi %div3A_635, %sub3A_655 : i32
      %select_n3A_657 = arith.select %and3A_654, %sub3A_656, %div3A_635 : i32
      %rem3A_658 = arith.constant 4 : i32
      %rem3A_659 = arith.remsi %add3A_628, %rem3A_658 : i32
      %dma_wait3A_660 = arith.constant 1 : i32
      %dma_wait3A_661 = arith.constant 0 : i32
      %dma_wait3A_662 = arith.constant 0 : i32
      %dma_wait3A_663 = tpu.memref_slice %arg6[%dma_wait3A_660, %dma_wait3A_661, %dma_wait3A_662] : memref<4x128x64xf32, #tpu.memory_space<vmem>> -> memref<1x128x64xf32, #tpu.memory_space<vmem>>
      %dma_wait3A_664 = tpu.memref_squeeze %dma_wait3A_663 : memref<1x128x64xf32, #tpu.memory_space<vmem>> -> memref<128x64xf32, #tpu.memory_space<vmem>>
      %dma_wait3A_665 = arith.constant 0 : i32
      %dma_wait3A_666 = tpu.memref_slice %arg5[%select_n3A_657, %rem3A_659, %dma_wait3A_665] : memref<50x4x128xi32, #tpu.memory_space<vmem>> -> memref<1x1x128xi32, #tpu.memory_space<vmem>>
      %dma_wait3A_667 = tpu.memref_squeeze %dma_wait3A_666 : memref<1x1x128xi32, #tpu.memory_space<vmem>> -> memref<128xi32, #tpu.memory_space<vmem>>
      %dma_wait3A_668 = arith.constant 0 : i32
      %dma_wait3A_669 = arith.constant 0 : i32
      %dma_wait3A_670 = tpu.memref_slice %arg3[%dma_wait3A_668, %dma_wait3A_669] : memref<100000x64xf32, #tpu.memory_space<hbm>> -> memref<100000x64xf32, #tpu.memory_space<hbm>>
      tpu.wait_indirect_dma semaphore(%arg9 : memref<!tpu.dma_semaphore, #tpu.memory_space<semaphore_mem>>) src(%dma_wait3A_670 : memref<100000x64xf32, #tpu.memory_space<hbm>>) dst(%dma_wait3A_664 : memref<128x64xf32, #tpu.memory_space<vmem>>)
      %add3A_671 = arith.constant 0 : i32
      %add3A_672 = vector.broadcast %add3A_671 : i32 to vector<16xi32>
      %add3A_673 = arith.addi %iota3A, %add3A_672 : vector<16xi32>
      %add3A_674 = arith.constant 16 : i32
      %add3A_675 = vector.broadcast %add3A_674 : i32 to vector<16xi32>
      %add3A_676 = arith.addi %iota3A, %add3A_675 : vector<16xi32>
      %add3A_677 = arith.constant 32 : i32
      %add3A_678 = vector.broadcast %add3A_677 : i32 to vector<16xi32>
      %add3A_679 = arith.addi %iota3A, %add3A_678 : vector<16xi32>
      %add3A_680 = arith.constant 48 : i32
      %add3A_681 = vector.broadcast %add3A_680 : i32 to vector<16xi32>
      %add3A_682 = arith.addi %iota3A, %add3A_681 : vector<16xi32>
      %add3A_683 = arith.constant 64 : i32
      %add3A_684 = vector.broadcast %add3A_683 : i32 to vector<16xi32>
      %add3A_685 = arith.addi %iota3A, %add3A_684 : vector<16xi32>
      %add3A_686 = arith.constant 80 : i32
      %add3A_687 = vector.broadcast %add3A_686 : i32 to vector<16xi32>
      %add3A_688 = arith.addi %iota3A, %add3A_687 : vector<16xi32>
      %add3A_689 = arith.constant 96 : i32
      %add3A_690 = vector.broadcast %add3A_689 : i32 to vector<16xi32>
      %add3A_691 = arith.addi %iota3A, %add3A_690 : vector<16xi32>
      %add3A_692 = arith.constant 112 : i32
      %add3A_693 = vector.broadcast %add3A_692 : i32 to vector<16xi32>
      %add3A_694 = arith.addi %iota3A, %add3A_693 : vector<16xi32>
      %scan3A_695 = arith.constant 0 : i32
      %scan3A_696 = arith.constant 1 : i32
      %scan3A_697 = arith.constant 1 : i32
      %scan3A_698 = arith.constant 0 : i32
      %scan3A_699 = arith.constant 16 : i32
      %scan3A_700 = arith.addi %scan3A_698, %scan3A_699 : i32
      %scan3A_701 = arith.constant 1 : i32
      scf.for %scan3A_1395 = %scan3A_698 to %scan3A_700 step %scan3A_701  : i32 {
        %add3A_1396 = vector.broadcast %scan3A_1395 : i32 to vector<16xi32>
        %add3A_1397 = arith.addi %iota3A, %add3A_1396 : vector<16xi32>
        %and3A_1398 = arith.constant 15 : i32
        %and3A_1399 = vector.broadcast %and3A_1398 : i32 to vector<16xi32>
        %and3A_1400 = arith.andi %add3A_1397, %and3A_1399 : vector<16xi32>
        %add3A_1401 = arith.constant 0 : i32
        %add3A_1402 = vector.broadcast %add3A_1401 : i32 to vector<16xi32>
        %add3A_1403 = arith.addi %and3A_1400, %add3A_1402 : vector<16xi32>
        %add3A_1404 = arith.constant 16 : i32
        %add3A_1405 = vector.broadcast %add3A_1404 : i32 to vector<16xi32>
        %add3A_1406 = arith.addi %and3A_1400, %add3A_1405 : vector<16xi32>
        %add3A_1407 = arith.constant 32 : i32
        %add3A_1408 = vector.broadcast %add3A_1407 : i32 to vector<16xi32>
        %add3A_1409 = arith.addi %and3A_1400, %add3A_1408 : vector<16xi32>
        %add3A_1410 = arith.constant 48 : i32
        %add3A_1411 = vector.broadcast %add3A_1410 : i32 to vector<16xi32>
        %add3A_1412 = arith.addi %and3A_1400, %add3A_1411 : vector<16xi32>
        %gather3A = arith.constant 0 : i32
        %gather3A_1413 = arith.constant 0 : i32
        %gather3A_1414 = tpu.memref_slice %arg6[%scan3A_696, %gather3A, %gather3A_1413] : memref<4x128x64xf32, #tpu.memory_space<vmem>> -> memref<1x128x64xf32, #tpu.memory_space<vmem>>
        %gather3A_1415 = tpu.memref_squeeze %gather3A_1414 : memref<1x128x64xf32, #tpu.memory_space<vmem>> -> memref<128x64xf32, #tpu.memory_space<vmem>>
        %gather3A_1416 = tpu.vector_load_idx %gather3A_1415[%add3A_673, %add3A_1403] : memref<128x64xf32, #tpu.memory_space<vmem>>[vector<16xi32>, vector<16xi32>], vector<16xf32>,
        %gather3A_1417 = arith.constant 0 : i32
        %gather3A_1418 = arith.constant 0 : i32
        %gather3A_1419 = tpu.memref_slice %arg6[%scan3A_696, %gather3A_1417, %gather3A_1418] : memref<4x128x64xf32, #tpu.memory_space<vmem>> -> memref<1x128x64xf32, #tpu.memory_space<vmem>>
        %gather3A_1420 = tpu.memref_squeeze %gather3A_1419 : memref<1x128x64xf32, #tpu.memory_space<vmem>> -> memref<128x64xf32, #tpu.memory_space<vmem>>
        %gather3A_1421 = tpu.vector_load_idx %gather3A_1420[%add3A_676, %add3A_1403] : memref<128x64xf32, #tpu.memory_space<vmem>>[vector<16xi32>, vector<16xi32>], vector<16xf32>,
        %gather3A_1422 = arith.constant 0 : i32
        %gather3A_1423 = arith.constant 0 : i32
        %gather3A_1424 = tpu.memref_slice %arg6[%scan3A_696, %gather3A_1422, %gather3A_1423] : memref<4x128x64xf32, #tpu.memory_space<vmem>> -> memref<1x128x64xf32, #tpu.memory_space<vmem>>
        %gather3A_1425 = tpu.memref_squeeze %gather3A_1424 : memref<1x128x64xf32, #tpu.memory_space<vmem>> -> memref<128x64xf32, #tpu.memory_space<vmem>>
        %gather3A_1426 = tpu.vector_load_idx %gather3A_1425[%add3A_679, %add3A_1403] : memref<128x64xf32, #tpu.memory_space<vmem>>[vector<16xi32>, vector<16xi32>], vector<16xf32>,
        %gather3A_1427 = arith.constant 0 : i32
        %gather3A_1428 = arith.constant 0 : i32
        %gather3A_1429 = tpu.memref_slice %arg6[%scan3A_696, %gather3A_1427, %gather3A_1428] : memref<4x128x64xf32, #tpu.memory_space<vmem>> -> memref<1x128x64xf32, #tpu.memory_space<vmem>>
        %gather3A_1430 = tpu.memref_squeeze %gather3A_1429 : memref<1x128x64xf32, #tpu.memory_space<vmem>> -> memref<128x64xf32, #tpu.memory_space<vmem>>
        %gather3A_1431 = tpu.vector_load_idx %gather3A_1430[%add3A_682, %add3A_1403] : memref<128x64xf32, #tpu.memory_space<vmem>>[vector<16xi32>, vector<16xi32>], vector<16xf32>,
        %gather3A_1432 = arith.constant 0 : i32
        %gather3A_1433 = arith.constant 0 : i32
        %gather3A_1434 = tpu.memref_slice %arg6[%scan3A_696, %gather3A_1432, %gather3A_1433] : memref<4x128x64xf32, #tpu.memory_space<vmem>> -> memref<1x128x64xf32, #tpu.memory_space<vmem>>
        %gather3A_1435 = tpu.memref_squeeze %gather3A_1434 : memref<1x128x64xf32, #tpu.memory_space<vmem>> -> memref<128x64xf32, #tpu.memory_space<vmem>>
        %gather3A_1436 = tpu.vector_load_idx %gather3A_1435[%add3A_685, %add3A_1403] : memref<128x64xf32, #tpu.memory_space<vmem>>[vector<16xi32>, vector<16xi32>], vector<16xf32>,
        %gather3A_1437 = arith.constant 0 : i32
        %gather3A_1438 = arith.constant 0 : i32
        %gather3A_1439 = tpu.memref_slice %arg6[%scan3A_696, %gather3A_1437, %gather3A_1438] : memref<4x128x64xf32, #tpu.memory_space<vmem>> -> memref<1x128x64xf32, #tpu.memory_space<vmem>>
        %gather3A_1440 = tpu.memref_squeeze %gather3A_1439 : memref<1x128x64xf32, #tpu.memory_space<vmem>> -> memref<128x64xf32, #tpu.memory_space<vmem>>
        %gather3A_1441 = tpu.vector_load_idx %gather3A_1440[%add3A_688, %add3A_1403] : memref<128x64xf32, #tpu.memory_space<vmem>>[vector<16xi32>, vector<16xi32>], vector<16xf32>,
        %gather3A_1442 = arith.constant 0 : i32
        %gather3A_1443 = arith.constant 0 : i32
        %gather3A_1444 = tpu.memref_slice %arg6[%scan3A_696, %gather3A_1442, %gather3A_1443] : memref<4x128x64xf32, #tpu.memory_space<vmem>> -> memref<1x128x64xf32, #tpu.memory_space<vmem>>
        %gather3A_1445 = tpu.memref_squeeze %gather3A_1444 : memref<1x128x64xf32, #tpu.memory_space<vmem>> -> memref<128x64xf32, #tpu.memory_space<vmem>>
        %gather3A_1446 = tpu.vector_load_idx %gather3A_1445[%add3A_691, %add3A_1403] : memref<128x64xf32, #tpu.memory_space<vmem>>[vector<16xi32>, vector<16xi32>], vector<16xf32>,
        %gather3A_1447 = arith.constant 0 : i32
        %gather3A_1448 = arith.constant 0 : i32
        %gather3A_1449 = tpu.memref_slice %arg6[%scan3A_696, %gather3A_1447, %gather3A_1448] : memref<4x128x64xf32, #tpu.memory_space<vmem>> -> memref<1x128x64xf32, #tpu.memory_space<vmem>>
        %gather3A_1450 = tpu.memref_squeeze %gather3A_1449 : memref<1x128x64xf32, #tpu.memory_space<vmem>> -> memref<128x64xf32, #tpu.memory_space<vmem>>
        %gather3A_1451 = tpu.vector_load_idx %gather3A_1450[%add3A_694, %add3A_1403] : memref<128x64xf32, #tpu.memory_space<vmem>>[vector<16xi32>, vector<16xi32>], vector<16xf32>,
        %scatter3A = arith.constant 0 : i32
        %scatter3A_1452 = arith.constant 0 : i32
        %scatter3A_1453 = tpu.memref_slice %arg7[%scan3A_697, %scatter3A, %scatter3A_1452] : memref<2x64x128xf32, #tpu.memory_space<vmem>> -> memref<1x64x128xf32, #tpu.memory_space<vmem>>
        %scatter3A_1454 = tpu.memref_squeeze %scatter3A_1453 : memref<1x64x128xf32, #tpu.memory_space<vmem>> -> memref<64x128xf32, #tpu.memory_space<vmem>>
        tpu.vector_store_idx %scatter3A_1454[%add3A_1403, %add3A_673], %gather3A_1416 : memref<64x128xf32, #tpu.memory_space<vmem>>[vector<16xi32>, vector<16xi32>], vector<16xf32>,
        %scatter3A_1455 = arith.constant 0 : i32
        %scatter3A_1456 = arith.constant 0 : i32
        %scatter3A_1457 = tpu.memref_slice %arg7[%scan3A_697, %scatter3A_1455, %scatter3A_1456] : memref<2x64x128xf32, #tpu.memory_space<vmem>> -> memref<1x64x128xf32, #tpu.memory_space<vmem>>
        %scatter3A_1458 = tpu.memref_squeeze %scatter3A_1457 : memref<1x64x128xf32, #tpu.memory_space<vmem>> -> memref<64x128xf32, #tpu.memory_space<vmem>>
        tpu.vector_store_idx %scatter3A_1458[%add3A_1403, %add3A_676], %gather3A_1421 : memref<64x128xf32, #tpu.memory_space<vmem>>[vector<16xi32>, vector<16xi32>], vector<16xf32>,
        %scatter3A_1459 = arith.constant 0 : i32
        %scatter3A_1460 = arith.constant 0 : i32
        %scatter3A_1461 = tpu.memref_slice %arg7[%scan3A_697, %scatter3A_1459, %scatter3A_1460] : memref<2x64x128xf32, #tpu.memory_space<vmem>> -> memref<1x64x128xf32, #tpu.memory_space<vmem>>
        %scatter3A_1462 = tpu.memref_squeeze %scatter3A_1461 : memref<1x64x128xf32, #tpu.memory_space<vmem>> -> memref<64x128xf32, #tpu.memory_space<vmem>>
        tpu.vector_store_idx %scatter3A_1462[%add3A_1403, %add3A_679], %gather3A_1426 : memref<64x128xf32, #tpu.memory_space<vmem>>[vector<16xi32>, vector<16xi32>], vector<16xf32>,
        %scatter3A_1463 = arith.constant 0 : i32
        %scatter3A_1464 = arith.constant 0 : i32
        %scatter3A_1465 = tpu.memref_slice %arg7[%scan3A_697, %scatter3A_1463, %scatter3A_1464] : memref<2x64x128xf32, #tpu.memory_space<vmem>> -> memref<1x64x128xf32, #tpu.memory_space<vmem>>
        %scatter3A_1466 = tpu.memref_squeeze %scatter3A_1465 : memref<1x64x128xf32, #tpu.memory_space<vmem>> -> memref<64x128xf32, #tpu.memory_space<vmem>>
        tpu.vector_store_idx %scatter3A_1466[%add3A_1403, %add3A_682], %gather3A_1431 : memref<64x128xf32, #tpu.memory_space<vmem>>[vector<16xi32>, vector<16xi32>], vector<16xf32>,
        %scatter3A_1467 = arith.constant 0 : i32
        %scatter3A_1468 = arith.constant 0 : i32
        %scatter3A_1469 = tpu.memref_slice %arg7[%scan3A_697, %scatter3A_1467, %scatter3A_1468] : memref<2x64x128xf32, #tpu.memory_space<vmem>> -> memref<1x64x128xf32, #tpu.memory_space<vmem>>
        %scatter3A_1470 = tpu.memref_squeeze %scatter3A_1469 : memref<1x64x128xf32, #tpu.memory_space<vmem>> -> memref<64x128xf32, #tpu.memory_space<vmem>>
        tpu.vector_store_idx %scatter3A_1470[%add3A_1403, %add3A_685], %gather3A_1436 : memref<64x128xf32, #tpu.memory_space<vmem>>[vector<16xi32>, vector<16xi32>], vector<16xf32>,
        %scatter3A_1471 = arith.constant 0 : i32
        %scatter3A_1472 = arith.constant 0 : i32
        %scatter3A_1473 = tpu.memref_slice %arg7[%scan3A_697, %scatter3A_1471, %scatter3A_1472] : memref<2x64x128xf32, #tpu.memory_space<vmem>> -> memref<1x64x128xf32, #tpu.memory_space<vmem>>
        %scatter3A_1474 = tpu.memref_squeeze %scatter3A_1473 : memref<1x64x128xf32, #tpu.memory_space<vmem>> -> memref<64x128xf32, #tpu.memory_space<vmem>>
        tpu.vector_store_idx %scatter3A_1474[%add3A_1403, %add3A_688], %gather3A_1441 : memref<64x128xf32, #tpu.memory_space<vmem>>[vector<16xi32>, vector<16xi32>], vector<16xf32>,
        %scatter3A_1475 = arith.constant 0 : i32
        %scatter3A_1476 = arith.constant 0 : i32
        %scatter3A_1477 = tpu.memref_slice %arg7[%scan3A_697, %scatter3A_1475, %scatter3A_1476] : memref<2x64x128xf32, #tpu.memory_space<vmem>> -> memref<1x64x128xf32, #tpu.memory_space<vmem>>
        %scatter3A_1478 = tpu.memref_squeeze %scatter3A_1477 : memref<1x64x128xf32, #tpu.memory_space<vmem>> -> memref<64x128xf32, #tpu.memory_space<vmem>>
        tpu.vector_store_idx %scatter3A_1478[%add3A_1403, %add3A_691], %gather3A_1446 : memref<64x128xf32, #tpu.memory_space<vmem>>[vector<16xi32>, vector<16xi32>], vector<16xf32>,
        %scatter3A_1479 = arith.constant 0 : i32
        %scatter3A_1480 = arith.constant 0 : i32
        %scatter3A_1481 = tpu.memref_slice %arg7[%scan3A_697, %scatter3A_1479, %scatter3A_1480] : memref<2x64x128xf32, #tpu.memory_space<vmem>> -> memref<1x64x128xf32, #tpu.memory_space<vmem>>
        %scatter3A_1482 = tpu.memref_squeeze %scatter3A_1481 : memref<1x64x128xf32, #tpu.memory_space<vmem>> -> memref<64x128xf32, #tpu.memory_space<vmem>>
        tpu.vector_store_idx %scatter3A_1482[%add3A_1403, %add3A_694], %gather3A_1451 : memref<64x128xf32, #tpu.memory_space<vmem>>[vector<16xi32>, vector<16xi32>], vector<16xf32>,
        %gather3A_1483 = arith.constant 0 : i32
        %gather3A_1484 = arith.constant 0 : i32
        %gather3A_1485 = tpu.memref_slice %arg6[%scan3A_696, %gather3A_1483, %gather3A_1484] : memref<4x128x64xf32, #tpu.memory_space<vmem>> -> memref<1x128x64xf32, #tpu.memory_space<vmem>>
        %gather3A_1486 = tpu.memref_squeeze %gather3A_1485 : memref<1x128x64xf32, #tpu.memory_space<vmem>> -> memref<128x64xf32, #tpu.memory_space<vmem>>
        %gather3A_1487 = tpu.vector_load_idx %gather3A_1486[%add3A_673, %add3A_1406] : memref<128x64xf32, #tpu.memory_space<vmem>>[vector<16xi32>, vector<16xi32>], vector<16xf32>,
        %gather3A_1488 = arith.constant 0 : i32
        %gather3A_1489 = arith.constant 0 : i32
        %gather3A_1490 = tpu.memref_slice %arg6[%scan3A_696, %gather3A_1488, %gather3A_1489] : memref<4x128x64xf32, #tpu.memory_space<vmem>> -> memref<1x128x64xf32, #tpu.memory_space<vmem>>
        %gather3A_1491 = tpu.memref_squeeze %gather3A_1490 : memref<1x128x64xf32, #tpu.memory_space<vmem>> -> memref<128x64xf32, #tpu.memory_space<vmem>>
        %gather3A_1492 = tpu.vector_load_idx %gather3A_1491[%add3A_676, %add3A_1406] : memref<128x64xf32, #tpu.memory_space<vmem>>[vector<16xi32>, vector<16xi32>], vector<16xf32>,
        %gather3A_1493 = arith.constant 0 : i32
        %gather3A_1494 = arith.constant 0 : i32
        %gather3A_1495 = tpu.memref_slice %arg6[%scan3A_696, %gather3A_1493, %gather3A_1494] : memref<4x128x64xf32, #tpu.memory_space<vmem>> -> memref<1x128x64xf32, #tpu.memory_space<vmem>>
        %gather3A_1496 = tpu.memref_squeeze %gather3A_1495 : memref<1x128x64xf32, #tpu.memory_space<vmem>> -> memref<128x64xf32, #tpu.memory_space<vmem>>
        %gather3A_1497 = tpu.vector_load_idx %gather3A_1496[%add3A_679, %add3A_1406] : memref<128x64xf32, #tpu.memory_space<vmem>>[vector<16xi32>, vector<16xi32>], vector<16xf32>,
        %gather3A_1498 = arith.constant 0 : i32
        %gather3A_1499 = arith.constant 0 : i32
        %gather3A_1500 = tpu.memref_slice %arg6[%scan3A_696, %gather3A_1498, %gather3A_1499] : memref<4x128x64xf32, #tpu.memory_space<vmem>> -> memref<1x128x64xf32, #tpu.memory_space<vmem>>
        %gather3A_1501 = tpu.memref_squeeze %gather3A_1500 : memref<1x128x64xf32, #tpu.memory_space<vmem>> -> memref<128x64xf32, #tpu.memory_space<vmem>>
        %gather3A_1502 = tpu.vector_load_idx %gather3A_1501[%add3A_682, %add3A_1406] : memref<128x64xf32, #tpu.memory_space<vmem>>[vector<16xi32>, vector<16xi32>], vector<16xf32>,
        %gather3A_1503 = arith.constant 0 : i32
        %gather3A_1504 = arith.constant 0 : i32
        %gather3A_1505 = tpu.memref_slice %arg6[%scan3A_696, %gather3A_1503, %gather3A_1504] : memref<4x128x64xf32, #tpu.memory_space<vmem>> -> memref<1x128x64xf32, #tpu.memory_space<vmem>>
        %gather3A_1506 = tpu.memref_squeeze %gather3A_1505 : memref<1x128x64xf32, #tpu.memory_space<vmem>> -> memref<128x64xf32, #tpu.memory_space<vmem>>
        %gather3A_1507 = tpu.vector_load_idx %gather3A_1506[%add3A_685, %add3A_1406] : memref<128x64xf32, #tpu.memory_space<vmem>>[vector<16xi32>, vector<16xi32>], vector<16xf32>,
        %gather3A_1508 = arith.constant 0 : i32
        %gather3A_1509 = arith.constant 0 : i32
        %gather3A_1510 = tpu.memref_slice %arg6[%scan3A_696, %gather3A_1508, %gather3A_1509] : memref<4x128x64xf32, #tpu.memory_space<vmem>> -> memref<1x128x64xf32, #tpu.memory_space<vmem>>
        %gather3A_1511 = tpu.memref_squeeze %gather3A_1510 : memref<1x128x64xf32, #tpu.memory_space<vmem>> -> memref<128x64xf32, #tpu.memory_space<vmem>>
        %gather3A_1512 = tpu.vector_load_idx %gather3A_1511[%add3A_688, %add3A_1406] : memref<128x64xf32, #tpu.memory_space<vmem>>[vector<16xi32>, vector<16xi32>], vector<16xf32>,
        %gather3A_1513 = arith.constant 0 : i32
        %gather3A_1514 = arith.constant 0 : i32
        %gather3A_1515 = tpu.memref_slice %arg6[%scan3A_696, %gather3A_1513, %gather3A_1514] : memref<4x128x64xf32, #tpu.memory_space<vmem>> -> memref<1x128x64xf32, #tpu.memory_space<vmem>>
        %gather3A_1516 = tpu.memref_squeeze %gather3A_1515 : memref<1x128x64xf32, #tpu.memory_space<vmem>> -> memref<128x64xf32, #tpu.memory_space<vmem>>
        %gather3A_1517 = tpu.vector_load_idx %gather3A_1516[%add3A_691, %add3A_1406] : memref<128x64xf32, #tpu.memory_space<vmem>>[vector<16xi32>, vector<16xi32>], vector<16xf32>,
        %gather3A_1518 = arith.constant 0 : i32
        %gather3A_1519 = arith.constant 0 : i32
        %gather3A_1520 = tpu.memref_slice %arg6[%scan3A_696, %gather3A_1518, %gather3A_1519] : memref<4x128x64xf32, #tpu.memory_space<vmem>> -> memref<1x128x64xf32, #tpu.memory_space<vmem>>
        %gather3A_1521 = tpu.memref_squeeze %gather3A_1520 : memref<1x128x64xf32, #tpu.memory_space<vmem>> -> memref<128x64xf32, #tpu.memory_space<vmem>>
        %gather3A_1522 = tpu.vector_load_idx %gather3A_1521[%add3A_694, %add3A_1406] : memref<128x64xf32, #tpu.memory_space<vmem>>[vector<16xi32>, vector<16xi32>], vector<16xf32>,
        %scatter3A_1523 = arith.constant 0 : i32
        %scatter3A_1524 = arith.constant 0 : i32
        %scatter3A_1525 = tpu.memref_slice %arg7[%scan3A_697, %scatter3A_1523, %scatter3A_1524] : memref<2x64x128xf32, #tpu.memory_space<vmem>> -> memref<1x64x128xf32, #tpu.memory_space<vmem>>
        %scatter3A_1526 = tpu.memref_squeeze %scatter3A_1525 : memref<1x64x128xf32, #tpu.memory_space<vmem>> -> memref<64x128xf32, #tpu.memory_space<vmem>>
        tpu.vector_store_idx %scatter3A_1526[%add3A_1406, %add3A_673], %gather3A_1487 : memref<64x128xf32, #tpu.memory_space<vmem>>[vector<16xi32>, vector<16xi32>], vector<16xf32>,
        %scatter3A_1527 = arith.constant 0 : i32
        %scatter3A_1528 = arith.constant 0 : i32
        %scatter3A_1529 = tpu.memref_slice %arg7[%scan3A_697, %scatter3A_1527, %scatter3A_1528] : memref<2x64x128xf32, #tpu.memory_space<vmem>> -> memref<1x64x128xf32, #tpu.memory_space<vmem>>
        %scatter3A_1530 = tpu.memref_squeeze %scatter3A_1529 : memref<1x64x128xf32, #tpu.memory_space<vmem>> -> memref<64x128xf32, #tpu.memory_space<vmem>>
        tpu.vector_store_idx %scatter3A_1530[%add3A_1406, %add3A_676], %gather3A_1492 : memref<64x128xf32, #tpu.memory_space<vmem>>[vector<16xi32>, vector<16xi32>], vector<16xf32>,
        %scatter3A_1531 = arith.constant 0 : i32
        %scatter3A_1532 = arith.constant 0 : i32
        %scatter3A_1533 = tpu.memref_slice %arg7[%scan3A_697, %scatter3A_1531, %scatter3A_1532] : memref<2x64x128xf32, #tpu.memory_space<vmem>> -> memref<1x64x128xf32, #tpu.memory_space<vmem>>
        %scatter3A_1534 = tpu.memref_squeeze %scatter3A_1533 : memref<1x64x128xf32, #tpu.memory_space<vmem>> -> memref<64x128xf32, #tpu.memory_space<vmem>>
        tpu.vector_store_idx %scatter3A_1534[%add3A_1406, %add3A_679], %gather3A_1497 : memref<64x128xf32, #tpu.memory_space<vmem>>[vector<16xi32>, vector<16xi32>], vector<16xf32>,
        %scatter3A_1535 = arith.constant 0 : i32
        %scatter3A_1536 = arith.constant 0 : i32
        %scatter3A_1537 = tpu.memref_slice %arg7[%scan3A_697, %scatter3A_1535, %scatter3A_1536] : memref<2x64x128xf32, #tpu.memory_space<vmem>> -> memref<1x64x128xf32, #tpu.memory_space<vmem>>
        %scatter3A_1538 = tpu.memref_squeeze %scatter3A_1537 : memref<1x64x128xf32, #tpu.memory_space<vmem>> -> memref<64x128xf32, #tpu.memory_space<vmem>>
        tpu.vector_store_idx %scatter3A_1538[%add3A_1406, %add3A_682], %gather3A_1502 : memref<64x128xf32, #tpu.memory_space<vmem>>[vector<16xi32>, vector<16xi32>], vector<16xf32>,
        %scatter3A_1539 = arith.constant 0 : i32
        %scatter3A_1540 = arith.constant 0 : i32
        %scatter3A_1541 = tpu.memref_slice %arg7[%scan3A_697, %scatter3A_1539, %scatter3A_1540] : memref<2x64x128xf32, #tpu.memory_space<vmem>> -> memref<1x64x128xf32, #tpu.memory_space<vmem>>
        %scatter3A_1542 = tpu.memref_squeeze %scatter3A_1541 : memref<1x64x128xf32, #tpu.memory_space<vmem>> -> memref<64x128xf32, #tpu.memory_space<vmem>>
        tpu.vector_store_idx %scatter3A_1542[%add3A_1406, %add3A_685], %gather3A_1507 : memref<64x128xf32, #tpu.memory_space<vmem>>[vector<16xi32>, vector<16xi32>], vector<16xf32>,
        %scatter3A_1543 = arith.constant 0 : i32
        %scatter3A_1544 = arith.constant 0 : i32
        %scatter3A_1545 = tpu.memref_slice %arg7[%scan3A_697, %scatter3A_1543, %scatter3A_1544] : memref<2x64x128xf32, #tpu.memory_space<vmem>> -> memref<1x64x128xf32, #tpu.memory_space<vmem>>
        %scatter3A_1546 = tpu.memref_squeeze %scatter3A_1545 : memref<1x64x128xf32, #tpu.memory_space<vmem>> -> memref<64x128xf32, #tpu.memory_space<vmem>>
        tpu.vector_store_idx %scatter3A_1546[%add3A_1406, %add3A_688], %gather3A_1512 : memref<64x128xf32, #tpu.memory_space<vmem>>[vector<16xi32>, vector<16xi32>], vector<16xf32>,
        %scatter3A_1547 = arith.constant 0 : i32
        %scatter3A_1548 = arith.constant 0 : i32
        %scatter3A_1549 = tpu.memref_slice %arg7[%scan3A_697, %scatter3A_1547, %scatter3A_1548] : memref<2x64x128xf32, #tpu.memory_space<vmem>> -> memref<1x64x128xf32, #tpu.memory_space<vmem>>
        %scatter3A_1550 = tpu.memref_squeeze %scatter3A_1549 : memref<1x64x128xf32, #tpu.memory_space<vmem>> -> memref<64x128xf32, #tpu.memory_space<vmem>>
        tpu.vector_store_idx %scatter3A_1550[%add3A_1406, %add3A_691], %gather3A_1517 : memref<64x128xf32, #tpu.memory_space<vmem>>[vector<16xi32>, vector<16xi32>], vector<16xf32>,
        %scatter3A_1551 = arith.constant 0 : i32
        %scatter3A_1552 = arith.constant 0 : i32
        %scatter3A_1553 = tpu.memref_slice %arg7[%scan3A_697, %scatter3A_1551, %scatter3A_1552] : memref<2x64x128xf32, #tpu.memory_space<vmem>> -> memref<1x64x128xf32, #tpu.memory_space<vmem>>
        %scatter3A_1554 = tpu.memref_squeeze %scatter3A_1553 : memref<1x64x128xf32, #tpu.memory_space<vmem>> -> memref<64x128xf32, #tpu.memory_space<vmem>>
        tpu.vector_store_idx %scatter3A_1554[%add3A_1406, %add3A_694], %gather3A_1522 : memref<64x128xf32, #tpu.memory_space<vmem>>[vector<16xi32>, vector<16xi32>], vector<16xf32>,
        %gather3A_1555 = arith.constant 0 : i32
        %gather3A_1556 = arith.constant 0 : i32
        %gather3A_1557 = tpu.memref_slice %arg6[%scan3A_696, %gather3A_1555, %gather3A_1556] : memref<4x128x64xf32, #tpu.memory_space<vmem>> -> memref<1x128x64xf32, #tpu.memory_space<vmem>>
        %gather3A_1558 = tpu.memref_squeeze %gather3A_1557 : memref<1x128x64xf32, #tpu.memory_space<vmem>> -> memref<128x64xf32, #tpu.memory_space<vmem>>
        %gather3A_1559 = tpu.vector_load_idx %gather3A_1558[%add3A_673, %add3A_1409] : memref<128x64xf32, #tpu.memory_space<vmem>>[vector<16xi32>, vector<16xi32>], vector<16xf32>,
        %gather3A_1560 = arith.constant 0 : i32
        %gather3A_1561 = arith.constant 0 : i32
        %gather3A_1562 = tpu.memref_slice %arg6[%scan3A_696, %gather3A_1560, %gather3A_1561] : memref<4x128x64xf32, #tpu.memory_space<vmem>> -> memref<1x128x64xf32, #tpu.memory_space<vmem>>
        %gather3A_1563 = tpu.memref_squeeze %gather3A_1562 : memref<1x128x64xf32, #tpu.memory_space<vmem>> -> memref<128x64xf32, #tpu.memory_space<vmem>>
        %gather3A_1564 = tpu.vector_load_idx %gather3A_1563[%add3A_676, %add3A_1409] : memref<128x64xf32, #tpu.memory_space<vmem>>[vector<16xi32>, vector<16xi32>], vector<16xf32>,
        %gather3A_1565 = arith.constant 0 : i32
        %gather3A_1566 = arith.constant 0 : i32
        %gather3A_1567 = tpu.memref_slice %arg6[%scan3A_696, %gather3A_1565, %gather3A_1566] : memref<4x128x64xf32, #tpu.memory_space<vmem>> -> memref<1x128x64xf32, #tpu.memory_space<vmem>>
        %gather3A_1568 = tpu.memref_squeeze %gather3A_1567 : memref<1x128x64xf32, #tpu.memory_space<vmem>> -> memref<128x64xf32, #tpu.memory_space<vmem>>
        %gather3A_1569 = tpu.vector_load_idx %gather3A_1568[%add3A_679, %add3A_1409] : memref<128x64xf32, #tpu.memory_space<vmem>>[vector<16xi32>, vector<16xi32>], vector<16xf32>,
        %gather3A_1570 = arith.constant 0 : i32
        %gather3A_1571 = arith.constant 0 : i32
        %gather3A_1572 = tpu.memref_slice %arg6[%scan3A_696, %gather3A_1570, %gather3A_1571] : memref<4x128x64xf32, #tpu.memory_space<vmem>> -> memref<1x128x64xf32, #tpu.memory_space<vmem>>
        %gather3A_1573 = tpu.memref_squeeze %gather3A_1572 : memref<1x128x64xf32, #tpu.memory_space<vmem>> -> memref<128x64xf32, #tpu.memory_space<vmem>>
        %gather3A_1574 = tpu.vector_load_idx %gather3A_1573[%add3A_682, %add3A_1409] : memref<128x64xf32, #tpu.memory_space<vmem>>[vector<16xi32>, vector<16xi32>], vector<16xf32>,
        %gather3A_1575 = arith.constant 0 : i32
        %gather3A_1576 = arith.constant 0 : i32
        %gather3A_1577 = tpu.memref_slice %arg6[%scan3A_696, %gather3A_1575, %gather3A_1576] : memref<4x128x64xf32, #tpu.memory_space<vmem>> -> memref<1x128x64xf32, #tpu.memory_space<vmem>>
        %gather3A_1578 = tpu.memref_squeeze %gather3A_1577 : memref<1x128x64xf32, #tpu.memory_space<vmem>> -> memref<128x64xf32, #tpu.memory_space<vmem>>
        %gather3A_1579 = tpu.vector_load_idx %gather3A_1578[%add3A_685, %add3A_1409] : memref<128x64xf32, #tpu.memory_space<vmem>>[vector<16xi32>, vector<16xi32>], vector<16xf32>,
        %gather3A_1580 = arith.constant 0 : i32
        %gather3A_1581 = arith.constant 0 : i32
        %gather3A_1582 = tpu.memref_slice %arg6[%scan3A_696, %gather3A_1580, %gather3A_1581] : memref<4x128x64xf32, #tpu.memory_space<vmem>> -> memref<1x128x64xf32, #tpu.memory_space<vmem>>
        %gather3A_1583 = tpu.memref_squeeze %gather3A_1582 : memref<1x128x64xf32, #tpu.memory_space<vmem>> -> memref<128x64xf32, #tpu.memory_space<vmem>>
        %gather3A_1584 = tpu.vector_load_idx %gather3A_1583[%add3A_688, %add3A_1409] : memref<128x64xf32, #tpu.memory_space<vmem>>[vector<16xi32>, vector<16xi32>], vector<16xf32>,
        %gather3A_1585 = arith.constant 0 : i32
        %gather3A_1586 = arith.constant 0 : i32
        %gather3A_1587 = tpu.memref_slice %arg6[%scan3A_696, %gather3A_1585, %gather3A_1586] : memref<4x128x64xf32, #tpu.memory_space<vmem>> -> memref<1x128x64xf32, #tpu.memory_space<vmem>>
        %gather3A_1588 = tpu.memref_squeeze %gather3A_1587 : memref<1x128x64xf32, #tpu.memory_space<vmem>> -> memref<128x64xf32, #tpu.memory_space<vmem>>
        %gather3A_1589 = tpu.vector_load_idx %gather3A_1588[%add3A_691, %add3A_1409] : memref<128x64xf32, #tpu.memory_space<vmem>>[vector<16xi32>, vector<16xi32>], vector<16xf32>,
        %gather3A_1590 = arith.constant 0 : i32
        %gather3A_1591 = arith.constant 0 : i32
        %gather3A_1592 = tpu.memref_slice %arg6[%scan3A_696, %gather3A_1590, %gather3A_1591] : memref<4x128x64xf32, #tpu.memory_space<vmem>> -> memref<1x128x64xf32, #tpu.memory_space<vmem>>
        %gather3A_1593 = tpu.memref_squeeze %gather3A_1592 : memref<1x128x64xf32, #tpu.memory_space<vmem>> -> memref<128x64xf32, #tpu.memory_space<vmem>>
        %gather3A_1594 = tpu.vector_load_idx %gather3A_1593[%add3A_694, %add3A_1409] : memref<128x64xf32, #tpu.memory_space<vmem>>[vector<16xi32>, vector<16xi32>], vector<16xf32>,
        %scatter3A_1595 = arith.constant 0 : i32
        %scatter3A_1596 = arith.constant 0 : i32
        %scatter3A_1597 = tpu.memref_slice %arg7[%scan3A_697, %scatter3A_1595, %scatter3A_1596] : memref<2x64x128xf32, #tpu.memory_space<vmem>> -> memref<1x64x128xf32, #tpu.memory_space<vmem>>
        %scatter3A_1598 = tpu.memref_squeeze %scatter3A_1597 : memref<1x64x128xf32, #tpu.memory_space<vmem>> -> memref<64x128xf32, #tpu.memory_space<vmem>>
        tpu.vector_store_idx %scatter3A_1598[%add3A_1409, %add3A_673], %gather3A_1559 : memref<64x128xf32, #tpu.memory_space<vmem>>[vector<16xi32>, vector<16xi32>], vector<16xf32>,
        %scatter3A_1599 = arith.constant 0 : i32
        %scatter3A_1600 = arith.constant 0 : i32
        %scatter3A_1601 = tpu.memref_slice %arg7[%scan3A_697, %scatter3A_1599, %scatter3A_1600] : memref<2x64x128xf32, #tpu.memory_space<vmem>> -> memref<1x64x128xf32, #tpu.memory_space<vmem>>
        %scatter3A_1602 = tpu.memref_squeeze %scatter3A_1601 : memref<1x64x128xf32, #tpu.memory_space<vmem>> -> memref<64x128xf32, #tpu.memory_space<vmem>>
        tpu.vector_store_idx %scatter3A_1602[%add3A_1409, %add3A_676], %gather3A_1564 : memref<64x128xf32, #tpu.memory_space<vmem>>[vector<16xi32>, vector<16xi32>], vector<16xf32>,
        %scatter3A_1603 = arith.constant 0 : i32
        %scatter3A_1604 = arith.constant 0 : i32
        %scatter3A_1605 = tpu.memref_slice %arg7[%scan3A_697, %scatter3A_1603, %scatter3A_1604] : memref<2x64x128xf32, #tpu.memory_space<vmem>> -> memref<1x64x128xf32, #tpu.memory_space<vmem>>
        %scatter3A_1606 = tpu.memref_squeeze %scatter3A_1605 : memref<1x64x128xf32, #tpu.memory_space<vmem>> -> memref<64x128xf32, #tpu.memory_space<vmem>>
        tpu.vector_store_idx %scatter3A_1606[%add3A_1409, %add3A_679], %gather3A_1569 : memref<64x128xf32, #tpu.memory_space<vmem>>[vector<16xi32>, vector<16xi32>], vector<16xf32>,
        %scatter3A_1607 = arith.constant 0 : i32
        %scatter3A_1608 = arith.constant 0 : i32
        %scatter3A_1609 = tpu.memref_slice %arg7[%scan3A_697, %scatter3A_1607, %scatter3A_1608] : memref<2x64x128xf32, #tpu.memory_space<vmem>> -> memref<1x64x128xf32, #tpu.memory_space<vmem>>
        %scatter3A_1610 = tpu.memref_squeeze %scatter3A_1609 : memref<1x64x128xf32, #tpu.memory_space<vmem>> -> memref<64x128xf32, #tpu.memory_space<vmem>>
        tpu.vector_store_idx %scatter3A_1610[%add3A_1409, %add3A_682], %gather3A_1574 : memref<64x128xf32, #tpu.memory_space<vmem>>[vector<16xi32>, vector<16xi32>], vector<16xf32>,
        %scatter3A_1611 = arith.constant 0 : i32
        %scatter3A_1612 = arith.constant 0 : i32
        %scatter3A_1613 = tpu.memref_slice %arg7[%scan3A_697, %scatter3A_1611, %scatter3A_1612] : memref<2x64x128xf32, #tpu.memory_space<vmem>> -> memref<1x64x128xf32, #tpu.memory_space<vmem>>
        %scatter3A_1614 = tpu.memref_squeeze %scatter3A_1613 : memref<1x64x128xf32, #tpu.memory_space<vmem>> -> memref<64x128xf32, #tpu.memory_space<vmem>>
        tpu.vector_store_idx %scatter3A_1614[%add3A_1409, %add3A_685], %gather3A_1579 : memref<64x128xf32, #tpu.memory_space<vmem>>[vector<16xi32>, vector<16xi32>], vector<16xf32>,
        %scatter3A_1615 = arith.constant 0 : i32
        %scatter3A_1616 = arith.constant 0 : i32
        %scatter3A_1617 = tpu.memref_slice %arg7[%scan3A_697, %scatter3A_1615, %scatter3A_1616] : memref<2x64x128xf32, #tpu.memory_space<vmem>> -> memref<1x64x128xf32, #tpu.memory_space<vmem>>
        %scatter3A_1618 = tpu.memref_squeeze %scatter3A_1617 : memref<1x64x128xf32, #tpu.memory_space<vmem>> -> memref<64x128xf32, #tpu.memory_space<vmem>>
        tpu.vector_store_idx %scatter3A_1618[%add3A_1409, %add3A_688], %gather3A_1584 : memref<64x128xf32, #tpu.memory_space<vmem>>[vector<16xi32>, vector<16xi32>], vector<16xf32>,
        %scatter3A_1619 = arith.constant 0 : i32
        %scatter3A_1620 = arith.constant 0 : i32
        %scatter3A_1621 = tpu.memref_slice %arg7[%scan3A_697, %scatter3A_1619, %scatter3A_1620] : memref<2x64x128xf32, #tpu.memory_space<vmem>> -> memref<1x64x128xf32, #tpu.memory_space<vmem>>
        %scatter3A_1622 = tpu.memref_squeeze %scatter3A_1621 : memref<1x64x128xf32, #tpu.memory_space<vmem>> -> memref<64x128xf32, #tpu.memory_space<vmem>>
        tpu.vector_store_idx %scatter3A_1622[%add3A_1409, %add3A_691], %gather3A_1589 : memref<64x128xf32, #tpu.memory_space<vmem>>[vector<16xi32>, vector<16xi32>], vector<16xf32>,
        %scatter3A_1623 = arith.constant 0 : i32
        %scatter3A_1624 = arith.constant 0 : i32
        %scatter3A_1625 = tpu.memref_slice %arg7[%scan3A_697, %scatter3A_1623, %scatter3A_1624] : memref<2x64x128xf32, #tpu.memory_space<vmem>> -> memref<1x64x128xf32, #tpu.memory_space<vmem>>
        %scatter3A_1626 = tpu.memref_squeeze %scatter3A_1625 : memref<1x64x128xf32, #tpu.memory_space<vmem>> -> memref<64x128xf32, #tpu.memory_space<vmem>>
        tpu.vector_store_idx %scatter3A_1626[%add3A_1409, %add3A_694], %gather3A_1594 : memref<64x128xf32, #tpu.memory_space<vmem>>[vector<16xi32>, vector<16xi32>], vector<16xf32>,
        %gather3A_1627 = arith.constant 0 : i32
        %gather3A_1628 = arith.constant 0 : i32
        %gather3A_1629 = tpu.memref_slice %arg6[%scan3A_696, %gather3A_1627, %gather3A_1628] : memref<4x128x64xf32, #tpu.memory_space<vmem>> -> memref<1x128x64xf32, #tpu.memory_space<vmem>>
        %gather3A_1630 = tpu.memref_squeeze %gather3A_1629 : memref<1x128x64xf32, #tpu.memory_space<vmem>> -> memref<128x64xf32, #tpu.memory_space<vmem>>
        %gather3A_1631 = tpu.vector_load_idx %gather3A_1630[%add3A_673, %add3A_1412] : memref<128x64xf32, #tpu.memory_space<vmem>>[vector<16xi32>, vector<16xi32>], vector<16xf32>,
        %gather3A_1632 = arith.constant 0 : i32
        %gather3A_1633 = arith.constant 0 : i32
        %gather3A_1634 = tpu.memref_slice %arg6[%scan3A_696, %gather3A_1632, %gather3A_1633] : memref<4x128x64xf32, #tpu.memory_space<vmem>> -> memref<1x128x64xf32, #tpu.memory_space<vmem>>
        %gather3A_1635 = tpu.memref_squeeze %gather3A_1634 : memref<1x128x64xf32, #tpu.memory_space<vmem>> -> memref<128x64xf32, #tpu.memory_space<vmem>>
        %gather3A_1636 = tpu.vector_load_idx %gather3A_1635[%add3A_676, %add3A_1412] : memref<128x64xf32, #tpu.memory_space<vmem>>[vector<16xi32>, vector<16xi32>], vector<16xf32>,
        %gather3A_1637 = arith.constant 0 : i32
        %gather3A_1638 = arith.constant 0 : i32
        %gather3A_1639 = tpu.memref_slice %arg6[%scan3A_696, %gather3A_1637, %gather3A_1638] : memref<4x128x64xf32, #tpu.memory_space<vmem>> -> memref<1x128x64xf32, #tpu.memory_space<vmem>>
        %gather3A_1640 = tpu.memref_squeeze %gather3A_1639 : memref<1x128x64xf32, #tpu.memory_space<vmem>> -> memref<128x64xf32, #tpu.memory_space<vmem>>
        %gather3A_1641 = tpu.vector_load_idx %gather3A_1640[%add3A_679, %add3A_1412] : memref<128x64xf32, #tpu.memory_space<vmem>>[vector<16xi32>, vector<16xi32>], vector<16xf32>,
        %gather3A_1642 = arith.constant 0 : i32
        %gather3A_1643 = arith.constant 0 : i32
        %gather3A_1644 = tpu.memref_slice %arg6[%scan3A_696, %gather3A_1642, %gather3A_1643] : memref<4x128x64xf32, #tpu.memory_space<vmem>> -> memref<1x128x64xf32, #tpu.memory_space<vmem>>
        %gather3A_1645 = tpu.memref_squeeze %gather3A_1644 : memref<1x128x64xf32, #tpu.memory_space<vmem>> -> memref<128x64xf32, #tpu.memory_space<vmem>>
        %gather3A_1646 = tpu.vector_load_idx %gather3A_1645[%add3A_682, %add3A_1412] : memref<128x64xf32, #tpu.memory_space<vmem>>[vector<16xi32>, vector<16xi32>], vector<16xf32>,
        %gather3A_1647 = arith.constant 0 : i32
        %gather3A_1648 = arith.constant 0 : i32
        %gather3A_1649 = tpu.memref_slice %arg6[%scan3A_696, %gather3A_1647, %gather3A_1648] : memref<4x128x64xf32, #tpu.memory_space<vmem>> -> memref<1x128x64xf32, #tpu.memory_space<vmem>>
        %gather3A_1650 = tpu.memref_squeeze %gather3A_1649 : memref<1x128x64xf32, #tpu.memory_space<vmem>> -> memref<128x64xf32, #tpu.memory_space<vmem>>
        %gather3A_1651 = tpu.vector_load_idx %gather3A_1650[%add3A_685, %add3A_1412] : memref<128x64xf32, #tpu.memory_space<vmem>>[vector<16xi32>, vector<16xi32>], vector<16xf32>,
        %gather3A_1652 = arith.constant 0 : i32
        %gather3A_1653 = arith.constant 0 : i32
        %gather3A_1654 = tpu.memref_slice %arg6[%scan3A_696, %gather3A_1652, %gather3A_1653] : memref<4x128x64xf32, #tpu.memory_space<vmem>> -> memref<1x128x64xf32, #tpu.memory_space<vmem>>
        %gather3A_1655 = tpu.memref_squeeze %gather3A_1654 : memref<1x128x64xf32, #tpu.memory_space<vmem>> -> memref<128x64xf32, #tpu.memory_space<vmem>>
        %gather3A_1656 = tpu.vector_load_idx %gather3A_1655[%add3A_688, %add3A_1412] : memref<128x64xf32, #tpu.memory_space<vmem>>[vector<16xi32>, vector<16xi32>], vector<16xf32>,
        %gather3A_1657 = arith.constant 0 : i32
        %gather3A_1658 = arith.constant 0 : i32
        %gather3A_1659 = tpu.memref_slice %arg6[%scan3A_696, %gather3A_1657, %gather3A_1658] : memref<4x128x64xf32, #tpu.memory_space<vmem>> -> memref<1x128x64xf32, #tpu.memory_space<vmem>>
        %gather3A_1660 = tpu.memref_squeeze %gather3A_1659 : memref<1x128x64xf32, #tpu.memory_space<vmem>> -> memref<128x64xf32, #tpu.memory_space<vmem>>
        %gather3A_1661 = tpu.vector_load_idx %gather3A_1660[%add3A_691, %add3A_1412] : memref<128x64xf32, #tpu.memory_space<vmem>>[vector<16xi32>, vector<16xi32>], vector<16xf32>,
        %gather3A_1662 = arith.constant 0 : i32
        %gather3A_1663 = arith.constant 0 : i32
        %gather3A_1664 = tpu.memref_slice %arg6[%scan3A_696, %gather3A_1662, %gather3A_1663] : memref<4x128x64xf32, #tpu.memory_space<vmem>> -> memref<1x128x64xf32, #tpu.memory_space<vmem>>
        %gather3A_1665 = tpu.memref_squeeze %gather3A_1664 : memref<1x128x64xf32, #tpu.memory_space<vmem>> -> memref<128x64xf32, #tpu.memory_space<vmem>>
        %gather3A_1666 = tpu.vector_load_idx %gather3A_1665[%add3A_694, %add3A_1412] : memref<128x64xf32, #tpu.memory_space<vmem>>[vector<16xi32>, vector<16xi32>], vector<16xf32>,
        %scatter3A_1667 = arith.constant 0 : i32
        %scatter3A_1668 = arith.constant 0 : i32
        %scatter3A_1669 = tpu.memref_slice %arg7[%scan3A_697, %scatter3A_1667, %scatter3A_1668] : memref<2x64x128xf32, #tpu.memory_space<vmem>> -> memref<1x64x128xf32, #tpu.memory_space<vmem>>
        %scatter3A_1670 = tpu.memref_squeeze %scatter3A_1669 : memref<1x64x128xf32, #tpu.memory_space<vmem>> -> memref<64x128xf32, #tpu.memory_space<vmem>>
        tpu.vector_store_idx %scatter3A_1670[%add3A_1412, %add3A_673], %gather3A_1631 : memref<64x128xf32, #tpu.memory_space<vmem>>[vector<16xi32>, vector<16xi32>], vector<16xf32>,
        %scatter3A_1671 = arith.constant 0 : i32
        %scatter3A_1672 = arith.constant 0 : i32
        %scatter3A_1673 = tpu.memref_slice %arg7[%scan3A_697, %scatter3A_1671, %scatter3A_1672] : memref<2x64x128xf32, #tpu.memory_space<vmem>> -> memref<1x64x128xf32, #tpu.memory_space<vmem>>
        %scatter3A_1674 = tpu.memref_squeeze %scatter3A_1673 : memref<1x64x128xf32, #tpu.memory_space<vmem>> -> memref<64x128xf32, #tpu.memory_space<vmem>>
        tpu.vector_store_idx %scatter3A_1674[%add3A_1412, %add3A_676], %gather3A_1636 : memref<64x128xf32, #tpu.memory_space<vmem>>[vector<16xi32>, vector<16xi32>], vector<16xf32>,
        %scatter3A_1675 = arith.constant 0 : i32
        %scatter3A_1676 = arith.constant 0 : i32
        %scatter3A_1677 = tpu.memref_slice %arg7[%scan3A_697, %scatter3A_1675, %scatter3A_1676] : memref<2x64x128xf32, #tpu.memory_space<vmem>> -> memref<1x64x128xf32, #tpu.memory_space<vmem>>
        %scatter3A_1678 = tpu.memref_squeeze %scatter3A_1677 : memref<1x64x128xf32, #tpu.memory_space<vmem>> -> memref<64x128xf32, #tpu.memory_space<vmem>>
        tpu.vector_store_idx %scatter3A_1678[%add3A_1412, %add3A_679], %gather3A_1641 : memref<64x128xf32, #tpu.memory_space<vmem>>[vector<16xi32>, vector<16xi32>], vector<16xf32>,
        %scatter3A_1679 = arith.constant 0 : i32
        %scatter3A_1680 = arith.constant 0 : i32
        %scatter3A_1681 = tpu.memref_slice %arg7[%scan3A_697, %scatter3A_1679, %scatter3A_1680] : memref<2x64x128xf32, #tpu.memory_space<vmem>> -> memref<1x64x128xf32, #tpu.memory_space<vmem>>
        %scatter3A_1682 = tpu.memref_squeeze %scatter3A_1681 : memref<1x64x128xf32, #tpu.memory_space<vmem>> -> memref<64x128xf32, #tpu.memory_space<vmem>>
        tpu.vector_store_idx %scatter3A_1682[%add3A_1412, %add3A_682], %gather3A_1646 : memref<64x128xf32, #tpu.memory_space<vmem>>[vector<16xi32>, vector<16xi32>], vector<16xf32>,
        %scatter3A_1683 = arith.constant 0 : i32
        %scatter3A_1684 = arith.constant 0 : i32
        %scatter3A_1685 = tpu.memref_slice %arg7[%scan3A_697, %scatter3A_1683, %scatter3A_1684] : memref<2x64x128xf32, #tpu.memory_space<vmem>> -> memref<1x64x128xf32, #tpu.memory_space<vmem>>
        %scatter3A_1686 = tpu.memref_squeeze %scatter3A_1685 : memref<1x64x128xf32, #tpu.memory_space<vmem>> -> memref<64x128xf32, #tpu.memory_space<vmem>>
        tpu.vector_store_idx %scatter3A_1686[%add3A_1412, %add3A_685], %gather3A_1651 : memref<64x128xf32, #tpu.memory_space<vmem>>[vector<16xi32>, vector<16xi32>], vector<16xf32>,
        %scatter3A_1687 = arith.constant 0 : i32
        %scatter3A_1688 = arith.constant 0 : i32
        %scatter3A_1689 = tpu.memref_slice %arg7[%scan3A_697, %scatter3A_1687, %scatter3A_1688] : memref<2x64x128xf32, #tpu.memory_space<vmem>> -> memref<1x64x128xf32, #tpu.memory_space<vmem>>
        %scatter3A_1690 = tpu.memref_squeeze %scatter3A_1689 : memref<1x64x128xf32, #tpu.memory_space<vmem>> -> memref<64x128xf32, #tpu.memory_space<vmem>>
        tpu.vector_store_idx %scatter3A_1690[%add3A_1412, %add3A_688], %gather3A_1656 : memref<64x128xf32, #tpu.memory_space<vmem>>[vector<16xi32>, vector<16xi32>], vector<16xf32>,
        %scatter3A_1691 = arith.constant 0 : i32
        %scatter3A_1692 = arith.constant 0 : i32
        %scatter3A_1693 = tpu.memref_slice %arg7[%scan3A_697, %scatter3A_1691, %scatter3A_1692] : memref<2x64x128xf32, #tpu.memory_space<vmem>> -> memref<1x64x128xf32, #tpu.memory_space<vmem>>
        %scatter3A_1694 = tpu.memref_squeeze %scatter3A_1693 : memref<1x64x128xf32, #tpu.memory_space<vmem>> -> memref<64x128xf32, #tpu.memory_space<vmem>>
        tpu.vector_store_idx %scatter3A_1694[%add3A_1412, %add3A_691], %gather3A_1661 : memref<64x128xf32, #tpu.memory_space<vmem>>[vector<16xi32>, vector<16xi32>], vector<16xf32>,
        %scatter3A_1695 = arith.constant 0 : i32
        %scatter3A_1696 = arith.constant 0 : i32
        %scatter3A_1697 = tpu.memref_slice %arg7[%scan3A_697, %scatter3A_1695, %scatter3A_1696] : memref<2x64x128xf32, #tpu.memory_space<vmem>> -> memref<1x64x128xf32, #tpu.memory_space<vmem>>
        %scatter3A_1698 = tpu.memref_squeeze %scatter3A_1697 : memref<1x64x128xf32, #tpu.memory_space<vmem>> -> memref<64x128xf32, #tpu.memory_space<vmem>>
        tpu.vector_store_idx %scatter3A_1698[%add3A_1412, %add3A_694], %gather3A_1666 : memref<64x128xf32, #tpu.memory_space<vmem>>[vector<16xi32>, vector<16xi32>], vector<16xf32>,
      }
      %scan3A_702 = arith.constant 16 : i32
      %add3A_703 = arith.constant 4 : i32
      %add3A_704 = arith.addi %add3A_628, %add3A_703 : i32
      %lt3A_705 = arith.constant 200 : i32
      %lt3A_706 = arith.cmpi slt, %add3A_704, %lt3A_705 : i32
      %convert_element_type3A_707 = arith.extui %lt3A_706 : i1 to i32
      %cond3A_708 = arith.constant 0 : i32
      %cond3A_709 = arith.cmpi ne, %convert_element_type3A_707, %cond3A_708 : i32
      scf.if %cond3A_709 {
        %add3A_1395 = arith.constant 4 : i32
        %add3A_1396 = arith.addi %add3A_628, %add3A_1395 : i32
        %jit3A_1397 = arith.constant 4 : i32
        %div3A_1398 = arith.divsi %add3A_1396, %jit3A_1397 : i32
        %sign3A_1399 = arith.constant 0 : i32
        %sign3A_1400 = arith.cmpi sgt, %add3A_1396, %sign3A_1399 : i32
        %sign3A_1401 = arith.extui %sign3A_1400 : i1 to i32
        %sign3A_1402 = arith.constant 0 : i32
        %sign3A_1403 = arith.cmpi slt, %add3A_1396, %sign3A_1402 : i32
        %sign3A_1404 = arith.extui %sign3A_1403 : i1 to i32
        %sign3A_1405 = arith.subi %sign3A_1401, %sign3A_1404 : i32
        %sign3A_1406 = arith.constant 0 : i32
        %sign3A_1407 = arith.cmpi sgt, %jit3A_1397, %sign3A_1406 : i32
        %sign3A_1408 = arith.extui %sign3A_1407 : i1 to i32
        %sign3A_1409 = arith.constant 0 : i32
        %sign3A_1410 = arith.cmpi slt, %jit3A_1397, %sign3A_1409 : i32
        %sign3A_1411 = arith.extui %sign3A_1410 : i1 to i32
        %sign3A_1412 = arith.subi %sign3A_1408, %sign3A_1411 : i32
        %ne3A_1413 = arith.cmpi ne, %sign3A_1405, %sign3A_1412 : i32
        %rem3A_1414 = arith.remsi %add3A_1396, %jit3A_1397 : i32
        %ne3A_1415 = arith.constant 0 : i32
        %ne3A_1416 = arith.cmpi ne, %rem3A_1414, %ne3A_1415 : i32
        %and3A_1417 = arith.andi %ne3A_1413, %ne3A_1416 : i1
        %sub3A_1418 = arith.constant 1 : i32
        %sub3A_1419 = arith.subi %div3A_1398, %sub3A_1418 : i32
        %select_n3A_1420 = arith.select %and3A_1417, %sub3A_1419, %div3A_1398 : i32
        %rem3A_1421 = arith.constant 4 : i32
        %rem3A_1422 = arith.remsi %add3A_1396, %rem3A_1421 : i32
        %dma_start3A_1423 = arith.constant 1 : i32
        %dma_start3A_1424 = arith.constant 0 : i32
        %dma_start3A_1425 = arith.constant 0 : i32
        %dma_start3A_1426 = tpu.memref_slice %arg6[%dma_start3A_1423, %dma_start3A_1424, %dma_start3A_1425] : memref<4x128x64xf32, #tpu.memory_space<vmem>> -> memref<1x128x64xf32, #tpu.memory_space<vmem>>
        %dma_start3A_1427 = tpu.memref_squeeze %dma_start3A_1426 : memref<1x128x64xf32, #tpu.memory_space<vmem>> -> memref<128x64xf32, #tpu.memory_space<vmem>>
        %dma_start3A_1428 = arith.constant 0 : i32
        %dma_start3A_1429 = tpu.memref_slice %arg5[%select_n3A_1420, %rem3A_1422, %dma_start3A_1428] : memref<50x4x128xi32, #tpu.memory_space<vmem>> -> memref<1x1x128xi32, #tpu.memory_space<vmem>>
        %dma_start3A_1430 = tpu.memref_squeeze %dma_start3A_1429 : memref<1x1x128xi32, #tpu.memory_space<vmem>> -> memref<128xi32, #tpu.memory_space<vmem>>
        %dma_start3A_1431 = arith.constant 0 : i32
        %dma_start3A_1432 = arith.constant 0 : i32
        %dma_start3A_1433 = tpu.memref_slice %arg3[%dma_start3A_1431, %dma_start3A_1432] : memref<100000x64xf32, #tpu.memory_space<hbm>> -> memref<100000x64xf32, #tpu.memory_space<hbm>>
        tpu.enqueue_indirect_dma source(%dma_start3A_1433 : memref<100000x64xf32, #tpu.memory_space<hbm>>) target(%dma_start3A_1427 : memref<128x64xf32, #tpu.memory_space<vmem>>) offsets(%dma_start3A_1430 : memref<128xi32, #tpu.memory_space<vmem>>) semaphore(%arg9 : memref<!tpu.dma_semaphore, #tpu.memory_space<semaphore_mem>>)
      } else {
      }
      %jit3A_710 = arith.constant 4 : i32
      %div3A_711 = arith.divsi %add3A_628, %jit3A_710 : i32
      %sign3A_712 = arith.constant 0 : i32
      %sign3A_713 = arith.cmpi sgt, %add3A_628, %sign3A_712 : i32
      %sign3A_714 = arith.extui %sign3A_713 : i1 to i32
      %sign3A_715 = arith.constant 0 : i32
      %sign3A_716 = arith.cmpi slt, %add3A_628, %sign3A_715 : i32
      %sign3A_717 = arith.extui %sign3A_716 : i1 to i32
      %sign3A_718 = arith.subi %sign3A_714, %sign3A_717 : i32
      %sign3A_719 = arith.constant 0 : i32
      %sign3A_720 = arith.cmpi sgt, %jit3A_710, %sign3A_719 : i32
      %sign3A_721 = arith.extui %sign3A_720 : i1 to i32
      %sign3A_722 = arith.constant 0 : i32
      %sign3A_723 = arith.cmpi slt, %jit3A_710, %sign3A_722 : i32
      %sign3A_724 = arith.extui %sign3A_723 : i1 to i32
      %sign3A_725 = arith.subi %sign3A_721, %sign3A_724 : i32
      %ne3A_726 = arith.cmpi ne, %sign3A_718, %sign3A_725 : i32
      %rem3A_727 = arith.remsi %add3A_628, %jit3A_710 : i32
      %ne3A_728 = arith.constant 0 : i32
      %ne3A_729 = arith.cmpi ne, %rem3A_727, %ne3A_728 : i32
      %and3A_730 = arith.andi %ne3A_726, %ne3A_729 : i1
      %sub3A_731 = arith.constant 1 : i32
      %sub3A_732 = arith.subi %div3A_711, %sub3A_731 : i32
      %select_n3A_733 = arith.select %and3A_730, %sub3A_732, %div3A_711 : i32
      %mul3A_734 = arith.constant 4 : i32
      %mul3A_735 = arith.muli %add3A, %mul3A_734 : i32
      %rem3A_736 = arith.constant 4 : i32
      %rem3A_737 = arith.remsi %add3A_628, %rem3A_736 : i32
      %add3A_738 = arith.addi %mul3A_735, %rem3A_737 : i32
      %dma_start3A_739 = arith.constant 1 : i32
      %dma_start3A_740 = arith.constant 0 : i32
      %dma_start3A_741 = arith.constant 0 : i32
      %dma_start3A_742 = arith.constant 0 : i32
      %dma_start3A_743 = tpu.memref_slice %arg7[%dma_start3A_739, %dma_start3A_741, %dma_start3A_742] : memref<2x64x128xf32, #tpu.memory_space<vmem>> -> memref<1x8x128xf32, #tpu.memory_space<vmem>>
      %dma_start3A_744 = tpu.memref_squeeze %dma_start3A_743 : memref<1x8x128xf32, #tpu.memory_space<vmem>> -> memref<8x128xf32, #tpu.memory_space<vmem>>
      %dma_start3A_745 = arith.constant 0 : i32
      %dma_start3A_746 = arith.constant 0 : i32
      %dma_start3A_747 = tpu.memref_slice %arg4[%select_n3A_733, %dma_start3A_740, %add3A_738, %dma_start3A_745, %dma_start3A_746] : memref<50x8x128x8x128xf32, #tpu.memory_space<hbm>> -> memref<1x1x1x8x128xf32, #tpu.memory_space<hbm>>
      %dma_start3A_748 = tpu.memref_squeeze %dma_start3A_747 : memref<1x1x1x8x128xf32, #tpu.memory_space<hbm>> -> memref<8x128xf32, #tpu.memory_space<hbm>>
      %dma_start3A_749 = arith.constant 0 : i32
      %dma_start3A_750 = arith.constant 0 : i32
      %dma_start3A_751 = tpu.memref_slice %arg4[%select_n3A_733, %dma_start3A_740, %add3A_738, %dma_start3A_749, %dma_start3A_750] : memref<50x8x128x8x128xf32, #tpu.memory_space<hbm>> -> memref<1x1x1x8x128xf32, #tpu.memory_space<hbm>>
      %dma_start3A_752 = tpu.memref_squeeze %dma_start3A_751 : memref<1x1x1x8x128xf32, #tpu.memory_space<hbm>> -> memref<8x128xf32, #tpu.memory_space<hbm>>
      %dma_start3A_753 = arith.constant 0 : i32
      %dma_start3A_754 = arith.constant 0 : i32
      %dma_start3A_755 = tpu.memref_slice %arg7[%dma_start3A_739, %dma_start3A_753, %dma_start3A_754] : memref<2x64x128xf32, #tpu.memory_space<vmem>> -> memref<1x8x128xf32, #tpu.memory_space<vmem>>
      %dma_start3A_756 = tpu.memref_squeeze %dma_start3A_755 : memref<1x8x128xf32, #tpu.memory_space<vmem>> -> memref<8x128xf32, #tpu.memory_space<vmem>>
      tpu.enqueue_dma source(%dma_start3A_756 : memref<8x128xf32, #tpu.memory_space<vmem>>) target(%dma_start3A_752 : memref<8x128xf32, #tpu.memory_space<hbm>>) target_semaphore(%arg13 : memref<!tpu.dma_semaphore, #tpu.memory_space<semaphore_mem>>)
      %dma_start3A_757 = arith.constant 1 : i32
      %dma_start3A_758 = arith.constant 1 : i32
      %dma_start3A_759 = arith.constant 8 : i32
      %dma_start3A_760 = arith.constant 0 : i32
      %dma_start3A_761 = tpu.memref_slice %arg7[%dma_start3A_757, %dma_start3A_759, %dma_start3A_760] : memref<2x64x128xf32, #tpu.memory_space<vmem>> -> memref<1x8x128xf32, #tpu.memory_space<vmem>>
      %dma_start3A_762 = tpu.memref_squeeze %dma_start3A_761 : memref<1x8x128xf32, #tpu.memory_space<vmem>> -> memref<8x128xf32, #tpu.memory_space<vmem>>
      %dma_start3A_763 = arith.constant 0 : i32
      %dma_start3A_764 = arith.constant 0 : i32
      %dma_start3A_765 = tpu.memref_slice %arg4[%select_n3A_733, %dma_start3A_758, %add3A_738, %dma_start3A_763, %dma_start3A_764] : memref<50x8x128x8x128xf32, #tpu.memory_space<hbm>> -> memref<1x1x1x8x128xf32, #tpu.memory_space<hbm>>
      %dma_start3A_766 = tpu.memref_squeeze %dma_start3A_765 : memref<1x1x1x8x128xf32, #tpu.memory_space<hbm>> -> memref<8x128xf32, #tpu.memory_space<hbm>>
      %dma_start3A_767 = arith.constant 0 : i32
      %dma_start3A_768 = arith.constant 0 : i32
      %dma_start3A_769 = tpu.memref_slice %arg4[%select_n3A_733, %dma_start3A_758, %add3A_738, %dma_start3A_767, %dma_start3A_768] : memref<50x8x128x8x128xf32, #tpu.memory_space<hbm>> -> memref<1x1x1x8x128xf32, #tpu.memory_space<hbm>>
      %dma_start3A_770 = tpu.memref_squeeze %dma_start3A_769 : memref<1x1x1x8x128xf32, #tpu.memory_space<hbm>> -> memref<8x128xf32, #tpu.memory_space<hbm>>
      %dma_start3A_771 = arith.constant 8 : i32
      %dma_start3A_772 = arith.constant 0 : i32
      %dma_start3A_773 = tpu.memref_slice %arg7[%dma_start3A_757, %dma_start3A_771, %dma_start3A_772] : memref<2x64x128xf32, #tpu.memory_space<vmem>> -> memref<1x8x128xf32, #tpu.memory_space<vmem>>
      %dma_start3A_774 = tpu.memref_squeeze %dma_start3A_773 : memref<1x8x128xf32, #tpu.memory_space<vmem>> -> memref<8x128xf32, #tpu.memory_space<vmem>>
      tpu.enqueue_dma source(%dma_start3A_774 : memref<8x128xf32, #tpu.memory_space<vmem>>) target(%dma_start3A_770 : memref<8x128xf32, #tpu.memory_space<hbm>>) target_semaphore(%arg13 : memref<!tpu.dma_semaphore, #tpu.memory_space<semaphore_mem>>)
      %dma_start3A_775 = arith.constant 1 : i32
      %dma_start3A_776 = arith.constant 2 : i32
      %dma_start3A_777 = arith.constant 16 : i32
      %dma_start3A_778 = arith.constant 0 : i32
      %dma_start3A_779 = tpu.memref_slice %arg7[%dma_start3A_775, %dma_start3A_777, %dma_start3A_778] : memref<2x64x128xf32, #tpu.memory_space<vmem>> -> memref<1x8x128xf32, #tpu.memory_space<vmem>>
      %dma_start3A_780 = tpu.memref_squeeze %dma_start3A_779 : memref<1x8x128xf32, #tpu.memory_space<vmem>> -> memref<8x128xf32, #tpu.memory_space<vmem>>
      %dma_start3A_781 = arith.constant 0 : i32
      %dma_start3A_782 = arith.constant 0 : i32
      %dma_start3A_783 = tpu.memref_slice %arg4[%select_n3A_733, %dma_start3A_776, %add3A_738, %dma_start3A_781, %dma_start3A_782] : memref<50x8x128x8x128xf32, #tpu.memory_space<hbm>> -> memref<1x1x1x8x128xf32, #tpu.memory_space<hbm>>
      %dma_start3A_784 = tpu.memref_squeeze %dma_start3A_783 : memref<1x1x1x8x128xf32, #tpu.memory_space<hbm>> -> memref<8x128xf32, #tpu.memory_space<hbm>>
      %dma_start3A_785 = arith.constant 0 : i32
      %dma_start3A_786 = arith.constant 0 : i32
      %dma_start3A_787 = tpu.memref_slice %arg4[%select_n3A_733, %dma_start3A_776, %add3A_738, %dma_start3A_785, %dma_start3A_786] : memref<50x8x128x8x128xf32, #tpu.memory_space<hbm>> -> memref<1x1x1x8x128xf32, #tpu.memory_space<hbm>>
      %dma_start3A_788 = tpu.memref_squeeze %dma_start3A_787 : memref<1x1x1x8x128xf32, #tpu.memory_space<hbm>> -> memref<8x128xf32, #tpu.memory_space<hbm>>
      %dma_start3A_789 = arith.constant 16 : i32
      %dma_start3A_790 = arith.constant 0 : i32
      %dma_start3A_791 = tpu.memref_slice %arg7[%dma_start3A_775, %dma_start3A_789, %dma_start3A_790] : memref<2x64x128xf32, #tpu.memory_space<vmem>> -> memref<1x8x128xf32, #tpu.memory_space<vmem>>
      %dma_start3A_792 = tpu.memref_squeeze %dma_start3A_791 : memref<1x8x128xf32, #tpu.memory_space<vmem>> -> memref<8x128xf32, #tpu.memory_space<vmem>>
      tpu.enqueue_dma source(%dma_start3A_792 : memref<8x128xf32, #tpu.memory_space<vmem>>) target(%dma_start3A_788 : memref<8x128xf32, #tpu.memory_space<hbm>>) target_semaphore(%arg13 : memref<!tpu.dma_semaphore, #tpu.memory_space<semaphore_mem>>)
      %dma_start3A_793 = arith.constant 1 : i32
      %dma_start3A_794 = arith.constant 3 : i32
      %dma_start3A_795 = arith.constant 24 : i32
      %dma_start3A_796 = arith.constant 0 : i32
      %dma_start3A_797 = tpu.memref_slice %arg7[%dma_start3A_793, %dma_start3A_795, %dma_start3A_796] : memref<2x64x128xf32, #tpu.memory_space<vmem>> -> memref<1x8x128xf32, #tpu.memory_space<vmem>>
      %dma_start3A_798 = tpu.memref_squeeze %dma_start3A_797 : memref<1x8x128xf32, #tpu.memory_space<vmem>> -> memref<8x128xf32, #tpu.memory_space<vmem>>
      %dma_start3A_799 = arith.constant 0 : i32
      %dma_start3A_800 = arith.constant 0 : i32
      %dma_start3A_801 = tpu.memref_slice %arg4[%select_n3A_733, %dma_start3A_794, %add3A_738, %dma_start3A_799, %dma_start3A_800] : memref<50x8x128x8x128xf32, #tpu.memory_space<hbm>> -> memref<1x1x1x8x128xf32, #tpu.memory_space<hbm>>
      %dma_start3A_802 = tpu.memref_squeeze %dma_start3A_801 : memref<1x1x1x8x128xf32, #tpu.memory_space<hbm>> -> memref<8x128xf32, #tpu.memory_space<hbm>>
      %dma_start3A_803 = arith.constant 0 : i32
      %dma_start3A_804 = arith.constant 0 : i32
      %dma_start3A_805 = tpu.memref_slice %arg4[%select_n3A_733, %dma_start3A_794, %add3A_738, %dma_start3A_803, %dma_start3A_804] : memref<50x8x128x8x128xf32, #tpu.memory_space<hbm>> -> memref<1x1x1x8x128xf32, #tpu.memory_space<hbm>>
      %dma_start3A_806 = tpu.memref_squeeze %dma_start3A_805 : memref<1x1x1x8x128xf32, #tpu.memory_space<hbm>> -> memref<8x128xf32, #tpu.memory_space<hbm>>
      %dma_start3A_807 = arith.constant 24 : i32
      %dma_start3A_808 = arith.constant 0 : i32
      %dma_start3A_809 = tpu.memref_slice %arg7[%dma_start3A_793, %dma_start3A_807, %dma_start3A_808] : memref<2x64x128xf32, #tpu.memory_space<vmem>> -> memref<1x8x128xf32, #tpu.memory_space<vmem>>
      %dma_start3A_810 = tpu.memref_squeeze %dma_start3A_809 : memref<1x8x128xf32, #tpu.memory_space<vmem>> -> memref<8x128xf32, #tpu.memory_space<vmem>>
      tpu.enqueue_dma source(%dma_start3A_810 : memref<8x128xf32, #tpu.memory_space<vmem>>) target(%dma_start3A_806 : memref<8x128xf32, #tpu.memory_space<hbm>>) target_semaphore(%arg13 : memref<!tpu.dma_semaphore, #tpu.memory_space<semaphore_mem>>)
      %dma_start3A_811 = arith.constant 1 : i32
      %dma_start3A_812 = arith.constant 4 : i32
      %dma_start3A_813 = arith.constant 32 : i32
      %dma_start3A_814 = arith.constant 0 : i32
      %dma_start3A_815 = tpu.memref_slice %arg7[%dma_start3A_811, %dma_start3A_813, %dma_start3A_814] : memref<2x64x128xf32, #tpu.memory_space<vmem>> -> memref<1x8x128xf32, #tpu.memory_space<vmem>>
      %dma_start3A_816 = tpu.memref_squeeze %dma_start3A_815 : memref<1x8x128xf32, #tpu.memory_space<vmem>> -> memref<8x128xf32, #tpu.memory_space<vmem>>
      %dma_start3A_817 = arith.constant 0 : i32
      %dma_start3A_818 = arith.constant 0 : i32
      %dma_start3A_819 = tpu.memref_slice %arg4[%select_n3A_733, %dma_start3A_812, %add3A_738, %dma_start3A_817, %dma_start3A_818] : memref<50x8x128x8x128xf32, #tpu.memory_space<hbm>> -> memref<1x1x1x8x128xf32, #tpu.memory_space<hbm>>
      %dma_start3A_820 = tpu.memref_squeeze %dma_start3A_819 : memref<1x1x1x8x128xf32, #tpu.memory_space<hbm>> -> memref<8x128xf32, #tpu.memory_space<hbm>>
      %dma_start3A_821 = arith.constant 0 : i32
      %dma_start3A_822 = arith.constant 0 : i32
      %dma_start3A_823 = tpu.memref_slice %arg4[%select_n3A_733, %dma_start3A_812, %add3A_738, %dma_start3A_821, %dma_start3A_822] : memref<50x8x128x8x128xf32, #tpu.memory_space<hbm>> -> memref<1x1x1x8x128xf32, #tpu.memory_space<hbm>>
      %dma_start3A_824 = tpu.memref_squeeze %dma_start3A_823 : memref<1x1x1x8x128xf32, #tpu.memory_space<hbm>> -> memref<8x128xf32, #tpu.memory_space<hbm>>
      %dma_start3A_825 = arith.constant 32 : i32
      %dma_start3A_826 = arith.constant 0 : i32
      %dma_start3A_827 = tpu.memref_slice %arg7[%dma_start3A_811, %dma_start3A_825, %dma_start3A_826] : memref<2x64x128xf32, #tpu.memory_space<vmem>> -> memref<1x8x128xf32, #tpu.memory_space<vmem>>
      %dma_start3A_828 = tpu.memref_squeeze %dma_start3A_827 : memref<1x8x128xf32, #tpu.memory_space<vmem>> -> memref<8x128xf32, #tpu.memory_space<vmem>>
      tpu.enqueue_dma source(%dma_start3A_828 : memref<8x128xf32, #tpu.memory_space<vmem>>) target(%dma_start3A_824 : memref<8x128xf32, #tpu.memory_space<hbm>>) target_semaphore(%arg13 : memref<!tpu.dma_semaphore, #tpu.memory_space<semaphore_mem>>)
      %dma_start3A_829 = arith.constant 1 : i32
      %dma_start3A_830 = arith.constant 5 : i32
      %dma_start3A_831 = arith.constant 40 : i32
      %dma_start3A_832 = arith.constant 0 : i32
      %dma_start3A_833 = tpu.memref_slice %arg7[%dma_start3A_829, %dma_start3A_831, %dma_start3A_832] : memref<2x64x128xf32, #tpu.memory_space<vmem>> -> memref<1x8x128xf32, #tpu.memory_space<vmem>>
      %dma_start3A_834 = tpu.memref_squeeze %dma_start3A_833 : memref<1x8x128xf32, #tpu.memory_space<vmem>> -> memref<8x128xf32, #tpu.memory_space<vmem>>
      %dma_start3A_835 = arith.constant 0 : i32
      %dma_start3A_836 = arith.constant 0 : i32
      %dma_start3A_837 = tpu.memref_slice %arg4[%select_n3A_733, %dma_start3A_830, %add3A_738, %dma_start3A_835, %dma_start3A_836] : memref<50x8x128x8x128xf32, #tpu.memory_space<hbm>> -> memref<1x1x1x8x128xf32, #tpu.memory_space<hbm>>
      %dma_start3A_838 = tpu.memref_squeeze %dma_start3A_837 : memref<1x1x1x8x128xf32, #tpu.memory_space<hbm>> -> memref<8x128xf32, #tpu.memory_space<hbm>>
      %dma_start3A_839 = arith.constant 0 : i32
      %dma_start3A_840 = arith.constant 0 : i32
      %dma_start3A_841 = tpu.memref_slice %arg4[%select_n3A_733, %dma_start3A_830, %add3A_738, %dma_start3A_839, %dma_start3A_840] : memref<50x8x128x8x128xf32, #tpu.memory_space<hbm>> -> memref<1x1x1x8x128xf32, #tpu.memory_space<hbm>>
      %dma_start3A_842 = tpu.memref_squeeze %dma_start3A_841 : memref<1x1x1x8x128xf32, #tpu.memory_space<hbm>> -> memref<8x128xf32, #tpu.memory_space<hbm>>
      %dma_start3A_843 = arith.constant 40 : i32
      %dma_start3A_844 = arith.constant 0 : i32
      %dma_start3A_845 = tpu.memref_slice %arg7[%dma_start3A_829, %dma_start3A_843, %dma_start3A_844] : memref<2x64x128xf32, #tpu.memory_space<vmem>> -> memref<1x8x128xf32, #tpu.memory_space<vmem>>
      %dma_start3A_846 = tpu.memref_squeeze %dma_start3A_845 : memref<1x8x128xf32, #tpu.memory_space<vmem>> -> memref<8x128xf32, #tpu.memory_space<vmem>>
      tpu.enqueue_dma source(%dma_start3A_846 : memref<8x128xf32, #tpu.memory_space<vmem>>) target(%dma_start3A_842 : memref<8x128xf32, #tpu.memory_space<hbm>>) target_semaphore(%arg13 : memref<!tpu.dma_semaphore, #tpu.memory_space<semaphore_mem>>)
      %dma_start3A_847 = arith.constant 1 : i32
      %dma_start3A_848 = arith.constant 6 : i32
      %dma_start3A_849 = arith.constant 48 : i32
      %dma_start3A_850 = arith.constant 0 : i32
      %dma_start3A_851 = tpu.memref_slice %arg7[%dma_start3A_847, %dma_start3A_849, %dma_start3A_850] : memref<2x64x128xf32, #tpu.memory_space<vmem>> -> memref<1x8x128xf32, #tpu.memory_space<vmem>>
      %dma_start3A_852 = tpu.memref_squeeze %dma_start3A_851 : memref<1x8x128xf32, #tpu.memory_space<vmem>> -> memref<8x128xf32, #tpu.memory_space<vmem>>
      %dma_start3A_853 = arith.constant 0 : i32
      %dma_start3A_854 = arith.constant 0 : i32
      %dma_start3A_855 = tpu.memref_slice %arg4[%select_n3A_733, %dma_start3A_848, %add3A_738, %dma_start3A_853, %dma_start3A_854] : memref<50x8x128x8x128xf32, #tpu.memory_space<hbm>> -> memref<1x1x1x8x128xf32, #tpu.memory_space<hbm>>
      %dma_start3A_856 = tpu.memref_squeeze %dma_start3A_855 : memref<1x1x1x8x128xf32, #tpu.memory_space<hbm>> -> memref<8x128xf32, #tpu.memory_space<hbm>>
      %dma_start3A_857 = arith.constant 0 : i32
      %dma_start3A_858 = arith.constant 0 : i32
      %dma_start3A_859 = tpu.memref_slice %arg4[%select_n3A_733, %dma_start3A_848, %add3A_738, %dma_start3A_857, %dma_start3A_858] : memref<50x8x128x8x128xf32, #tpu.memory_space<hbm>> -> memref<1x1x1x8x128xf32, #tpu.memory_space<hbm>>
      %dma_start3A_860 = tpu.memref_squeeze %dma_start3A_859 : memref<1x1x1x8x128xf32, #tpu.memory_space<hbm>> -> memref<8x128xf32, #tpu.memory_space<hbm>>
      %dma_start3A_861 = arith.constant 48 : i32
      %dma_start3A_862 = arith.constant 0 : i32
      %dma_start3A_863 = tpu.memref_slice %arg7[%dma_start3A_847, %dma_start3A_861, %dma_start3A_862] : memref<2x64x128xf32, #tpu.memory_space<vmem>> -> memref<1x8x128xf32, #tpu.memory_space<vmem>>
      %dma_start3A_864 = tpu.memref_squeeze %dma_start3A_863 : memref<1x8x128xf32, #tpu.memory_space<vmem>> -> memref<8x128xf32, #tpu.memory_space<vmem>>
      tpu.enqueue_dma source(%dma_start3A_864 : memref<8x128xf32, #tpu.memory_space<vmem>>) target(%dma_start3A_860 : memref<8x128xf32, #tpu.memory_space<hbm>>) target_semaphore(%arg13 : memref<!tpu.dma_semaphore, #tpu.memory_space<semaphore_mem>>)
      %dma_start3A_865 = arith.constant 1 : i32
      %dma_start3A_866 = arith.constant 7 : i32
      %dma_start3A_867 = arith.constant 56 : i32
      %dma_start3A_868 = arith.constant 0 : i32
      %dma_start3A_869 = tpu.memref_slice %arg7[%dma_start3A_865, %dma_start3A_867, %dma_start3A_868] : memref<2x64x128xf32, #tpu.memory_space<vmem>> -> memref<1x8x128xf32, #tpu.memory_space<vmem>>
      %dma_start3A_870 = tpu.memref_squeeze %dma_start3A_869 : memref<1x8x128xf32, #tpu.memory_space<vmem>> -> memref<8x128xf32, #tpu.memory_space<vmem>>
      %dma_start3A_871 = arith.constant 0 : i32
      %dma_start3A_872 = arith.constant 0 : i32
      %dma_start3A_873 = tpu.memref_slice %arg4[%select_n3A_733, %dma_start3A_866, %add3A_738, %dma_start3A_871, %dma_start3A_872] : memref<50x8x128x8x128xf32, #tpu.memory_space<hbm>> -> memref<1x1x1x8x128xf32, #tpu.memory_space<hbm>>
      %dma_start3A_874 = tpu.memref_squeeze %dma_start3A_873 : memref<1x1x1x8x128xf32, #tpu.memory_space<hbm>> -> memref<8x128xf32, #tpu.memory_space<hbm>>
      %dma_start3A_875 = arith.constant 0 : i32
      %dma_start3A_876 = arith.constant 0 : i32
      %dma_start3A_877 = tpu.memref_slice %arg4[%select_n3A_733, %dma_start3A_866, %add3A_738, %dma_start3A_875, %dma_start3A_876] : memref<50x8x128x8x128xf32, #tpu.memory_space<hbm>> -> memref<1x1x1x8x128xf32, #tpu.memory_space<hbm>>
      %dma_start3A_878 = tpu.memref_squeeze %dma_start3A_877 : memref<1x1x1x8x128xf32, #tpu.memory_space<hbm>> -> memref<8x128xf32, #tpu.memory_space<hbm>>
      %dma_start3A_879 = arith.constant 56 : i32
      %dma_start3A_880 = arith.constant 0 : i32
      %dma_start3A_881 = tpu.memref_slice %arg7[%dma_start3A_865, %dma_start3A_879, %dma_start3A_880] : memref<2x64x128xf32, #tpu.memory_space<vmem>> -> memref<1x8x128xf32, #tpu.memory_space<vmem>>
      %dma_start3A_882 = tpu.memref_squeeze %dma_start3A_881 : memref<1x8x128xf32, #tpu.memory_space<vmem>> -> memref<8x128xf32, #tpu.memory_space<vmem>>
      tpu.enqueue_dma source(%dma_start3A_882 : memref<8x128xf32, #tpu.memory_space<vmem>>) target(%dma_start3A_878 : memref<8x128xf32, #tpu.memory_space<hbm>>) target_semaphore(%arg13 : memref<!tpu.dma_semaphore, #tpu.memory_space<semaphore_mem>>)
      %add3A_883 = arith.constant 2 : i32
      %add3A_884 = arith.addi %mul3A_383, %add3A_883 : i32
      %ge3A_885 = arith.constant 2 : i32
      %ge3A_886 = arith.cmpi sge, %add3A_884, %ge3A_885 : i32
      %convert_element_type3A_887 = arith.extui %ge3A_886 : i1 to i32
      %cond3A_888 = arith.constant 0 : i32
      %cond3A_889 = arith.cmpi ne, %convert_element_type3A_887, %cond3A_888 : i32
      scf.if %cond3A_889 {
        %sub3A_1395 = arith.constant 2 : i32
        %sub3A_1396 = arith.subi %add3A_884, %sub3A_1395 : i32
        %jit3A_1397 = arith.constant 4 : i32
        %div3A_1398 = arith.divsi %sub3A_1396, %jit3A_1397 : i32
        %sign3A_1399 = arith.constant 0 : i32
        %sign3A_1400 = arith.cmpi sgt, %sub3A_1396, %sign3A_1399 : i32
        %sign3A_1401 = arith.extui %sign3A_1400 : i1 to i32
        %sign3A_1402 = arith.constant 0 : i32
        %sign3A_1403 = arith.cmpi slt, %sub3A_1396, %sign3A_1402 : i32
        %sign3A_1404 = arith.extui %sign3A_1403 : i1 to i32
        %sign3A_1405 = arith.subi %sign3A_1401, %sign3A_1404 : i32
        %sign3A_1406 = arith.constant 0 : i32
        %sign3A_1407 = arith.cmpi sgt, %jit3A_1397, %sign3A_1406 : i32
        %sign3A_1408 = arith.extui %sign3A_1407 : i1 to i32
        %sign3A_1409 = arith.constant 0 : i32
        %sign3A_1410 = arith.cmpi slt, %jit3A_1397, %sign3A_1409 : i32
        %sign3A_1411 = arith.extui %sign3A_1410 : i1 to i32
        %sign3A_1412 = arith.subi %sign3A_1408, %sign3A_1411 : i32
        %ne3A_1413 = arith.cmpi ne, %sign3A_1405, %sign3A_1412 : i32
        %rem3A_1414 = arith.remsi %sub3A_1396, %jit3A_1397 : i32
        %ne3A_1415 = arith.constant 0 : i32
        %ne3A_1416 = arith.cmpi ne, %rem3A_1414, %ne3A_1415 : i32
        %and3A_1417 = arith.andi %ne3A_1413, %ne3A_1416 : i1
        %sub3A_1418 = arith.constant 1 : i32
        %sub3A_1419 = arith.subi %div3A_1398, %sub3A_1418 : i32
        %select_n3A_1420 = arith.select %and3A_1417, %sub3A_1419, %div3A_1398 : i32
        %mul3A_1421 = arith.constant 4 : i32
        %mul3A_1422 = arith.muli %add3A, %mul3A_1421 : i32
        %rem3A_1423 = arith.constant 4 : i32
        %rem3A_1424 = arith.remsi %sub3A_1396, %rem3A_1423 : i32
        %add3A_1425 = arith.addi %mul3A_1422, %rem3A_1424 : i32
        %dma_wait3A_1426 = arith.constant 0 : i32
        %dma_wait3A_1427 = arith.constant 0 : i32
        %dma_wait3A_1428 = arith.constant 0 : i32
        %dma_wait3A_1429 = arith.constant 0 : i32
        %dma_wait3A_1430 = tpu.memref_slice %arg7[%dma_wait3A_1426, %dma_wait3A_1428, %dma_wait3A_1429] : memref<2x64x128xf32, #tpu.memory_space<vmem>> -> memref<1x8x128xf32, #tpu.memory_space<vmem>>
        %dma_wait3A_1431 = tpu.memref_squeeze %dma_wait3A_1430 : memref<1x8x128xf32, #tpu.memory_space<vmem>> -> memref<8x128xf32, #tpu.memory_space<vmem>>
        %dma_wait3A_1432 = arith.constant 0 : i32
        %dma_wait3A_1433 = arith.constant 0 : i32
        %dma_wait3A_1434 = tpu.memref_slice %arg4[%select_n3A_1420, %dma_wait3A_1427, %add3A_1425, %dma_wait3A_1432, %dma_wait3A_1433] : memref<50x8x128x8x128xf32, #tpu.memory_space<hbm>> -> memref<1x1x1x8x128xf32, #tpu.memory_space<hbm>>
        %dma_wait3A_1435 = tpu.memref_squeeze %dma_wait3A_1434 : memref<1x1x1x8x128xf32, #tpu.memory_space<hbm>> -> memref<8x128xf32, #tpu.memory_space<hbm>>
        %dma_wait3A_1436 = arith.constant 0 : i32
        %dma_wait3A_1437 = arith.constant 0 : i32
        %dma_wait3A_1438 = tpu.memref_slice %arg4[%select_n3A_1420, %dma_wait3A_1427, %add3A_1425, %dma_wait3A_1436, %dma_wait3A_1437] : memref<50x8x128x8x128xf32, #tpu.memory_space<hbm>> -> memref<1x1x1x8x128xf32, #tpu.memory_space<hbm>>
        %dma_wait3A_1439 = tpu.memref_squeeze %dma_wait3A_1438 : memref<1x1x1x8x128xf32, #tpu.memory_space<hbm>> -> memref<8x128xf32, #tpu.memory_space<hbm>>
        %dma_wait3A_1440 = arith.constant 0 : i32
        %dma_wait3A_1441 = arith.constant 0 : i32
        %dma_wait3A_1442 = tpu.memref_slice %arg7[%dma_wait3A_1426, %dma_wait3A_1440, %dma_wait3A_1441] : memref<2x64x128xf32, #tpu.memory_space<vmem>> -> memref<1x8x128xf32, #tpu.memory_space<vmem>>
        %dma_wait3A_1443 = tpu.memref_squeeze %dma_wait3A_1442 : memref<1x8x128xf32, #tpu.memory_space<vmem>> -> memref<8x128xf32, #tpu.memory_space<vmem>>
        tpu.wait_dma2 semaphore(%arg12 : memref<!tpu.dma_semaphore, #tpu.memory_space<semaphore_mem>>) src(%dma_wait3A_1443 : memref<8x128xf32, #tpu.memory_space<vmem>>) dst(%dma_wait3A_1439 : memref<8x128xf32, #tpu.memory_space<hbm>>)
        %dma_wait3A_1444 = arith.constant 0 : i32
        %dma_wait3A_1445 = arith.constant 1 : i32
        %dma_wait3A_1446 = arith.constant 8 : i32
        %dma_wait3A_1447 = arith.constant 0 : i32
        %dma_wait3A_1448 = tpu.memref_slice %arg7[%dma_wait3A_1444, %dma_wait3A_1446, %dma_wait3A_1447] : memref<2x64x128xf32, #tpu.memory_space<vmem>> -> memref<1x8x128xf32, #tpu.memory_space<vmem>>
        %dma_wait3A_1449 = tpu.memref_squeeze %dma_wait3A_1448 : memref<1x8x128xf32, #tpu.memory_space<vmem>> -> memref<8x128xf32, #tpu.memory_space<vmem>>
        %dma_wait3A_1450 = arith.constant 0 : i32
        %dma_wait3A_1451 = arith.constant 0 : i32
        %dma_wait3A_1452 = tpu.memref_slice %arg4[%select_n3A_1420, %dma_wait3A_1445, %add3A_1425, %dma_wait3A_1450, %dma_wait3A_1451] : memref<50x8x128x8x128xf32, #tpu.memory_space<hbm>> -> memref<1x1x1x8x128xf32, #tpu.memory_space<hbm>>
        %dma_wait3A_1453 = tpu.memref_squeeze %dma_wait3A_1452 : memref<1x1x1x8x128xf32, #tpu.memory_space<hbm>> -> memref<8x128xf32, #tpu.memory_space<hbm>>
        %dma_wait3A_1454 = arith.constant 0 : i32
        %dma_wait3A_1455 = arith.constant 0 : i32
        %dma_wait3A_1456 = tpu.memref_slice %arg4[%select_n3A_1420, %dma_wait3A_1445, %add3A_1425, %dma_wait3A_1454, %dma_wait3A_1455] : memref<50x8x128x8x128xf32, #tpu.memory_space<hbm>> -> memref<1x1x1x8x128xf32, #tpu.memory_space<hbm>>
        %dma_wait3A_1457 = tpu.memref_squeeze %dma_wait3A_1456 : memref<1x1x1x8x128xf32, #tpu.memory_space<hbm>> -> memref<8x128xf32, #tpu.memory_space<hbm>>
        %dma_wait3A_1458 = arith.constant 8 : i32
        %dma_wait3A_1459 = arith.constant 0 : i32
        %dma_wait3A_1460 = tpu.memref_slice %arg7[%dma_wait3A_1444, %dma_wait3A_1458, %dma_wait3A_1459] : memref<2x64x128xf32, #tpu.memory_space<vmem>> -> memref<1x8x128xf32, #tpu.memory_space<vmem>>
        %dma_wait3A_1461 = tpu.memref_squeeze %dma_wait3A_1460 : memref<1x8x128xf32, #tpu.memory_space<vmem>> -> memref<8x128xf32, #tpu.memory_space<vmem>>
        tpu.wait_dma2 semaphore(%arg12 : memref<!tpu.dma_semaphore, #tpu.memory_space<semaphore_mem>>) src(%dma_wait3A_1461 : memref<8x128xf32, #tpu.memory_space<vmem>>) dst(%dma_wait3A_1457 : memref<8x128xf32, #tpu.memory_space<hbm>>)
        %dma_wait3A_1462 = arith.constant 0 : i32
        %dma_wait3A_1463 = arith.constant 2 : i32
        %dma_wait3A_1464 = arith.constant 16 : i32
        %dma_wait3A_1465 = arith.constant 0 : i32
        %dma_wait3A_1466 = tpu.memref_slice %arg7[%dma_wait3A_1462, %dma_wait3A_1464, %dma_wait3A_1465] : memref<2x64x128xf32, #tpu.memory_space<vmem>> -> memref<1x8x128xf32, #tpu.memory_space<vmem>>
        %dma_wait3A_1467 = tpu.memref_squeeze %dma_wait3A_1466 : memref<1x8x128xf32, #tpu.memory_space<vmem>> -> memref<8x128xf32, #tpu.memory_space<vmem>>
        %dma_wait3A_1468 = arith.constant 0 : i32
        %dma_wait3A_1469 = arith.constant 0 : i32
        %dma_wait3A_1470 = tpu.memref_slice %arg4[%select_n3A_1420, %dma_wait3A_1463, %add3A_1425, %dma_wait3A_1468, %dma_wait3A_1469] : memref<50x8x128x8x128xf32, #tpu.memory_space<hbm>> -> memref<1x1x1x8x128xf32, #tpu.memory_space<hbm>>
        %dma_wait3A_1471 = tpu.memref_squeeze %dma_wait3A_1470 : memref<1x1x1x8x128xf32, #tpu.memory_space<hbm>> -> memref<8x128xf32, #tpu.memory_space<hbm>>
        %dma_wait3A_1472 = arith.constant 0 : i32
        %dma_wait3A_1473 = arith.constant 0 : i32
        %dma_wait3A_1474 = tpu.memref_slice %arg4[%select_n3A_1420, %dma_wait3A_1463, %add3A_1425, %dma_wait3A_1472, %dma_wait3A_1473] : memref<50x8x128x8x128xf32, #tpu.memory_space<hbm>> -> memref<1x1x1x8x128xf32, #tpu.memory_space<hbm>>
        %dma_wait3A_1475 = tpu.memref_squeeze %dma_wait3A_1474 : memref<1x1x1x8x128xf32, #tpu.memory_space<hbm>> -> memref<8x128xf32, #tpu.memory_space<hbm>>
        %dma_wait3A_1476 = arith.constant 16 : i32
        %dma_wait3A_1477 = arith.constant 0 : i32
        %dma_wait3A_1478 = tpu.memref_slice %arg7[%dma_wait3A_1462, %dma_wait3A_1476, %dma_wait3A_1477] : memref<2x64x128xf32, #tpu.memory_space<vmem>> -> memref<1x8x128xf32, #tpu.memory_space<vmem>>
        %dma_wait3A_1479 = tpu.memref_squeeze %dma_wait3A_1478 : memref<1x8x128xf32, #tpu.memory_space<vmem>> -> memref<8x128xf32, #tpu.memory_space<vmem>>
        tpu.wait_dma2 semaphore(%arg12 : memref<!tpu.dma_semaphore, #tpu.memory_space<semaphore_mem>>) src(%dma_wait3A_1479 : memref<8x128xf32, #tpu.memory_space<vmem>>) dst(%dma_wait3A_1475 : memref<8x128xf32, #tpu.memory_space<hbm>>)
        %dma_wait3A_1480 = arith.constant 0 : i32
        %dma_wait3A_1481 = arith.constant 3 : i32
        %dma_wait3A_1482 = arith.constant 24 : i32
        %dma_wait3A_1483 = arith.constant 0 : i32
        %dma_wait3A_1484 = tpu.memref_slice %arg7[%dma_wait3A_1480, %dma_wait3A_1482, %dma_wait3A_1483] : memref<2x64x128xf32, #tpu.memory_space<vmem>> -> memref<1x8x128xf32, #tpu.memory_space<vmem>>
        %dma_wait3A_1485 = tpu.memref_squeeze %dma_wait3A_1484 : memref<1x8x128xf32, #tpu.memory_space<vmem>> -> memref<8x128xf32, #tpu.memory_space<vmem>>
        %dma_wait3A_1486 = arith.constant 0 : i32
        %dma_wait3A_1487 = arith.constant 0 : i32
        %dma_wait3A_1488 = tpu.memref_slice %arg4[%select_n3A_1420, %dma_wait3A_1481, %add3A_1425, %dma_wait3A_1486, %dma_wait3A_1487] : memref<50x8x128x8x128xf32, #tpu.memory_space<hbm>> -> memref<1x1x1x8x128xf32, #tpu.memory_space<hbm>>
        %dma_wait3A_1489 = tpu.memref_squeeze %dma_wait3A_1488 : memref<1x1x1x8x128xf32, #tpu.memory_space<hbm>> -> memref<8x128xf32, #tpu.memory_space<hbm>>
        %dma_wait3A_1490 = arith.constant 0 : i32
        %dma_wait3A_1491 = arith.constant 0 : i32
        %dma_wait3A_1492 = tpu.memref_slice %arg4[%select_n3A_1420, %dma_wait3A_1481, %add3A_1425, %dma_wait3A_1490, %dma_wait3A_1491] : memref<50x8x128x8x128xf32, #tpu.memory_space<hbm>> -> memref<1x1x1x8x128xf32, #tpu.memory_space<hbm>>
        %dma_wait3A_1493 = tpu.memref_squeeze %dma_wait3A_1492 : memref<1x1x1x8x128xf32, #tpu.memory_space<hbm>> -> memref<8x128xf32, #tpu.memory_space<hbm>>
        %dma_wait3A_1494 = arith.constant 24 : i32
        %dma_wait3A_1495 = arith.constant 0 : i32
        %dma_wait3A_1496 = tpu.memref_slice %arg7[%dma_wait3A_1480, %dma_wait3A_1494, %dma_wait3A_1495] : memref<2x64x128xf32, #tpu.memory_space<vmem>> -> memref<1x8x128xf32, #tpu.memory_space<vmem>>
        %dma_wait3A_1497 = tpu.memref_squeeze %dma_wait3A_1496 : memref<1x8x128xf32, #tpu.memory_space<vmem>> -> memref<8x128xf32, #tpu.memory_space<vmem>>
        tpu.wait_dma2 semaphore(%arg12 : memref<!tpu.dma_semaphore, #tpu.memory_space<semaphore_mem>>) src(%dma_wait3A_1497 : memref<8x128xf32, #tpu.memory_space<vmem>>) dst(%dma_wait3A_1493 : memref<8x128xf32, #tpu.memory_space<hbm>>)
        %dma_wait3A_1498 = arith.constant 0 : i32
        %dma_wait3A_1499 = arith.constant 4 : i32
        %dma_wait3A_1500 = arith.constant 32 : i32
        %dma_wait3A_1501 = arith.constant 0 : i32
        %dma_wait3A_1502 = tpu.memref_slice %arg7[%dma_wait3A_1498, %dma_wait3A_1500, %dma_wait3A_1501] : memref<2x64x128xf32, #tpu.memory_space<vmem>> -> memref<1x8x128xf32, #tpu.memory_space<vmem>>
        %dma_wait3A_1503 = tpu.memref_squeeze %dma_wait3A_1502 : memref<1x8x128xf32, #tpu.memory_space<vmem>> -> memref<8x128xf32, #tpu.memory_space<vmem>>
        %dma_wait3A_1504 = arith.constant 0 : i32
        %dma_wait3A_1505 = arith.constant 0 : i32
        %dma_wait3A_1506 = tpu.memref_slice %arg4[%select_n3A_1420, %dma_wait3A_1499, %add3A_1425, %dma_wait3A_1504, %dma_wait3A_1505] : memref<50x8x128x8x128xf32, #tpu.memory_space<hbm>> -> memref<1x1x1x8x128xf32, #tpu.memory_space<hbm>>
        %dma_wait3A_1507 = tpu.memref_squeeze %dma_wait3A_1506 : memref<1x1x1x8x128xf32, #tpu.memory_space<hbm>> -> memref<8x128xf32, #tpu.memory_space<hbm>>
        %dma_wait3A_1508 = arith.constant 0 : i32
        %dma_wait3A_1509 = arith.constant 0 : i32
        %dma_wait3A_1510 = tpu.memref_slice %arg4[%select_n3A_1420, %dma_wait3A_1499, %add3A_1425, %dma_wait3A_1508, %dma_wait3A_1509] : memref<50x8x128x8x128xf32, #tpu.memory_space<hbm>> -> memref<1x1x1x8x128xf32, #tpu.memory_space<hbm>>
        %dma_wait3A_1511 = tpu.memref_squeeze %dma_wait3A_1510 : memref<1x1x1x8x128xf32, #tpu.memory_space<hbm>> -> memref<8x128xf32, #tpu.memory_space<hbm>>
        %dma_wait3A_1512 = arith.constant 32 : i32
        %dma_wait3A_1513 = arith.constant 0 : i32
        %dma_wait3A_1514 = tpu.memref_slice %arg7[%dma_wait3A_1498, %dma_wait3A_1512, %dma_wait3A_1513] : memref<2x64x128xf32, #tpu.memory_space<vmem>> -> memref<1x8x128xf32, #tpu.memory_space<vmem>>
        %dma_wait3A_1515 = tpu.memref_squeeze %dma_wait3A_1514 : memref<1x8x128xf32, #tpu.memory_space<vmem>> -> memref<8x128xf32, #tpu.memory_space<vmem>>
        tpu.wait_dma2 semaphore(%arg12 : memref<!tpu.dma_semaphore, #tpu.memory_space<semaphore_mem>>) src(%dma_wait3A_1515 : memref<8x128xf32, #tpu.memory_space<vmem>>) dst(%dma_wait3A_1511 : memref<8x128xf32, #tpu.memory_space<hbm>>)
        %dma_wait3A_1516 = arith.constant 0 : i32
        %dma_wait3A_1517 = arith.constant 5 : i32
        %dma_wait3A_1518 = arith.constant 40 : i32
        %dma_wait3A_1519 = arith.constant 0 : i32
        %dma_wait3A_1520 = tpu.memref_slice %arg7[%dma_wait3A_1516, %dma_wait3A_1518, %dma_wait3A_1519] : memref<2x64x128xf32, #tpu.memory_space<vmem>> -> memref<1x8x128xf32, #tpu.memory_space<vmem>>
        %dma_wait3A_1521 = tpu.memref_squeeze %dma_wait3A_1520 : memref<1x8x128xf32, #tpu.memory_space<vmem>> -> memref<8x128xf32, #tpu.memory_space<vmem>>
        %dma_wait3A_1522 = arith.constant 0 : i32
        %dma_wait3A_1523 = arith.constant 0 : i32
        %dma_wait3A_1524 = tpu.memref_slice %arg4[%select_n3A_1420, %dma_wait3A_1517, %add3A_1425, %dma_wait3A_1522, %dma_wait3A_1523] : memref<50x8x128x8x128xf32, #tpu.memory_space<hbm>> -> memref<1x1x1x8x128xf32, #tpu.memory_space<hbm>>
        %dma_wait3A_1525 = tpu.memref_squeeze %dma_wait3A_1524 : memref<1x1x1x8x128xf32, #tpu.memory_space<hbm>> -> memref<8x128xf32, #tpu.memory_space<hbm>>
        %dma_wait3A_1526 = arith.constant 0 : i32
        %dma_wait3A_1527 = arith.constant 0 : i32
        %dma_wait3A_1528 = tpu.memref_slice %arg4[%select_n3A_1420, %dma_wait3A_1517, %add3A_1425, %dma_wait3A_1526, %dma_wait3A_1527] : memref<50x8x128x8x128xf32, #tpu.memory_space<hbm>> -> memref<1x1x1x8x128xf32, #tpu.memory_space<hbm>>
        %dma_wait3A_1529 = tpu.memref_squeeze %dma_wait3A_1528 : memref<1x1x1x8x128xf32, #tpu.memory_space<hbm>> -> memref<8x128xf32, #tpu.memory_space<hbm>>
        %dma_wait3A_1530 = arith.constant 40 : i32
        %dma_wait3A_1531 = arith.constant 0 : i32
        %dma_wait3A_1532 = tpu.memref_slice %arg7[%dma_wait3A_1516, %dma_wait3A_1530, %dma_wait3A_1531] : memref<2x64x128xf32, #tpu.memory_space<vmem>> -> memref<1x8x128xf32, #tpu.memory_space<vmem>>
        %dma_wait3A_1533 = tpu.memref_squeeze %dma_wait3A_1532 : memref<1x8x128xf32, #tpu.memory_space<vmem>> -> memref<8x128xf32, #tpu.memory_space<vmem>>
        tpu.wait_dma2 semaphore(%arg12 : memref<!tpu.dma_semaphore, #tpu.memory_space<semaphore_mem>>) src(%dma_wait3A_1533 : memref<8x128xf32, #tpu.memory_space<vmem>>) dst(%dma_wait3A_1529 : memref<8x128xf32, #tpu.memory_space<hbm>>)
        %dma_wait3A_1534 = arith.constant 0 : i32
        %dma_wait3A_1535 = arith.constant 6 : i32
        %dma_wait3A_1536 = arith.constant 48 : i32
        %dma_wait3A_1537 = arith.constant 0 : i32
        %dma_wait3A_1538 = tpu.memref_slice %arg7[%dma_wait3A_1534, %dma_wait3A_1536, %dma_wait3A_1537] : memref<2x64x128xf32, #tpu.memory_space<vmem>> -> memref<1x8x128xf32, #tpu.memory_space<vmem>>
        %dma_wait3A_1539 = tpu.memref_squeeze %dma_wait3A_1538 : memref<1x8x128xf32, #tpu.memory_space<vmem>> -> memref<8x128xf32, #tpu.memory_space<vmem>>
        %dma_wait3A_1540 = arith.constant 0 : i32
        %dma_wait3A_1541 = arith.constant 0 : i32
        %dma_wait3A_1542 = tpu.memref_slice %arg4[%select_n3A_1420, %dma_wait3A_1535, %add3A_1425, %dma_wait3A_1540, %dma_wait3A_1541] : memref<50x8x128x8x128xf32, #tpu.memory_space<hbm>> -> memref<1x1x1x8x128xf32, #tpu.memory_space<hbm>>
        %dma_wait3A_1543 = tpu.memref_squeeze %dma_wait3A_1542 : memref<1x1x1x8x128xf32, #tpu.memory_space<hbm>> -> memref<8x128xf32, #tpu.memory_space<hbm>>
        %dma_wait3A_1544 = arith.constant 0 : i32
        %dma_wait3A_1545 = arith.constant 0 : i32
        %dma_wait3A_1546 = tpu.memref_slice %arg4[%select_n3A_1420, %dma_wait3A_1535, %add3A_1425, %dma_wait3A_1544, %dma_wait3A_1545] : memref<50x8x128x8x128xf32, #tpu.memory_space<hbm>> -> memref<1x1x1x8x128xf32, #tpu.memory_space<hbm>>
        %dma_wait3A_1547 = tpu.memref_squeeze %dma_wait3A_1546 : memref<1x1x1x8x128xf32, #tpu.memory_space<hbm>> -> memref<8x128xf32, #tpu.memory_space<hbm>>
        %dma_wait3A_1548 = arith.constant 48 : i32
        %dma_wait3A_1549 = arith.constant 0 : i32
        %dma_wait3A_1550 = tpu.memref_slice %arg7[%dma_wait3A_1534, %dma_wait3A_1548, %dma_wait3A_1549] : memref<2x64x128xf32, #tpu.memory_space<vmem>> -> memref<1x8x128xf32, #tpu.memory_space<vmem>>
        %dma_wait3A_1551 = tpu.memref_squeeze %dma_wait3A_1550 : memref<1x8x128xf32, #tpu.memory_space<vmem>> -> memref<8x128xf32, #tpu.memory_space<vmem>>
        tpu.wait_dma2 semaphore(%arg12 : memref<!tpu.dma_semaphore, #tpu.memory_space<semaphore_mem>>) src(%dma_wait3A_1551 : memref<8x128xf32, #tpu.memory_space<vmem>>) dst(%dma_wait3A_1547 : memref<8x128xf32, #tpu.memory_space<hbm>>)
        %dma_wait3A_1552 = arith.constant 0 : i32
        %dma_wait3A_1553 = arith.constant 7 : i32
        %dma_wait3A_1554 = arith.constant 56 : i32
        %dma_wait3A_1555 = arith.constant 0 : i32
        %dma_wait3A_1556 = tpu.memref_slice %arg7[%dma_wait3A_1552, %dma_wait3A_1554, %dma_wait3A_1555] : memref<2x64x128xf32, #tpu.memory_space<vmem>> -> memref<1x8x128xf32, #tpu.memory_space<vmem>>
        %dma_wait3A_1557 = tpu.memref_squeeze %dma_wait3A_1556 : memref<1x8x128xf32, #tpu.memory_space<vmem>> -> memref<8x128xf32, #tpu.memory_space<vmem>>
        %dma_wait3A_1558 = arith.constant 0 : i32
        %dma_wait3A_1559 = arith.constant 0 : i32
        %dma_wait3A_1560 = tpu.memref_slice %arg4[%select_n3A_1420, %dma_wait3A_1553, %add3A_1425, %dma_wait3A_1558, %dma_wait3A_1559] : memref<50x8x128x8x128xf32, #tpu.memory_space<hbm>> -> memref<1x1x1x8x128xf32, #tpu.memory_space<hbm>>
        %dma_wait3A_1561 = tpu.memref_squeeze %dma_wait3A_1560 : memref<1x1x1x8x128xf32, #tpu.memory_space<hbm>> -> memref<8x128xf32, #tpu.memory_space<hbm>>
        %dma_wait3A_1562 = arith.constant 0 : i32
        %dma_wait3A_1563 = arith.constant 0 : i32
        %dma_wait3A_1564 = tpu.memref_slice %arg4[%select_n3A_1420, %dma_wait3A_1553, %add3A_1425, %dma_wait3A_1562, %dma_wait3A_1563] : memref<50x8x128x8x128xf32, #tpu.memory_space<hbm>> -> memref<1x1x1x8x128xf32, #tpu.memory_space<hbm>>
        %dma_wait3A_1565 = tpu.memref_squeeze %dma_wait3A_1564 : memref<1x1x1x8x128xf32, #tpu.memory_space<hbm>> -> memref<8x128xf32, #tpu.memory_space<hbm>>
        %dma_wait3A_1566 = arith.constant 56 : i32
        %dma_wait3A_1567 = arith.constant 0 : i32
        %dma_wait3A_1568 = tpu.memref_slice %arg7[%dma_wait3A_1552, %dma_wait3A_1566, %dma_wait3A_1567] : memref<2x64x128xf32, #tpu.memory_space<vmem>> -> memref<1x8x128xf32, #tpu.memory_space<vmem>>
        %dma_wait3A_1569 = tpu.memref_squeeze %dma_wait3A_1568 : memref<1x8x128xf32, #tpu.memory_space<vmem>> -> memref<8x128xf32, #tpu.memory_space<vmem>>
        tpu.wait_dma2 semaphore(%arg12 : memref<!tpu.dma_semaphore, #tpu.memory_space<semaphore_mem>>) src(%dma_wait3A_1569 : memref<8x128xf32, #tpu.memory_space<vmem>>) dst(%dma_wait3A_1565 : memref<8x128xf32, #tpu.memory_space<hbm>>)
      } else {
      }
      %jit3A_890 = arith.constant 4 : i32
      %div3A_891 = arith.divsi %add3A_884, %jit3A_890 : i32
      %sign3A_892 = arith.constant 0 : i32
      %sign3A_893 = arith.cmpi sgt, %add3A_884, %sign3A_892 : i32
      %sign3A_894 = arith.extui %sign3A_893 : i1 to i32
      %sign3A_895 = arith.constant 0 : i32
      %sign3A_896 = arith.cmpi slt, %add3A_884, %sign3A_895 : i32
      %sign3A_897 = arith.extui %sign3A_896 : i1 to i32
      %sign3A_898 = arith.subi %sign3A_894, %sign3A_897 : i32
      %sign3A_899 = arith.constant 0 : i32
      %sign3A_900 = arith.cmpi sgt, %jit3A_890, %sign3A_899 : i32
      %sign3A_901 = arith.extui %sign3A_900 : i1 to i32
      %sign3A_902 = arith.constant 0 : i32
      %sign3A_903 = arith.cmpi slt, %jit3A_890, %sign3A_902 : i32
      %sign3A_904 = arith.extui %sign3A_903 : i1 to i32
      %sign3A_905 = arith.subi %sign3A_901, %sign3A_904 : i32
      %ne3A_906 = arith.cmpi ne, %sign3A_898, %sign3A_905 : i32
      %rem3A_907 = arith.remsi %add3A_884, %jit3A_890 : i32
      %ne3A_908 = arith.constant 0 : i32
      %ne3A_909 = arith.cmpi ne, %rem3A_907, %ne3A_908 : i32
      %and3A_910 = arith.andi %ne3A_906, %ne3A_909 : i1
      %sub3A_911 = arith.constant 1 : i32
      %sub3A_912 = arith.subi %div3A_891, %sub3A_911 : i32
      %select_n3A_913 = arith.select %and3A_910, %sub3A_912, %div3A_891 : i32
      %rem3A_914 = arith.constant 4 : i32
      %rem3A_915 = arith.remsi %add3A_884, %rem3A_914 : i32
      %dma_wait3A_916 = arith.constant 2 : i32
      %dma_wait3A_917 = arith.constant 0 : i32
      %dma_wait3A_918 = arith.constant 0 : i32
      %dma_wait3A_919 = tpu.memref_slice %arg6[%dma_wait3A_916, %dma_wait3A_917, %dma_wait3A_918] : memref<4x128x64xf32, #tpu.memory_space<vmem>> -> memref<1x128x64xf32, #tpu.memory_space<vmem>>
      %dma_wait3A_920 = tpu.memref_squeeze %dma_wait3A_919 : memref<1x128x64xf32, #tpu.memory_space<vmem>> -> memref<128x64xf32, #tpu.memory_space<vmem>>
      %dma_wait3A_921 = arith.constant 0 : i32
      %dma_wait3A_922 = tpu.memref_slice %arg5[%select_n3A_913, %rem3A_915, %dma_wait3A_921] : memref<50x4x128xi32, #tpu.memory_space<vmem>> -> memref<1x1x128xi32, #tpu.memory_space<vmem>>
      %dma_wait3A_923 = tpu.memref_squeeze %dma_wait3A_922 : memref<1x1x128xi32, #tpu.memory_space<vmem>> -> memref<128xi32, #tpu.memory_space<vmem>>
      %dma_wait3A_924 = arith.constant 0 : i32
      %dma_wait3A_925 = arith.constant 0 : i32
      %dma_wait3A_926 = tpu.memref_slice %arg3[%dma_wait3A_924, %dma_wait3A_925] : memref<100000x64xf32, #tpu.memory_space<hbm>> -> memref<100000x64xf32, #tpu.memory_space<hbm>>
      tpu.wait_indirect_dma semaphore(%arg10 : memref<!tpu.dma_semaphore, #tpu.memory_space<semaphore_mem>>) src(%dma_wait3A_926 : memref<100000x64xf32, #tpu.memory_space<hbm>>) dst(%dma_wait3A_920 : memref<128x64xf32, #tpu.memory_space<vmem>>)
      %add3A_927 = arith.constant 0 : i32
      %add3A_928 = vector.broadcast %add3A_927 : i32 to vector<16xi32>
      %add3A_929 = arith.addi %iota3A, %add3A_928 : vector<16xi32>
      %add3A_930 = arith.constant 16 : i32
      %add3A_931 = vector.broadcast %add3A_930 : i32 to vector<16xi32>
      %add3A_932 = arith.addi %iota3A, %add3A_931 : vector<16xi32>
      %add3A_933 = arith.constant 32 : i32
      %add3A_934 = vector.broadcast %add3A_933 : i32 to vector<16xi32>
      %add3A_935 = arith.addi %iota3A, %add3A_934 : vector<16xi32>
      %add3A_936 = arith.constant 48 : i32
      %add3A_937 = vector.broadcast %add3A_936 : i32 to vector<16xi32>
      %add3A_938 = arith.addi %iota3A, %add3A_937 : vector<16xi32>
      %add3A_939 = arith.constant 64 : i32
      %add3A_940 = vector.broadcast %add3A_939 : i32 to vector<16xi32>
      %add3A_941 = arith.addi %iota3A, %add3A_940 : vector<16xi32>
      %add3A_942 = arith.constant 80 : i32
      %add3A_943 = vector.broadcast %add3A_942 : i32 to vector<16xi32>
      %add3A_944 = arith.addi %iota3A, %add3A_943 : vector<16xi32>
      %add3A_945 = arith.constant 96 : i32
      %add3A_946 = vector.broadcast %add3A_945 : i32 to vector<16xi32>
      %add3A_947 = arith.addi %iota3A, %add3A_946 : vector<16xi32>
      %add3A_948 = arith.constant 112 : i32
      %add3A_949 = vector.broadcast %add3A_948 : i32 to vector<16xi32>
      %add3A_950 = arith.addi %iota3A, %add3A_949 : vector<16xi32>
      %scan3A_951 = arith.constant 0 : i32
      %scan3A_952 = arith.constant 2 : i32
      %scan3A_953 = arith.constant 0 : i32
      %scan3A_954 = arith.constant 0 : i32
      %scan3A_955 = arith.constant 16 : i32
      %scan3A_956 = arith.addi %scan3A_954, %scan3A_955 : i32
      %scan3A_957 = arith.constant 1 : i32
      scf.for %scan3A_1395 = %scan3A_954 to %scan3A_956 step %scan3A_957  : i32 {
        %add3A_1396 = vector.broadcast %scan3A_1395 : i32 to vector<16xi32>
        %add3A_1397 = arith.addi %iota3A, %add3A_1396 : vector<16xi32>
        %and3A_1398 = arith.constant 15 : i32
        %and3A_1399 = vector.broadcast %and3A_1398 : i32 to vector<16xi32>
        %and3A_1400 = arith.andi %add3A_1397, %and3A_1399 : vector<16xi32>
        %add3A_1401 = arith.constant 0 : i32
        %add3A_1402 = vector.broadcast %add3A_1401 : i32 to vector<16xi32>
        %add3A_1403 = arith.addi %and3A_1400, %add3A_1402 : vector<16xi32>
        %add3A_1404 = arith.constant 16 : i32
        %add3A_1405 = vector.broadcast %add3A_1404 : i32 to vector<16xi32>
        %add3A_1406 = arith.addi %and3A_1400, %add3A_1405 : vector<16xi32>
        %add3A_1407 = arith.constant 32 : i32
        %add3A_1408 = vector.broadcast %add3A_1407 : i32 to vector<16xi32>
        %add3A_1409 = arith.addi %and3A_1400, %add3A_1408 : vector<16xi32>
        %add3A_1410 = arith.constant 48 : i32
        %add3A_1411 = vector.broadcast %add3A_1410 : i32 to vector<16xi32>
        %add3A_1412 = arith.addi %and3A_1400, %add3A_1411 : vector<16xi32>
        %gather3A = arith.constant 0 : i32
        %gather3A_1413 = arith.constant 0 : i32
        %gather3A_1414 = tpu.memref_slice %arg6[%scan3A_952, %gather3A, %gather3A_1413] : memref<4x128x64xf32, #tpu.memory_space<vmem>> -> memref<1x128x64xf32, #tpu.memory_space<vmem>>
        %gather3A_1415 = tpu.memref_squeeze %gather3A_1414 : memref<1x128x64xf32, #tpu.memory_space<vmem>> -> memref<128x64xf32, #tpu.memory_space<vmem>>
        %gather3A_1416 = tpu.vector_load_idx %gather3A_1415[%add3A_929, %add3A_1403] : memref<128x64xf32, #tpu.memory_space<vmem>>[vector<16xi32>, vector<16xi32>], vector<16xf32>,
        %gather3A_1417 = arith.constant 0 : i32
        %gather3A_1418 = arith.constant 0 : i32
        %gather3A_1419 = tpu.memref_slice %arg6[%scan3A_952, %gather3A_1417, %gather3A_1418] : memref<4x128x64xf32, #tpu.memory_space<vmem>> -> memref<1x128x64xf32, #tpu.memory_space<vmem>>
        %gather3A_1420 = tpu.memref_squeeze %gather3A_1419 : memref<1x128x64xf32, #tpu.memory_space<vmem>> -> memref<128x64xf32, #tpu.memory_space<vmem>>
        %gather3A_1421 = tpu.vector_load_idx %gather3A_1420[%add3A_932, %add3A_1403] : memref<128x64xf32, #tpu.memory_space<vmem>>[vector<16xi32>, vector<16xi32>], vector<16xf32>,
        %gather3A_1422 = arith.constant 0 : i32
        %gather3A_1423 = arith.constant 0 : i32
        %gather3A_1424 = tpu.memref_slice %arg6[%scan3A_952, %gather3A_1422, %gather3A_1423] : memref<4x128x64xf32, #tpu.memory_space<vmem>> -> memref<1x128x64xf32, #tpu.memory_space<vmem>>
        %gather3A_1425 = tpu.memref_squeeze %gather3A_1424 : memref<1x128x64xf32, #tpu.memory_space<vmem>> -> memref<128x64xf32, #tpu.memory_space<vmem>>
        %gather3A_1426 = tpu.vector_load_idx %gather3A_1425[%add3A_935, %add3A_1403] : memref<128x64xf32, #tpu.memory_space<vmem>>[vector<16xi32>, vector<16xi32>], vector<16xf32>,
        %gather3A_1427 = arith.constant 0 : i32
        %gather3A_1428 = arith.constant 0 : i32
        %gather3A_1429 = tpu.memref_slice %arg6[%scan3A_952, %gather3A_1427, %gather3A_1428] : memref<4x128x64xf32, #tpu.memory_space<vmem>> -> memref<1x128x64xf32, #tpu.memory_space<vmem>>
        %gather3A_1430 = tpu.memref_squeeze %gather3A_1429 : memref<1x128x64xf32, #tpu.memory_space<vmem>> -> memref<128x64xf32, #tpu.memory_space<vmem>>
        %gather3A_1431 = tpu.vector_load_idx %gather3A_1430[%add3A_938, %add3A_1403] : memref<128x64xf32, #tpu.memory_space<vmem>>[vector<16xi32>, vector<16xi32>], vector<16xf32>,
        %gather3A_1432 = arith.constant 0 : i32
        %gather3A_1433 = arith.constant 0 : i32
        %gather3A_1434 = tpu.memref_slice %arg6[%scan3A_952, %gather3A_1432, %gather3A_1433] : memref<4x128x64xf32, #tpu.memory_space<vmem>> -> memref<1x128x64xf32, #tpu.memory_space<vmem>>
        %gather3A_1435 = tpu.memref_squeeze %gather3A_1434 : memref<1x128x64xf32, #tpu.memory_space<vmem>> -> memref<128x64xf32, #tpu.memory_space<vmem>>
        %gather3A_1436 = tpu.vector_load_idx %gather3A_1435[%add3A_941, %add3A_1403] : memref<128x64xf32, #tpu.memory_space<vmem>>[vector<16xi32>, vector<16xi32>], vector<16xf32>,
        %gather3A_1437 = arith.constant 0 : i32
        %gather3A_1438 = arith.constant 0 : i32
        %gather3A_1439 = tpu.memref_slice %arg6[%scan3A_952, %gather3A_1437, %gather3A_1438] : memref<4x128x64xf32, #tpu.memory_space<vmem>> -> memref<1x128x64xf32, #tpu.memory_space<vmem>>
        %gather3A_1440 = tpu.memref_squeeze %gather3A_1439 : memref<1x128x64xf32, #tpu.memory_space<vmem>> -> memref<128x64xf32, #tpu.memory_space<vmem>>
        %gather3A_1441 = tpu.vector_load_idx %gather3A_1440[%add3A_944, %add3A_1403] : memref<128x64xf32, #tpu.memory_space<vmem>>[vector<16xi32>, vector<16xi32>], vector<16xf32>,
        %gather3A_1442 = arith.constant 0 : i32
        %gather3A_1443 = arith.constant 0 : i32
        %gather3A_1444 = tpu.memref_slice %arg6[%scan3A_952, %gather3A_1442, %gather3A_1443] : memref<4x128x64xf32, #tpu.memory_space<vmem>> -> memref<1x128x64xf32, #tpu.memory_space<vmem>>
        %gather3A_1445 = tpu.memref_squeeze %gather3A_1444 : memref<1x128x64xf32, #tpu.memory_space<vmem>> -> memref<128x64xf32, #tpu.memory_space<vmem>>
        %gather3A_1446 = tpu.vector_load_idx %gather3A_1445[%add3A_947, %add3A_1403] : memref<128x64xf32, #tpu.memory_space<vmem>>[vector<16xi32>, vector<16xi32>], vector<16xf32>,
        %gather3A_1447 = arith.constant 0 : i32
        %gather3A_1448 = arith.constant 0 : i32
        %gather3A_1449 = tpu.memref_slice %arg6[%scan3A_952, %gather3A_1447, %gather3A_1448] : memref<4x128x64xf32, #tpu.memory_space<vmem>> -> memref<1x128x64xf32, #tpu.memory_space<vmem>>
        %gather3A_1450 = tpu.memref_squeeze %gather3A_1449 : memref<1x128x64xf32, #tpu.memory_space<vmem>> -> memref<128x64xf32, #tpu.memory_space<vmem>>
        %gather3A_1451 = tpu.vector_load_idx %gather3A_1450[%add3A_950, %add3A_1403] : memref<128x64xf32, #tpu.memory_space<vmem>>[vector<16xi32>, vector<16xi32>], vector<16xf32>,
        %scatter3A = arith.constant 0 : i32
        %scatter3A_1452 = arith.constant 0 : i32
        %scatter3A_1453 = tpu.memref_slice %arg7[%scan3A_953, %scatter3A, %scatter3A_1452] : memref<2x64x128xf32, #tpu.memory_space<vmem>> -> memref<1x64x128xf32, #tpu.memory_space<vmem>>
        %scatter3A_1454 = tpu.memref_squeeze %scatter3A_1453 : memref<1x64x128xf32, #tpu.memory_space<vmem>> -> memref<64x128xf32, #tpu.memory_space<vmem>>
        tpu.vector_store_idx %scatter3A_1454[%add3A_1403, %add3A_929], %gather3A_1416 : memref<64x128xf32, #tpu.memory_space<vmem>>[vector<16xi32>, vector<16xi32>], vector<16xf32>,
        %scatter3A_1455 = arith.constant 0 : i32
        %scatter3A_1456 = arith.constant 0 : i32
        %scatter3A_1457 = tpu.memref_slice %arg7[%scan3A_953, %scatter3A_1455, %scatter3A_1456] : memref<2x64x128xf32, #tpu.memory_space<vmem>> -> memref<1x64x128xf32, #tpu.memory_space<vmem>>
        %scatter3A_1458 = tpu.memref_squeeze %scatter3A_1457 : memref<1x64x128xf32, #tpu.memory_space<vmem>> -> memref<64x128xf32, #tpu.memory_space<vmem>>
        tpu.vector_store_idx %scatter3A_1458[%add3A_1403, %add3A_932], %gather3A_1421 : memref<64x128xf32, #tpu.memory_space<vmem>>[vector<16xi32>, vector<16xi32>], vector<16xf32>,
        %scatter3A_1459 = arith.constant 0 : i32
        %scatter3A_1460 = arith.constant 0 : i32
        %scatter3A_1461 = tpu.memref_slice %arg7[%scan3A_953, %scatter3A_1459, %scatter3A_1460] : memref<2x64x128xf32, #tpu.memory_space<vmem>> -> memref<1x64x128xf32, #tpu.memory_space<vmem>>
        %scatter3A_1462 = tpu.memref_squeeze %scatter3A_1461 : memref<1x64x128xf32, #tpu.memory_space<vmem>> -> memref<64x128xf32, #tpu.memory_space<vmem>>
        tpu.vector_store_idx %scatter3A_1462[%add3A_1403, %add3A_935], %gather3A_1426 : memref<64x128xf32, #tpu.memory_space<vmem>>[vector<16xi32>, vector<16xi32>], vector<16xf32>,
        %scatter3A_1463 = arith.constant 0 : i32
        %scatter3A_1464 = arith.constant 0 : i32
        %scatter3A_1465 = tpu.memref_slice %arg7[%scan3A_953, %scatter3A_1463, %scatter3A_1464] : memref<2x64x128xf32, #tpu.memory_space<vmem>> -> memref<1x64x128xf32, #tpu.memory_space<vmem>>
        %scatter3A_1466 = tpu.memref_squeeze %scatter3A_1465 : memref<1x64x128xf32, #tpu.memory_space<vmem>> -> memref<64x128xf32, #tpu.memory_space<vmem>>
        tpu.vector_store_idx %scatter3A_1466[%add3A_1403, %add3A_938], %gather3A_1431 : memref<64x128xf32, #tpu.memory_space<vmem>>[vector<16xi32>, vector<16xi32>], vector<16xf32>,
        %scatter3A_1467 = arith.constant 0 : i32
        %scatter3A_1468 = arith.constant 0 : i32
        %scatter3A_1469 = tpu.memref_slice %arg7[%scan3A_953, %scatter3A_1467, %scatter3A_1468] : memref<2x64x128xf32, #tpu.memory_space<vmem>> -> memref<1x64x128xf32, #tpu.memory_space<vmem>>
        %scatter3A_1470 = tpu.memref_squeeze %scatter3A_1469 : memref<1x64x128xf32, #tpu.memory_space<vmem>> -> memref<64x128xf32, #tpu.memory_space<vmem>>
        tpu.vector_store_idx %scatter3A_1470[%add3A_1403, %add3A_941], %gather3A_1436 : memref<64x128xf32, #tpu.memory_space<vmem>>[vector<16xi32>, vector<16xi32>], vector<16xf32>,
        %scatter3A_1471 = arith.constant 0 : i32
        %scatter3A_1472 = arith.constant 0 : i32
        %scatter3A_1473 = tpu.memref_slice %arg7[%scan3A_953, %scatter3A_1471, %scatter3A_1472] : memref<2x64x128xf32, #tpu.memory_space<vmem>> -> memref<1x64x128xf32, #tpu.memory_space<vmem>>
        %scatter3A_1474 = tpu.memref_squeeze %scatter3A_1473 : memref<1x64x128xf32, #tpu.memory_space<vmem>> -> memref<64x128xf32, #tpu.memory_space<vmem>>
        tpu.vector_store_idx %scatter3A_1474[%add3A_1403, %add3A_944], %gather3A_1441 : memref<64x128xf32, #tpu.memory_space<vmem>>[vector<16xi32>, vector<16xi32>], vector<16xf32>,
        %scatter3A_1475 = arith.constant 0 : i32
        %scatter3A_1476 = arith.constant 0 : i32
        %scatter3A_1477 = tpu.memref_slice %arg7[%scan3A_953, %scatter3A_1475, %scatter3A_1476] : memref<2x64x128xf32, #tpu.memory_space<vmem>> -> memref<1x64x128xf32, #tpu.memory_space<vmem>>
        %scatter3A_1478 = tpu.memref_squeeze %scatter3A_1477 : memref<1x64x128xf32, #tpu.memory_space<vmem>> -> memref<64x128xf32, #tpu.memory_space<vmem>>
        tpu.vector_store_idx %scatter3A_1478[%add3A_1403, %add3A_947], %gather3A_1446 : memref<64x128xf32, #tpu.memory_space<vmem>>[vector<16xi32>, vector<16xi32>], vector<16xf32>,
        %scatter3A_1479 = arith.constant 0 : i32
        %scatter3A_1480 = arith.constant 0 : i32
        %scatter3A_1481 = tpu.memref_slice %arg7[%scan3A_953, %scatter3A_1479, %scatter3A_1480] : memref<2x64x128xf32, #tpu.memory_space<vmem>> -> memref<1x64x128xf32, #tpu.memory_space<vmem>>
        %scatter3A_1482 = tpu.memref_squeeze %scatter3A_1481 : memref<1x64x128xf32, #tpu.memory_space<vmem>> -> memref<64x128xf32, #tpu.memory_space<vmem>>
        tpu.vector_store_idx %scatter3A_1482[%add3A_1403, %add3A_950], %gather3A_1451 : memref<64x128xf32, #tpu.memory_space<vmem>>[vector<16xi32>, vector<16xi32>], vector<16xf32>,
        %gather3A_1483 = arith.constant 0 : i32
        %gather3A_1484 = arith.constant 0 : i32
        %gather3A_1485 = tpu.memref_slice %arg6[%scan3A_952, %gather3A_1483, %gather3A_1484] : memref<4x128x64xf32, #tpu.memory_space<vmem>> -> memref<1x128x64xf32, #tpu.memory_space<vmem>>
        %gather3A_1486 = tpu.memref_squeeze %gather3A_1485 : memref<1x128x64xf32, #tpu.memory_space<vmem>> -> memref<128x64xf32, #tpu.memory_space<vmem>>
        %gather3A_1487 = tpu.vector_load_idx %gather3A_1486[%add3A_929, %add3A_1406] : memref<128x64xf32, #tpu.memory_space<vmem>>[vector<16xi32>, vector<16xi32>], vector<16xf32>,
        %gather3A_1488 = arith.constant 0 : i32
        %gather3A_1489 = arith.constant 0 : i32
        %gather3A_1490 = tpu.memref_slice %arg6[%scan3A_952, %gather3A_1488, %gather3A_1489] : memref<4x128x64xf32, #tpu.memory_space<vmem>> -> memref<1x128x64xf32, #tpu.memory_space<vmem>>
        %gather3A_1491 = tpu.memref_squeeze %gather3A_1490 : memref<1x128x64xf32, #tpu.memory_space<vmem>> -> memref<128x64xf32, #tpu.memory_space<vmem>>
        %gather3A_1492 = tpu.vector_load_idx %gather3A_1491[%add3A_932, %add3A_1406] : memref<128x64xf32, #tpu.memory_space<vmem>>[vector<16xi32>, vector<16xi32>], vector<16xf32>,
        %gather3A_1493 = arith.constant 0 : i32
        %gather3A_1494 = arith.constant 0 : i32
        %gather3A_1495 = tpu.memref_slice %arg6[%scan3A_952, %gather3A_1493, %gather3A_1494] : memref<4x128x64xf32, #tpu.memory_space<vmem>> -> memref<1x128x64xf32, #tpu.memory_space<vmem>>
        %gather3A_1496 = tpu.memref_squeeze %gather3A_1495 : memref<1x128x64xf32, #tpu.memory_space<vmem>> -> memref<128x64xf32, #tpu.memory_space<vmem>>
        %gather3A_1497 = tpu.vector_load_idx %gather3A_1496[%add3A_935, %add3A_1406] : memref<128x64xf32, #tpu.memory_space<vmem>>[vector<16xi32>, vector<16xi32>], vector<16xf32>,
        %gather3A_1498 = arith.constant 0 : i32
        %gather3A_1499 = arith.constant 0 : i32
        %gather3A_1500 = tpu.memref_slice %arg6[%scan3A_952, %gather3A_1498, %gather3A_1499] : memref<4x128x64xf32, #tpu.memory_space<vmem>> -> memref<1x128x64xf32, #tpu.memory_space<vmem>>
        %gather3A_1501 = tpu.memref_squeeze %gather3A_1500 : memref<1x128x64xf32, #tpu.memory_space<vmem>> -> memref<128x64xf32, #tpu.memory_space<vmem>>
        %gather3A_1502 = tpu.vector_load_idx %gather3A_1501[%add3A_938, %add3A_1406] : memref<128x64xf32, #tpu.memory_space<vmem>>[vector<16xi32>, vector<16xi32>], vector<16xf32>,
        %gather3A_1503 = arith.constant 0 : i32
        %gather3A_1504 = arith.constant 0 : i32
        %gather3A_1505 = tpu.memref_slice %arg6[%scan3A_952, %gather3A_1503, %gather3A_1504] : memref<4x128x64xf32, #tpu.memory_space<vmem>> -> memref<1x128x64xf32, #tpu.memory_space<vmem>>
        %gather3A_1506 = tpu.memref_squeeze %gather3A_1505 : memref<1x128x64xf32, #tpu.memory_space<vmem>> -> memref<128x64xf32, #tpu.memory_space<vmem>>
        %gather3A_1507 = tpu.vector_load_idx %gather3A_1506[%add3A_941, %add3A_1406] : memref<128x64xf32, #tpu.memory_space<vmem>>[vector<16xi32>, vector<16xi32>], vector<16xf32>,
        %gather3A_1508 = arith.constant 0 : i32
        %gather3A_1509 = arith.constant 0 : i32
        %gather3A_1510 = tpu.memref_slice %arg6[%scan3A_952, %gather3A_1508, %gather3A_1509] : memref<4x128x64xf32, #tpu.memory_space<vmem>> -> memref<1x128x64xf32, #tpu.memory_space<vmem>>
        %gather3A_1511 = tpu.memref_squeeze %gather3A_1510 : memref<1x128x64xf32, #tpu.memory_space<vmem>> -> memref<128x64xf32, #tpu.memory_space<vmem>>
        %gather3A_1512 = tpu.vector_load_idx %gather3A_1511[%add3A_944, %add3A_1406] : memref<128x64xf32, #tpu.memory_space<vmem>>[vector<16xi32>, vector<16xi32>], vector<16xf32>,
        %gather3A_1513 = arith.constant 0 : i32
        %gather3A_1514 = arith.constant 0 : i32
        %gather3A_1515 = tpu.memref_slice %arg6[%scan3A_952, %gather3A_1513, %gather3A_1514] : memref<4x128x64xf32, #tpu.memory_space<vmem>> -> memref<1x128x64xf32, #tpu.memory_space<vmem>>
        %gather3A_1516 = tpu.memref_squeeze %gather3A_1515 : memref<1x128x64xf32, #tpu.memory_space<vmem>> -> memref<128x64xf32, #tpu.memory_space<vmem>>
        %gather3A_1517 = tpu.vector_load_idx %gather3A_1516[%add3A_947, %add3A_1406] : memref<128x64xf32, #tpu.memory_space<vmem>>[vector<16xi32>, vector<16xi32>], vector<16xf32>,
        %gather3A_1518 = arith.constant 0 : i32
        %gather3A_1519 = arith.constant 0 : i32
        %gather3A_1520 = tpu.memref_slice %arg6[%scan3A_952, %gather3A_1518, %gather3A_1519] : memref<4x128x64xf32, #tpu.memory_space<vmem>> -> memref<1x128x64xf32, #tpu.memory_space<vmem>>
        %gather3A_1521 = tpu.memref_squeeze %gather3A_1520 : memref<1x128x64xf32, #tpu.memory_space<vmem>> -> memref<128x64xf32, #tpu.memory_space<vmem>>
        %gather3A_1522 = tpu.vector_load_idx %gather3A_1521[%add3A_950, %add3A_1406] : memref<128x64xf32, #tpu.memory_space<vmem>>[vector<16xi32>, vector<16xi32>], vector<16xf32>,
        %scatter3A_1523 = arith.constant 0 : i32
        %scatter3A_1524 = arith.constant 0 : i32
        %scatter3A_1525 = tpu.memref_slice %arg7[%scan3A_953, %scatter3A_1523, %scatter3A_1524] : memref<2x64x128xf32, #tpu.memory_space<vmem>> -> memref<1x64x128xf32, #tpu.memory_space<vmem>>
        %scatter3A_1526 = tpu.memref_squeeze %scatter3A_1525 : memref<1x64x128xf32, #tpu.memory_space<vmem>> -> memref<64x128xf32, #tpu.memory_space<vmem>>
        tpu.vector_store_idx %scatter3A_1526[%add3A_1406, %add3A_929], %gather3A_1487 : memref<64x128xf32, #tpu.memory_space<vmem>>[vector<16xi32>, vector<16xi32>], vector<16xf32>,
        %scatter3A_1527 = arith.constant 0 : i32
        %scatter3A_1528 = arith.constant 0 : i32
        %scatter3A_1529 = tpu.memref_slice %arg7[%scan3A_953, %scatter3A_1527, %scatter3A_1528] : memref<2x64x128xf32, #tpu.memory_space<vmem>> -> memref<1x64x128xf32, #tpu.memory_space<vmem>>
        %scatter3A_1530 = tpu.memref_squeeze %scatter3A_1529 : memref<1x64x128xf32, #tpu.memory_space<vmem>> -> memref<64x128xf32, #tpu.memory_space<vmem>>
        tpu.vector_store_idx %scatter3A_1530[%add3A_1406, %add3A_932], %gather3A_1492 : memref<64x128xf32, #tpu.memory_space<vmem>>[vector<16xi32>, vector<16xi32>], vector<16xf32>,
        %scatter3A_1531 = arith.constant 0 : i32
        %scatter3A_1532 = arith.constant 0 : i32
        %scatter3A_1533 = tpu.memref_slice %arg7[%scan3A_953, %scatter3A_1531, %scatter3A_1532] : memref<2x64x128xf32, #tpu.memory_space<vmem>> -> memref<1x64x128xf32, #tpu.memory_space<vmem>>
        %scatter3A_1534 = tpu.memref_squeeze %scatter3A_1533 : memref<1x64x128xf32, #tpu.memory_space<vmem>> -> memref<64x128xf32, #tpu.memory_space<vmem>>
        tpu.vector_store_idx %scatter3A_1534[%add3A_1406, %add3A_935], %gather3A_1497 : memref<64x128xf32, #tpu.memory_space<vmem>>[vector<16xi32>, vector<16xi32>], vector<16xf32>,
        %scatter3A_1535 = arith.constant 0 : i32
        %scatter3A_1536 = arith.constant 0 : i32
        %scatter3A_1537 = tpu.memref_slice %arg7[%scan3A_953, %scatter3A_1535, %scatter3A_1536] : memref<2x64x128xf32, #tpu.memory_space<vmem>> -> memref<1x64x128xf32, #tpu.memory_space<vmem>>
        %scatter3A_1538 = tpu.memref_squeeze %scatter3A_1537 : memref<1x64x128xf32, #tpu.memory_space<vmem>> -> memref<64x128xf32, #tpu.memory_space<vmem>>
        tpu.vector_store_idx %scatter3A_1538[%add3A_1406, %add3A_938], %gather3A_1502 : memref<64x128xf32, #tpu.memory_space<vmem>>[vector<16xi32>, vector<16xi32>], vector<16xf32>,
        %scatter3A_1539 = arith.constant 0 : i32
        %scatter3A_1540 = arith.constant 0 : i32
        %scatter3A_1541 = tpu.memref_slice %arg7[%scan3A_953, %scatter3A_1539, %scatter3A_1540] : memref<2x64x128xf32, #tpu.memory_space<vmem>> -> memref<1x64x128xf32, #tpu.memory_space<vmem>>
        %scatter3A_1542 = tpu.memref_squeeze %scatter3A_1541 : memref<1x64x128xf32, #tpu.memory_space<vmem>> -> memref<64x128xf32, #tpu.memory_space<vmem>>
        tpu.vector_store_idx %scatter3A_1542[%add3A_1406, %add3A_941], %gather3A_1507 : memref<64x128xf32, #tpu.memory_space<vmem>>[vector<16xi32>, vector<16xi32>], vector<16xf32>,
        %scatter3A_1543 = arith.constant 0 : i32
        %scatter3A_1544 = arith.constant 0 : i32
        %scatter3A_1545 = tpu.memref_slice %arg7[%scan3A_953, %scatter3A_1543, %scatter3A_1544] : memref<2x64x128xf32, #tpu.memory_space<vmem>> -> memref<1x64x128xf32, #tpu.memory_space<vmem>>
        %scatter3A_1546 = tpu.memref_squeeze %scatter3A_1545 : memref<1x64x128xf32, #tpu.memory_space<vmem>> -> memref<64x128xf32, #tpu.memory_space<vmem>>
        tpu.vector_store_idx %scatter3A_1546[%add3A_1406, %add3A_944], %gather3A_1512 : memref<64x128xf32, #tpu.memory_space<vmem>>[vector<16xi32>, vector<16xi32>], vector<16xf32>,
        %scatter3A_1547 = arith.constant 0 : i32
        %scatter3A_1548 = arith.constant 0 : i32
        %scatter3A_1549 = tpu.memref_slice %arg7[%scan3A_953, %scatter3A_1547, %scatter3A_1548] : memref<2x64x128xf32, #tpu.memory_space<vmem>> -> memref<1x64x128xf32, #tpu.memory_space<vmem>>
        %scatter3A_1550 = tpu.memref_squeeze %scatter3A_1549 : memref<1x64x128xf32, #tpu.memory_space<vmem>> -> memref<64x128xf32, #tpu.memory_space<vmem>>
        tpu.vector_store_idx %scatter3A_1550[%add3A_1406, %add3A_947], %gather3A_1517 : memref<64x128xf32, #tpu.memory_space<vmem>>[vector<16xi32>, vector<16xi32>], vector<16xf32>,
        %scatter3A_1551 = arith.constant 0 : i32
        %scatter3A_1552 = arith.constant 0 : i32
        %scatter3A_1553 = tpu.memref_slice %arg7[%scan3A_953, %scatter3A_1551, %scatter3A_1552] : memref<2x64x128xf32, #tpu.memory_space<vmem>> -> memref<1x64x128xf32, #tpu.memory_space<vmem>>
        %scatter3A_1554 = tpu.memref_squeeze %scatter3A_1553 : memref<1x64x128xf32, #tpu.memory_space<vmem>> -> memref<64x128xf32, #tpu.memory_space<vmem>>
        tpu.vector_store_idx %scatter3A_1554[%add3A_1406, %add3A_950], %gather3A_1522 : memref<64x128xf32, #tpu.memory_space<vmem>>[vector<16xi32>, vector<16xi32>], vector<16xf32>,
        %gather3A_1555 = arith.constant 0 : i32
        %gather3A_1556 = arith.constant 0 : i32
        %gather3A_1557 = tpu.memref_slice %arg6[%scan3A_952, %gather3A_1555, %gather3A_1556] : memref<4x128x64xf32, #tpu.memory_space<vmem>> -> memref<1x128x64xf32, #tpu.memory_space<vmem>>
        %gather3A_1558 = tpu.memref_squeeze %gather3A_1557 : memref<1x128x64xf32, #tpu.memory_space<vmem>> -> memref<128x64xf32, #tpu.memory_space<vmem>>
        %gather3A_1559 = tpu.vector_load_idx %gather3A_1558[%add3A_929, %add3A_1409] : memref<128x64xf32, #tpu.memory_space<vmem>>[vector<16xi32>, vector<16xi32>], vector<16xf32>,
        %gather3A_1560 = arith.constant 0 : i32
        %gather3A_1561 = arith.constant 0 : i32
        %gather3A_1562 = tpu.memref_slice %arg6[%scan3A_952, %gather3A_1560, %gather3A_1561] : memref<4x128x64xf32, #tpu.memory_space<vmem>> -> memref<1x128x64xf32, #tpu.memory_space<vmem>>
        %gather3A_1563 = tpu.memref_squeeze %gather3A_1562 : memref<1x128x64xf32, #tpu.memory_space<vmem>> -> memref<128x64xf32, #tpu.memory_space<vmem>>
        %gather3A_1564 = tpu.vector_load_idx %gather3A_1563[%add3A_932, %add3A_1409] : memref<128x64xf32, #tpu.memory_space<vmem>>[vector<16xi32>, vector<16xi32>], vector<16xf32>,
        %gather3A_1565 = arith.constant 0 : i32
        %gather3A_1566 = arith.constant 0 : i32
        %gather3A_1567 = tpu.memref_slice %arg6[%scan3A_952, %gather3A_1565, %gather3A_1566] : memref<4x128x64xf32, #tpu.memory_space<vmem>> -> memref<1x128x64xf32, #tpu.memory_space<vmem>>
        %gather3A_1568 = tpu.memref_squeeze %gather3A_1567 : memref<1x128x64xf32, #tpu.memory_space<vmem>> -> memref<128x64xf32, #tpu.memory_space<vmem>>
        %gather3A_1569 = tpu.vector_load_idx %gather3A_1568[%add3A_935, %add3A_1409] : memref<128x64xf32, #tpu.memory_space<vmem>>[vector<16xi32>, vector<16xi32>], vector<16xf32>,
        %gather3A_1570 = arith.constant 0 : i32
        %gather3A_1571 = arith.constant 0 : i32
        %gather3A_1572 = tpu.memref_slice %arg6[%scan3A_952, %gather3A_1570, %gather3A_1571] : memref<4x128x64xf32, #tpu.memory_space<vmem>> -> memref<1x128x64xf32, #tpu.memory_space<vmem>>
        %gather3A_1573 = tpu.memref_squeeze %gather3A_1572 : memref<1x128x64xf32, #tpu.memory_space<vmem>> -> memref<128x64xf32, #tpu.memory_space<vmem>>
        %gather3A_1574 = tpu.vector_load_idx %gather3A_1573[%add3A_938, %add3A_1409] : memref<128x64xf32, #tpu.memory_space<vmem>>[vector<16xi32>, vector<16xi32>], vector<16xf32>,
        %gather3A_1575 = arith.constant 0 : i32
        %gather3A_1576 = arith.constant 0 : i32
        %gather3A_1577 = tpu.memref_slice %arg6[%scan3A_952, %gather3A_1575, %gather3A_1576] : memref<4x128x64xf32, #tpu.memory_space<vmem>> -> memref<1x128x64xf32, #tpu.memory_space<vmem>>
        %gather3A_1578 = tpu.memref_squeeze %gather3A_1577 : memref<1x128x64xf32, #tpu.memory_space<vmem>> -> memref<128x64xf32, #tpu.memory_space<vmem>>
        %gather3A_1579 = tpu.vector_load_idx %gather3A_1578[%add3A_941, %add3A_1409] : memref<128x64xf32, #tpu.memory_space<vmem>>[vector<16xi32>, vector<16xi32>], vector<16xf32>,
        %gather3A_1580 = arith.constant 0 : i32
        %gather3A_1581 = arith.constant 0 : i32
        %gather3A_1582 = tpu.memref_slice %arg6[%scan3A_952, %gather3A_1580, %gather3A_1581] : memref<4x128x64xf32, #tpu.memory_space<vmem>> -> memref<1x128x64xf32, #tpu.memory_space<vmem>>
        %gather3A_1583 = tpu.memref_squeeze %gather3A_1582 : memref<1x128x64xf32, #tpu.memory_space<vmem>> -> memref<128x64xf32, #tpu.memory_space<vmem>>
        %gather3A_1584 = tpu.vector_load_idx %gather3A_1583[%add3A_944, %add3A_1409] : memref<128x64xf32, #tpu.memory_space<vmem>>[vector<16xi32>, vector<16xi32>], vector<16xf32>,
        %gather3A_1585 = arith.constant 0 : i32
        %gather3A_1586 = arith.constant 0 : i32
        %gather3A_1587 = tpu.memref_slice %arg6[%scan3A_952, %gather3A_1585, %gather3A_1586] : memref<4x128x64xf32, #tpu.memory_space<vmem>> -> memref<1x128x64xf32, #tpu.memory_space<vmem>>
        %gather3A_1588 = tpu.memref_squeeze %gather3A_1587 : memref<1x128x64xf32, #tpu.memory_space<vmem>> -> memref<128x64xf32, #tpu.memory_space<vmem>>
        %gather3A_1589 = tpu.vector_load_idx %gather3A_1588[%add3A_947, %add3A_1409] : memref<128x64xf32, #tpu.memory_space<vmem>>[vector<16xi32>, vector<16xi32>], vector<16xf32>,
        %gather3A_1590 = arith.constant 0 : i32
        %gather3A_1591 = arith.constant 0 : i32
        %gather3A_1592 = tpu.memref_slice %arg6[%scan3A_952, %gather3A_1590, %gather3A_1591] : memref<4x128x64xf32, #tpu.memory_space<vmem>> -> memref<1x128x64xf32, #tpu.memory_space<vmem>>
        %gather3A_1593 = tpu.memref_squeeze %gather3A_1592 : memref<1x128x64xf32, #tpu.memory_space<vmem>> -> memref<128x64xf32, #tpu.memory_space<vmem>>
        %gather3A_1594 = tpu.vector_load_idx %gather3A_1593[%add3A_950, %add3A_1409] : memref<128x64xf32, #tpu.memory_space<vmem>>[vector<16xi32>, vector<16xi32>], vector<16xf32>,
        %scatter3A_1595 = arith.constant 0 : i32
        %scatter3A_1596 = arith.constant 0 : i32
        %scatter3A_1597 = tpu.memref_slice %arg7[%scan3A_953, %scatter3A_1595, %scatter3A_1596] : memref<2x64x128xf32, #tpu.memory_space<vmem>> -> memref<1x64x128xf32, #tpu.memory_space<vmem>>
        %scatter3A_1598 = tpu.memref_squeeze %scatter3A_1597 : memref<1x64x128xf32, #tpu.memory_space<vmem>> -> memref<64x128xf32, #tpu.memory_space<vmem>>
        tpu.vector_store_idx %scatter3A_1598[%add3A_1409, %add3A_929], %gather3A_1559 : memref<64x128xf32, #tpu.memory_space<vmem>>[vector<16xi32>, vector<16xi32>], vector<16xf32>,
        %scatter3A_1599 = arith.constant 0 : i32
        %scatter3A_1600 = arith.constant 0 : i32
        %scatter3A_1601 = tpu.memref_slice %arg7[%scan3A_953, %scatter3A_1599, %scatter3A_1600] : memref<2x64x128xf32, #tpu.memory_space<vmem>> -> memref<1x64x128xf32, #tpu.memory_space<vmem>>
        %scatter3A_1602 = tpu.memref_squeeze %scatter3A_1601 : memref<1x64x128xf32, #tpu.memory_space<vmem>> -> memref<64x128xf32, #tpu.memory_space<vmem>>
        tpu.vector_store_idx %scatter3A_1602[%add3A_1409, %add3A_932], %gather3A_1564 : memref<64x128xf32, #tpu.memory_space<vmem>>[vector<16xi32>, vector<16xi32>], vector<16xf32>,
        %scatter3A_1603 = arith.constant 0 : i32
        %scatter3A_1604 = arith.constant 0 : i32
        %scatter3A_1605 = tpu.memref_slice %arg7[%scan3A_953, %scatter3A_1603, %scatter3A_1604] : memref<2x64x128xf32, #tpu.memory_space<vmem>> -> memref<1x64x128xf32, #tpu.memory_space<vmem>>
        %scatter3A_1606 = tpu.memref_squeeze %scatter3A_1605 : memref<1x64x128xf32, #tpu.memory_space<vmem>> -> memref<64x128xf32, #tpu.memory_space<vmem>>
        tpu.vector_store_idx %scatter3A_1606[%add3A_1409, %add3A_935], %gather3A_1569 : memref<64x128xf32, #tpu.memory_space<vmem>>[vector<16xi32>, vector<16xi32>], vector<16xf32>,
        %scatter3A_1607 = arith.constant 0 : i32
        %scatter3A_1608 = arith.constant 0 : i32
        %scatter3A_1609 = tpu.memref_slice %arg7[%scan3A_953, %scatter3A_1607, %scatter3A_1608] : memref<2x64x128xf32, #tpu.memory_space<vmem>> -> memref<1x64x128xf32, #tpu.memory_space<vmem>>
        %scatter3A_1610 = tpu.memref_squeeze %scatter3A_1609 : memref<1x64x128xf32, #tpu.memory_space<vmem>> -> memref<64x128xf32, #tpu.memory_space<vmem>>
        tpu.vector_store_idx %scatter3A_1610[%add3A_1409, %add3A_938], %gather3A_1574 : memref<64x128xf32, #tpu.memory_space<vmem>>[vector<16xi32>, vector<16xi32>], vector<16xf32>,
        %scatter3A_1611 = arith.constant 0 : i32
        %scatter3A_1612 = arith.constant 0 : i32
        %scatter3A_1613 = tpu.memref_slice %arg7[%scan3A_953, %scatter3A_1611, %scatter3A_1612] : memref<2x64x128xf32, #tpu.memory_space<vmem>> -> memref<1x64x128xf32, #tpu.memory_space<vmem>>
        %scatter3A_1614 = tpu.memref_squeeze %scatter3A_1613 : memref<1x64x128xf32, #tpu.memory_space<vmem>> -> memref<64x128xf32, #tpu.memory_space<vmem>>
        tpu.vector_store_idx %scatter3A_1614[%add3A_1409, %add3A_941], %gather3A_1579 : memref<64x128xf32, #tpu.memory_space<vmem>>[vector<16xi32>, vector<16xi32>], vector<16xf32>,
        %scatter3A_1615 = arith.constant 0 : i32
        %scatter3A_1616 = arith.constant 0 : i32
        %scatter3A_1617 = tpu.memref_slice %arg7[%scan3A_953, %scatter3A_1615, %scatter3A_1616] : memref<2x64x128xf32, #tpu.memory_space<vmem>> -> memref<1x64x128xf32, #tpu.memory_space<vmem>>
        %scatter3A_1618 = tpu.memref_squeeze %scatter3A_1617 : memref<1x64x128xf32, #tpu.memory_space<vmem>> -> memref<64x128xf32, #tpu.memory_space<vmem>>
        tpu.vector_store_idx %scatter3A_1618[%add3A_1409, %add3A_944], %gather3A_1584 : memref<64x128xf32, #tpu.memory_space<vmem>>[vector<16xi32>, vector<16xi32>], vector<16xf32>,
        %scatter3A_1619 = arith.constant 0 : i32
        %scatter3A_1620 = arith.constant 0 : i32
        %scatter3A_1621 = tpu.memref_slice %arg7[%scan3A_953, %scatter3A_1619, %scatter3A_1620] : memref<2x64x128xf32, #tpu.memory_space<vmem>> -> memref<1x64x128xf32, #tpu.memory_space<vmem>>
        %scatter3A_1622 = tpu.memref_squeeze %scatter3A_1621 : memref<1x64x128xf32, #tpu.memory_space<vmem>> -> memref<64x128xf32, #tpu.memory_space<vmem>>
        tpu.vector_store_idx %scatter3A_1622[%add3A_1409, %add3A_947], %gather3A_1589 : memref<64x128xf32, #tpu.memory_space<vmem>>[vector<16xi32>, vector<16xi32>], vector<16xf32>,
        %scatter3A_1623 = arith.constant 0 : i32
        %scatter3A_1624 = arith.constant 0 : i32
        %scatter3A_1625 = tpu.memref_slice %arg7[%scan3A_953, %scatter3A_1623, %scatter3A_1624] : memref<2x64x128xf32, #tpu.memory_space<vmem>> -> memref<1x64x128xf32, #tpu.memory_space<vmem>>
        %scatter3A_1626 = tpu.memref_squeeze %scatter3A_1625 : memref<1x64x128xf32, #tpu.memory_space<vmem>> -> memref<64x128xf32, #tpu.memory_space<vmem>>
        tpu.vector_store_idx %scatter3A_1626[%add3A_1409, %add3A_950], %gather3A_1594 : memref<64x128xf32, #tpu.memory_space<vmem>>[vector<16xi32>, vector<16xi32>], vector<16xf32>,
        %gather3A_1627 = arith.constant 0 : i32
        %gather3A_1628 = arith.constant 0 : i32
        %gather3A_1629 = tpu.memref_slice %arg6[%scan3A_952, %gather3A_1627, %gather3A_1628] : memref<4x128x64xf32, #tpu.memory_space<vmem>> -> memref<1x128x64xf32, #tpu.memory_space<vmem>>
        %gather3A_1630 = tpu.memref_squeeze %gather3A_1629 : memref<1x128x64xf32, #tpu.memory_space<vmem>> -> memref<128x64xf32, #tpu.memory_space<vmem>>
        %gather3A_1631 = tpu.vector_load_idx %gather3A_1630[%add3A_929, %add3A_1412] : memref<128x64xf32, #tpu.memory_space<vmem>>[vector<16xi32>, vector<16xi32>], vector<16xf32>,
        %gather3A_1632 = arith.constant 0 : i32
        %gather3A_1633 = arith.constant 0 : i32
        %gather3A_1634 = tpu.memref_slice %arg6[%scan3A_952, %gather3A_1632, %gather3A_1633] : memref<4x128x64xf32, #tpu.memory_space<vmem>> -> memref<1x128x64xf32, #tpu.memory_space<vmem>>
        %gather3A_1635 = tpu.memref_squeeze %gather3A_1634 : memref<1x128x64xf32, #tpu.memory_space<vmem>> -> memref<128x64xf32, #tpu.memory_space<vmem>>
        %gather3A_1636 = tpu.vector_load_idx %gather3A_1635[%add3A_932, %add3A_1412] : memref<128x64xf32, #tpu.memory_space<vmem>>[vector<16xi32>, vector<16xi32>], vector<16xf32>,
        %gather3A_1637 = arith.constant 0 : i32
        %gather3A_1638 = arith.constant 0 : i32
        %gather3A_1639 = tpu.memref_slice %arg6[%scan3A_952, %gather3A_1637, %gather3A_1638] : memref<4x128x64xf32, #tpu.memory_space<vmem>> -> memref<1x128x64xf32, #tpu.memory_space<vmem>>
        %gather3A_1640 = tpu.memref_squeeze %gather3A_1639 : memref<1x128x64xf32, #tpu.memory_space<vmem>> -> memref<128x64xf32, #tpu.memory_space<vmem>>
        %gather3A_1641 = tpu.vector_load_idx %gather3A_1640[%add3A_935, %add3A_1412] : memref<128x64xf32, #tpu.memory_space<vmem>>[vector<16xi32>, vector<16xi32>], vector<16xf32>,
        %gather3A_1642 = arith.constant 0 : i32
        %gather3A_1643 = arith.constant 0 : i32
        %gather3A_1644 = tpu.memref_slice %arg6[%scan3A_952, %gather3A_1642, %gather3A_1643] : memref<4x128x64xf32, #tpu.memory_space<vmem>> -> memref<1x128x64xf32, #tpu.memory_space<vmem>>
        %gather3A_1645 = tpu.memref_squeeze %gather3A_1644 : memref<1x128x64xf32, #tpu.memory_space<vmem>> -> memref<128x64xf32, #tpu.memory_space<vmem>>
        %gather3A_1646 = tpu.vector_load_idx %gather3A_1645[%add3A_938, %add3A_1412] : memref<128x64xf32, #tpu.memory_space<vmem>>[vector<16xi32>, vector<16xi32>], vector<16xf32>,
        %gather3A_1647 = arith.constant 0 : i32
        %gather3A_1648 = arith.constant 0 : i32
        %gather3A_1649 = tpu.memref_slice %arg6[%scan3A_952, %gather3A_1647, %gather3A_1648] : memref<4x128x64xf32, #tpu.memory_space<vmem>> -> memref<1x128x64xf32, #tpu.memory_space<vmem>>
        %gather3A_1650 = tpu.memref_squeeze %gather3A_1649 : memref<1x128x64xf32, #tpu.memory_space<vmem>> -> memref<128x64xf32, #tpu.memory_space<vmem>>
        %gather3A_1651 = tpu.vector_load_idx %gather3A_1650[%add3A_941, %add3A_1412] : memref<128x64xf32, #tpu.memory_space<vmem>>[vector<16xi32>, vector<16xi32>], vector<16xf32>,
        %gather3A_1652 = arith.constant 0 : i32
        %gather3A_1653 = arith.constant 0 : i32
        %gather3A_1654 = tpu.memref_slice %arg6[%scan3A_952, %gather3A_1652, %gather3A_1653] : memref<4x128x64xf32, #tpu.memory_space<vmem>> -> memref<1x128x64xf32, #tpu.memory_space<vmem>>
        %gather3A_1655 = tpu.memref_squeeze %gather3A_1654 : memref<1x128x64xf32, #tpu.memory_space<vmem>> -> memref<128x64xf32, #tpu.memory_space<vmem>>
        %gather3A_1656 = tpu.vector_load_idx %gather3A_1655[%add3A_944, %add3A_1412] : memref<128x64xf32, #tpu.memory_space<vmem>>[vector<16xi32>, vector<16xi32>], vector<16xf32>,
        %gather3A_1657 = arith.constant 0 : i32
        %gather3A_1658 = arith.constant 0 : i32
        %gather3A_1659 = tpu.memref_slice %arg6[%scan3A_952, %gather3A_1657, %gather3A_1658] : memref<4x128x64xf32, #tpu.memory_space<vmem>> -> memref<1x128x64xf32, #tpu.memory_space<vmem>>
        %gather3A_1660 = tpu.memref_squeeze %gather3A_1659 : memref<1x128x64xf32, #tpu.memory_space<vmem>> -> memref<128x64xf32, #tpu.memory_space<vmem>>
        %gather3A_1661 = tpu.vector_load_idx %gather3A_1660[%add3A_947, %add3A_1412] : memref<128x64xf32, #tpu.memory_space<vmem>>[vector<16xi32>, vector<16xi32>], vector<16xf32>,
        %gather3A_1662 = arith.constant 0 : i32
        %gather3A_1663 = arith.constant 0 : i32
        %gather3A_1664 = tpu.memref_slice %arg6[%scan3A_952, %gather3A_1662, %gather3A_1663] : memref<4x128x64xf32, #tpu.memory_space<vmem>> -> memref<1x128x64xf32, #tpu.memory_space<vmem>>
        %gather3A_1665 = tpu.memref_squeeze %gather3A_1664 : memref<1x128x64xf32, #tpu.memory_space<vmem>> -> memref<128x64xf32, #tpu.memory_space<vmem>>
        %gather3A_1666 = tpu.vector_load_idx %gather3A_1665[%add3A_950, %add3A_1412] : memref<128x64xf32, #tpu.memory_space<vmem>>[vector<16xi32>, vector<16xi32>], vector<16xf32>,
        %scatter3A_1667 = arith.constant 0 : i32
        %scatter3A_1668 = arith.constant 0 : i32
        %scatter3A_1669 = tpu.memref_slice %arg7[%scan3A_953, %scatter3A_1667, %scatter3A_1668] : memref<2x64x128xf32, #tpu.memory_space<vmem>> -> memref<1x64x128xf32, #tpu.memory_space<vmem>>
        %scatter3A_1670 = tpu.memref_squeeze %scatter3A_1669 : memref<1x64x128xf32, #tpu.memory_space<vmem>> -> memref<64x128xf32, #tpu.memory_space<vmem>>
        tpu.vector_store_idx %scatter3A_1670[%add3A_1412, %add3A_929], %gather3A_1631 : memref<64x128xf32, #tpu.memory_space<vmem>>[vector<16xi32>, vector<16xi32>], vector<16xf32>,
        %scatter3A_1671 = arith.constant 0 : i32
        %scatter3A_1672 = arith.constant 0 : i32
        %scatter3A_1673 = tpu.memref_slice %arg7[%scan3A_953, %scatter3A_1671, %scatter3A_1672] : memref<2x64x128xf32, #tpu.memory_space<vmem>> -> memref<1x64x128xf32, #tpu.memory_space<vmem>>
        %scatter3A_1674 = tpu.memref_squeeze %scatter3A_1673 : memref<1x64x128xf32, #tpu.memory_space<vmem>> -> memref<64x128xf32, #tpu.memory_space<vmem>>
        tpu.vector_store_idx %scatter3A_1674[%add3A_1412, %add3A_932], %gather3A_1636 : memref<64x128xf32, #tpu.memory_space<vmem>>[vector<16xi32>, vector<16xi32>], vector<16xf32>,
        %scatter3A_1675 = arith.constant 0 : i32
        %scatter3A_1676 = arith.constant 0 : i32
        %scatter3A_1677 = tpu.memref_slice %arg7[%scan3A_953, %scatter3A_1675, %scatter3A_1676] : memref<2x64x128xf32, #tpu.memory_space<vmem>> -> memref<1x64x128xf32, #tpu.memory_space<vmem>>
        %scatter3A_1678 = tpu.memref_squeeze %scatter3A_1677 : memref<1x64x128xf32, #tpu.memory_space<vmem>> -> memref<64x128xf32, #tpu.memory_space<vmem>>
        tpu.vector_store_idx %scatter3A_1678[%add3A_1412, %add3A_935], %gather3A_1641 : memref<64x128xf32, #tpu.memory_space<vmem>>[vector<16xi32>, vector<16xi32>], vector<16xf32>,
        %scatter3A_1679 = arith.constant 0 : i32
        %scatter3A_1680 = arith.constant 0 : i32
        %scatter3A_1681 = tpu.memref_slice %arg7[%scan3A_953, %scatter3A_1679, %scatter3A_1680] : memref<2x64x128xf32, #tpu.memory_space<vmem>> -> memref<1x64x128xf32, #tpu.memory_space<vmem>>
        %scatter3A_1682 = tpu.memref_squeeze %scatter3A_1681 : memref<1x64x128xf32, #tpu.memory_space<vmem>> -> memref<64x128xf32, #tpu.memory_space<vmem>>
        tpu.vector_store_idx %scatter3A_1682[%add3A_1412, %add3A_938], %gather3A_1646 : memref<64x128xf32, #tpu.memory_space<vmem>>[vector<16xi32>, vector<16xi32>], vector<16xf32>,
        %scatter3A_1683 = arith.constant 0 : i32
        %scatter3A_1684 = arith.constant 0 : i32
        %scatter3A_1685 = tpu.memref_slice %arg7[%scan3A_953, %scatter3A_1683, %scatter3A_1684] : memref<2x64x128xf32, #tpu.memory_space<vmem>> -> memref<1x64x128xf32, #tpu.memory_space<vmem>>
        %scatter3A_1686 = tpu.memref_squeeze %scatter3A_1685 : memref<1x64x128xf32, #tpu.memory_space<vmem>> -> memref<64x128xf32, #tpu.memory_space<vmem>>
        tpu.vector_store_idx %scatter3A_1686[%add3A_1412, %add3A_941], %gather3A_1651 : memref<64x128xf32, #tpu.memory_space<vmem>>[vector<16xi32>, vector<16xi32>], vector<16xf32>,
        %scatter3A_1687 = arith.constant 0 : i32
        %scatter3A_1688 = arith.constant 0 : i32
        %scatter3A_1689 = tpu.memref_slice %arg7[%scan3A_953, %scatter3A_1687, %scatter3A_1688] : memref<2x64x128xf32, #tpu.memory_space<vmem>> -> memref<1x64x128xf32, #tpu.memory_space<vmem>>
        %scatter3A_1690 = tpu.memref_squeeze %scatter3A_1689 : memref<1x64x128xf32, #tpu.memory_space<vmem>> -> memref<64x128xf32, #tpu.memory_space<vmem>>
        tpu.vector_store_idx %scatter3A_1690[%add3A_1412, %add3A_944], %gather3A_1656 : memref<64x128xf32, #tpu.memory_space<vmem>>[vector<16xi32>, vector<16xi32>], vector<16xf32>,
        %scatter3A_1691 = arith.constant 0 : i32
        %scatter3A_1692 = arith.constant 0 : i32
        %scatter3A_1693 = tpu.memref_slice %arg7[%scan3A_953, %scatter3A_1691, %scatter3A_1692] : memref<2x64x128xf32, #tpu.memory_space<vmem>> -> memref<1x64x128xf32, #tpu.memory_space<vmem>>
        %scatter3A_1694 = tpu.memref_squeeze %scatter3A_1693 : memref<1x64x128xf32, #tpu.memory_space<vmem>> -> memref<64x128xf32, #tpu.memory_space<vmem>>
        tpu.vector_store_idx %scatter3A_1694[%add3A_1412, %add3A_947], %gather3A_1661 : memref<64x128xf32, #tpu.memory_space<vmem>>[vector<16xi32>, vector<16xi32>], vector<16xf32>,
        %scatter3A_1695 = arith.constant 0 : i32
        %scatter3A_1696 = arith.constant 0 : i32
        %scatter3A_1697 = tpu.memref_slice %arg7[%scan3A_953, %scatter3A_1695, %scatter3A_1696] : memref<2x64x128xf32, #tpu.memory_space<vmem>> -> memref<1x64x128xf32, #tpu.memory_space<vmem>>
        %scatter3A_1698 = tpu.memref_squeeze %scatter3A_1697 : memref<1x64x128xf32, #tpu.memory_space<vmem>> -> memref<64x128xf32, #tpu.memory_space<vmem>>
        tpu.vector_store_idx %scatter3A_1698[%add3A_1412, %add3A_950], %gather3A_1666 : memref<64x128xf32, #tpu.memory_space<vmem>>[vector<16xi32>, vector<16xi32>], vector<16xf32>,
      }
      %scan3A_958 = arith.constant 16 : i32
      %add3A_959 = arith.constant 4 : i32
      %add3A_960 = arith.addi %add3A_884, %add3A_959 : i32
      %lt3A_961 = arith.constant 200 : i32
      %lt3A_962 = arith.cmpi slt, %add3A_960, %lt3A_961 : i32
      %convert_element_type3A_963 = arith.extui %lt3A_962 : i1 to i32
      %cond3A_964 = arith.constant 0 : i32
      %cond3A_965 = arith.cmpi ne, %convert_element_type3A_963, %cond3A_964 : i32
      scf.if %cond3A_965 {
        %add3A_1395 = arith.constant 4 : i32
        %add3A_1396 = arith.addi %add3A_884, %add3A_1395 : i32
        %jit3A_1397 = arith.constant 4 : i32
        %div3A_1398 = arith.divsi %add3A_1396, %jit3A_1397 : i32
        %sign3A_1399 = arith.constant 0 : i32
        %sign3A_1400 = arith.cmpi sgt, %add3A_1396, %sign3A_1399 : i32
        %sign3A_1401 = arith.extui %sign3A_1400 : i1 to i32
        %sign3A_1402 = arith.constant 0 : i32
        %sign3A_1403 = arith.cmpi slt, %add3A_1396, %sign3A_1402 : i32
        %sign3A_1404 = arith.extui %sign3A_1403 : i1 to i32
        %sign3A_1405 = arith.subi %sign3A_1401, %sign3A_1404 : i32
        %sign3A_1406 = arith.constant 0 : i32
        %sign3A_1407 = arith.cmpi sgt, %jit3A_1397, %sign3A_1406 : i32
        %sign3A_1408 = arith.extui %sign3A_1407 : i1 to i32
        %sign3A_1409 = arith.constant 0 : i32
        %sign3A_1410 = arith.cmpi slt, %jit3A_1397, %sign3A_1409 : i32
        %sign3A_1411 = arith.extui %sign3A_1410 : i1 to i32
        %sign3A_1412 = arith.subi %sign3A_1408, %sign3A_1411 : i32
        %ne3A_1413 = arith.cmpi ne, %sign3A_1405, %sign3A_1412 : i32
        %rem3A_1414 = arith.remsi %add3A_1396, %jit3A_1397 : i32
        %ne3A_1415 = arith.constant 0 : i32
        %ne3A_1416 = arith.cmpi ne, %rem3A_1414, %ne3A_1415 : i32
        %and3A_1417 = arith.andi %ne3A_1413, %ne3A_1416 : i1
        %sub3A_1418 = arith.constant 1 : i32
        %sub3A_1419 = arith.subi %div3A_1398, %sub3A_1418 : i32
        %select_n3A_1420 = arith.select %and3A_1417, %sub3A_1419, %div3A_1398 : i32
        %rem3A_1421 = arith.constant 4 : i32
        %rem3A_1422 = arith.remsi %add3A_1396, %rem3A_1421 : i32
        %dma_start3A_1423 = arith.constant 2 : i32
        %dma_start3A_1424 = arith.constant 0 : i32
        %dma_start3A_1425 = arith.constant 0 : i32
        %dma_start3A_1426 = tpu.memref_slice %arg6[%dma_start3A_1423, %dma_start3A_1424, %dma_start3A_1425] : memref<4x128x64xf32, #tpu.memory_space<vmem>> -> memref<1x128x64xf32, #tpu.memory_space<vmem>>
        %dma_start3A_1427 = tpu.memref_squeeze %dma_start3A_1426 : memref<1x128x64xf32, #tpu.memory_space<vmem>> -> memref<128x64xf32, #tpu.memory_space<vmem>>
        %dma_start3A_1428 = arith.constant 0 : i32
        %dma_start3A_1429 = tpu.memref_slice %arg5[%select_n3A_1420, %rem3A_1422, %dma_start3A_1428] : memref<50x4x128xi32, #tpu.memory_space<vmem>> -> memref<1x1x128xi32, #tpu.memory_space<vmem>>
        %dma_start3A_1430 = tpu.memref_squeeze %dma_start3A_1429 : memref<1x1x128xi32, #tpu.memory_space<vmem>> -> memref<128xi32, #tpu.memory_space<vmem>>
        %dma_start3A_1431 = arith.constant 0 : i32
        %dma_start3A_1432 = arith.constant 0 : i32
        %dma_start3A_1433 = tpu.memref_slice %arg3[%dma_start3A_1431, %dma_start3A_1432] : memref<100000x64xf32, #tpu.memory_space<hbm>> -> memref<100000x64xf32, #tpu.memory_space<hbm>>
        tpu.enqueue_indirect_dma source(%dma_start3A_1433 : memref<100000x64xf32, #tpu.memory_space<hbm>>) target(%dma_start3A_1427 : memref<128x64xf32, #tpu.memory_space<vmem>>) offsets(%dma_start3A_1430 : memref<128xi32, #tpu.memory_space<vmem>>) semaphore(%arg10 : memref<!tpu.dma_semaphore, #tpu.memory_space<semaphore_mem>>)
      } else {
      }
      %jit3A_966 = arith.constant 4 : i32
      %div3A_967 = arith.divsi %add3A_884, %jit3A_966 : i32
      %sign3A_968 = arith.constant 0 : i32
      %sign3A_969 = arith.cmpi sgt, %add3A_884, %sign3A_968 : i32
      %sign3A_970 = arith.extui %sign3A_969 : i1 to i32
      %sign3A_971 = arith.constant 0 : i32
      %sign3A_972 = arith.cmpi slt, %add3A_884, %sign3A_971 : i32
      %sign3A_973 = arith.extui %sign3A_972 : i1 to i32
      %sign3A_974 = arith.subi %sign3A_970, %sign3A_973 : i32
      %sign3A_975 = arith.constant 0 : i32
      %sign3A_976 = arith.cmpi sgt, %jit3A_966, %sign3A_975 : i32
      %sign3A_977 = arith.extui %sign3A_976 : i1 to i32
      %sign3A_978 = arith.constant 0 : i32
      %sign3A_979 = arith.cmpi slt, %jit3A_966, %sign3A_978 : i32
      %sign3A_980 = arith.extui %sign3A_979 : i1 to i32
      %sign3A_981 = arith.subi %sign3A_977, %sign3A_980 : i32
      %ne3A_982 = arith.cmpi ne, %sign3A_974, %sign3A_981 : i32
      %rem3A_983 = arith.remsi %add3A_884, %jit3A_966 : i32
      %ne3A_984 = arith.constant 0 : i32
      %ne3A_985 = arith.cmpi ne, %rem3A_983, %ne3A_984 : i32
      %and3A_986 = arith.andi %ne3A_982, %ne3A_985 : i1
      %sub3A_987 = arith.constant 1 : i32
      %sub3A_988 = arith.subi %div3A_967, %sub3A_987 : i32
      %select_n3A_989 = arith.select %and3A_986, %sub3A_988, %div3A_967 : i32
      %mul3A_990 = arith.constant 4 : i32
      %mul3A_991 = arith.muli %add3A, %mul3A_990 : i32
      %rem3A_992 = arith.constant 4 : i32
      %rem3A_993 = arith.remsi %add3A_884, %rem3A_992 : i32
      %add3A_994 = arith.addi %mul3A_991, %rem3A_993 : i32
      %dma_start3A_995 = arith.constant 0 : i32
      %dma_start3A_996 = arith.constant 0 : i32
      %dma_start3A_997 = arith.constant 0 : i32
      %dma_start3A_998 = arith.constant 0 : i32
      %dma_start3A_999 = tpu.memref_slice %arg7[%dma_start3A_995, %dma_start3A_997, %dma_start3A_998] : memref<2x64x128xf32, #tpu.memory_space<vmem>> -> memref<1x8x128xf32, #tpu.memory_space<vmem>>
      %dma_start3A_1000 = tpu.memref_squeeze %dma_start3A_999 : memref<1x8x128xf32, #tpu.memory_space<vmem>> -> memref<8x128xf32, #tpu.memory_space<vmem>>
      %dma_start3A_1001 = arith.constant 0 : i32
      %dma_start3A_1002 = arith.constant 0 : i32
      %dma_start3A_1003 = tpu.memref_slice %arg4[%select_n3A_989, %dma_start3A_996, %add3A_994, %dma_start3A_1001, %dma_start3A_1002] : memref<50x8x128x8x128xf32, #tpu.memory_space<hbm>> -> memref<1x1x1x8x128xf32, #tpu.memory_space<hbm>>
      %dma_start3A_1004 = tpu.memref_squeeze %dma_start3A_1003 : memref<1x1x1x8x128xf32, #tpu.memory_space<hbm>> -> memref<8x128xf32, #tpu.memory_space<hbm>>
      %dma_start3A_1005 = arith.constant 0 : i32
      %dma_start3A_1006 = arith.constant 0 : i32
      %dma_start3A_1007 = tpu.memref_slice %arg4[%select_n3A_989, %dma_start3A_996, %add3A_994, %dma_start3A_1005, %dma_start3A_1006] : memref<50x8x128x8x128xf32, #tpu.memory_space<hbm>> -> memref<1x1x1x8x128xf32, #tpu.memory_space<hbm>>
      %dma_start3A_1008 = tpu.memref_squeeze %dma_start3A_1007 : memref<1x1x1x8x128xf32, #tpu.memory_space<hbm>> -> memref<8x128xf32, #tpu.memory_space<hbm>>
      %dma_start3A_1009 = arith.constant 0 : i32
      %dma_start3A_1010 = arith.constant 0 : i32
      %dma_start3A_1011 = tpu.memref_slice %arg7[%dma_start3A_995, %dma_start3A_1009, %dma_start3A_1010] : memref<2x64x128xf32, #tpu.memory_space<vmem>> -> memref<1x8x128xf32, #tpu.memory_space<vmem>>
      %dma_start3A_1012 = tpu.memref_squeeze %dma_start3A_1011 : memref<1x8x128xf32, #tpu.memory_space<vmem>> -> memref<8x128xf32, #tpu.memory_space<vmem>>
      tpu.enqueue_dma source(%dma_start3A_1012 : memref<8x128xf32, #tpu.memory_space<vmem>>) target(%dma_start3A_1008 : memref<8x128xf32, #tpu.memory_space<hbm>>) target_semaphore(%arg12 : memref<!tpu.dma_semaphore, #tpu.memory_space<semaphore_mem>>)
      %dma_start3A_1013 = arith.constant 0 : i32
      %dma_start3A_1014 = arith.constant 1 : i32
      %dma_start3A_1015 = arith.constant 8 : i32
      %dma_start3A_1016 = arith.constant 0 : i32
      %dma_start3A_1017 = tpu.memref_slice %arg7[%dma_start3A_1013, %dma_start3A_1015, %dma_start3A_1016] : memref<2x64x128xf32, #tpu.memory_space<vmem>> -> memref<1x8x128xf32, #tpu.memory_space<vmem>>
      %dma_start3A_1018 = tpu.memref_squeeze %dma_start3A_1017 : memref<1x8x128xf32, #tpu.memory_space<vmem>> -> memref<8x128xf32, #tpu.memory_space<vmem>>
      %dma_start3A_1019 = arith.constant 0 : i32
      %dma_start3A_1020 = arith.constant 0 : i32
      %dma_start3A_1021 = tpu.memref_slice %arg4[%select_n3A_989, %dma_start3A_1014, %add3A_994, %dma_start3A_1019, %dma_start3A_1020] : memref<50x8x128x8x128xf32, #tpu.memory_space<hbm>> -> memref<1x1x1x8x128xf32, #tpu.memory_space<hbm>>
      %dma_start3A_1022 = tpu.memref_squeeze %dma_start3A_1021 : memref<1x1x1x8x128xf32, #tpu.memory_space<hbm>> -> memref<8x128xf32, #tpu.memory_space<hbm>>
      %dma_start3A_1023 = arith.constant 0 : i32
      %dma_start3A_1024 = arith.constant 0 : i32
      %dma_start3A_1025 = tpu.memref_slice %arg4[%select_n3A_989, %dma_start3A_1014, %add3A_994, %dma_start3A_1023, %dma_start3A_1024] : memref<50x8x128x8x128xf32, #tpu.memory_space<hbm>> -> memref<1x1x1x8x128xf32, #tpu.memory_space<hbm>>
      %dma_start3A_1026 = tpu.memref_squeeze %dma_start3A_1025 : memref<1x1x1x8x128xf32, #tpu.memory_space<hbm>> -> memref<8x128xf32, #tpu.memory_space<hbm>>
      %dma_start3A_1027 = arith.constant 8 : i32
      %dma_start3A_1028 = arith.constant 0 : i32
      %dma_start3A_1029 = tpu.memref_slice %arg7[%dma_start3A_1013, %dma_start3A_1027, %dma_start3A_1028] : memref<2x64x128xf32, #tpu.memory_space<vmem>> -> memref<1x8x128xf32, #tpu.memory_space<vmem>>
      %dma_start3A_1030 = tpu.memref_squeeze %dma_start3A_1029 : memref<1x8x128xf32, #tpu.memory_space<vmem>> -> memref<8x128xf32, #tpu.memory_space<vmem>>
      tpu.enqueue_dma source(%dma_start3A_1030 : memref<8x128xf32, #tpu.memory_space<vmem>>) target(%dma_start3A_1026 : memref<8x128xf32, #tpu.memory_space<hbm>>) target_semaphore(%arg12 : memref<!tpu.dma_semaphore, #tpu.memory_space<semaphore_mem>>)
      %dma_start3A_1031 = arith.constant 0 : i32
      %dma_start3A_1032 = arith.constant 2 : i32
      %dma_start3A_1033 = arith.constant 16 : i32
      %dma_start3A_1034 = arith.constant 0 : i32
      %dma_start3A_1035 = tpu.memref_slice %arg7[%dma_start3A_1031, %dma_start3A_1033, %dma_start3A_1034] : memref<2x64x128xf32, #tpu.memory_space<vmem>> -> memref<1x8x128xf32, #tpu.memory_space<vmem>>
      %dma_start3A_1036 = tpu.memref_squeeze %dma_start3A_1035 : memref<1x8x128xf32, #tpu.memory_space<vmem>> -> memref<8x128xf32, #tpu.memory_space<vmem>>
      %dma_start3A_1037 = arith.constant 0 : i32
      %dma_start3A_1038 = arith.constant 0 : i32
      %dma_start3A_1039 = tpu.memref_slice %arg4[%select_n3A_989, %dma_start3A_1032, %add3A_994, %dma_start3A_1037, %dma_start3A_1038] : memref<50x8x128x8x128xf32, #tpu.memory_space<hbm>> -> memref<1x1x1x8x128xf32, #tpu.memory_space<hbm>>
      %dma_start3A_1040 = tpu.memref_squeeze %dma_start3A_1039 : memref<1x1x1x8x128xf32, #tpu.memory_space<hbm>> -> memref<8x128xf32, #tpu.memory_space<hbm>>
      %dma_start3A_1041 = arith.constant 0 : i32
      %dma_start3A_1042 = arith.constant 0 : i32
      %dma_start3A_1043 = tpu.memref_slice %arg4[%select_n3A_989, %dma_start3A_1032, %add3A_994, %dma_start3A_1041, %dma_start3A_1042] : memref<50x8x128x8x128xf32, #tpu.memory_space<hbm>> -> memref<1x1x1x8x128xf32, #tpu.memory_space<hbm>>
      %dma_start3A_1044 = tpu.memref_squeeze %dma_start3A_1043 : memref<1x1x1x8x128xf32, #tpu.memory_space<hbm>> -> memref<8x128xf32, #tpu.memory_space<hbm>>
      %dma_start3A_1045 = arith.constant 16 : i32
      %dma_start3A_1046 = arith.constant 0 : i32
      %dma_start3A_1047 = tpu.memref_slice %arg7[%dma_start3A_1031, %dma_start3A_1045, %dma_start3A_1046] : memref<2x64x128xf32, #tpu.memory_space<vmem>> -> memref<1x8x128xf32, #tpu.memory_space<vmem>>
      %dma_start3A_1048 = tpu.memref_squeeze %dma_start3A_1047 : memref<1x8x128xf32, #tpu.memory_space<vmem>> -> memref<8x128xf32, #tpu.memory_space<vmem>>
      tpu.enqueue_dma source(%dma_start3A_1048 : memref<8x128xf32, #tpu.memory_space<vmem>>) target(%dma_start3A_1044 : memref<8x128xf32, #tpu.memory_space<hbm>>) target_semaphore(%arg12 : memref<!tpu.dma_semaphore, #tpu.memory_space<semaphore_mem>>)
      %dma_start3A_1049 = arith.constant 0 : i32
      %dma_start3A_1050 = arith.constant 3 : i32
      %dma_start3A_1051 = arith.constant 24 : i32
      %dma_start3A_1052 = arith.constant 0 : i32
      %dma_start3A_1053 = tpu.memref_slice %arg7[%dma_start3A_1049, %dma_start3A_1051, %dma_start3A_1052] : memref<2x64x128xf32, #tpu.memory_space<vmem>> -> memref<1x8x128xf32, #tpu.memory_space<vmem>>
      %dma_start3A_1054 = tpu.memref_squeeze %dma_start3A_1053 : memref<1x8x128xf32, #tpu.memory_space<vmem>> -> memref<8x128xf32, #tpu.memory_space<vmem>>
      %dma_start3A_1055 = arith.constant 0 : i32
      %dma_start3A_1056 = arith.constant 0 : i32
      %dma_start3A_1057 = tpu.memref_slice %arg4[%select_n3A_989, %dma_start3A_1050, %add3A_994, %dma_start3A_1055, %dma_start3A_1056] : memref<50x8x128x8x128xf32, #tpu.memory_space<hbm>> -> memref<1x1x1x8x128xf32, #tpu.memory_space<hbm>>
      %dma_start3A_1058 = tpu.memref_squeeze %dma_start3A_1057 : memref<1x1x1x8x128xf32, #tpu.memory_space<hbm>> -> memref<8x128xf32, #tpu.memory_space<hbm>>
      %dma_start3A_1059 = arith.constant 0 : i32
      %dma_start3A_1060 = arith.constant 0 : i32
      %dma_start3A_1061 = tpu.memref_slice %arg4[%select_n3A_989, %dma_start3A_1050, %add3A_994, %dma_start3A_1059, %dma_start3A_1060] : memref<50x8x128x8x128xf32, #tpu.memory_space<hbm>> -> memref<1x1x1x8x128xf32, #tpu.memory_space<hbm>>
      %dma_start3A_1062 = tpu.memref_squeeze %dma_start3A_1061 : memref<1x1x1x8x128xf32, #tpu.memory_space<hbm>> -> memref<8x128xf32, #tpu.memory_space<hbm>>
      %dma_start3A_1063 = arith.constant 24 : i32
      %dma_start3A_1064 = arith.constant 0 : i32
      %dma_start3A_1065 = tpu.memref_slice %arg7[%dma_start3A_1049, %dma_start3A_1063, %dma_start3A_1064] : memref<2x64x128xf32, #tpu.memory_space<vmem>> -> memref<1x8x128xf32, #tpu.memory_space<vmem>>
      %dma_start3A_1066 = tpu.memref_squeeze %dma_start3A_1065 : memref<1x8x128xf32, #tpu.memory_space<vmem>> -> memref<8x128xf32, #tpu.memory_space<vmem>>
      tpu.enqueue_dma source(%dma_start3A_1066 : memref<8x128xf32, #tpu.memory_space<vmem>>) target(%dma_start3A_1062 : memref<8x128xf32, #tpu.memory_space<hbm>>) target_semaphore(%arg12 : memref<!tpu.dma_semaphore, #tpu.memory_space<semaphore_mem>>)
      %dma_start3A_1067 = arith.constant 0 : i32
      %dma_start3A_1068 = arith.constant 4 : i32
      %dma_start3A_1069 = arith.constant 32 : i32
      %dma_start3A_1070 = arith.constant 0 : i32
      %dma_start3A_1071 = tpu.memref_slice %arg7[%dma_start3A_1067, %dma_start3A_1069, %dma_start3A_1070] : memref<2x64x128xf32, #tpu.memory_space<vmem>> -> memref<1x8x128xf32, #tpu.memory_space<vmem>>
      %dma_start3A_1072 = tpu.memref_squeeze %dma_start3A_1071 : memref<1x8x128xf32, #tpu.memory_space<vmem>> -> memref<8x128xf32, #tpu.memory_space<vmem>>
      %dma_start3A_1073 = arith.constant 0 : i32
      %dma_start3A_1074 = arith.constant 0 : i32
      %dma_start3A_1075 = tpu.memref_slice %arg4[%select_n3A_989, %dma_start3A_1068, %add3A_994, %dma_start3A_1073, %dma_start3A_1074] : memref<50x8x128x8x128xf32, #tpu.memory_space<hbm>> -> memref<1x1x1x8x128xf32, #tpu.memory_space<hbm>>
      %dma_start3A_1076 = tpu.memref_squeeze %dma_start3A_1075 : memref<1x1x1x8x128xf32, #tpu.memory_space<hbm>> -> memref<8x128xf32, #tpu.memory_space<hbm>>
      %dma_start3A_1077 = arith.constant 0 : i32
      %dma_start3A_1078 = arith.constant 0 : i32
      %dma_start3A_1079 = tpu.memref_slice %arg4[%select_n3A_989, %dma_start3A_1068, %add3A_994, %dma_start3A_1077, %dma_start3A_1078] : memref<50x8x128x8x128xf32, #tpu.memory_space<hbm>> -> memref<1x1x1x8x128xf32, #tpu.memory_space<hbm>>
      %dma_start3A_1080 = tpu.memref_squeeze %dma_start3A_1079 : memref<1x1x1x8x128xf32, #tpu.memory_space<hbm>> -> memref<8x128xf32, #tpu.memory_space<hbm>>
      %dma_start3A_1081 = arith.constant 32 : i32
      %dma_start3A_1082 = arith.constant 0 : i32
      %dma_start3A_1083 = tpu.memref_slice %arg7[%dma_start3A_1067, %dma_start3A_1081, %dma_start3A_1082] : memref<2x64x128xf32, #tpu.memory_space<vmem>> -> memref<1x8x128xf32, #tpu.memory_space<vmem>>
      %dma_start3A_1084 = tpu.memref_squeeze %dma_start3A_1083 : memref<1x8x128xf32, #tpu.memory_space<vmem>> -> memref<8x128xf32, #tpu.memory_space<vmem>>
      tpu.enqueue_dma source(%dma_start3A_1084 : memref<8x128xf32, #tpu.memory_space<vmem>>) target(%dma_start3A_1080 : memref<8x128xf32, #tpu.memory_space<hbm>>) target_semaphore(%arg12 : memref<!tpu.dma_semaphore, #tpu.memory_space<semaphore_mem>>)
      %dma_start3A_1085 = arith.constant 0 : i32
      %dma_start3A_1086 = arith.constant 5 : i32
      %dma_start3A_1087 = arith.constant 40 : i32
      %dma_start3A_1088 = arith.constant 0 : i32
      %dma_start3A_1089 = tpu.memref_slice %arg7[%dma_start3A_1085, %dma_start3A_1087, %dma_start3A_1088] : memref<2x64x128xf32, #tpu.memory_space<vmem>> -> memref<1x8x128xf32, #tpu.memory_space<vmem>>
      %dma_start3A_1090 = tpu.memref_squeeze %dma_start3A_1089 : memref<1x8x128xf32, #tpu.memory_space<vmem>> -> memref<8x128xf32, #tpu.memory_space<vmem>>
      %dma_start3A_1091 = arith.constant 0 : i32
      %dma_start3A_1092 = arith.constant 0 : i32
      %dma_start3A_1093 = tpu.memref_slice %arg4[%select_n3A_989, %dma_start3A_1086, %add3A_994, %dma_start3A_1091, %dma_start3A_1092] : memref<50x8x128x8x128xf32, #tpu.memory_space<hbm>> -> memref<1x1x1x8x128xf32, #tpu.memory_space<hbm>>
      %dma_start3A_1094 = tpu.memref_squeeze %dma_start3A_1093 : memref<1x1x1x8x128xf32, #tpu.memory_space<hbm>> -> memref<8x128xf32, #tpu.memory_space<hbm>>
      %dma_start3A_1095 = arith.constant 0 : i32
      %dma_start3A_1096 = arith.constant 0 : i32
      %dma_start3A_1097 = tpu.memref_slice %arg4[%select_n3A_989, %dma_start3A_1086, %add3A_994, %dma_start3A_1095, %dma_start3A_1096] : memref<50x8x128x8x128xf32, #tpu.memory_space<hbm>> -> memref<1x1x1x8x128xf32, #tpu.memory_space<hbm>>
      %dma_start3A_1098 = tpu.memref_squeeze %dma_start3A_1097 : memref<1x1x1x8x128xf32, #tpu.memory_space<hbm>> -> memref<8x128xf32, #tpu.memory_space<hbm>>
      %dma_start3A_1099 = arith.constant 40 : i32
      %dma_start3A_1100 = arith.constant 0 : i32
      %dma_start3A_1101 = tpu.memref_slice %arg7[%dma_start3A_1085, %dma_start3A_1099, %dma_start3A_1100] : memref<2x64x128xf32, #tpu.memory_space<vmem>> -> memref<1x8x128xf32, #tpu.memory_space<vmem>>
      %dma_start3A_1102 = tpu.memref_squeeze %dma_start3A_1101 : memref<1x8x128xf32, #tpu.memory_space<vmem>> -> memref<8x128xf32, #tpu.memory_space<vmem>>
      tpu.enqueue_dma source(%dma_start3A_1102 : memref<8x128xf32, #tpu.memory_space<vmem>>) target(%dma_start3A_1098 : memref<8x128xf32, #tpu.memory_space<hbm>>) target_semaphore(%arg12 : memref<!tpu.dma_semaphore, #tpu.memory_space<semaphore_mem>>)
      %dma_start3A_1103 = arith.constant 0 : i32
      %dma_start3A_1104 = arith.constant 6 : i32
      %dma_start3A_1105 = arith.constant 48 : i32
      %dma_start3A_1106 = arith.constant 0 : i32
      %dma_start3A_1107 = tpu.memref_slice %arg7[%dma_start3A_1103, %dma_start3A_1105, %dma_start3A_1106] : memref<2x64x128xf32, #tpu.memory_space<vmem>> -> memref<1x8x128xf32, #tpu.memory_space<vmem>>
      %dma_start3A_1108 = tpu.memref_squeeze %dma_start3A_1107 : memref<1x8x128xf32, #tpu.memory_space<vmem>> -> memref<8x128xf32, #tpu.memory_space<vmem>>
      %dma_start3A_1109 = arith.constant 0 : i32
      %dma_start3A_1110 = arith.constant 0 : i32
      %dma_start3A_1111 = tpu.memref_slice %arg4[%select_n3A_989, %dma_start3A_1104, %add3A_994, %dma_start3A_1109, %dma_start3A_1110] : memref<50x8x128x8x128xf32, #tpu.memory_space<hbm>> -> memref<1x1x1x8x128xf32, #tpu.memory_space<hbm>>
      %dma_start3A_1112 = tpu.memref_squeeze %dma_start3A_1111 : memref<1x1x1x8x128xf32, #tpu.memory_space<hbm>> -> memref<8x128xf32, #tpu.memory_space<hbm>>
      %dma_start3A_1113 = arith.constant 0 : i32
      %dma_start3A_1114 = arith.constant 0 : i32
      %dma_start3A_1115 = tpu.memref_slice %arg4[%select_n3A_989, %dma_start3A_1104, %add3A_994, %dma_start3A_1113, %dma_start3A_1114] : memref<50x8x128x8x128xf32, #tpu.memory_space<hbm>> -> memref<1x1x1x8x128xf32, #tpu.memory_space<hbm>>
      %dma_start3A_1116 = tpu.memref_squeeze %dma_start3A_1115 : memref<1x1x1x8x128xf32, #tpu.memory_space<hbm>> -> memref<8x128xf32, #tpu.memory_space<hbm>>
      %dma_start3A_1117 = arith.constant 48 : i32
      %dma_start3A_1118 = arith.constant 0 : i32
      %dma_start3A_1119 = tpu.memref_slice %arg7[%dma_start3A_1103, %dma_start3A_1117, %dma_start3A_1118] : memref<2x64x128xf32, #tpu.memory_space<vmem>> -> memref<1x8x128xf32, #tpu.memory_space<vmem>>
      %dma_start3A_1120 = tpu.memref_squeeze %dma_start3A_1119 : memref<1x8x128xf32, #tpu.memory_space<vmem>> -> memref<8x128xf32, #tpu.memory_space<vmem>>
      tpu.enqueue_dma source(%dma_start3A_1120 : memref<8x128xf32, #tpu.memory_space<vmem>>) target(%dma_start3A_1116 : memref<8x128xf32, #tpu.memory_space<hbm>>) target_semaphore(%arg12 : memref<!tpu.dma_semaphore, #tpu.memory_space<semaphore_mem>>)
      %dma_start3A_1121 = arith.constant 0 : i32
      %dma_start3A_1122 = arith.constant 7 : i32
      %dma_start3A_1123 = arith.constant 56 : i32
      %dma_start3A_1124 = arith.constant 0 : i32
      %dma_start3A_1125 = tpu.memref_slice %arg7[%dma_start3A_1121, %dma_start3A_1123, %dma_start3A_1124] : memref<2x64x128xf32, #tpu.memory_space<vmem>> -> memref<1x8x128xf32, #tpu.memory_space<vmem>>
      %dma_start3A_1126 = tpu.memref_squeeze %dma_start3A_1125 : memref<1x8x128xf32, #tpu.memory_space<vmem>> -> memref<8x128xf32, #tpu.memory_space<vmem>>
      %dma_start3A_1127 = arith.constant 0 : i32
      %dma_start3A_1128 = arith.constant 0 : i32
      %dma_start3A_1129 = tpu.memref_slice %arg4[%select_n3A_989, %dma_start3A_1122, %add3A_994, %dma_start3A_1127, %dma_start3A_1128] : memref<50x8x128x8x128xf32, #tpu.memory_space<hbm>> -> memref<1x1x1x8x128xf32, #tpu.memory_space<hbm>>
      %dma_start3A_1130 = tpu.memref_squeeze %dma_start3A_1129 : memref<1x1x1x8x128xf32, #tpu.memory_space<hbm>> -> memref<8x128xf32, #tpu.memory_space<hbm>>
      %dma_start3A_1131 = arith.constant 0 : i32
      %dma_start3A_1132 = arith.constant 0 : i32
      %dma_start3A_1133 = tpu.memref_slice %arg4[%select_n3A_989, %dma_start3A_1122, %add3A_994, %dma_start3A_1131, %dma_start3A_1132] : memref<50x8x128x8x128xf32, #tpu.memory_space<hbm>> -> memref<1x1x1x8x128xf32, #tpu.memory_space<hbm>>
      %dma_start3A_1134 = tpu.memref_squeeze %dma_start3A_1133 : memref<1x1x1x8x128xf32, #tpu.memory_space<hbm>> -> memref<8x128xf32, #tpu.memory_space<hbm>>
      %dma_start3A_1135 = arith.constant 56 : i32
      %dma_start3A_1136 = arith.constant 0 : i32
      %dma_start3A_1137 = tpu.memref_slice %arg7[%dma_start3A_1121, %dma_start3A_1135, %dma_start3A_1136] : memref<2x64x128xf32, #tpu.memory_space<vmem>> -> memref<1x8x128xf32, #tpu.memory_space<vmem>>
      %dma_start3A_1138 = tpu.memref_squeeze %dma_start3A_1137 : memref<1x8x128xf32, #tpu.memory_space<vmem>> -> memref<8x128xf32, #tpu.memory_space<vmem>>
      tpu.enqueue_dma source(%dma_start3A_1138 : memref<8x128xf32, #tpu.memory_space<vmem>>) target(%dma_start3A_1134 : memref<8x128xf32, #tpu.memory_space<hbm>>) target_semaphore(%arg12 : memref<!tpu.dma_semaphore, #tpu.memory_space<semaphore_mem>>)
      %add3A_1139 = arith.constant 3 : i32
      %add3A_1140 = arith.addi %mul3A_383, %add3A_1139 : i32
      %ge3A_1141 = arith.constant 2 : i32
      %ge3A_1142 = arith.cmpi sge, %add3A_1140, %ge3A_1141 : i32
      %convert_element_type3A_1143 = arith.extui %ge3A_1142 : i1 to i32
      %cond3A_1144 = arith.constant 0 : i32
      %cond3A_1145 = arith.cmpi ne, %convert_element_type3A_1143, %cond3A_1144 : i32
      scf.if %cond3A_1145 {
        %sub3A_1395 = arith.constant 2 : i32
        %sub3A_1396 = arith.subi %add3A_1140, %sub3A_1395 : i32
        %jit3A_1397 = arith.constant 4 : i32
        %div3A_1398 = arith.divsi %sub3A_1396, %jit3A_1397 : i32
        %sign3A_1399 = arith.constant 0 : i32
        %sign3A_1400 = arith.cmpi sgt, %sub3A_1396, %sign3A_1399 : i32
        %sign3A_1401 = arith.extui %sign3A_1400 : i1 to i32
        %sign3A_1402 = arith.constant 0 : i32
        %sign3A_1403 = arith.cmpi slt, %sub3A_1396, %sign3A_1402 : i32
        %sign3A_1404 = arith.extui %sign3A_1403 : i1 to i32
        %sign3A_1405 = arith.subi %sign3A_1401, %sign3A_1404 : i32
        %sign3A_1406 = arith.constant 0 : i32
        %sign3A_1407 = arith.cmpi sgt, %jit3A_1397, %sign3A_1406 : i32
        %sign3A_1408 = arith.extui %sign3A_1407 : i1 to i32
        %sign3A_1409 = arith.constant 0 : i32
        %sign3A_1410 = arith.cmpi slt, %jit3A_1397, %sign3A_1409 : i32
        %sign3A_1411 = arith.extui %sign3A_1410 : i1 to i32
        %sign3A_1412 = arith.subi %sign3A_1408, %sign3A_1411 : i32
        %ne3A_1413 = arith.cmpi ne, %sign3A_1405, %sign3A_1412 : i32
        %rem3A_1414 = arith.remsi %sub3A_1396, %jit3A_1397 : i32
        %ne3A_1415 = arith.constant 0 : i32
        %ne3A_1416 = arith.cmpi ne, %rem3A_1414, %ne3A_1415 : i32
        %and3A_1417 = arith.andi %ne3A_1413, %ne3A_1416 : i1
        %sub3A_1418 = arith.constant 1 : i32
        %sub3A_1419 = arith.subi %div3A_1398, %sub3A_1418 : i32
        %select_n3A_1420 = arith.select %and3A_1417, %sub3A_1419, %div3A_1398 : i32
        %mul3A_1421 = arith.constant 4 : i32
        %mul3A_1422 = arith.muli %add3A, %mul3A_1421 : i32
        %rem3A_1423 = arith.constant 4 : i32
        %rem3A_1424 = arith.remsi %sub3A_1396, %rem3A_1423 : i32
        %add3A_1425 = arith.addi %mul3A_1422, %rem3A_1424 : i32
        %dma_wait3A_1426 = arith.constant 1 : i32
        %dma_wait3A_1427 = arith.constant 0 : i32
        %dma_wait3A_1428 = arith.constant 0 : i32
        %dma_wait3A_1429 = arith.constant 0 : i32
        %dma_wait3A_1430 = tpu.memref_slice %arg7[%dma_wait3A_1426, %dma_wait3A_1428, %dma_wait3A_1429] : memref<2x64x128xf32, #tpu.memory_space<vmem>> -> memref<1x8x128xf32, #tpu.memory_space<vmem>>
        %dma_wait3A_1431 = tpu.memref_squeeze %dma_wait3A_1430 : memref<1x8x128xf32, #tpu.memory_space<vmem>> -> memref<8x128xf32, #tpu.memory_space<vmem>>
        %dma_wait3A_1432 = arith.constant 0 : i32
        %dma_wait3A_1433 = arith.constant 0 : i32
        %dma_wait3A_1434 = tpu.memref_slice %arg4[%select_n3A_1420, %dma_wait3A_1427, %add3A_1425, %dma_wait3A_1432, %dma_wait3A_1433] : memref<50x8x128x8x128xf32, #tpu.memory_space<hbm>> -> memref<1x1x1x8x128xf32, #tpu.memory_space<hbm>>
        %dma_wait3A_1435 = tpu.memref_squeeze %dma_wait3A_1434 : memref<1x1x1x8x128xf32, #tpu.memory_space<hbm>> -> memref<8x128xf32, #tpu.memory_space<hbm>>
        %dma_wait3A_1436 = arith.constant 0 : i32
        %dma_wait3A_1437 = arith.constant 0 : i32
        %dma_wait3A_1438 = tpu.memref_slice %arg4[%select_n3A_1420, %dma_wait3A_1427, %add3A_1425, %dma_wait3A_1436, %dma_wait3A_1437] : memref<50x8x128x8x128xf32, #tpu.memory_space<hbm>> -> memref<1x1x1x8x128xf32, #tpu.memory_space<hbm>>
        %dma_wait3A_1439 = tpu.memref_squeeze %dma_wait3A_1438 : memref<1x1x1x8x128xf32, #tpu.memory_space<hbm>> -> memref<8x128xf32, #tpu.memory_space<hbm>>
        %dma_wait3A_1440 = arith.constant 0 : i32
        %dma_wait3A_1441 = arith.constant 0 : i32
        %dma_wait3A_1442 = tpu.memref_slice %arg7[%dma_wait3A_1426, %dma_wait3A_1440, %dma_wait3A_1441] : memref<2x64x128xf32, #tpu.memory_space<vmem>> -> memref<1x8x128xf32, #tpu.memory_space<vmem>>
        %dma_wait3A_1443 = tpu.memref_squeeze %dma_wait3A_1442 : memref<1x8x128xf32, #tpu.memory_space<vmem>> -> memref<8x128xf32, #tpu.memory_space<vmem>>
        tpu.wait_dma2 semaphore(%arg13 : memref<!tpu.dma_semaphore, #tpu.memory_space<semaphore_mem>>) src(%dma_wait3A_1443 : memref<8x128xf32, #tpu.memory_space<vmem>>) dst(%dma_wait3A_1439 : memref<8x128xf32, #tpu.memory_space<hbm>>)
        %dma_wait3A_1444 = arith.constant 1 : i32
        %dma_wait3A_1445 = arith.constant 1 : i32
        %dma_wait3A_1446 = arith.constant 8 : i32
        %dma_wait3A_1447 = arith.constant 0 : i32
        %dma_wait3A_1448 = tpu.memref_slice %arg7[%dma_wait3A_1444, %dma_wait3A_1446, %dma_wait3A_1447] : memref<2x64x128xf32, #tpu.memory_space<vmem>> -> memref<1x8x128xf32, #tpu.memory_space<vmem>>
        %dma_wait3A_1449 = tpu.memref_squeeze %dma_wait3A_1448 : memref<1x8x128xf32, #tpu.memory_space<vmem>> -> memref<8x128xf32, #tpu.memory_space<vmem>>
        %dma_wait3A_1450 = arith.constant 0 : i32
        %dma_wait3A_1451 = arith.constant 0 : i32
        %dma_wait3A_1452 = tpu.memref_slice %arg4[%select_n3A_1420, %dma_wait3A_1445, %add3A_1425, %dma_wait3A_1450, %dma_wait3A_1451] : memref<50x8x128x8x128xf32, #tpu.memory_space<hbm>> -> memref<1x1x1x8x128xf32, #tpu.memory_space<hbm>>
        %dma_wait3A_1453 = tpu.memref_squeeze %dma_wait3A_1452 : memref<1x1x1x8x128xf32, #tpu.memory_space<hbm>> -> memref<8x128xf32, #tpu.memory_space<hbm>>
        %dma_wait3A_1454 = arith.constant 0 : i32
        %dma_wait3A_1455 = arith.constant 0 : i32
        %dma_wait3A_1456 = tpu.memref_slice %arg4[%select_n3A_1420, %dma_wait3A_1445, %add3A_1425, %dma_wait3A_1454, %dma_wait3A_1455] : memref<50x8x128x8x128xf32, #tpu.memory_space<hbm>> -> memref<1x1x1x8x128xf32, #tpu.memory_space<hbm>>
        %dma_wait3A_1457 = tpu.memref_squeeze %dma_wait3A_1456 : memref<1x1x1x8x128xf32, #tpu.memory_space<hbm>> -> memref<8x128xf32, #tpu.memory_space<hbm>>
        %dma_wait3A_1458 = arith.constant 8 : i32
        %dma_wait3A_1459 = arith.constant 0 : i32
        %dma_wait3A_1460 = tpu.memref_slice %arg7[%dma_wait3A_1444, %dma_wait3A_1458, %dma_wait3A_1459] : memref<2x64x128xf32, #tpu.memory_space<vmem>> -> memref<1x8x128xf32, #tpu.memory_space<vmem>>
        %dma_wait3A_1461 = tpu.memref_squeeze %dma_wait3A_1460 : memref<1x8x128xf32, #tpu.memory_space<vmem>> -> memref<8x128xf32, #tpu.memory_space<vmem>>
        tpu.wait_dma2 semaphore(%arg13 : memref<!tpu.dma_semaphore, #tpu.memory_space<semaphore_mem>>) src(%dma_wait3A_1461 : memref<8x128xf32, #tpu.memory_space<vmem>>) dst(%dma_wait3A_1457 : memref<8x128xf32, #tpu.memory_space<hbm>>)
        %dma_wait3A_1462 = arith.constant 1 : i32
        %dma_wait3A_1463 = arith.constant 2 : i32
        %dma_wait3A_1464 = arith.constant 16 : i32
        %dma_wait3A_1465 = arith.constant 0 : i32
        %dma_wait3A_1466 = tpu.memref_slice %arg7[%dma_wait3A_1462, %dma_wait3A_1464, %dma_wait3A_1465] : memref<2x64x128xf32, #tpu.memory_space<vmem>> -> memref<1x8x128xf32, #tpu.memory_space<vmem>>
        %dma_wait3A_1467 = tpu.memref_squeeze %dma_wait3A_1466 : memref<1x8x128xf32, #tpu.memory_space<vmem>> -> memref<8x128xf32, #tpu.memory_space<vmem>>
        %dma_wait3A_1468 = arith.constant 0 : i32
        %dma_wait3A_1469 = arith.constant 0 : i32
        %dma_wait3A_1470 = tpu.memref_slice %arg4[%select_n3A_1420, %dma_wait3A_1463, %add3A_1425, %dma_wait3A_1468, %dma_wait3A_1469] : memref<50x8x128x8x128xf32, #tpu.memory_space<hbm>> -> memref<1x1x1x8x128xf32, #tpu.memory_space<hbm>>
        %dma_wait3A_1471 = tpu.memref_squeeze %dma_wait3A_1470 : memref<1x1x1x8x128xf32, #tpu.memory_space<hbm>> -> memref<8x128xf32, #tpu.memory_space<hbm>>
        %dma_wait3A_1472 = arith.constant 0 : i32
        %dma_wait3A_1473 = arith.constant 0 : i32
        %dma_wait3A_1474 = tpu.memref_slice %arg4[%select_n3A_1420, %dma_wait3A_1463, %add3A_1425, %dma_wait3A_1472, %dma_wait3A_1473] : memref<50x8x128x8x128xf32, #tpu.memory_space<hbm>> -> memref<1x1x1x8x128xf32, #tpu.memory_space<hbm>>
        %dma_wait3A_1475 = tpu.memref_squeeze %dma_wait3A_1474 : memref<1x1x1x8x128xf32, #tpu.memory_space<hbm>> -> memref<8x128xf32, #tpu.memory_space<hbm>>
        %dma_wait3A_1476 = arith.constant 16 : i32
        %dma_wait3A_1477 = arith.constant 0 : i32
        %dma_wait3A_1478 = tpu.memref_slice %arg7[%dma_wait3A_1462, %dma_wait3A_1476, %dma_wait3A_1477] : memref<2x64x128xf32, #tpu.memory_space<vmem>> -> memref<1x8x128xf32, #tpu.memory_space<vmem>>
        %dma_wait3A_1479 = tpu.memref_squeeze %dma_wait3A_1478 : memref<1x8x128xf32, #tpu.memory_space<vmem>> -> memref<8x128xf32, #tpu.memory_space<vmem>>
        tpu.wait_dma2 semaphore(%arg13 : memref<!tpu.dma_semaphore, #tpu.memory_space<semaphore_mem>>) src(%dma_wait3A_1479 : memref<8x128xf32, #tpu.memory_space<vmem>>) dst(%dma_wait3A_1475 : memref<8x128xf32, #tpu.memory_space<hbm>>)
        %dma_wait3A_1480 = arith.constant 1 : i32
        %dma_wait3A_1481 = arith.constant 3 : i32
        %dma_wait3A_1482 = arith.constant 24 : i32
        %dma_wait3A_1483 = arith.constant 0 : i32
        %dma_wait3A_1484 = tpu.memref_slice %arg7[%dma_wait3A_1480, %dma_wait3A_1482, %dma_wait3A_1483] : memref<2x64x128xf32, #tpu.memory_space<vmem>> -> memref<1x8x128xf32, #tpu.memory_space<vmem>>
        %dma_wait3A_1485 = tpu.memref_squeeze %dma_wait3A_1484 : memref<1x8x128xf32, #tpu.memory_space<vmem>> -> memref<8x128xf32, #tpu.memory_space<vmem>>
        %dma_wait3A_1486 = arith.constant 0 : i32
        %dma_wait3A_1487 = arith.constant 0 : i32
        %dma_wait3A_1488 = tpu.memref_slice %arg4[%select_n3A_1420, %dma_wait3A_1481, %add3A_1425, %dma_wait3A_1486, %dma_wait3A_1487] : memref<50x8x128x8x128xf32, #tpu.memory_space<hbm>> -> memref<1x1x1x8x128xf32, #tpu.memory_space<hbm>>
        %dma_wait3A_1489 = tpu.memref_squeeze %dma_wait3A_1488 : memref<1x1x1x8x128xf32, #tpu.memory_space<hbm>> -> memref<8x128xf32, #tpu.memory_space<hbm>>
        %dma_wait3A_1490 = arith.constant 0 : i32
        %dma_wait3A_1491 = arith.constant 0 : i32
        %dma_wait3A_1492 = tpu.memref_slice %arg4[%select_n3A_1420, %dma_wait3A_1481, %add3A_1425, %dma_wait3A_1490, %dma_wait3A_1491] : memref<50x8x128x8x128xf32, #tpu.memory_space<hbm>> -> memref<1x1x1x8x128xf32, #tpu.memory_space<hbm>>
        %dma_wait3A_1493 = tpu.memref_squeeze %dma_wait3A_1492 : memref<1x1x1x8x128xf32, #tpu.memory_space<hbm>> -> memref<8x128xf32, #tpu.memory_space<hbm>>
        %dma_wait3A_1494 = arith.constant 24 : i32
        %dma_wait3A_1495 = arith.constant 0 : i32
        %dma_wait3A_1496 = tpu.memref_slice %arg7[%dma_wait3A_1480, %dma_wait3A_1494, %dma_wait3A_1495] : memref<2x64x128xf32, #tpu.memory_space<vmem>> -> memref<1x8x128xf32, #tpu.memory_space<vmem>>
        %dma_wait3A_1497 = tpu.memref_squeeze %dma_wait3A_1496 : memref<1x8x128xf32, #tpu.memory_space<vmem>> -> memref<8x128xf32, #tpu.memory_space<vmem>>
        tpu.wait_dma2 semaphore(%arg13 : memref<!tpu.dma_semaphore, #tpu.memory_space<semaphore_mem>>) src(%dma_wait3A_1497 : memref<8x128xf32, #tpu.memory_space<vmem>>) dst(%dma_wait3A_1493 : memref<8x128xf32, #tpu.memory_space<hbm>>)
        %dma_wait3A_1498 = arith.constant 1 : i32
        %dma_wait3A_1499 = arith.constant 4 : i32
        %dma_wait3A_1500 = arith.constant 32 : i32
        %dma_wait3A_1501 = arith.constant 0 : i32
        %dma_wait3A_1502 = tpu.memref_slice %arg7[%dma_wait3A_1498, %dma_wait3A_1500, %dma_wait3A_1501] : memref<2x64x128xf32, #tpu.memory_space<vmem>> -> memref<1x8x128xf32, #tpu.memory_space<vmem>>
        %dma_wait3A_1503 = tpu.memref_squeeze %dma_wait3A_1502 : memref<1x8x128xf32, #tpu.memory_space<vmem>> -> memref<8x128xf32, #tpu.memory_space<vmem>>
        %dma_wait3A_1504 = arith.constant 0 : i32
        %dma_wait3A_1505 = arith.constant 0 : i32
        %dma_wait3A_1506 = tpu.memref_slice %arg4[%select_n3A_1420, %dma_wait3A_1499, %add3A_1425, %dma_wait3A_1504, %dma_wait3A_1505] : memref<50x8x128x8x128xf32, #tpu.memory_space<hbm>> -> memref<1x1x1x8x128xf32, #tpu.memory_space<hbm>>
        %dma_wait3A_1507 = tpu.memref_squeeze %dma_wait3A_1506 : memref<1x1x1x8x128xf32, #tpu.memory_space<hbm>> -> memref<8x128xf32, #tpu.memory_space<hbm>>
        %dma_wait3A_1508 = arith.constant 0 : i32
        %dma_wait3A_1509 = arith.constant 0 : i32
        %dma_wait3A_1510 = tpu.memref_slice %arg4[%select_n3A_1420, %dma_wait3A_1499, %add3A_1425, %dma_wait3A_1508, %dma_wait3A_1509] : memref<50x8x128x8x128xf32, #tpu.memory_space<hbm>> -> memref<1x1x1x8x128xf32, #tpu.memory_space<hbm>>
        %dma_wait3A_1511 = tpu.memref_squeeze %dma_wait3A_1510 : memref<1x1x1x8x128xf32, #tpu.memory_space<hbm>> -> memref<8x128xf32, #tpu.memory_space<hbm>>
        %dma_wait3A_1512 = arith.constant 32 : i32
        %dma_wait3A_1513 = arith.constant 0 : i32
        %dma_wait3A_1514 = tpu.memref_slice %arg7[%dma_wait3A_1498, %dma_wait3A_1512, %dma_wait3A_1513] : memref<2x64x128xf32, #tpu.memory_space<vmem>> -> memref<1x8x128xf32, #tpu.memory_space<vmem>>
        %dma_wait3A_1515 = tpu.memref_squeeze %dma_wait3A_1514 : memref<1x8x128xf32, #tpu.memory_space<vmem>> -> memref<8x128xf32, #tpu.memory_space<vmem>>
        tpu.wait_dma2 semaphore(%arg13 : memref<!tpu.dma_semaphore, #tpu.memory_space<semaphore_mem>>) src(%dma_wait3A_1515 : memref<8x128xf32, #tpu.memory_space<vmem>>) dst(%dma_wait3A_1511 : memref<8x128xf32, #tpu.memory_space<hbm>>)
        %dma_wait3A_1516 = arith.constant 1 : i32
        %dma_wait3A_1517 = arith.constant 5 : i32
        %dma_wait3A_1518 = arith.constant 40 : i32
        %dma_wait3A_1519 = arith.constant 0 : i32
        %dma_wait3A_1520 = tpu.memref_slice %arg7[%dma_wait3A_1516, %dma_wait3A_1518, %dma_wait3A_1519] : memref<2x64x128xf32, #tpu.memory_space<vmem>> -> memref<1x8x128xf32, #tpu.memory_space<vmem>>
        %dma_wait3A_1521 = tpu.memref_squeeze %dma_wait3A_1520 : memref<1x8x128xf32, #tpu.memory_space<vmem>> -> memref<8x128xf32, #tpu.memory_space<vmem>>
        %dma_wait3A_1522 = arith.constant 0 : i32
        %dma_wait3A_1523 = arith.constant 0 : i32
        %dma_wait3A_1524 = tpu.memref_slice %arg4[%select_n3A_1420, %dma_wait3A_1517, %add3A_1425, %dma_wait3A_1522, %dma_wait3A_1523] : memref<50x8x128x8x128xf32, #tpu.memory_space<hbm>> -> memref<1x1x1x8x128xf32, #tpu.memory_space<hbm>>
        %dma_wait3A_1525 = tpu.memref_squeeze %dma_wait3A_1524 : memref<1x1x1x8x128xf32, #tpu.memory_space<hbm>> -> memref<8x128xf32, #tpu.memory_space<hbm>>
        %dma_wait3A_1526 = arith.constant 0 : i32
        %dma_wait3A_1527 = arith.constant 0 : i32
        %dma_wait3A_1528 = tpu.memref_slice %arg4[%select_n3A_1420, %dma_wait3A_1517, %add3A_1425, %dma_wait3A_1526, %dma_wait3A_1527] : memref<50x8x128x8x128xf32, #tpu.memory_space<hbm>> -> memref<1x1x1x8x128xf32, #tpu.memory_space<hbm>>
        %dma_wait3A_1529 = tpu.memref_squeeze %dma_wait3A_1528 : memref<1x1x1x8x128xf32, #tpu.memory_space<hbm>> -> memref<8x128xf32, #tpu.memory_space<hbm>>
        %dma_wait3A_1530 = arith.constant 40 : i32
        %dma_wait3A_1531 = arith.constant 0 : i32
        %dma_wait3A_1532 = tpu.memref_slice %arg7[%dma_wait3A_1516, %dma_wait3A_1530, %dma_wait3A_1531] : memref<2x64x128xf32, #tpu.memory_space<vmem>> -> memref<1x8x128xf32, #tpu.memory_space<vmem>>
        %dma_wait3A_1533 = tpu.memref_squeeze %dma_wait3A_1532 : memref<1x8x128xf32, #tpu.memory_space<vmem>> -> memref<8x128xf32, #tpu.memory_space<vmem>>
        tpu.wait_dma2 semaphore(%arg13 : memref<!tpu.dma_semaphore, #tpu.memory_space<semaphore_mem>>) src(%dma_wait3A_1533 : memref<8x128xf32, #tpu.memory_space<vmem>>) dst(%dma_wait3A_1529 : memref<8x128xf32, #tpu.memory_space<hbm>>)
        %dma_wait3A_1534 = arith.constant 1 : i32
        %dma_wait3A_1535 = arith.constant 6 : i32
        %dma_wait3A_1536 = arith.constant 48 : i32
        %dma_wait3A_1537 = arith.constant 0 : i32
        %dma_wait3A_1538 = tpu.memref_slice %arg7[%dma_wait3A_1534, %dma_wait3A_1536, %dma_wait3A_1537] : memref<2x64x128xf32, #tpu.memory_space<vmem>> -> memref<1x8x128xf32, #tpu.memory_space<vmem>>
        %dma_wait3A_1539 = tpu.memref_squeeze %dma_wait3A_1538 : memref<1x8x128xf32, #tpu.memory_space<vmem>> -> memref<8x128xf32, #tpu.memory_space<vmem>>
        %dma_wait3A_1540 = arith.constant 0 : i32
        %dma_wait3A_1541 = arith.constant 0 : i32
        %dma_wait3A_1542 = tpu.memref_slice %arg4[%select_n3A_1420, %dma_wait3A_1535, %add3A_1425, %dma_wait3A_1540, %dma_wait3A_1541] : memref<50x8x128x8x128xf32, #tpu.memory_space<hbm>> -> memref<1x1x1x8x128xf32, #tpu.memory_space<hbm>>
        %dma_wait3A_1543 = tpu.memref_squeeze %dma_wait3A_1542 : memref<1x1x1x8x128xf32, #tpu.memory_space<hbm>> -> memref<8x128xf32, #tpu.memory_space<hbm>>
        %dma_wait3A_1544 = arith.constant 0 : i32
        %dma_wait3A_1545 = arith.constant 0 : i32
        %dma_wait3A_1546 = tpu.memref_slice %arg4[%select_n3A_1420, %dma_wait3A_1535, %add3A_1425, %dma_wait3A_1544, %dma_wait3A_1545] : memref<50x8x128x8x128xf32, #tpu.memory_space<hbm>> -> memref<1x1x1x8x128xf32, #tpu.memory_space<hbm>>
        %dma_wait3A_1547 = tpu.memref_squeeze %dma_wait3A_1546 : memref<1x1x1x8x128xf32, #tpu.memory_space<hbm>> -> memref<8x128xf32, #tpu.memory_space<hbm>>
        %dma_wait3A_1548 = arith.constant 48 : i32
        %dma_wait3A_1549 = arith.constant 0 : i32
        %dma_wait3A_1550 = tpu.memref_slice %arg7[%dma_wait3A_1534, %dma_wait3A_1548, %dma_wait3A_1549] : memref<2x64x128xf32, #tpu.memory_space<vmem>> -> memref<1x8x128xf32, #tpu.memory_space<vmem>>
        %dma_wait3A_1551 = tpu.memref_squeeze %dma_wait3A_1550 : memref<1x8x128xf32, #tpu.memory_space<vmem>> -> memref<8x128xf32, #tpu.memory_space<vmem>>
        tpu.wait_dma2 semaphore(%arg13 : memref<!tpu.dma_semaphore, #tpu.memory_space<semaphore_mem>>) src(%dma_wait3A_1551 : memref<8x128xf32, #tpu.memory_space<vmem>>) dst(%dma_wait3A_1547 : memref<8x128xf32, #tpu.memory_space<hbm>>)
        %dma_wait3A_1552 = arith.constant 1 : i32
        %dma_wait3A_1553 = arith.constant 7 : i32
        %dma_wait3A_1554 = arith.constant 56 : i32
        %dma_wait3A_1555 = arith.constant 0 : i32
        %dma_wait3A_1556 = tpu.memref_slice %arg7[%dma_wait3A_1552, %dma_wait3A_1554, %dma_wait3A_1555] : memref<2x64x128xf32, #tpu.memory_space<vmem>> -> memref<1x8x128xf32, #tpu.memory_space<vmem>>
        %dma_wait3A_1557 = tpu.memref_squeeze %dma_wait3A_1556 : memref<1x8x128xf32, #tpu.memory_space<vmem>> -> memref<8x128xf32, #tpu.memory_space<vmem>>
        %dma_wait3A_1558 = arith.constant 0 : i32
        %dma_wait3A_1559 = arith.constant 0 : i32
        %dma_wait3A_1560 = tpu.memref_slice %arg4[%select_n3A_1420, %dma_wait3A_1553, %add3A_1425, %dma_wait3A_1558, %dma_wait3A_1559] : memref<50x8x128x8x128xf32, #tpu.memory_space<hbm>> -> memref<1x1x1x8x128xf32, #tpu.memory_space<hbm>>
        %dma_wait3A_1561 = tpu.memref_squeeze %dma_wait3A_1560 : memref<1x1x1x8x128xf32, #tpu.memory_space<hbm>> -> memref<8x128xf32, #tpu.memory_space<hbm>>
        %dma_wait3A_1562 = arith.constant 0 : i32
        %dma_wait3A_1563 = arith.constant 0 : i32
        %dma_wait3A_1564 = tpu.memref_slice %arg4[%select_n3A_1420, %dma_wait3A_1553, %add3A_1425, %dma_wait3A_1562, %dma_wait3A_1563] : memref<50x8x128x8x128xf32, #tpu.memory_space<hbm>> -> memref<1x1x1x8x128xf32, #tpu.memory_space<hbm>>
        %dma_wait3A_1565 = tpu.memref_squeeze %dma_wait3A_1564 : memref<1x1x1x8x128xf32, #tpu.memory_space<hbm>> -> memref<8x128xf32, #tpu.memory_space<hbm>>
        %dma_wait3A_1566 = arith.constant 56 : i32
        %dma_wait3A_1567 = arith.constant 0 : i32
        %dma_wait3A_1568 = tpu.memref_slice %arg7[%dma_wait3A_1552, %dma_wait3A_1566, %dma_wait3A_1567] : memref<2x64x128xf32, #tpu.memory_space<vmem>> -> memref<1x8x128xf32, #tpu.memory_space<vmem>>
        %dma_wait3A_1569 = tpu.memref_squeeze %dma_wait3A_1568 : memref<1x8x128xf32, #tpu.memory_space<vmem>> -> memref<8x128xf32, #tpu.memory_space<vmem>>
        tpu.wait_dma2 semaphore(%arg13 : memref<!tpu.dma_semaphore, #tpu.memory_space<semaphore_mem>>) src(%dma_wait3A_1569 : memref<8x128xf32, #tpu.memory_space<vmem>>) dst(%dma_wait3A_1565 : memref<8x128xf32, #tpu.memory_space<hbm>>)
      } else {
      }
      %jit3A_1146 = arith.constant 4 : i32
      %div3A_1147 = arith.divsi %add3A_1140, %jit3A_1146 : i32
      %sign3A_1148 = arith.constant 0 : i32
      %sign3A_1149 = arith.cmpi sgt, %add3A_1140, %sign3A_1148 : i32
      %sign3A_1150 = arith.extui %sign3A_1149 : i1 to i32
      %sign3A_1151 = arith.constant 0 : i32
      %sign3A_1152 = arith.cmpi slt, %add3A_1140, %sign3A_1151 : i32
      %sign3A_1153 = arith.extui %sign3A_1152 : i1 to i32
      %sign3A_1154 = arith.subi %sign3A_1150, %sign3A_1153 : i32
      %sign3A_1155 = arith.constant 0 : i32
      %sign3A_1156 = arith.cmpi sgt, %jit3A_1146, %sign3A_1155 : i32
      %sign3A_1157 = arith.extui %sign3A_1156 : i1 to i32
      %sign3A_1158 = arith.constant 0 : i32
      %sign3A_1159 = arith.cmpi slt, %jit3A_1146, %sign3A_1158 : i32
      %sign3A_1160 = arith.extui %sign3A_1159 : i1 to i32
      %sign3A_1161 = arith.subi %sign3A_1157, %sign3A_1160 : i32
      %ne3A_1162 = arith.cmpi ne, %sign3A_1154, %sign3A_1161 : i32
      %rem3A_1163 = arith.remsi %add3A_1140, %jit3A_1146 : i32
      %ne3A_1164 = arith.constant 0 : i32
      %ne3A_1165 = arith.cmpi ne, %rem3A_1163, %ne3A_1164 : i32
      %and3A_1166 = arith.andi %ne3A_1162, %ne3A_1165 : i1
      %sub3A_1167 = arith.constant 1 : i32
      %sub3A_1168 = arith.subi %div3A_1147, %sub3A_1167 : i32
      %select_n3A_1169 = arith.select %and3A_1166, %sub3A_1168, %div3A_1147 : i32
      %rem3A_1170 = arith.constant 4 : i32
      %rem3A_1171 = arith.remsi %add3A_1140, %rem3A_1170 : i32
      %dma_wait3A_1172 = arith.constant 3 : i32
      %dma_wait3A_1173 = arith.constant 0 : i32
      %dma_wait3A_1174 = arith.constant 0 : i32
      %dma_wait3A_1175 = tpu.memref_slice %arg6[%dma_wait3A_1172, %dma_wait3A_1173, %dma_wait3A_1174] : memref<4x128x64xf32, #tpu.memory_space<vmem>> -> memref<1x128x64xf32, #tpu.memory_space<vmem>>
      %dma_wait3A_1176 = tpu.memref_squeeze %dma_wait3A_1175 : memref<1x128x64xf32, #tpu.memory_space<vmem>> -> memref<128x64xf32, #tpu.memory_space<vmem>>
      %dma_wait3A_1177 = arith.constant 0 : i32
      %dma_wait3A_1178 = tpu.memref_slice %arg5[%select_n3A_1169, %rem3A_1171, %dma_wait3A_1177] : memref<50x4x128xi32, #tpu.memory_space<vmem>> -> memref<1x1x128xi32, #tpu.memory_space<vmem>>
      %dma_wait3A_1179 = tpu.memref_squeeze %dma_wait3A_1178 : memref<1x1x128xi32, #tpu.memory_space<vmem>> -> memref<128xi32, #tpu.memory_space<vmem>>
      %dma_wait3A_1180 = arith.constant 0 : i32
      %dma_wait3A_1181 = arith.constant 0 : i32
      %dma_wait3A_1182 = tpu.memref_slice %arg3[%dma_wait3A_1180, %dma_wait3A_1181] : memref<100000x64xf32, #tpu.memory_space<hbm>> -> memref<100000x64xf32, #tpu.memory_space<hbm>>
      tpu.wait_indirect_dma semaphore(%arg11 : memref<!tpu.dma_semaphore, #tpu.memory_space<semaphore_mem>>) src(%dma_wait3A_1182 : memref<100000x64xf32, #tpu.memory_space<hbm>>) dst(%dma_wait3A_1176 : memref<128x64xf32, #tpu.memory_space<vmem>>)
      %add3A_1183 = arith.constant 0 : i32
      %add3A_1184 = vector.broadcast %add3A_1183 : i32 to vector<16xi32>
      %add3A_1185 = arith.addi %iota3A, %add3A_1184 : vector<16xi32>
      %add3A_1186 = arith.constant 16 : i32
      %add3A_1187 = vector.broadcast %add3A_1186 : i32 to vector<16xi32>
      %add3A_1188 = arith.addi %iota3A, %add3A_1187 : vector<16xi32>
      %add3A_1189 = arith.constant 32 : i32
      %add3A_1190 = vector.broadcast %add3A_1189 : i32 to vector<16xi32>
      %add3A_1191 = arith.addi %iota3A, %add3A_1190 : vector<16xi32>
      %add3A_1192 = arith.constant 48 : i32
      %add3A_1193 = vector.broadcast %add3A_1192 : i32 to vector<16xi32>
      %add3A_1194 = arith.addi %iota3A, %add3A_1193 : vector<16xi32>
      %add3A_1195 = arith.constant 64 : i32
      %add3A_1196 = vector.broadcast %add3A_1195 : i32 to vector<16xi32>
      %add3A_1197 = arith.addi %iota3A, %add3A_1196 : vector<16xi32>
      %add3A_1198 = arith.constant 80 : i32
      %add3A_1199 = vector.broadcast %add3A_1198 : i32 to vector<16xi32>
      %add3A_1200 = arith.addi %iota3A, %add3A_1199 : vector<16xi32>
      %add3A_1201 = arith.constant 96 : i32
      %add3A_1202 = vector.broadcast %add3A_1201 : i32 to vector<16xi32>
      %add3A_1203 = arith.addi %iota3A, %add3A_1202 : vector<16xi32>
      %add3A_1204 = arith.constant 112 : i32
      %add3A_1205 = vector.broadcast %add3A_1204 : i32 to vector<16xi32>
      %add3A_1206 = arith.addi %iota3A, %add3A_1205 : vector<16xi32>
      %scan3A_1207 = arith.constant 0 : i32
      %scan3A_1208 = arith.constant 3 : i32
      %scan3A_1209 = arith.constant 1 : i32
      %scan3A_1210 = arith.constant 0 : i32
      %scan3A_1211 = arith.constant 16 : i32
      %scan3A_1212 = arith.addi %scan3A_1210, %scan3A_1211 : i32
      %scan3A_1213 = arith.constant 1 : i32
      scf.for %scan3A_1395 = %scan3A_1210 to %scan3A_1212 step %scan3A_1213  : i32 {
        %add3A_1396 = vector.broadcast %scan3A_1395 : i32 to vector<16xi32>
        %add3A_1397 = arith.addi %iota3A, %add3A_1396 : vector<16xi32>
        %and3A_1398 = arith.constant 15 : i32
        %and3A_1399 = vector.broadcast %and3A_1398 : i32 to vector<16xi32>
        %and3A_1400 = arith.andi %add3A_1397, %and3A_1399 : vector<16xi32>
        %add3A_1401 = arith.constant 0 : i32
        %add3A_1402 = vector.broadcast %add3A_1401 : i32 to vector<16xi32>
        %add3A_1403 = arith.addi %and3A_1400, %add3A_1402 : vector<16xi32>
        %add3A_1404 = arith.constant 16 : i32
        %add3A_1405 = vector.broadcast %add3A_1404 : i32 to vector<16xi32>
        %add3A_1406 = arith.addi %and3A_1400, %add3A_1405 : vector<16xi32>
        %add3A_1407 = arith.constant 32 : i32
        %add3A_1408 = vector.broadcast %add3A_1407 : i32 to vector<16xi32>
        %add3A_1409 = arith.addi %and3A_1400, %add3A_1408 : vector<16xi32>
        %add3A_1410 = arith.constant 48 : i32
        %add3A_1411 = vector.broadcast %add3A_1410 : i32 to vector<16xi32>
        %add3A_1412 = arith.addi %and3A_1400, %add3A_1411 : vector<16xi32>
        %gather3A = arith.constant 0 : i32
        %gather3A_1413 = arith.constant 0 : i32
        %gather3A_1414 = tpu.memref_slice %arg6[%scan3A_1208, %gather3A, %gather3A_1413] : memref<4x128x64xf32, #tpu.memory_space<vmem>> -> memref<1x128x64xf32, #tpu.memory_space<vmem>>
        %gather3A_1415 = tpu.memref_squeeze %gather3A_1414 : memref<1x128x64xf32, #tpu.memory_space<vmem>> -> memref<128x64xf32, #tpu.memory_space<vmem>>
        %gather3A_1416 = tpu.vector_load_idx %gather3A_1415[%add3A_1185, %add3A_1403] : memref<128x64xf32, #tpu.memory_space<vmem>>[vector<16xi32>, vector<16xi32>], vector<16xf32>,
        %gather3A_1417 = arith.constant 0 : i32
        %gather3A_1418 = arith.constant 0 : i32
        %gather3A_1419 = tpu.memref_slice %arg6[%scan3A_1208, %gather3A_1417, %gather3A_1418] : memref<4x128x64xf32, #tpu.memory_space<vmem>> -> memref<1x128x64xf32, #tpu.memory_space<vmem>>
        %gather3A_1420 = tpu.memref_squeeze %gather3A_1419 : memref<1x128x64xf32, #tpu.memory_space<vmem>> -> memref<128x64xf32, #tpu.memory_space<vmem>>
        %gather3A_1421 = tpu.vector_load_idx %gather3A_1420[%add3A_1188, %add3A_1403] : memref<128x64xf32, #tpu.memory_space<vmem>>[vector<16xi32>, vector<16xi32>], vector<16xf32>,
        %gather3A_1422 = arith.constant 0 : i32
        %gather3A_1423 = arith.constant 0 : i32
        %gather3A_1424 = tpu.memref_slice %arg6[%scan3A_1208, %gather3A_1422, %gather3A_1423] : memref<4x128x64xf32, #tpu.memory_space<vmem>> -> memref<1x128x64xf32, #tpu.memory_space<vmem>>
        %gather3A_1425 = tpu.memref_squeeze %gather3A_1424 : memref<1x128x64xf32, #tpu.memory_space<vmem>> -> memref<128x64xf32, #tpu.memory_space<vmem>>
        %gather3A_1426 = tpu.vector_load_idx %gather3A_1425[%add3A_1191, %add3A_1403] : memref<128x64xf32, #tpu.memory_space<vmem>>[vector<16xi32>, vector<16xi32>], vector<16xf32>,
        %gather3A_1427 = arith.constant 0 : i32
        %gather3A_1428 = arith.constant 0 : i32
        %gather3A_1429 = tpu.memref_slice %arg6[%scan3A_1208, %gather3A_1427, %gather3A_1428] : memref<4x128x64xf32, #tpu.memory_space<vmem>> -> memref<1x128x64xf32, #tpu.memory_space<vmem>>
        %gather3A_1430 = tpu.memref_squeeze %gather3A_1429 : memref<1x128x64xf32, #tpu.memory_space<vmem>> -> memref<128x64xf32, #tpu.memory_space<vmem>>
        %gather3A_1431 = tpu.vector_load_idx %gather3A_1430[%add3A_1194, %add3A_1403] : memref<128x64xf32, #tpu.memory_space<vmem>>[vector<16xi32>, vector<16xi32>], vector<16xf32>,
        %gather3A_1432 = arith.constant 0 : i32
        %gather3A_1433 = arith.constant 0 : i32
        %gather3A_1434 = tpu.memref_slice %arg6[%scan3A_1208, %gather3A_1432, %gather3A_1433] : memref<4x128x64xf32, #tpu.memory_space<vmem>> -> memref<1x128x64xf32, #tpu.memory_space<vmem>>
        %gather3A_1435 = tpu.memref_squeeze %gather3A_1434 : memref<1x128x64xf32, #tpu.memory_space<vmem>> -> memref<128x64xf32, #tpu.memory_space<vmem>>
        %gather3A_1436 = tpu.vector_load_idx %gather3A_1435[%add3A_1197, %add3A_1403] : memref<128x64xf32, #tpu.memory_space<vmem>>[vector<16xi32>, vector<16xi32>], vector<16xf32>,
        %gather3A_1437 = arith.constant 0 : i32
        %gather3A_1438 = arith.constant 0 : i32
        %gather3A_1439 = tpu.memref_slice %arg6[%scan3A_1208, %gather3A_1437, %gather3A_1438] : memref<4x128x64xf32, #tpu.memory_space<vmem>> -> memref<1x128x64xf32, #tpu.memory_space<vmem>>
        %gather3A_1440 = tpu.memref_squeeze %gather3A_1439 : memref<1x128x64xf32, #tpu.memory_space<vmem>> -> memref<128x64xf32, #tpu.memory_space<vmem>>
        %gather3A_1441 = tpu.vector_load_idx %gather3A_1440[%add3A_1200, %add3A_1403] : memref<128x64xf32, #tpu.memory_space<vmem>>[vector<16xi32>, vector<16xi32>], vector<16xf32>,
        %gather3A_1442 = arith.constant 0 : i32
        %gather3A_1443 = arith.constant 0 : i32
        %gather3A_1444 = tpu.memref_slice %arg6[%scan3A_1208, %gather3A_1442, %gather3A_1443] : memref<4x128x64xf32, #tpu.memory_space<vmem>> -> memref<1x128x64xf32, #tpu.memory_space<vmem>>
        %gather3A_1445 = tpu.memref_squeeze %gather3A_1444 : memref<1x128x64xf32, #tpu.memory_space<vmem>> -> memref<128x64xf32, #tpu.memory_space<vmem>>
        %gather3A_1446 = tpu.vector_load_idx %gather3A_1445[%add3A_1203, %add3A_1403] : memref<128x64xf32, #tpu.memory_space<vmem>>[vector<16xi32>, vector<16xi32>], vector<16xf32>,
        %gather3A_1447 = arith.constant 0 : i32
        %gather3A_1448 = arith.constant 0 : i32
        %gather3A_1449 = tpu.memref_slice %arg6[%scan3A_1208, %gather3A_1447, %gather3A_1448] : memref<4x128x64xf32, #tpu.memory_space<vmem>> -> memref<1x128x64xf32, #tpu.memory_space<vmem>>
        %gather3A_1450 = tpu.memref_squeeze %gather3A_1449 : memref<1x128x64xf32, #tpu.memory_space<vmem>> -> memref<128x64xf32, #tpu.memory_space<vmem>>
        %gather3A_1451 = tpu.vector_load_idx %gather3A_1450[%add3A_1206, %add3A_1403] : memref<128x64xf32, #tpu.memory_space<vmem>>[vector<16xi32>, vector<16xi32>], vector<16xf32>,
        %scatter3A = arith.constant 0 : i32
        %scatter3A_1452 = arith.constant 0 : i32
        %scatter3A_1453 = tpu.memref_slice %arg7[%scan3A_1209, %scatter3A, %scatter3A_1452] : memref<2x64x128xf32, #tpu.memory_space<vmem>> -> memref<1x64x128xf32, #tpu.memory_space<vmem>>
        %scatter3A_1454 = tpu.memref_squeeze %scatter3A_1453 : memref<1x64x128xf32, #tpu.memory_space<vmem>> -> memref<64x128xf32, #tpu.memory_space<vmem>>
        tpu.vector_store_idx %scatter3A_1454[%add3A_1403, %add3A_1185], %gather3A_1416 : memref<64x128xf32, #tpu.memory_space<vmem>>[vector<16xi32>, vector<16xi32>], vector<16xf32>,
        %scatter3A_1455 = arith.constant 0 : i32
        %scatter3A_1456 = arith.constant 0 : i32
        %scatter3A_1457 = tpu.memref_slice %arg7[%scan3A_1209, %scatter3A_1455, %scatter3A_1456] : memref<2x64x128xf32, #tpu.memory_space<vmem>> -> memref<1x64x128xf32, #tpu.memory_space<vmem>>
        %scatter3A_1458 = tpu.memref_squeeze %scatter3A_1457 : memref<1x64x128xf32, #tpu.memory_space<vmem>> -> memref<64x128xf32, #tpu.memory_space<vmem>>
        tpu.vector_store_idx %scatter3A_1458[%add3A_1403, %add3A_1188], %gather3A_1421 : memref<64x128xf32, #tpu.memory_space<vmem>>[vector<16xi32>, vector<16xi32>], vector<16xf32>,
        %scatter3A_1459 = arith.constant 0 : i32
        %scatter3A_1460 = arith.constant 0 : i32
        %scatter3A_1461 = tpu.memref_slice %arg7[%scan3A_1209, %scatter3A_1459, %scatter3A_1460] : memref<2x64x128xf32, #tpu.memory_space<vmem>> -> memref<1x64x128xf32, #tpu.memory_space<vmem>>
        %scatter3A_1462 = tpu.memref_squeeze %scatter3A_1461 : memref<1x64x128xf32, #tpu.memory_space<vmem>> -> memref<64x128xf32, #tpu.memory_space<vmem>>
        tpu.vector_store_idx %scatter3A_1462[%add3A_1403, %add3A_1191], %gather3A_1426 : memref<64x128xf32, #tpu.memory_space<vmem>>[vector<16xi32>, vector<16xi32>], vector<16xf32>,
        %scatter3A_1463 = arith.constant 0 : i32
        %scatter3A_1464 = arith.constant 0 : i32
        %scatter3A_1465 = tpu.memref_slice %arg7[%scan3A_1209, %scatter3A_1463, %scatter3A_1464] : memref<2x64x128xf32, #tpu.memory_space<vmem>> -> memref<1x64x128xf32, #tpu.memory_space<vmem>>
        %scatter3A_1466 = tpu.memref_squeeze %scatter3A_1465 : memref<1x64x128xf32, #tpu.memory_space<vmem>> -> memref<64x128xf32, #tpu.memory_space<vmem>>
        tpu.vector_store_idx %scatter3A_1466[%add3A_1403, %add3A_1194], %gather3A_1431 : memref<64x128xf32, #tpu.memory_space<vmem>>[vector<16xi32>, vector<16xi32>], vector<16xf32>,
        %scatter3A_1467 = arith.constant 0 : i32
        %scatter3A_1468 = arith.constant 0 : i32
        %scatter3A_1469 = tpu.memref_slice %arg7[%scan3A_1209, %scatter3A_1467, %scatter3A_1468] : memref<2x64x128xf32, #tpu.memory_space<vmem>> -> memref<1x64x128xf32, #tpu.memory_space<vmem>>
        %scatter3A_1470 = tpu.memref_squeeze %scatter3A_1469 : memref<1x64x128xf32, #tpu.memory_space<vmem>> -> memref<64x128xf32, #tpu.memory_space<vmem>>
        tpu.vector_store_idx %scatter3A_1470[%add3A_1403, %add3A_1197], %gather3A_1436 : memref<64x128xf32, #tpu.memory_space<vmem>>[vector<16xi32>, vector<16xi32>], vector<16xf32>,
        %scatter3A_1471 = arith.constant 0 : i32
        %scatter3A_1472 = arith.constant 0 : i32
        %scatter3A_1473 = tpu.memref_slice %arg7[%scan3A_1209, %scatter3A_1471, %scatter3A_1472] : memref<2x64x128xf32, #tpu.memory_space<vmem>> -> memref<1x64x128xf32, #tpu.memory_space<vmem>>
        %scatter3A_1474 = tpu.memref_squeeze %scatter3A_1473 : memref<1x64x128xf32, #tpu.memory_space<vmem>> -> memref<64x128xf32, #tpu.memory_space<vmem>>
        tpu.vector_store_idx %scatter3A_1474[%add3A_1403, %add3A_1200], %gather3A_1441 : memref<64x128xf32, #tpu.memory_space<vmem>>[vector<16xi32>, vector<16xi32>], vector<16xf32>,
        %scatter3A_1475 = arith.constant 0 : i32
        %scatter3A_1476 = arith.constant 0 : i32
        %scatter3A_1477 = tpu.memref_slice %arg7[%scan3A_1209, %scatter3A_1475, %scatter3A_1476] : memref<2x64x128xf32, #tpu.memory_space<vmem>> -> memref<1x64x128xf32, #tpu.memory_space<vmem>>
        %scatter3A_1478 = tpu.memref_squeeze %scatter3A_1477 : memref<1x64x128xf32, #tpu.memory_space<vmem>> -> memref<64x128xf32, #tpu.memory_space<vmem>>
        tpu.vector_store_idx %scatter3A_1478[%add3A_1403, %add3A_1203], %gather3A_1446 : memref<64x128xf32, #tpu.memory_space<vmem>>[vector<16xi32>, vector<16xi32>], vector<16xf32>,
        %scatter3A_1479 = arith.constant 0 : i32
        %scatter3A_1480 = arith.constant 0 : i32
        %scatter3A_1481 = tpu.memref_slice %arg7[%scan3A_1209, %scatter3A_1479, %scatter3A_1480] : memref<2x64x128xf32, #tpu.memory_space<vmem>> -> memref<1x64x128xf32, #tpu.memory_space<vmem>>
        %scatter3A_1482 = tpu.memref_squeeze %scatter3A_1481 : memref<1x64x128xf32, #tpu.memory_space<vmem>> -> memref<64x128xf32, #tpu.memory_space<vmem>>
        tpu.vector_store_idx %scatter3A_1482[%add3A_1403, %add3A_1206], %gather3A_1451 : memref<64x128xf32, #tpu.memory_space<vmem>>[vector<16xi32>, vector<16xi32>], vector<16xf32>,
        %gather3A_1483 = arith.constant 0 : i32
        %gather3A_1484 = arith.constant 0 : i32
        %gather3A_1485 = tpu.memref_slice %arg6[%scan3A_1208, %gather3A_1483, %gather3A_1484] : memref<4x128x64xf32, #tpu.memory_space<vmem>> -> memref<1x128x64xf32, #tpu.memory_space<vmem>>
        %gather3A_1486 = tpu.memref_squeeze %gather3A_1485 : memref<1x128x64xf32, #tpu.memory_space<vmem>> -> memref<128x64xf32, #tpu.memory_space<vmem>>
        %gather3A_1487 = tpu.vector_load_idx %gather3A_1486[%add3A_1185, %add3A_1406] : memref<128x64xf32, #tpu.memory_space<vmem>>[vector<16xi32>, vector<16xi32>], vector<16xf32>,
        %gather3A_1488 = arith.constant 0 : i32
        %gather3A_1489 = arith.constant 0 : i32
        %gather3A_1490 = tpu.memref_slice %arg6[%scan3A_1208, %gather3A_1488, %gather3A_1489] : memref<4x128x64xf32, #tpu.memory_space<vmem>> -> memref<1x128x64xf32, #tpu.memory_space<vmem>>
        %gather3A_1491 = tpu.memref_squeeze %gather3A_1490 : memref<1x128x64xf32, #tpu.memory_space<vmem>> -> memref<128x64xf32, #tpu.memory_space<vmem>>
        %gather3A_1492 = tpu.vector_load_idx %gather3A_1491[%add3A_1188, %add3A_1406] : memref<128x64xf32, #tpu.memory_space<vmem>>[vector<16xi32>, vector<16xi32>], vector<16xf32>,
        %gather3A_1493 = arith.constant 0 : i32
        %gather3A_1494 = arith.constant 0 : i32
        %gather3A_1495 = tpu.memref_slice %arg6[%scan3A_1208, %gather3A_1493, %gather3A_1494] : memref<4x128x64xf32, #tpu.memory_space<vmem>> -> memref<1x128x64xf32, #tpu.memory_space<vmem>>
        %gather3A_1496 = tpu.memref_squeeze %gather3A_1495 : memref<1x128x64xf32, #tpu.memory_space<vmem>> -> memref<128x64xf32, #tpu.memory_space<vmem>>
        %gather3A_1497 = tpu.vector_load_idx %gather3A_1496[%add3A_1191, %add3A_1406] : memref<128x64xf32, #tpu.memory_space<vmem>>[vector<16xi32>, vector<16xi32>], vector<16xf32>,
        %gather3A_1498 = arith.constant 0 : i32
        %gather3A_1499 = arith.constant 0 : i32
        %gather3A_1500 = tpu.memref_slice %arg6[%scan3A_1208, %gather3A_1498, %gather3A_1499] : memref<4x128x64xf32, #tpu.memory_space<vmem>> -> memref<1x128x64xf32, #tpu.memory_space<vmem>>
        %gather3A_1501 = tpu.memref_squeeze %gather3A_1500 : memref<1x128x64xf32, #tpu.memory_space<vmem>> -> memref<128x64xf32, #tpu.memory_space<vmem>>
        %gather3A_1502 = tpu.vector_load_idx %gather3A_1501[%add3A_1194, %add3A_1406] : memref<128x64xf32, #tpu.memory_space<vmem>>[vector<16xi32>, vector<16xi32>], vector<16xf32>,
        %gather3A_1503 = arith.constant 0 : i32
        %gather3A_1504 = arith.constant 0 : i32
        %gather3A_1505 = tpu.memref_slice %arg6[%scan3A_1208, %gather3A_1503, %gather3A_1504] : memref<4x128x64xf32, #tpu.memory_space<vmem>> -> memref<1x128x64xf32, #tpu.memory_space<vmem>>
        %gather3A_1506 = tpu.memref_squeeze %gather3A_1505 : memref<1x128x64xf32, #tpu.memory_space<vmem>> -> memref<128x64xf32, #tpu.memory_space<vmem>>
        %gather3A_1507 = tpu.vector_load_idx %gather3A_1506[%add3A_1197, %add3A_1406] : memref<128x64xf32, #tpu.memory_space<vmem>>[vector<16xi32>, vector<16xi32>], vector<16xf32>,
        %gather3A_1508 = arith.constant 0 : i32
        %gather3A_1509 = arith.constant 0 : i32
        %gather3A_1510 = tpu.memref_slice %arg6[%scan3A_1208, %gather3A_1508, %gather3A_1509] : memref<4x128x64xf32, #tpu.memory_space<vmem>> -> memref<1x128x64xf32, #tpu.memory_space<vmem>>
        %gather3A_1511 = tpu.memref_squeeze %gather3A_1510 : memref<1x128x64xf32, #tpu.memory_space<vmem>> -> memref<128x64xf32, #tpu.memory_space<vmem>>
        %gather3A_1512 = tpu.vector_load_idx %gather3A_1511[%add3A_1200, %add3A_1406] : memref<128x64xf32, #tpu.memory_space<vmem>>[vector<16xi32>, vector<16xi32>], vector<16xf32>,
        %gather3A_1513 = arith.constant 0 : i32
        %gather3A_1514 = arith.constant 0 : i32
        %gather3A_1515 = tpu.memref_slice %arg6[%scan3A_1208, %gather3A_1513, %gather3A_1514] : memref<4x128x64xf32, #tpu.memory_space<vmem>> -> memref<1x128x64xf32, #tpu.memory_space<vmem>>
        %gather3A_1516 = tpu.memref_squeeze %gather3A_1515 : memref<1x128x64xf32, #tpu.memory_space<vmem>> -> memref<128x64xf32, #tpu.memory_space<vmem>>
        %gather3A_1517 = tpu.vector_load_idx %gather3A_1516[%add3A_1203, %add3A_1406] : memref<128x64xf32, #tpu.memory_space<vmem>>[vector<16xi32>, vector<16xi32>], vector<16xf32>,
        %gather3A_1518 = arith.constant 0 : i32
        %gather3A_1519 = arith.constant 0 : i32
        %gather3A_1520 = tpu.memref_slice %arg6[%scan3A_1208, %gather3A_1518, %gather3A_1519] : memref<4x128x64xf32, #tpu.memory_space<vmem>> -> memref<1x128x64xf32, #tpu.memory_space<vmem>>
        %gather3A_1521 = tpu.memref_squeeze %gather3A_1520 : memref<1x128x64xf32, #tpu.memory_space<vmem>> -> memref<128x64xf32, #tpu.memory_space<vmem>>
        %gather3A_1522 = tpu.vector_load_idx %gather3A_1521[%add3A_1206, %add3A_1406] : memref<128x64xf32, #tpu.memory_space<vmem>>[vector<16xi32>, vector<16xi32>], vector<16xf32>,
        %scatter3A_1523 = arith.constant 0 : i32
        %scatter3A_1524 = arith.constant 0 : i32
        %scatter3A_1525 = tpu.memref_slice %arg7[%scan3A_1209, %scatter3A_1523, %scatter3A_1524] : memref<2x64x128xf32, #tpu.memory_space<vmem>> -> memref<1x64x128xf32, #tpu.memory_space<vmem>>
        %scatter3A_1526 = tpu.memref_squeeze %scatter3A_1525 : memref<1x64x128xf32, #tpu.memory_space<vmem>> -> memref<64x128xf32, #tpu.memory_space<vmem>>
        tpu.vector_store_idx %scatter3A_1526[%add3A_1406, %add3A_1185], %gather3A_1487 : memref<64x128xf32, #tpu.memory_space<vmem>>[vector<16xi32>, vector<16xi32>], vector<16xf32>,
        %scatter3A_1527 = arith.constant 0 : i32
        %scatter3A_1528 = arith.constant 0 : i32
        %scatter3A_1529 = tpu.memref_slice %arg7[%scan3A_1209, %scatter3A_1527, %scatter3A_1528] : memref<2x64x128xf32, #tpu.memory_space<vmem>> -> memref<1x64x128xf32, #tpu.memory_space<vmem>>
        %scatter3A_1530 = tpu.memref_squeeze %scatter3A_1529 : memref<1x64x128xf32, #tpu.memory_space<vmem>> -> memref<64x128xf32, #tpu.memory_space<vmem>>
        tpu.vector_store_idx %scatter3A_1530[%add3A_1406, %add3A_1188], %gather3A_1492 : memref<64x128xf32, #tpu.memory_space<vmem>>[vector<16xi32>, vector<16xi32>], vector<16xf32>,
        %scatter3A_1531 = arith.constant 0 : i32
        %scatter3A_1532 = arith.constant 0 : i32
        %scatter3A_1533 = tpu.memref_slice %arg7[%scan3A_1209, %scatter3A_1531, %scatter3A_1532] : memref<2x64x128xf32, #tpu.memory_space<vmem>> -> memref<1x64x128xf32, #tpu.memory_space<vmem>>
        %scatter3A_1534 = tpu.memref_squeeze %scatter3A_1533 : memref<1x64x128xf32, #tpu.memory_space<vmem>> -> memref<64x128xf32, #tpu.memory_space<vmem>>
        tpu.vector_store_idx %scatter3A_1534[%add3A_1406, %add3A_1191], %gather3A_1497 : memref<64x128xf32, #tpu.memory_space<vmem>>[vector<16xi32>, vector<16xi32>], vector<16xf32>,
        %scatter3A_1535 = arith.constant 0 : i32
        %scatter3A_1536 = arith.constant 0 : i32
        %scatter3A_1537 = tpu.memref_slice %arg7[%scan3A_1209, %scatter3A_1535, %scatter3A_1536] : memref<2x64x128xf32, #tpu.memory_space<vmem>> -> memref<1x64x128xf32, #tpu.memory_space<vmem>>
        %scatter3A_1538 = tpu.memref_squeeze %scatter3A_1537 : memref<1x64x128xf32, #tpu.memory_space<vmem>> -> memref<64x128xf32, #tpu.memory_space<vmem>>
        tpu.vector_store_idx %scatter3A_1538[%add3A_1406, %add3A_1194], %gather3A_1502 : memref<64x128xf32, #tpu.memory_space<vmem>>[vector<16xi32>, vector<16xi32>], vector<16xf32>,
        %scatter3A_1539 = arith.constant 0 : i32
        %scatter3A_1540 = arith.constant 0 : i32
        %scatter3A_1541 = tpu.memref_slice %arg7[%scan3A_1209, %scatter3A_1539, %scatter3A_1540] : memref<2x64x128xf32, #tpu.memory_space<vmem>> -> memref<1x64x128xf32, #tpu.memory_space<vmem>>
        %scatter3A_1542 = tpu.memref_squeeze %scatter3A_1541 : memref<1x64x128xf32, #tpu.memory_space<vmem>> -> memref<64x128xf32, #tpu.memory_space<vmem>>
        tpu.vector_store_idx %scatter3A_1542[%add3A_1406, %add3A_1197], %gather3A_1507 : memref<64x128xf32, #tpu.memory_space<vmem>>[vector<16xi32>, vector<16xi32>], vector<16xf32>,
        %scatter3A_1543 = arith.constant 0 : i32
        %scatter3A_1544 = arith.constant 0 : i32
        %scatter3A_1545 = tpu.memref_slice %arg7[%scan3A_1209, %scatter3A_1543, %scatter3A_1544] : memref<2x64x128xf32, #tpu.memory_space<vmem>> -> memref<1x64x128xf32, #tpu.memory_space<vmem>>
        %scatter3A_1546 = tpu.memref_squeeze %scatter3A_1545 : memref<1x64x128xf32, #tpu.memory_space<vmem>> -> memref<64x128xf32, #tpu.memory_space<vmem>>
        tpu.vector_store_idx %scatter3A_1546[%add3A_1406, %add3A_1200], %gather3A_1512 : memref<64x128xf32, #tpu.memory_space<vmem>>[vector<16xi32>, vector<16xi32>], vector<16xf32>,
        %scatter3A_1547 = arith.constant 0 : i32
        %scatter3A_1548 = arith.constant 0 : i32
        %scatter3A_1549 = tpu.memref_slice %arg7[%scan3A_1209, %scatter3A_1547, %scatter3A_1548] : memref<2x64x128xf32, #tpu.memory_space<vmem>> -> memref<1x64x128xf32, #tpu.memory_space<vmem>>
        %scatter3A_1550 = tpu.memref_squeeze %scatter3A_1549 : memref<1x64x128xf32, #tpu.memory_space<vmem>> -> memref<64x128xf32, #tpu.memory_space<vmem>>
        tpu.vector_store_idx %scatter3A_1550[%add3A_1406, %add3A_1203], %gather3A_1517 : memref<64x128xf32, #tpu.memory_space<vmem>>[vector<16xi32>, vector<16xi32>], vector<16xf32>,
        %scatter3A_1551 = arith.constant 0 : i32
        %scatter3A_1552 = arith.constant 0 : i32
        %scatter3A_1553 = tpu.memref_slice %arg7[%scan3A_1209, %scatter3A_1551, %scatter3A_1552] : memref<2x64x128xf32, #tpu.memory_space<vmem>> -> memref<1x64x128xf32, #tpu.memory_space<vmem>>
        %scatter3A_1554 = tpu.memref_squeeze %scatter3A_1553 : memref<1x64x128xf32, #tpu.memory_space<vmem>> -> memref<64x128xf32, #tpu.memory_space<vmem>>
        tpu.vector_store_idx %scatter3A_1554[%add3A_1406, %add3A_1206], %gather3A_1522 : memref<64x128xf32, #tpu.memory_space<vmem>>[vector<16xi32>, vector<16xi32>], vector<16xf32>,
        %gather3A_1555 = arith.constant 0 : i32
        %gather3A_1556 = arith.constant 0 : i32
        %gather3A_1557 = tpu.memref_slice %arg6[%scan3A_1208, %gather3A_1555, %gather3A_1556] : memref<4x128x64xf32, #tpu.memory_space<vmem>> -> memref<1x128x64xf32, #tpu.memory_space<vmem>>
        %gather3A_1558 = tpu.memref_squeeze %gather3A_1557 : memref<1x128x64xf32, #tpu.memory_space<vmem>> -> memref<128x64xf32, #tpu.memory_space<vmem>>
        %gather3A_1559 = tpu.vector_load_idx %gather3A_1558[%add3A_1185, %add3A_1409] : memref<128x64xf32, #tpu.memory_space<vmem>>[vector<16xi32>, vector<16xi32>], vector<16xf32>,
        %gather3A_1560 = arith.constant 0 : i32
        %gather3A_1561 = arith.constant 0 : i32
        %gather3A_1562 = tpu.memref_slice %arg6[%scan3A_1208, %gather3A_1560, %gather3A_1561] : memref<4x128x64xf32, #tpu.memory_space<vmem>> -> memref<1x128x64xf32, #tpu.memory_space<vmem>>
        %gather3A_1563 = tpu.memref_squeeze %gather3A_1562 : memref<1x128x64xf32, #tpu.memory_space<vmem>> -> memref<128x64xf32, #tpu.memory_space<vmem>>
        %gather3A_1564 = tpu.vector_load_idx %gather3A_1563[%add3A_1188, %add3A_1409] : memref<128x64xf32, #tpu.memory_space<vmem>>[vector<16xi32>, vector<16xi32>], vector<16xf32>,
        %gather3A_1565 = arith.constant 0 : i32
        %gather3A_1566 = arith.constant 0 : i32
        %gather3A_1567 = tpu.memref_slice %arg6[%scan3A_1208, %gather3A_1565, %gather3A_1566] : memref<4x128x64xf32, #tpu.memory_space<vmem>> -> memref<1x128x64xf32, #tpu.memory_space<vmem>>
        %gather3A_1568 = tpu.memref_squeeze %gather3A_1567 : memref<1x128x64xf32, #tpu.memory_space<vmem>> -> memref<128x64xf32, #tpu.memory_space<vmem>>
        %gather3A_1569 = tpu.vector_load_idx %gather3A_1568[%add3A_1191, %add3A_1409] : memref<128x64xf32, #tpu.memory_space<vmem>>[vector<16xi32>, vector<16xi32>], vector<16xf32>,
        %gather3A_1570 = arith.constant 0 : i32
        %gather3A_1571 = arith.constant 0 : i32
        %gather3A_1572 = tpu.memref_slice %arg6[%scan3A_1208, %gather3A_1570, %gather3A_1571] : memref<4x128x64xf32, #tpu.memory_space<vmem>> -> memref<1x128x64xf32, #tpu.memory_space<vmem>>
        %gather3A_1573 = tpu.memref_squeeze %gather3A_1572 : memref<1x128x64xf32, #tpu.memory_space<vmem>> -> memref<128x64xf32, #tpu.memory_space<vmem>>
        %gather3A_1574 = tpu.vector_load_idx %gather3A_1573[%add3A_1194, %add3A_1409] : memref<128x64xf32, #tpu.memory_space<vmem>>[vector<16xi32>, vector<16xi32>], vector<16xf32>,
        %gather3A_1575 = arith.constant 0 : i32
        %gather3A_1576 = arith.constant 0 : i32
        %gather3A_1577 = tpu.memref_slice %arg6[%scan3A_1208, %gather3A_1575, %gather3A_1576] : memref<4x128x64xf32, #tpu.memory_space<vmem>> -> memref<1x128x64xf32, #tpu.memory_space<vmem>>
        %gather3A_1578 = tpu.memref_squeeze %gather3A_1577 : memref<1x128x64xf32, #tpu.memory_space<vmem>> -> memref<128x64xf32, #tpu.memory_space<vmem>>
        %gather3A_1579 = tpu.vector_load_idx %gather3A_1578[%add3A_1197, %add3A_1409] : memref<128x64xf32, #tpu.memory_space<vmem>>[vector<16xi32>, vector<16xi32>], vector<16xf32>,
        %gather3A_1580 = arith.constant 0 : i32
        %gather3A_1581 = arith.constant 0 : i32
        %gather3A_1582 = tpu.memref_slice %arg6[%scan3A_1208, %gather3A_1580, %gather3A_1581] : memref<4x128x64xf32, #tpu.memory_space<vmem>> -> memref<1x128x64xf32, #tpu.memory_space<vmem>>
        %gather3A_1583 = tpu.memref_squeeze %gather3A_1582 : memref<1x128x64xf32, #tpu.memory_space<vmem>> -> memref<128x64xf32, #tpu.memory_space<vmem>>
        %gather3A_1584 = tpu.vector_load_idx %gather3A_1583[%add3A_1200, %add3A_1409] : memref<128x64xf32, #tpu.memory_space<vmem>>[vector<16xi32>, vector<16xi32>], vector<16xf32>,
        %gather3A_1585 = arith.constant 0 : i32
        %gather3A_1586 = arith.constant 0 : i32
        %gather3A_1587 = tpu.memref_slice %arg6[%scan3A_1208, %gather3A_1585, %gather3A_1586] : memref<4x128x64xf32, #tpu.memory_space<vmem>> -> memref<1x128x64xf32, #tpu.memory_space<vmem>>
        %gather3A_1588 = tpu.memref_squeeze %gather3A_1587 : memref<1x128x64xf32, #tpu.memory_space<vmem>> -> memref<128x64xf32, #tpu.memory_space<vmem>>
        %gather3A_1589 = tpu.vector_load_idx %gather3A_1588[%add3A_1203, %add3A_1409] : memref<128x64xf32, #tpu.memory_space<vmem>>[vector<16xi32>, vector<16xi32>], vector<16xf32>,
        %gather3A_1590 = arith.constant 0 : i32
        %gather3A_1591 = arith.constant 0 : i32
        %gather3A_1592 = tpu.memref_slice %arg6[%scan3A_1208, %gather3A_1590, %gather3A_1591] : memref<4x128x64xf32, #tpu.memory_space<vmem>> -> memref<1x128x64xf32, #tpu.memory_space<vmem>>
        %gather3A_1593 = tpu.memref_squeeze %gather3A_1592 : memref<1x128x64xf32, #tpu.memory_space<vmem>> -> memref<128x64xf32, #tpu.memory_space<vmem>>
        %gather3A_1594 = tpu.vector_load_idx %gather3A_1593[%add3A_1206, %add3A_1409] : memref<128x64xf32, #tpu.memory_space<vmem>>[vector<16xi32>, vector<16xi32>], vector<16xf32>,
        %scatter3A_1595 = arith.constant 0 : i32
        %scatter3A_1596 = arith.constant 0 : i32
        %scatter3A_1597 = tpu.memref_slice %arg7[%scan3A_1209, %scatter3A_1595, %scatter3A_1596] : memref<2x64x128xf32, #tpu.memory_space<vmem>> -> memref<1x64x128xf32, #tpu.memory_space<vmem>>
        %scatter3A_1598 = tpu.memref_squeeze %scatter3A_1597 : memref<1x64x128xf32, #tpu.memory_space<vmem>> -> memref<64x128xf32, #tpu.memory_space<vmem>>
        tpu.vector_store_idx %scatter3A_1598[%add3A_1409, %add3A_1185], %gather3A_1559 : memref<64x128xf32, #tpu.memory_space<vmem>>[vector<16xi32>, vector<16xi32>], vector<16xf32>,
        %scatter3A_1599 = arith.constant 0 : i32
        %scatter3A_1600 = arith.constant 0 : i32
        %scatter3A_1601 = tpu.memref_slice %arg7[%scan3A_1209, %scatter3A_1599, %scatter3A_1600] : memref<2x64x128xf32, #tpu.memory_space<vmem>> -> memref<1x64x128xf32, #tpu.memory_space<vmem>>
        %scatter3A_1602 = tpu.memref_squeeze %scatter3A_1601 : memref<1x64x128xf32, #tpu.memory_space<vmem>> -> memref<64x128xf32, #tpu.memory_space<vmem>>
        tpu.vector_store_idx %scatter3A_1602[%add3A_1409, %add3A_1188], %gather3A_1564 : memref<64x128xf32, #tpu.memory_space<vmem>>[vector<16xi32>, vector<16xi32>], vector<16xf32>,
        %scatter3A_1603 = arith.constant 0 : i32
        %scatter3A_1604 = arith.constant 0 : i32
        %scatter3A_1605 = tpu.memref_slice %arg7[%scan3A_1209, %scatter3A_1603, %scatter3A_1604] : memref<2x64x128xf32, #tpu.memory_space<vmem>> -> memref<1x64x128xf32, #tpu.memory_space<vmem>>
        %scatter3A_1606 = tpu.memref_squeeze %scatter3A_1605 : memref<1x64x128xf32, #tpu.memory_space<vmem>> -> memref<64x128xf32, #tpu.memory_space<vmem>>
        tpu.vector_store_idx %scatter3A_1606[%add3A_1409, %add3A_1191], %gather3A_1569 : memref<64x128xf32, #tpu.memory_space<vmem>>[vector<16xi32>, vector<16xi32>], vector<16xf32>,
        %scatter3A_1607 = arith.constant 0 : i32
        %scatter3A_1608 = arith.constant 0 : i32
        %scatter3A_1609 = tpu.memref_slice %arg7[%scan3A_1209, %scatter3A_1607, %scatter3A_1608] : memref<2x64x128xf32, #tpu.memory_space<vmem>> -> memref<1x64x128xf32, #tpu.memory_space<vmem>>
        %scatter3A_1610 = tpu.memref_squeeze %scatter3A_1609 : memref<1x64x128xf32, #tpu.memory_space<vmem>> -> memref<64x128xf32, #tpu.memory_space<vmem>>
        tpu.vector_store_idx %scatter3A_1610[%add3A_1409, %add3A_1194], %gather3A_1574 : memref<64x128xf32, #tpu.memory_space<vmem>>[vector<16xi32>, vector<16xi32>], vector<16xf32>,
        %scatter3A_1611 = arith.constant 0 : i32
        %scatter3A_1612 = arith.constant 0 : i32
        %scatter3A_1613 = tpu.memref_slice %arg7[%scan3A_1209, %scatter3A_1611, %scatter3A_1612] : memref<2x64x128xf32, #tpu.memory_space<vmem>> -> memref<1x64x128xf32, #tpu.memory_space<vmem>>
        %scatter3A_1614 = tpu.memref_squeeze %scatter3A_1613 : memref<1x64x128xf32, #tpu.memory_space<vmem>> -> memref<64x128xf32, #tpu.memory_space<vmem>>
        tpu.vector_store_idx %scatter3A_1614[%add3A_1409, %add3A_1197], %gather3A_1579 : memref<64x128xf32, #tpu.memory_space<vmem>>[vector<16xi32>, vector<16xi32>], vector<16xf32>,
        %scatter3A_1615 = arith.constant 0 : i32
        %scatter3A_1616 = arith.constant 0 : i32
        %scatter3A_1617 = tpu.memref_slice %arg7[%scan3A_1209, %scatter3A_1615, %scatter3A_1616] : memref<2x64x128xf32, #tpu.memory_space<vmem>> -> memref<1x64x128xf32, #tpu.memory_space<vmem>>
        %scatter3A_1618 = tpu.memref_squeeze %scatter3A_1617 : memref<1x64x128xf32, #tpu.memory_space<vmem>> -> memref<64x128xf32, #tpu.memory_space<vmem>>
        tpu.vector_store_idx %scatter3A_1618[%add3A_1409, %add3A_1200], %gather3A_1584 : memref<64x128xf32, #tpu.memory_space<vmem>>[vector<16xi32>, vector<16xi32>], vector<16xf32>,
        %scatter3A_1619 = arith.constant 0 : i32
        %scatter3A_1620 = arith.constant 0 : i32
        %scatter3A_1621 = tpu.memref_slice %arg7[%scan3A_1209, %scatter3A_1619, %scatter3A_1620] : memref<2x64x128xf32, #tpu.memory_space<vmem>> -> memref<1x64x128xf32, #tpu.memory_space<vmem>>
        %scatter3A_1622 = tpu.memref_squeeze %scatter3A_1621 : memref<1x64x128xf32, #tpu.memory_space<vmem>> -> memref<64x128xf32, #tpu.memory_space<vmem>>
        tpu.vector_store_idx %scatter3A_1622[%add3A_1409, %add3A_1203], %gather3A_1589 : memref<64x128xf32, #tpu.memory_space<vmem>>[vector<16xi32>, vector<16xi32>], vector<16xf32>,
        %scatter3A_1623 = arith.constant 0 : i32
        %scatter3A_1624 = arith.constant 0 : i32
        %scatter3A_1625 = tpu.memref_slice %arg7[%scan3A_1209, %scatter3A_1623, %scatter3A_1624] : memref<2x64x128xf32, #tpu.memory_space<vmem>> -> memref<1x64x128xf32, #tpu.memory_space<vmem>>
        %scatter3A_1626 = tpu.memref_squeeze %scatter3A_1625 : memref<1x64x128xf32, #tpu.memory_space<vmem>> -> memref<64x128xf32, #tpu.memory_space<vmem>>
        tpu.vector_store_idx %scatter3A_1626[%add3A_1409, %add3A_1206], %gather3A_1594 : memref<64x128xf32, #tpu.memory_space<vmem>>[vector<16xi32>, vector<16xi32>], vector<16xf32>,
        %gather3A_1627 = arith.constant 0 : i32
        %gather3A_1628 = arith.constant 0 : i32
        %gather3A_1629 = tpu.memref_slice %arg6[%scan3A_1208, %gather3A_1627, %gather3A_1628] : memref<4x128x64xf32, #tpu.memory_space<vmem>> -> memref<1x128x64xf32, #tpu.memory_space<vmem>>
        %gather3A_1630 = tpu.memref_squeeze %gather3A_1629 : memref<1x128x64xf32, #tpu.memory_space<vmem>> -> memref<128x64xf32, #tpu.memory_space<vmem>>
        %gather3A_1631 = tpu.vector_load_idx %gather3A_1630[%add3A_1185, %add3A_1412] : memref<128x64xf32, #tpu.memory_space<vmem>>[vector<16xi32>, vector<16xi32>], vector<16xf32>,
        %gather3A_1632 = arith.constant 0 : i32
        %gather3A_1633 = arith.constant 0 : i32
        %gather3A_1634 = tpu.memref_slice %arg6[%scan3A_1208, %gather3A_1632, %gather3A_1633] : memref<4x128x64xf32, #tpu.memory_space<vmem>> -> memref<1x128x64xf32, #tpu.memory_space<vmem>>
        %gather3A_1635 = tpu.memref_squeeze %gather3A_1634 : memref<1x128x64xf32, #tpu.memory_space<vmem>> -> memref<128x64xf32, #tpu.memory_space<vmem>>
        %gather3A_1636 = tpu.vector_load_idx %gather3A_1635[%add3A_1188, %add3A_1412] : memref<128x64xf32, #tpu.memory_space<vmem>>[vector<16xi32>, vector<16xi32>], vector<16xf32>,
        %gather3A_1637 = arith.constant 0 : i32
        %gather3A_1638 = arith.constant 0 : i32
        %gather3A_1639 = tpu.memref_slice %arg6[%scan3A_1208, %gather3A_1637, %gather3A_1638] : memref<4x128x64xf32, #tpu.memory_space<vmem>> -> memref<1x128x64xf32, #tpu.memory_space<vmem>>
        %gather3A_1640 = tpu.memref_squeeze %gather3A_1639 : memref<1x128x64xf32, #tpu.memory_space<vmem>> -> memref<128x64xf32, #tpu.memory_space<vmem>>
        %gather3A_1641 = tpu.vector_load_idx %gather3A_1640[%add3A_1191, %add3A_1412] : memref<128x64xf32, #tpu.memory_space<vmem>>[vector<16xi32>, vector<16xi32>], vector<16xf32>,
        %gather3A_1642 = arith.constant 0 : i32
        %gather3A_1643 = arith.constant 0 : i32
        %gather3A_1644 = tpu.memref_slice %arg6[%scan3A_1208, %gather3A_1642, %gather3A_1643] : memref<4x128x64xf32, #tpu.memory_space<vmem>> -> memref<1x128x64xf32, #tpu.memory_space<vmem>>
        %gather3A_1645 = tpu.memref_squeeze %gather3A_1644 : memref<1x128x64xf32, #tpu.memory_space<vmem>> -> memref<128x64xf32, #tpu.memory_space<vmem>>
        %gather3A_1646 = tpu.vector_load_idx %gather3A_1645[%add3A_1194, %add3A_1412] : memref<128x64xf32, #tpu.memory_space<vmem>>[vector<16xi32>, vector<16xi32>], vector<16xf32>,
        %gather3A_1647 = arith.constant 0 : i32
        %gather3A_1648 = arith.constant 0 : i32
        %gather3A_1649 = tpu.memref_slice %arg6[%scan3A_1208, %gather3A_1647, %gather3A_1648] : memref<4x128x64xf32, #tpu.memory_space<vmem>> -> memref<1x128x64xf32, #tpu.memory_space<vmem>>
        %gather3A_1650 = tpu.memref_squeeze %gather3A_1649 : memref<1x128x64xf32, #tpu.memory_space<vmem>> -> memref<128x64xf32, #tpu.memory_space<vmem>>
        %gather3A_1651 = tpu.vector_load_idx %gather3A_1650[%add3A_1197, %add3A_1412] : memref<128x64xf32, #tpu.memory_space<vmem>>[vector<16xi32>, vector<16xi32>], vector<16xf32>,
        %gather3A_1652 = arith.constant 0 : i32
        %gather3A_1653 = arith.constant 0 : i32
        %gather3A_1654 = tpu.memref_slice %arg6[%scan3A_1208, %gather3A_1652, %gather3A_1653] : memref<4x128x64xf32, #tpu.memory_space<vmem>> -> memref<1x128x64xf32, #tpu.memory_space<vmem>>
        %gather3A_1655 = tpu.memref_squeeze %gather3A_1654 : memref<1x128x64xf32, #tpu.memory_space<vmem>> -> memref<128x64xf32, #tpu.memory_space<vmem>>
        %gather3A_1656 = tpu.vector_load_idx %gather3A_1655[%add3A_1200, %add3A_1412] : memref<128x64xf32, #tpu.memory_space<vmem>>[vector<16xi32>, vector<16xi32>], vector<16xf32>,
        %gather3A_1657 = arith.constant 0 : i32
        %gather3A_1658 = arith.constant 0 : i32
        %gather3A_1659 = tpu.memref_slice %arg6[%scan3A_1208, %gather3A_1657, %gather3A_1658] : memref<4x128x64xf32, #tpu.memory_space<vmem>> -> memref<1x128x64xf32, #tpu.memory_space<vmem>>
        %gather3A_1660 = tpu.memref_squeeze %gather3A_1659 : memref<1x128x64xf32, #tpu.memory_space<vmem>> -> memref<128x64xf32, #tpu.memory_space<vmem>>
        %gather3A_1661 = tpu.vector_load_idx %gather3A_1660[%add3A_1203, %add3A_1412] : memref<128x64xf32, #tpu.memory_space<vmem>>[vector<16xi32>, vector<16xi32>], vector<16xf32>,
        %gather3A_1662 = arith.constant 0 : i32
        %gather3A_1663 = arith.constant 0 : i32
        %gather3A_1664 = tpu.memref_slice %arg6[%scan3A_1208, %gather3A_1662, %gather3A_1663] : memref<4x128x64xf32, #tpu.memory_space<vmem>> -> memref<1x128x64xf32, #tpu.memory_space<vmem>>
        %gather3A_1665 = tpu.memref_squeeze %gather3A_1664 : memref<1x128x64xf32, #tpu.memory_space<vmem>> -> memref<128x64xf32, #tpu.memory_space<vmem>>
        %gather3A_1666 = tpu.vector_load_idx %gather3A_1665[%add3A_1206, %add3A_1412] : memref<128x64xf32, #tpu.memory_space<vmem>>[vector<16xi32>, vector<16xi32>], vector<16xf32>,
        %scatter3A_1667 = arith.constant 0 : i32
        %scatter3A_1668 = arith.constant 0 : i32
        %scatter3A_1669 = tpu.memref_slice %arg7[%scan3A_1209, %scatter3A_1667, %scatter3A_1668] : memref<2x64x128xf32, #tpu.memory_space<vmem>> -> memref<1x64x128xf32, #tpu.memory_space<vmem>>
        %scatter3A_1670 = tpu.memref_squeeze %scatter3A_1669 : memref<1x64x128xf32, #tpu.memory_space<vmem>> -> memref<64x128xf32, #tpu.memory_space<vmem>>
        tpu.vector_store_idx %scatter3A_1670[%add3A_1412, %add3A_1185], %gather3A_1631 : memref<64x128xf32, #tpu.memory_space<vmem>>[vector<16xi32>, vector<16xi32>], vector<16xf32>,
        %scatter3A_1671 = arith.constant 0 : i32
        %scatter3A_1672 = arith.constant 0 : i32
        %scatter3A_1673 = tpu.memref_slice %arg7[%scan3A_1209, %scatter3A_1671, %scatter3A_1672] : memref<2x64x128xf32, #tpu.memory_space<vmem>> -> memref<1x64x128xf32, #tpu.memory_space<vmem>>
        %scatter3A_1674 = tpu.memref_squeeze %scatter3A_1673 : memref<1x64x128xf32, #tpu.memory_space<vmem>> -> memref<64x128xf32, #tpu.memory_space<vmem>>
        tpu.vector_store_idx %scatter3A_1674[%add3A_1412, %add3A_1188], %gather3A_1636 : memref<64x128xf32, #tpu.memory_space<vmem>>[vector<16xi32>, vector<16xi32>], vector<16xf32>,
        %scatter3A_1675 = arith.constant 0 : i32
        %scatter3A_1676 = arith.constant 0 : i32
        %scatter3A_1677 = tpu.memref_slice %arg7[%scan3A_1209, %scatter3A_1675, %scatter3A_1676] : memref<2x64x128xf32, #tpu.memory_space<vmem>> -> memref<1x64x128xf32, #tpu.memory_space<vmem>>
        %scatter3A_1678 = tpu.memref_squeeze %scatter3A_1677 : memref<1x64x128xf32, #tpu.memory_space<vmem>> -> memref<64x128xf32, #tpu.memory_space<vmem>>
        tpu.vector_store_idx %scatter3A_1678[%add3A_1412, %add3A_1191], %gather3A_1641 : memref<64x128xf32, #tpu.memory_space<vmem>>[vector<16xi32>, vector<16xi32>], vector<16xf32>,
        %scatter3A_1679 = arith.constant 0 : i32
        %scatter3A_1680 = arith.constant 0 : i32
        %scatter3A_1681 = tpu.memref_slice %arg7[%scan3A_1209, %scatter3A_1679, %scatter3A_1680] : memref<2x64x128xf32, #tpu.memory_space<vmem>> -> memref<1x64x128xf32, #tpu.memory_space<vmem>>
        %scatter3A_1682 = tpu.memref_squeeze %scatter3A_1681 : memref<1x64x128xf32, #tpu.memory_space<vmem>> -> memref<64x128xf32, #tpu.memory_space<vmem>>
        tpu.vector_store_idx %scatter3A_1682[%add3A_1412, %add3A_1194], %gather3A_1646 : memref<64x128xf32, #tpu.memory_space<vmem>>[vector<16xi32>, vector<16xi32>], vector<16xf32>,
        %scatter3A_1683 = arith.constant 0 : i32
        %scatter3A_1684 = arith.constant 0 : i32
        %scatter3A_1685 = tpu.memref_slice %arg7[%scan3A_1209, %scatter3A_1683, %scatter3A_1684] : memref<2x64x128xf32, #tpu.memory_space<vmem>> -> memref<1x64x128xf32, #tpu.memory_space<vmem>>
        %scatter3A_1686 = tpu.memref_squeeze %scatter3A_1685 : memref<1x64x128xf32, #tpu.memory_space<vmem>> -> memref<64x128xf32, #tpu.memory_space<vmem>>
        tpu.vector_store_idx %scatter3A_1686[%add3A_1412, %add3A_1197], %gather3A_1651 : memref<64x128xf32, #tpu.memory_space<vmem>>[vector<16xi32>, vector<16xi32>], vector<16xf32>,
        %scatter3A_1687 = arith.constant 0 : i32
        %scatter3A_1688 = arith.constant 0 : i32
        %scatter3A_1689 = tpu.memref_slice %arg7[%scan3A_1209, %scatter3A_1687, %scatter3A_1688] : memref<2x64x128xf32, #tpu.memory_space<vmem>> -> memref<1x64x128xf32, #tpu.memory_space<vmem>>
        %scatter3A_1690 = tpu.memref_squeeze %scatter3A_1689 : memref<1x64x128xf32, #tpu.memory_space<vmem>> -> memref<64x128xf32, #tpu.memory_space<vmem>>
        tpu.vector_store_idx %scatter3A_1690[%add3A_1412, %add3A_1200], %gather3A_1656 : memref<64x128xf32, #tpu.memory_space<vmem>>[vector<16xi32>, vector<16xi32>], vector<16xf32>,
        %scatter3A_1691 = arith.constant 0 : i32
        %scatter3A_1692 = arith.constant 0 : i32
        %scatter3A_1693 = tpu.memref_slice %arg7[%scan3A_1209, %scatter3A_1691, %scatter3A_1692] : memref<2x64x128xf32, #tpu.memory_space<vmem>> -> memref<1x64x128xf32, #tpu.memory_space<vmem>>
        %scatter3A_1694 = tpu.memref_squeeze %scatter3A_1693 : memref<1x64x128xf32, #tpu.memory_space<vmem>> -> memref<64x128xf32, #tpu.memory_space<vmem>>
        tpu.vector_store_idx %scatter3A_1694[%add3A_1412, %add3A_1203], %gather3A_1661 : memref<64x128xf32, #tpu.memory_space<vmem>>[vector<16xi32>, vector<16xi32>], vector<16xf32>,
        %scatter3A_1695 = arith.constant 0 : i32
        %scatter3A_1696 = arith.constant 0 : i32
        %scatter3A_1697 = tpu.memref_slice %arg7[%scan3A_1209, %scatter3A_1695, %scatter3A_1696] : memref<2x64x128xf32, #tpu.memory_space<vmem>> -> memref<1x64x128xf32, #tpu.memory_space<vmem>>
        %scatter3A_1698 = tpu.memref_squeeze %scatter3A_1697 : memref<1x64x128xf32, #tpu.memory_space<vmem>> -> memref<64x128xf32, #tpu.memory_space<vmem>>
        tpu.vector_store_idx %scatter3A_1698[%add3A_1412, %add3A_1206], %gather3A_1666 : memref<64x128xf32, #tpu.memory_space<vmem>>[vector<16xi32>, vector<16xi32>], vector<16xf32>,
      }
      %scan3A_1214 = arith.constant 16 : i32
      %add3A_1215 = arith.constant 4 : i32
      %add3A_1216 = arith.addi %add3A_1140, %add3A_1215 : i32
      %lt3A_1217 = arith.constant 200 : i32
      %lt3A_1218 = arith.cmpi slt, %add3A_1216, %lt3A_1217 : i32
      %convert_element_type3A_1219 = arith.extui %lt3A_1218 : i1 to i32
      %cond3A_1220 = arith.constant 0 : i32
      %cond3A_1221 = arith.cmpi ne, %convert_element_type3A_1219, %cond3A_1220 : i32
      scf.if %cond3A_1221 {
        %add3A_1395 = arith.constant 4 : i32
        %add3A_1396 = arith.addi %add3A_1140, %add3A_1395 : i32
        %jit3A_1397 = arith.constant 4 : i32
        %div3A_1398 = arith.divsi %add3A_1396, %jit3A_1397 : i32
        %sign3A_1399 = arith.constant 0 : i32
        %sign3A_1400 = arith.cmpi sgt, %add3A_1396, %sign3A_1399 : i32
        %sign3A_1401 = arith.extui %sign3A_1400 : i1 to i32
        %sign3A_1402 = arith.constant 0 : i32
        %sign3A_1403 = arith.cmpi slt, %add3A_1396, %sign3A_1402 : i32
        %sign3A_1404 = arith.extui %sign3A_1403 : i1 to i32
        %sign3A_1405 = arith.subi %sign3A_1401, %sign3A_1404 : i32
        %sign3A_1406 = arith.constant 0 : i32
        %sign3A_1407 = arith.cmpi sgt, %jit3A_1397, %sign3A_1406 : i32
        %sign3A_1408 = arith.extui %sign3A_1407 : i1 to i32
        %sign3A_1409 = arith.constant 0 : i32
        %sign3A_1410 = arith.cmpi slt, %jit3A_1397, %sign3A_1409 : i32
        %sign3A_1411 = arith.extui %sign3A_1410 : i1 to i32
        %sign3A_1412 = arith.subi %sign3A_1408, %sign3A_1411 : i32
        %ne3A_1413 = arith.cmpi ne, %sign3A_1405, %sign3A_1412 : i32
        %rem3A_1414 = arith.remsi %add3A_1396, %jit3A_1397 : i32
        %ne3A_1415 = arith.constant 0 : i32
        %ne3A_1416 = arith.cmpi ne, %rem3A_1414, %ne3A_1415 : i32
        %and3A_1417 = arith.andi %ne3A_1413, %ne3A_1416 : i1
        %sub3A_1418 = arith.constant 1 : i32
        %sub3A_1419 = arith.subi %div3A_1398, %sub3A_1418 : i32
        %select_n3A_1420 = arith.select %and3A_1417, %sub3A_1419, %div3A_1398 : i32
        %rem3A_1421 = arith.constant 4 : i32
        %rem3A_1422 = arith.remsi %add3A_1396, %rem3A_1421 : i32
        %dma_start3A_1423 = arith.constant 3 : i32
        %dma_start3A_1424 = arith.constant 0 : i32
        %dma_start3A_1425 = arith.constant 0 : i32
        %dma_start3A_1426 = tpu.memref_slice %arg6[%dma_start3A_1423, %dma_start3A_1424, %dma_start3A_1425] : memref<4x128x64xf32, #tpu.memory_space<vmem>> -> memref<1x128x64xf32, #tpu.memory_space<vmem>>
        %dma_start3A_1427 = tpu.memref_squeeze %dma_start3A_1426 : memref<1x128x64xf32, #tpu.memory_space<vmem>> -> memref<128x64xf32, #tpu.memory_space<vmem>>
        %dma_start3A_1428 = arith.constant 0 : i32
        %dma_start3A_1429 = tpu.memref_slice %arg5[%select_n3A_1420, %rem3A_1422, %dma_start3A_1428] : memref<50x4x128xi32, #tpu.memory_space<vmem>> -> memref<1x1x128xi32, #tpu.memory_space<vmem>>
        %dma_start3A_1430 = tpu.memref_squeeze %dma_start3A_1429 : memref<1x1x128xi32, #tpu.memory_space<vmem>> -> memref<128xi32, #tpu.memory_space<vmem>>
        %dma_start3A_1431 = arith.constant 0 : i32
        %dma_start3A_1432 = arith.constant 0 : i32
        %dma_start3A_1433 = tpu.memref_slice %arg3[%dma_start3A_1431, %dma_start3A_1432] : memref<100000x64xf32, #tpu.memory_space<hbm>> -> memref<100000x64xf32, #tpu.memory_space<hbm>>
        tpu.enqueue_indirect_dma source(%dma_start3A_1433 : memref<100000x64xf32, #tpu.memory_space<hbm>>) target(%dma_start3A_1427 : memref<128x64xf32, #tpu.memory_space<vmem>>) offsets(%dma_start3A_1430 : memref<128xi32, #tpu.memory_space<vmem>>) semaphore(%arg11 : memref<!tpu.dma_semaphore, #tpu.memory_space<semaphore_mem>>)
      } else {
      }
      %jit3A_1222 = arith.constant 4 : i32
      %div3A_1223 = arith.divsi %add3A_1140, %jit3A_1222 : i32
      %sign3A_1224 = arith.constant 0 : i32
      %sign3A_1225 = arith.cmpi sgt, %add3A_1140, %sign3A_1224 : i32
      %sign3A_1226 = arith.extui %sign3A_1225 : i1 to i32
      %sign3A_1227 = arith.constant 0 : i32
      %sign3A_1228 = arith.cmpi slt, %add3A_1140, %sign3A_1227 : i32
      %sign3A_1229 = arith.extui %sign3A_1228 : i1 to i32
      %sign3A_1230 = arith.subi %sign3A_1226, %sign3A_1229 : i32
      %sign3A_1231 = arith.constant 0 : i32
      %sign3A_1232 = arith.cmpi sgt, %jit3A_1222, %sign3A_1231 : i32
      %sign3A_1233 = arith.extui %sign3A_1232 : i1 to i32
      %sign3A_1234 = arith.constant 0 : i32
      %sign3A_1235 = arith.cmpi slt, %jit3A_1222, %sign3A_1234 : i32
      %sign3A_1236 = arith.extui %sign3A_1235 : i1 to i32
      %sign3A_1237 = arith.subi %sign3A_1233, %sign3A_1236 : i32
      %ne3A_1238 = arith.cmpi ne, %sign3A_1230, %sign3A_1237 : i32
      %rem3A_1239 = arith.remsi %add3A_1140, %jit3A_1222 : i32
      %ne3A_1240 = arith.constant 0 : i32
      %ne3A_1241 = arith.cmpi ne, %rem3A_1239, %ne3A_1240 : i32
      %and3A_1242 = arith.andi %ne3A_1238, %ne3A_1241 : i1
      %sub3A_1243 = arith.constant 1 : i32
      %sub3A_1244 = arith.subi %div3A_1223, %sub3A_1243 : i32
      %select_n3A_1245 = arith.select %and3A_1242, %sub3A_1244, %div3A_1223 : i32
      %mul3A_1246 = arith.constant 4 : i32
      %mul3A_1247 = arith.muli %add3A, %mul3A_1246 : i32
      %rem3A_1248 = arith.constant 4 : i32
      %rem3A_1249 = arith.remsi %add3A_1140, %rem3A_1248 : i32
      %add3A_1250 = arith.addi %mul3A_1247, %rem3A_1249 : i32
      %dma_start3A_1251 = arith.constant 1 : i32
      %dma_start3A_1252 = arith.constant 0 : i32
      %dma_start3A_1253 = arith.constant 0 : i32
      %dma_start3A_1254 = arith.constant 0 : i32
      %dma_start3A_1255 = tpu.memref_slice %arg7[%dma_start3A_1251, %dma_start3A_1253, %dma_start3A_1254] : memref<2x64x128xf32, #tpu.memory_space<vmem>> -> memref<1x8x128xf32, #tpu.memory_space<vmem>>
      %dma_start3A_1256 = tpu.memref_squeeze %dma_start3A_1255 : memref<1x8x128xf32, #tpu.memory_space<vmem>> -> memref<8x128xf32, #tpu.memory_space<vmem>>
      %dma_start3A_1257 = arith.constant 0 : i32
      %dma_start3A_1258 = arith.constant 0 : i32
      %dma_start3A_1259 = tpu.memref_slice %arg4[%select_n3A_1245, %dma_start3A_1252, %add3A_1250, %dma_start3A_1257, %dma_start3A_1258] : memref<50x8x128x8x128xf32, #tpu.memory_space<hbm>> -> memref<1x1x1x8x128xf32, #tpu.memory_space<hbm>>
      %dma_start3A_1260 = tpu.memref_squeeze %dma_start3A_1259 : memref<1x1x1x8x128xf32, #tpu.memory_space<hbm>> -> memref<8x128xf32, #tpu.memory_space<hbm>>
      %dma_start3A_1261 = arith.constant 0 : i32
      %dma_start3A_1262 = arith.constant 0 : i32
      %dma_start3A_1263 = tpu.memref_slice %arg4[%select_n3A_1245, %dma_start3A_1252, %add3A_1250, %dma_start3A_1261, %dma_start3A_1262] : memref<50x8x128x8x128xf32, #tpu.memory_space<hbm>> -> memref<1x1x1x8x128xf32, #tpu.memory_space<hbm>>
      %dma_start3A_1264 = tpu.memref_squeeze %dma_start3A_1263 : memref<1x1x1x8x128xf32, #tpu.memory_space<hbm>> -> memref<8x128xf32, #tpu.memory_space<hbm>>
      %dma_start3A_1265 = arith.constant 0 : i32
      %dma_start3A_1266 = arith.constant 0 : i32
      %dma_start3A_1267 = tpu.memref_slice %arg7[%dma_start3A_1251, %dma_start3A_1265, %dma_start3A_1266] : memref<2x64x128xf32, #tpu.memory_space<vmem>> -> memref<1x8x128xf32, #tpu.memory_space<vmem>>
      %dma_start3A_1268 = tpu.memref_squeeze %dma_start3A_1267 : memref<1x8x128xf32, #tpu.memory_space<vmem>> -> memref<8x128xf32, #tpu.memory_space<vmem>>
      tpu.enqueue_dma source(%dma_start3A_1268 : memref<8x128xf32, #tpu.memory_space<vmem>>) target(%dma_start3A_1264 : memref<8x128xf32, #tpu.memory_space<hbm>>) target_semaphore(%arg13 : memref<!tpu.dma_semaphore, #tpu.memory_space<semaphore_mem>>)
      %dma_start3A_1269 = arith.constant 1 : i32
      %dma_start3A_1270 = arith.constant 1 : i32
      %dma_start3A_1271 = arith.constant 8 : i32
      %dma_start3A_1272 = arith.constant 0 : i32
      %dma_start3A_1273 = tpu.memref_slice %arg7[%dma_start3A_1269, %dma_start3A_1271, %dma_start3A_1272] : memref<2x64x128xf32, #tpu.memory_space<vmem>> -> memref<1x8x128xf32, #tpu.memory_space<vmem>>
      %dma_start3A_1274 = tpu.memref_squeeze %dma_start3A_1273 : memref<1x8x128xf32, #tpu.memory_space<vmem>> -> memref<8x128xf32, #tpu.memory_space<vmem>>
      %dma_start3A_1275 = arith.constant 0 : i32
      %dma_start3A_1276 = arith.constant 0 : i32
      %dma_start3A_1277 = tpu.memref_slice %arg4[%select_n3A_1245, %dma_start3A_1270, %add3A_1250, %dma_start3A_1275, %dma_start3A_1276] : memref<50x8x128x8x128xf32, #tpu.memory_space<hbm>> -> memref<1x1x1x8x128xf32, #tpu.memory_space<hbm>>
      %dma_start3A_1278 = tpu.memref_squeeze %dma_start3A_1277 : memref<1x1x1x8x128xf32, #tpu.memory_space<hbm>> -> memref<8x128xf32, #tpu.memory_space<hbm>>
      %dma_start3A_1279 = arith.constant 0 : i32
      %dma_start3A_1280 = arith.constant 0 : i32
      %dma_start3A_1281 = tpu.memref_slice %arg4[%select_n3A_1245, %dma_start3A_1270, %add3A_1250, %dma_start3A_1279, %dma_start3A_1280] : memref<50x8x128x8x128xf32, #tpu.memory_space<hbm>> -> memref<1x1x1x8x128xf32, #tpu.memory_space<hbm>>
      %dma_start3A_1282 = tpu.memref_squeeze %dma_start3A_1281 : memref<1x1x1x8x128xf32, #tpu.memory_space<hbm>> -> memref<8x128xf32, #tpu.memory_space<hbm>>
      %dma_start3A_1283 = arith.constant 8 : i32
      %dma_start3A_1284 = arith.constant 0 : i32
      %dma_start3A_1285 = tpu.memref_slice %arg7[%dma_start3A_1269, %dma_start3A_1283, %dma_start3A_1284] : memref<2x64x128xf32, #tpu.memory_space<vmem>> -> memref<1x8x128xf32, #tpu.memory_space<vmem>>
      %dma_start3A_1286 = tpu.memref_squeeze %dma_start3A_1285 : memref<1x8x128xf32, #tpu.memory_space<vmem>> -> memref<8x128xf32, #tpu.memory_space<vmem>>
      tpu.enqueue_dma source(%dma_start3A_1286 : memref<8x128xf32, #tpu.memory_space<vmem>>) target(%dma_start3A_1282 : memref<8x128xf32, #tpu.memory_space<hbm>>) target_semaphore(%arg13 : memref<!tpu.dma_semaphore, #tpu.memory_space<semaphore_mem>>)
      %dma_start3A_1287 = arith.constant 1 : i32
      %dma_start3A_1288 = arith.constant 2 : i32
      %dma_start3A_1289 = arith.constant 16 : i32
      %dma_start3A_1290 = arith.constant 0 : i32
      %dma_start3A_1291 = tpu.memref_slice %arg7[%dma_start3A_1287, %dma_start3A_1289, %dma_start3A_1290] : memref<2x64x128xf32, #tpu.memory_space<vmem>> -> memref<1x8x128xf32, #tpu.memory_space<vmem>>
      %dma_start3A_1292 = tpu.memref_squeeze %dma_start3A_1291 : memref<1x8x128xf32, #tpu.memory_space<vmem>> -> memref<8x128xf32, #tpu.memory_space<vmem>>
      %dma_start3A_1293 = arith.constant 0 : i32
      %dma_start3A_1294 = arith.constant 0 : i32
      %dma_start3A_1295 = tpu.memref_slice %arg4[%select_n3A_1245, %dma_start3A_1288, %add3A_1250, %dma_start3A_1293, %dma_start3A_1294] : memref<50x8x128x8x128xf32, #tpu.memory_space<hbm>> -> memref<1x1x1x8x128xf32, #tpu.memory_space<hbm>>
      %dma_start3A_1296 = tpu.memref_squeeze %dma_start3A_1295 : memref<1x1x1x8x128xf32, #tpu.memory_space<hbm>> -> memref<8x128xf32, #tpu.memory_space<hbm>>
      %dma_start3A_1297 = arith.constant 0 : i32
      %dma_start3A_1298 = arith.constant 0 : i32
      %dma_start3A_1299 = tpu.memref_slice %arg4[%select_n3A_1245, %dma_start3A_1288, %add3A_1250, %dma_start3A_1297, %dma_start3A_1298] : memref<50x8x128x8x128xf32, #tpu.memory_space<hbm>> -> memref<1x1x1x8x128xf32, #tpu.memory_space<hbm>>
      %dma_start3A_1300 = tpu.memref_squeeze %dma_start3A_1299 : memref<1x1x1x8x128xf32, #tpu.memory_space<hbm>> -> memref<8x128xf32, #tpu.memory_space<hbm>>
      %dma_start3A_1301 = arith.constant 16 : i32
      %dma_start3A_1302 = arith.constant 0 : i32
      %dma_start3A_1303 = tpu.memref_slice %arg7[%dma_start3A_1287, %dma_start3A_1301, %dma_start3A_1302] : memref<2x64x128xf32, #tpu.memory_space<vmem>> -> memref<1x8x128xf32, #tpu.memory_space<vmem>>
      %dma_start3A_1304 = tpu.memref_squeeze %dma_start3A_1303 : memref<1x8x128xf32, #tpu.memory_space<vmem>> -> memref<8x128xf32, #tpu.memory_space<vmem>>
      tpu.enqueue_dma source(%dma_start3A_1304 : memref<8x128xf32, #tpu.memory_space<vmem>>) target(%dma_start3A_1300 : memref<8x128xf32, #tpu.memory_space<hbm>>) target_semaphore(%arg13 : memref<!tpu.dma_semaphore, #tpu.memory_space<semaphore_mem>>)
      %dma_start3A_1305 = arith.constant 1 : i32
      %dma_start3A_1306 = arith.constant 3 : i32
      %dma_start3A_1307 = arith.constant 24 : i32
      %dma_start3A_1308 = arith.constant 0 : i32
      %dma_start3A_1309 = tpu.memref_slice %arg7[%dma_start3A_1305, %dma_start3A_1307, %dma_start3A_1308] : memref<2x64x128xf32, #tpu.memory_space<vmem>> -> memref<1x8x128xf32, #tpu.memory_space<vmem>>
      %dma_start3A_1310 = tpu.memref_squeeze %dma_start3A_1309 : memref<1x8x128xf32, #tpu.memory_space<vmem>> -> memref<8x128xf32, #tpu.memory_space<vmem>>
      %dma_start3A_1311 = arith.constant 0 : i32
      %dma_start3A_1312 = arith.constant 0 : i32
      %dma_start3A_1313 = tpu.memref_slice %arg4[%select_n3A_1245, %dma_start3A_1306, %add3A_1250, %dma_start3A_1311, %dma_start3A_1312] : memref<50x8x128x8x128xf32, #tpu.memory_space<hbm>> -> memref<1x1x1x8x128xf32, #tpu.memory_space<hbm>>
      %dma_start3A_1314 = tpu.memref_squeeze %dma_start3A_1313 : memref<1x1x1x8x128xf32, #tpu.memory_space<hbm>> -> memref<8x128xf32, #tpu.memory_space<hbm>>
      %dma_start3A_1315 = arith.constant 0 : i32
      %dma_start3A_1316 = arith.constant 0 : i32
      %dma_start3A_1317 = tpu.memref_slice %arg4[%select_n3A_1245, %dma_start3A_1306, %add3A_1250, %dma_start3A_1315, %dma_start3A_1316] : memref<50x8x128x8x128xf32, #tpu.memory_space<hbm>> -> memref<1x1x1x8x128xf32, #tpu.memory_space<hbm>>
      %dma_start3A_1318 = tpu.memref_squeeze %dma_start3A_1317 : memref<1x1x1x8x128xf32, #tpu.memory_space<hbm>> -> memref<8x128xf32, #tpu.memory_space<hbm>>
      %dma_start3A_1319 = arith.constant 24 : i32
      %dma_start3A_1320 = arith.constant 0 : i32
      %dma_start3A_1321 = tpu.memref_slice %arg7[%dma_start3A_1305, %dma_start3A_1319, %dma_start3A_1320] : memref<2x64x128xf32, #tpu.memory_space<vmem>> -> memref<1x8x128xf32, #tpu.memory_space<vmem>>
      %dma_start3A_1322 = tpu.memref_squeeze %dma_start3A_1321 : memref<1x8x128xf32, #tpu.memory_space<vmem>> -> memref<8x128xf32, #tpu.memory_space<vmem>>
      tpu.enqueue_dma source(%dma_start3A_1322 : memref<8x128xf32, #tpu.memory_space<vmem>>) target(%dma_start3A_1318 : memref<8x128xf32, #tpu.memory_space<hbm>>) target_semaphore(%arg13 : memref<!tpu.dma_semaphore, #tpu.memory_space<semaphore_mem>>)
      %dma_start3A_1323 = arith.constant 1 : i32
      %dma_start3A_1324 = arith.constant 4 : i32
      %dma_start3A_1325 = arith.constant 32 : i32
      %dma_start3A_1326 = arith.constant 0 : i32
      %dma_start3A_1327 = tpu.memref_slice %arg7[%dma_start3A_1323, %dma_start3A_1325, %dma_start3A_1326] : memref<2x64x128xf32, #tpu.memory_space<vmem>> -> memref<1x8x128xf32, #tpu.memory_space<vmem>>
      %dma_start3A_1328 = tpu.memref_squeeze %dma_start3A_1327 : memref<1x8x128xf32, #tpu.memory_space<vmem>> -> memref<8x128xf32, #tpu.memory_space<vmem>>
      %dma_start3A_1329 = arith.constant 0 : i32
      %dma_start3A_1330 = arith.constant 0 : i32
      %dma_start3A_1331 = tpu.memref_slice %arg4[%select_n3A_1245, %dma_start3A_1324, %add3A_1250, %dma_start3A_1329, %dma_start3A_1330] : memref<50x8x128x8x128xf32, #tpu.memory_space<hbm>> -> memref<1x1x1x8x128xf32, #tpu.memory_space<hbm>>
      %dma_start3A_1332 = tpu.memref_squeeze %dma_start3A_1331 : memref<1x1x1x8x128xf32, #tpu.memory_space<hbm>> -> memref<8x128xf32, #tpu.memory_space<hbm>>
      %dma_start3A_1333 = arith.constant 0 : i32
      %dma_start3A_1334 = arith.constant 0 : i32
      %dma_start3A_1335 = tpu.memref_slice %arg4[%select_n3A_1245, %dma_start3A_1324, %add3A_1250, %dma_start3A_1333, %dma_start3A_1334] : memref<50x8x128x8x128xf32, #tpu.memory_space<hbm>> -> memref<1x1x1x8x128xf32, #tpu.memory_space<hbm>>
      %dma_start3A_1336 = tpu.memref_squeeze %dma_start3A_1335 : memref<1x1x1x8x128xf32, #tpu.memory_space<hbm>> -> memref<8x128xf32, #tpu.memory_space<hbm>>
      %dma_start3A_1337 = arith.constant 32 : i32
      %dma_start3A_1338 = arith.constant 0 : i32
      %dma_start3A_1339 = tpu.memref_slice %arg7[%dma_start3A_1323, %dma_start3A_1337, %dma_start3A_1338] : memref<2x64x128xf32, #tpu.memory_space<vmem>> -> memref<1x8x128xf32, #tpu.memory_space<vmem>>
      %dma_start3A_1340 = tpu.memref_squeeze %dma_start3A_1339 : memref<1x8x128xf32, #tpu.memory_space<vmem>> -> memref<8x128xf32, #tpu.memory_space<vmem>>
      tpu.enqueue_dma source(%dma_start3A_1340 : memref<8x128xf32, #tpu.memory_space<vmem>>) target(%dma_start3A_1336 : memref<8x128xf32, #tpu.memory_space<hbm>>) target_semaphore(%arg13 : memref<!tpu.dma_semaphore, #tpu.memory_space<semaphore_mem>>)
      %dma_start3A_1341 = arith.constant 1 : i32
      %dma_start3A_1342 = arith.constant 5 : i32
      %dma_start3A_1343 = arith.constant 40 : i32
      %dma_start3A_1344 = arith.constant 0 : i32
      %dma_start3A_1345 = tpu.memref_slice %arg7[%dma_start3A_1341, %dma_start3A_1343, %dma_start3A_1344] : memref<2x64x128xf32, #tpu.memory_space<vmem>> -> memref<1x8x128xf32, #tpu.memory_space<vmem>>
      %dma_start3A_1346 = tpu.memref_squeeze %dma_start3A_1345 : memref<1x8x128xf32, #tpu.memory_space<vmem>> -> memref<8x128xf32, #tpu.memory_space<vmem>>
      %dma_start3A_1347 = arith.constant 0 : i32
      %dma_start3A_1348 = arith.constant 0 : i32
      %dma_start3A_1349 = tpu.memref_slice %arg4[%select_n3A_1245, %dma_start3A_1342, %add3A_1250, %dma_start3A_1347, %dma_start3A_1348] : memref<50x8x128x8x128xf32, #tpu.memory_space<hbm>> -> memref<1x1x1x8x128xf32, #tpu.memory_space<hbm>>
      %dma_start3A_1350 = tpu.memref_squeeze %dma_start3A_1349 : memref<1x1x1x8x128xf32, #tpu.memory_space<hbm>> -> memref<8x128xf32, #tpu.memory_space<hbm>>
      %dma_start3A_1351 = arith.constant 0 : i32
      %dma_start3A_1352 = arith.constant 0 : i32
      %dma_start3A_1353 = tpu.memref_slice %arg4[%select_n3A_1245, %dma_start3A_1342, %add3A_1250, %dma_start3A_1351, %dma_start3A_1352] : memref<50x8x128x8x128xf32, #tpu.memory_space<hbm>> -> memref<1x1x1x8x128xf32, #tpu.memory_space<hbm>>
      %dma_start3A_1354 = tpu.memref_squeeze %dma_start3A_1353 : memref<1x1x1x8x128xf32, #tpu.memory_space<hbm>> -> memref<8x128xf32, #tpu.memory_space<hbm>>
      %dma_start3A_1355 = arith.constant 40 : i32
      %dma_start3A_1356 = arith.constant 0 : i32
      %dma_start3A_1357 = tpu.memref_slice %arg7[%dma_start3A_1341, %dma_start3A_1355, %dma_start3A_1356] : memref<2x64x128xf32, #tpu.memory_space<vmem>> -> memref<1x8x128xf32, #tpu.memory_space<vmem>>
      %dma_start3A_1358 = tpu.memref_squeeze %dma_start3A_1357 : memref<1x8x128xf32, #tpu.memory_space<vmem>> -> memref<8x128xf32, #tpu.memory_space<vmem>>
      tpu.enqueue_dma source(%dma_start3A_1358 : memref<8x128xf32, #tpu.memory_space<vmem>>) target(%dma_start3A_1354 : memref<8x128xf32, #tpu.memory_space<hbm>>) target_semaphore(%arg13 : memref<!tpu.dma_semaphore, #tpu.memory_space<semaphore_mem>>)
      %dma_start3A_1359 = arith.constant 1 : i32
      %dma_start3A_1360 = arith.constant 6 : i32
      %dma_start3A_1361 = arith.constant 48 : i32
      %dma_start3A_1362 = arith.constant 0 : i32
      %dma_start3A_1363 = tpu.memref_slice %arg7[%dma_start3A_1359, %dma_start3A_1361, %dma_start3A_1362] : memref<2x64x128xf32, #tpu.memory_space<vmem>> -> memref<1x8x128xf32, #tpu.memory_space<vmem>>
      %dma_start3A_1364 = tpu.memref_squeeze %dma_start3A_1363 : memref<1x8x128xf32, #tpu.memory_space<vmem>> -> memref<8x128xf32, #tpu.memory_space<vmem>>
      %dma_start3A_1365 = arith.constant 0 : i32
      %dma_start3A_1366 = arith.constant 0 : i32
      %dma_start3A_1367 = tpu.memref_slice %arg4[%select_n3A_1245, %dma_start3A_1360, %add3A_1250, %dma_start3A_1365, %dma_start3A_1366] : memref<50x8x128x8x128xf32, #tpu.memory_space<hbm>> -> memref<1x1x1x8x128xf32, #tpu.memory_space<hbm>>
      %dma_start3A_1368 = tpu.memref_squeeze %dma_start3A_1367 : memref<1x1x1x8x128xf32, #tpu.memory_space<hbm>> -> memref<8x128xf32, #tpu.memory_space<hbm>>
      %dma_start3A_1369 = arith.constant 0 : i32
      %dma_start3A_1370 = arith.constant 0 : i32
      %dma_start3A_1371 = tpu.memref_slice %arg4[%select_n3A_1245, %dma_start3A_1360, %add3A_1250, %dma_start3A_1369, %dma_start3A_1370] : memref<50x8x128x8x128xf32, #tpu.memory_space<hbm>> -> memref<1x1x1x8x128xf32, #tpu.memory_space<hbm>>
      %dma_start3A_1372 = tpu.memref_squeeze %dma_start3A_1371 : memref<1x1x1x8x128xf32, #tpu.memory_space<hbm>> -> memref<8x128xf32, #tpu.memory_space<hbm>>
      %dma_start3A_1373 = arith.constant 48 : i32
      %dma_start3A_1374 = arith.constant 0 : i32
      %dma_start3A_1375 = tpu.memref_slice %arg7[%dma_start3A_1359, %dma_start3A_1373, %dma_start3A_1374] : memref<2x64x128xf32, #tpu.memory_space<vmem>> -> memref<1x8x128xf32, #tpu.memory_space<vmem>>
      %dma_start3A_1376 = tpu.memref_squeeze %dma_start3A_1375 : memref<1x8x128xf32, #tpu.memory_space<vmem>> -> memref<8x128xf32, #tpu.memory_space<vmem>>
      tpu.enqueue_dma source(%dma_start3A_1376 : memref<8x128xf32, #tpu.memory_space<vmem>>) target(%dma_start3A_1372 : memref<8x128xf32, #tpu.memory_space<hbm>>) target_semaphore(%arg13 : memref<!tpu.dma_semaphore, #tpu.memory_space<semaphore_mem>>)
      %dma_start3A_1377 = arith.constant 1 : i32
      %dma_start3A_1378 = arith.constant 7 : i32
      %dma_start3A_1379 = arith.constant 56 : i32
      %dma_start3A_1380 = arith.constant 0 : i32
      %dma_start3A_1381 = tpu.memref_slice %arg7[%dma_start3A_1377, %dma_start3A_1379, %dma_start3A_1380] : memref<2x64x128xf32, #tpu.memory_space<vmem>> -> memref<1x8x128xf32, #tpu.memory_space<vmem>>
      %dma_start3A_1382 = tpu.memref_squeeze %dma_start3A_1381 : memref<1x8x128xf32, #tpu.memory_space<vmem>> -> memref<8x128xf32, #tpu.memory_space<vmem>>
      %dma_start3A_1383 = arith.constant 0 : i32
      %dma_start3A_1384 = arith.constant 0 : i32
      %dma_start3A_1385 = tpu.memref_slice %arg4[%select_n3A_1245, %dma_start3A_1378, %add3A_1250, %dma_start3A_1383, %dma_start3A_1384] : memref<50x8x128x8x128xf32, #tpu.memory_space<hbm>> -> memref<1x1x1x8x128xf32, #tpu.memory_space<hbm>>
      %dma_start3A_1386 = tpu.memref_squeeze %dma_start3A_1385 : memref<1x1x1x8x128xf32, #tpu.memory_space<hbm>> -> memref<8x128xf32, #tpu.memory_space<hbm>>
      %dma_start3A_1387 = arith.constant 0 : i32
      %dma_start3A_1388 = arith.constant 0 : i32
      %dma_start3A_1389 = tpu.memref_slice %arg4[%select_n3A_1245, %dma_start3A_1378, %add3A_1250, %dma_start3A_1387, %dma_start3A_1388] : memref<50x8x128x8x128xf32, #tpu.memory_space<hbm>> -> memref<1x1x1x8x128xf32, #tpu.memory_space<hbm>>
      %dma_start3A_1390 = tpu.memref_squeeze %dma_start3A_1389 : memref<1x1x1x8x128xf32, #tpu.memory_space<hbm>> -> memref<8x128xf32, #tpu.memory_space<hbm>>
      %dma_start3A_1391 = arith.constant 56 : i32
      %dma_start3A_1392 = arith.constant 0 : i32
      %dma_start3A_1393 = tpu.memref_slice %arg7[%dma_start3A_1377, %dma_start3A_1391, %dma_start3A_1392] : memref<2x64x128xf32, #tpu.memory_space<vmem>> -> memref<1x8x128xf32, #tpu.memory_space<vmem>>
      %dma_start3A_1394 = tpu.memref_squeeze %dma_start3A_1393 : memref<1x8x128xf32, #tpu.memory_space<vmem>> -> memref<8x128xf32, #tpu.memory_space<vmem>>
      tpu.enqueue_dma source(%dma_start3A_1394 : memref<8x128xf32, #tpu.memory_space<vmem>>) target(%dma_start3A_1390 : memref<8x128xf32, #tpu.memory_space<hbm>>) target_semaphore(%arg13 : memref<!tpu.dma_semaphore, #tpu.memory_space<semaphore_mem>>)
    }
    %scan3A_65 = arith.constant 50 : i32
    %mul3A_66 = arith.constant 4 : i32
    %mul3A_67 = arith.muli %add3A, %mul3A_66 : i32
    %rem3A_68 = arith.constant 198 : i32
    %rem3A_69 = arith.constant 4 : i32
    %rem3A_70 = arith.remsi %rem3A_68, %rem3A_69 : i32
    %add3A_71 = arith.addi %mul3A_67, %rem3A_70 : i32
    %dma_wait3A = arith.constant 0 : i32
    %dma_wait3A_72 = arith.constant 49 : i32
    %dma_wait3A_73 = arith.constant 0 : i32
    %dma_wait3A_74 = arith.constant 0 : i32
    %dma_wait3A_75 = arith.constant 0 : i32
    %dma_wait3A_76 = tpu.memref_slice %arg7[%dma_wait3A, %dma_wait3A_74, %dma_wait3A_75] : memref<2x64x128xf32, #tpu.memory_space<vmem>> -> memref<1x8x128xf32, #tpu.memory_space<vmem>>
    %dma_wait3A_77 = tpu.memref_squeeze %dma_wait3A_76 : memref<1x8x128xf32, #tpu.memory_space<vmem>> -> memref<8x128xf32, #tpu.memory_space<vmem>>
    %dma_wait3A_78 = arith.constant 0 : i32
    %dma_wait3A_79 = arith.constant 0 : i32
    %dma_wait3A_80 = tpu.memref_slice %arg4[%dma_wait3A_72, %dma_wait3A_73, %add3A_71, %dma_wait3A_78, %dma_wait3A_79] : memref<50x8x128x8x128xf32, #tpu.memory_space<hbm>> -> memref<1x1x1x8x128xf32, #tpu.memory_space<hbm>>
    %dma_wait3A_81 = tpu.memref_squeeze %dma_wait3A_80 : memref<1x1x1x8x128xf32, #tpu.memory_space<hbm>> -> memref<8x128xf32, #tpu.memory_space<hbm>>
    %dma_wait3A_82 = arith.constant 0 : i32
    %dma_wait3A_83 = arith.constant 0 : i32
    %dma_wait3A_84 = tpu.memref_slice %arg4[%dma_wait3A_72, %dma_wait3A_73, %add3A_71, %dma_wait3A_82, %dma_wait3A_83] : memref<50x8x128x8x128xf32, #tpu.memory_space<hbm>> -> memref<1x1x1x8x128xf32, #tpu.memory_space<hbm>>
    %dma_wait3A_85 = tpu.memref_squeeze %dma_wait3A_84 : memref<1x1x1x8x128xf32, #tpu.memory_space<hbm>> -> memref<8x128xf32, #tpu.memory_space<hbm>>
    %dma_wait3A_86 = arith.constant 0 : i32
    %dma_wait3A_87 = arith.constant 0 : i32
    %dma_wait3A_88 = tpu.memref_slice %arg7[%dma_wait3A, %dma_wait3A_86, %dma_wait3A_87] : memref<2x64x128xf32, #tpu.memory_space<vmem>> -> memref<1x8x128xf32, #tpu.memory_space<vmem>>
    %dma_wait3A_89 = tpu.memref_squeeze %dma_wait3A_88 : memref<1x8x128xf32, #tpu.memory_space<vmem>> -> memref<8x128xf32, #tpu.memory_space<vmem>>
    tpu.wait_dma2 semaphore(%arg12 : memref<!tpu.dma_semaphore, #tpu.memory_space<semaphore_mem>>) src(%dma_wait3A_89 : memref<8x128xf32, #tpu.memory_space<vmem>>) dst(%dma_wait3A_85 : memref<8x128xf32, #tpu.memory_space<hbm>>)
    %dma_wait3A_90 = arith.constant 0 : i32
    %dma_wait3A_91 = arith.constant 49 : i32
    %dma_wait3A_92 = arith.constant 1 : i32
    %dma_wait3A_93 = arith.constant 8 : i32
    %dma_wait3A_94 = arith.constant 0 : i32
    %dma_wait3A_95 = tpu.memref_slice %arg7[%dma_wait3A_90, %dma_wait3A_93, %dma_wait3A_94] : memref<2x64x128xf32, #tpu.memory_space<vmem>> -> memref<1x8x128xf32, #tpu.memory_space<vmem>>
    %dma_wait3A_96 = tpu.memref_squeeze %dma_wait3A_95 : memref<1x8x128xf32, #tpu.memory_space<vmem>> -> memref<8x128xf32, #tpu.memory_space<vmem>>
    %dma_wait3A_97 = arith.constant 0 : i32
    %dma_wait3A_98 = arith.constant 0 : i32
    %dma_wait3A_99 = tpu.memref_slice %arg4[%dma_wait3A_91, %dma_wait3A_92, %add3A_71, %dma_wait3A_97, %dma_wait3A_98] : memref<50x8x128x8x128xf32, #tpu.memory_space<hbm>> -> memref<1x1x1x8x128xf32, #tpu.memory_space<hbm>>
    %dma_wait3A_100 = tpu.memref_squeeze %dma_wait3A_99 : memref<1x1x1x8x128xf32, #tpu.memory_space<hbm>> -> memref<8x128xf32, #tpu.memory_space<hbm>>
    %dma_wait3A_101 = arith.constant 0 : i32
    %dma_wait3A_102 = arith.constant 0 : i32
    %dma_wait3A_103 = tpu.memref_slice %arg4[%dma_wait3A_91, %dma_wait3A_92, %add3A_71, %dma_wait3A_101, %dma_wait3A_102] : memref<50x8x128x8x128xf32, #tpu.memory_space<hbm>> -> memref<1x1x1x8x128xf32, #tpu.memory_space<hbm>>
    %dma_wait3A_104 = tpu.memref_squeeze %dma_wait3A_103 : memref<1x1x1x8x128xf32, #tpu.memory_space<hbm>> -> memref<8x128xf32, #tpu.memory_space<hbm>>
    %dma_wait3A_105 = arith.constant 8 : i32
    %dma_wait3A_106 = arith.constant 0 : i32
    %dma_wait3A_107 = tpu.memref_slice %arg7[%dma_wait3A_90, %dma_wait3A_105, %dma_wait3A_106] : memref<2x64x128xf32, #tpu.memory_space<vmem>> -> memref<1x8x128xf32, #tpu.memory_space<vmem>>
    %dma_wait3A_108 = tpu.memref_squeeze %dma_wait3A_107 : memref<1x8x128xf32, #tpu.memory_space<vmem>> -> memref<8x128xf32, #tpu.memory_space<vmem>>
    tpu.wait_dma2 semaphore(%arg12 : memref<!tpu.dma_semaphore, #tpu.memory_space<semaphore_mem>>) src(%dma_wait3A_108 : memref<8x128xf32, #tpu.memory_space<vmem>>) dst(%dma_wait3A_104 : memref<8x128xf32, #tpu.memory_space<hbm>>)
    %dma_wait3A_109 = arith.constant 0 : i32
    %dma_wait3A_110 = arith.constant 49 : i32
    %dma_wait3A_111 = arith.constant 2 : i32
    %dma_wait3A_112 = arith.constant 16 : i32
    %dma_wait3A_113 = arith.constant 0 : i32
    %dma_wait3A_114 = tpu.memref_slice %arg7[%dma_wait3A_109, %dma_wait3A_112, %dma_wait3A_113] : memref<2x64x128xf32, #tpu.memory_space<vmem>> -> memref<1x8x128xf32, #tpu.memory_space<vmem>>
    %dma_wait3A_115 = tpu.memref_squeeze %dma_wait3A_114 : memref<1x8x128xf32, #tpu.memory_space<vmem>> -> memref<8x128xf32, #tpu.memory_space<vmem>>
    %dma_wait3A_116 = arith.constant 0 : i32
    %dma_wait3A_117 = arith.constant 0 : i32
    %dma_wait3A_118 = tpu.memref_slice %arg4[%dma_wait3A_110, %dma_wait3A_111, %add3A_71, %dma_wait3A_116, %dma_wait3A_117] : memref<50x8x128x8x128xf32, #tpu.memory_space<hbm>> -> memref<1x1x1x8x128xf32, #tpu.memory_space<hbm>>
    %dma_wait3A_119 = tpu.memref_squeeze %dma_wait3A_118 : memref<1x1x1x8x128xf32, #tpu.memory_space<hbm>> -> memref<8x128xf32, #tpu.memory_space<hbm>>
    %dma_wait3A_120 = arith.constant 0 : i32
    %dma_wait3A_121 = arith.constant 0 : i32
    %dma_wait3A_122 = tpu.memref_slice %arg4[%dma_wait3A_110, %dma_wait3A_111, %add3A_71, %dma_wait3A_120, %dma_wait3A_121] : memref<50x8x128x8x128xf32, #tpu.memory_space<hbm>> -> memref<1x1x1x8x128xf32, #tpu.memory_space<hbm>>
    %dma_wait3A_123 = tpu.memref_squeeze %dma_wait3A_122 : memref<1x1x1x8x128xf32, #tpu.memory_space<hbm>> -> memref<8x128xf32, #tpu.memory_space<hbm>>
    %dma_wait3A_124 = arith.constant 16 : i32
    %dma_wait3A_125 = arith.constant 0 : i32
    %dma_wait3A_126 = tpu.memref_slice %arg7[%dma_wait3A_109, %dma_wait3A_124, %dma_wait3A_125] : memref<2x64x128xf32, #tpu.memory_space<vmem>> -> memref<1x8x128xf32, #tpu.memory_space<vmem>>
    %dma_wait3A_127 = tpu.memref_squeeze %dma_wait3A_126 : memref<1x8x128xf32, #tpu.memory_space<vmem>> -> memref<8x128xf32, #tpu.memory_space<vmem>>
    tpu.wait_dma2 semaphore(%arg12 : memref<!tpu.dma_semaphore, #tpu.memory_space<semaphore_mem>>) src(%dma_wait3A_127 : memref<8x128xf32, #tpu.memory_space<vmem>>) dst(%dma_wait3A_123 : memref<8x128xf32, #tpu.memory_space<hbm>>)
    %dma_wait3A_128 = arith.constant 0 : i32
    %dma_wait3A_129 = arith.constant 49 : i32
    %dma_wait3A_130 = arith.constant 3 : i32
    %dma_wait3A_131 = arith.constant 24 : i32
    %dma_wait3A_132 = arith.constant 0 : i32
    %dma_wait3A_133 = tpu.memref_slice %arg7[%dma_wait3A_128, %dma_wait3A_131, %dma_wait3A_132] : memref<2x64x128xf32, #tpu.memory_space<vmem>> -> memref<1x8x128xf32, #tpu.memory_space<vmem>>
    %dma_wait3A_134 = tpu.memref_squeeze %dma_wait3A_133 : memref<1x8x128xf32, #tpu.memory_space<vmem>> -> memref<8x128xf32, #tpu.memory_space<vmem>>
    %dma_wait3A_135 = arith.constant 0 : i32
    %dma_wait3A_136 = arith.constant 0 : i32
    %dma_wait3A_137 = tpu.memref_slice %arg4[%dma_wait3A_129, %dma_wait3A_130, %add3A_71, %dma_wait3A_135, %dma_wait3A_136] : memref<50x8x128x8x128xf32, #tpu.memory_space<hbm>> -> memref<1x1x1x8x128xf32, #tpu.memory_space<hbm>>
    %dma_wait3A_138 = tpu.memref_squeeze %dma_wait3A_137 : memref<1x1x1x8x128xf32, #tpu.memory_space<hbm>> -> memref<8x128xf32, #tpu.memory_space<hbm>>
    %dma_wait3A_139 = arith.constant 0 : i32
    %dma_wait3A_140 = arith.constant 0 : i32
    %dma_wait3A_141 = tpu.memref_slice %arg4[%dma_wait3A_129, %dma_wait3A_130, %add3A_71, %dma_wait3A_139, %dma_wait3A_140] : memref<50x8x128x8x128xf32, #tpu.memory_space<hbm>> -> memref<1x1x1x8x128xf32, #tpu.memory_space<hbm>>
    %dma_wait3A_142 = tpu.memref_squeeze %dma_wait3A_141 : memref<1x1x1x8x128xf32, #tpu.memory_space<hbm>> -> memref<8x128xf32, #tpu.memory_space<hbm>>
    %dma_wait3A_143 = arith.constant 24 : i32
    %dma_wait3A_144 = arith.constant 0 : i32
    %dma_wait3A_145 = tpu.memref_slice %arg7[%dma_wait3A_128, %dma_wait3A_143, %dma_wait3A_144] : memref<2x64x128xf32, #tpu.memory_space<vmem>> -> memref<1x8x128xf32, #tpu.memory_space<vmem>>
    %dma_wait3A_146 = tpu.memref_squeeze %dma_wait3A_145 : memref<1x8x128xf32, #tpu.memory_space<vmem>> -> memref<8x128xf32, #tpu.memory_space<vmem>>
    tpu.wait_dma2 semaphore(%arg12 : memref<!tpu.dma_semaphore, #tpu.memory_space<semaphore_mem>>) src(%dma_wait3A_146 : memref<8x128xf32, #tpu.memory_space<vmem>>) dst(%dma_wait3A_142 : memref<8x128xf32, #tpu.memory_space<hbm>>)
    %dma_wait3A_147 = arith.constant 0 : i32
    %dma_wait3A_148 = arith.constant 49 : i32
    %dma_wait3A_149 = arith.constant 4 : i32
    %dma_wait3A_150 = arith.constant 32 : i32
    %dma_wait3A_151 = arith.constant 0 : i32
    %dma_wait3A_152 = tpu.memref_slice %arg7[%dma_wait3A_147, %dma_wait3A_150, %dma_wait3A_151] : memref<2x64x128xf32, #tpu.memory_space<vmem>> -> memref<1x8x128xf32, #tpu.memory_space<vmem>>
    %dma_wait3A_153 = tpu.memref_squeeze %dma_wait3A_152 : memref<1x8x128xf32, #tpu.memory_space<vmem>> -> memref<8x128xf32, #tpu.memory_space<vmem>>
    %dma_wait3A_154 = arith.constant 0 : i32
    %dma_wait3A_155 = arith.constant 0 : i32
    %dma_wait3A_156 = tpu.memref_slice %arg4[%dma_wait3A_148, %dma_wait3A_149, %add3A_71, %dma_wait3A_154, %dma_wait3A_155] : memref<50x8x128x8x128xf32, #tpu.memory_space<hbm>> -> memref<1x1x1x8x128xf32, #tpu.memory_space<hbm>>
    %dma_wait3A_157 = tpu.memref_squeeze %dma_wait3A_156 : memref<1x1x1x8x128xf32, #tpu.memory_space<hbm>> -> memref<8x128xf32, #tpu.memory_space<hbm>>
    %dma_wait3A_158 = arith.constant 0 : i32
    %dma_wait3A_159 = arith.constant 0 : i32
    %dma_wait3A_160 = tpu.memref_slice %arg4[%dma_wait3A_148, %dma_wait3A_149, %add3A_71, %dma_wait3A_158, %dma_wait3A_159] : memref<50x8x128x8x128xf32, #tpu.memory_space<hbm>> -> memref<1x1x1x8x128xf32, #tpu.memory_space<hbm>>
    %dma_wait3A_161 = tpu.memref_squeeze %dma_wait3A_160 : memref<1x1x1x8x128xf32, #tpu.memory_space<hbm>> -> memref<8x128xf32, #tpu.memory_space<hbm>>
    %dma_wait3A_162 = arith.constant 32 : i32
    %dma_wait3A_163 = arith.constant 0 : i32
    %dma_wait3A_164 = tpu.memref_slice %arg7[%dma_wait3A_147, %dma_wait3A_162, %dma_wait3A_163] : memref<2x64x128xf32, #tpu.memory_space<vmem>> -> memref<1x8x128xf32, #tpu.memory_space<vmem>>
    %dma_wait3A_165 = tpu.memref_squeeze %dma_wait3A_164 : memref<1x8x128xf32, #tpu.memory_space<vmem>> -> memref<8x128xf32, #tpu.memory_space<vmem>>
    tpu.wait_dma2 semaphore(%arg12 : memref<!tpu.dma_semaphore, #tpu.memory_space<semaphore_mem>>) src(%dma_wait3A_165 : memref<8x128xf32, #tpu.memory_space<vmem>>) dst(%dma_wait3A_161 : memref<8x128xf32, #tpu.memory_space<hbm>>)
    %dma_wait3A_166 = arith.constant 0 : i32
    %dma_wait3A_167 = arith.constant 49 : i32
    %dma_wait3A_168 = arith.constant 5 : i32
    %dma_wait3A_169 = arith.constant 40 : i32
    %dma_wait3A_170 = arith.constant 0 : i32
    %dma_wait3A_171 = tpu.memref_slice %arg7[%dma_wait3A_166, %dma_wait3A_169, %dma_wait3A_170] : memref<2x64x128xf32, #tpu.memory_space<vmem>> -> memref<1x8x128xf32, #tpu.memory_space<vmem>>
    %dma_wait3A_172 = tpu.memref_squeeze %dma_wait3A_171 : memref<1x8x128xf32, #tpu.memory_space<vmem>> -> memref<8x128xf32, #tpu.memory_space<vmem>>
    %dma_wait3A_173 = arith.constant 0 : i32
    %dma_wait3A_174 = arith.constant 0 : i32
    %dma_wait3A_175 = tpu.memref_slice %arg4[%dma_wait3A_167, %dma_wait3A_168, %add3A_71, %dma_wait3A_173, %dma_wait3A_174] : memref<50x8x128x8x128xf32, #tpu.memory_space<hbm>> -> memref<1x1x1x8x128xf32, #tpu.memory_space<hbm>>
    %dma_wait3A_176 = tpu.memref_squeeze %dma_wait3A_175 : memref<1x1x1x8x128xf32, #tpu.memory_space<hbm>> -> memref<8x128xf32, #tpu.memory_space<hbm>>
    %dma_wait3A_177 = arith.constant 0 : i32
    %dma_wait3A_178 = arith.constant 0 : i32
    %dma_wait3A_179 = tpu.memref_slice %arg4[%dma_wait3A_167, %dma_wait3A_168, %add3A_71, %dma_wait3A_177, %dma_wait3A_178] : memref<50x8x128x8x128xf32, #tpu.memory_space<hbm>> -> memref<1x1x1x8x128xf32, #tpu.memory_space<hbm>>
    %dma_wait3A_180 = tpu.memref_squeeze %dma_wait3A_179 : memref<1x1x1x8x128xf32, #tpu.memory_space<hbm>> -> memref<8x128xf32, #tpu.memory_space<hbm>>
    %dma_wait3A_181 = arith.constant 40 : i32
    %dma_wait3A_182 = arith.constant 0 : i32
    %dma_wait3A_183 = tpu.memref_slice %arg7[%dma_wait3A_166, %dma_wait3A_181, %dma_wait3A_182] : memref<2x64x128xf32, #tpu.memory_space<vmem>> -> memref<1x8x128xf32, #tpu.memory_space<vmem>>
    %dma_wait3A_184 = tpu.memref_squeeze %dma_wait3A_183 : memref<1x8x128xf32, #tpu.memory_space<vmem>> -> memref<8x128xf32, #tpu.memory_space<vmem>>
    tpu.wait_dma2 semaphore(%arg12 : memref<!tpu.dma_semaphore, #tpu.memory_space<semaphore_mem>>) src(%dma_wait3A_184 : memref<8x128xf32, #tpu.memory_space<vmem>>) dst(%dma_wait3A_180 : memref<8x128xf32, #tpu.memory_space<hbm>>)
    %dma_wait3A_185 = arith.constant 0 : i32
    %dma_wait3A_186 = arith.constant 49 : i32
    %dma_wait3A_187 = arith.constant 6 : i32
    %dma_wait3A_188 = arith.constant 48 : i32
    %dma_wait3A_189 = arith.constant 0 : i32
    %dma_wait3A_190 = tpu.memref_slice %arg7[%dma_wait3A_185, %dma_wait3A_188, %dma_wait3A_189] : memref<2x64x128xf32, #tpu.memory_space<vmem>> -> memref<1x8x128xf32, #tpu.memory_space<vmem>>
    %dma_wait3A_191 = tpu.memref_squeeze %dma_wait3A_190 : memref<1x8x128xf32, #tpu.memory_space<vmem>> -> memref<8x128xf32, #tpu.memory_space<vmem>>
    %dma_wait3A_192 = arith.constant 0 : i32
    %dma_wait3A_193 = arith.constant 0 : i32
    %dma_wait3A_194 = tpu.memref_slice %arg4[%dma_wait3A_186, %dma_wait3A_187, %add3A_71, %dma_wait3A_192, %dma_wait3A_193] : memref<50x8x128x8x128xf32, #tpu.memory_space<hbm>> -> memref<1x1x1x8x128xf32, #tpu.memory_space<hbm>>
    %dma_wait3A_195 = tpu.memref_squeeze %dma_wait3A_194 : memref<1x1x1x8x128xf32, #tpu.memory_space<hbm>> -> memref<8x128xf32, #tpu.memory_space<hbm>>
    %dma_wait3A_196 = arith.constant 0 : i32
    %dma_wait3A_197 = arith.constant 0 : i32
    %dma_wait3A_198 = tpu.memref_slice %arg4[%dma_wait3A_186, %dma_wait3A_187, %add3A_71, %dma_wait3A_196, %dma_wait3A_197] : memref<50x8x128x8x128xf32, #tpu.memory_space<hbm>> -> memref<1x1x1x8x128xf32, #tpu.memory_space<hbm>>
    %dma_wait3A_199 = tpu.memref_squeeze %dma_wait3A_198 : memref<1x1x1x8x128xf32, #tpu.memory_space<hbm>> -> memref<8x128xf32, #tpu.memory_space<hbm>>
    %dma_wait3A_200 = arith.constant 48 : i32
    %dma_wait3A_201 = arith.constant 0 : i32
    %dma_wait3A_202 = tpu.memref_slice %arg7[%dma_wait3A_185, %dma_wait3A_200, %dma_wait3A_201] : memref<2x64x128xf32, #tpu.memory_space<vmem>> -> memref<1x8x128xf32, #tpu.memory_space<vmem>>
    %dma_wait3A_203 = tpu.memref_squeeze %dma_wait3A_202 : memref<1x8x128xf32, #tpu.memory_space<vmem>> -> memref<8x128xf32, #tpu.memory_space<vmem>>
    tpu.wait_dma2 semaphore(%arg12 : memref<!tpu.dma_semaphore, #tpu.memory_space<semaphore_mem>>) src(%dma_wait3A_203 : memref<8x128xf32, #tpu.memory_space<vmem>>) dst(%dma_wait3A_199 : memref<8x128xf32, #tpu.memory_space<hbm>>)
    %dma_wait3A_204 = arith.constant 0 : i32
    %dma_wait3A_205 = arith.constant 49 : i32
    %dma_wait3A_206 = arith.constant 7 : i32
    %dma_wait3A_207 = arith.constant 56 : i32
    %dma_wait3A_208 = arith.constant 0 : i32
    %dma_wait3A_209 = tpu.memref_slice %arg7[%dma_wait3A_204, %dma_wait3A_207, %dma_wait3A_208] : memref<2x64x128xf32, #tpu.memory_space<vmem>> -> memref<1x8x128xf32, #tpu.memory_space<vmem>>
    %dma_wait3A_210 = tpu.memref_squeeze %dma_wait3A_209 : memref<1x8x128xf32, #tpu.memory_space<vmem>> -> memref<8x128xf32, #tpu.memory_space<vmem>>
    %dma_wait3A_211 = arith.constant 0 : i32
    %dma_wait3A_212 = arith.constant 0 : i32
    %dma_wait3A_213 = tpu.memref_slice %arg4[%dma_wait3A_205, %dma_wait3A_206, %add3A_71, %dma_wait3A_211, %dma_wait3A_212] : memref<50x8x128x8x128xf32, #tpu.memory_space<hbm>> -> memref<1x1x1x8x128xf32, #tpu.memory_space<hbm>>
    %dma_wait3A_214 = tpu.memref_squeeze %dma_wait3A_213 : memref<1x1x1x8x128xf32, #tpu.memory_space<hbm>> -> memref<8x128xf32, #tpu.memory_space<hbm>>
    %dma_wait3A_215 = arith.constant 0 : i32
    %dma_wait3A_216 = arith.constant 0 : i32
    %dma_wait3A_217 = tpu.memref_slice %arg4[%dma_wait3A_205, %dma_wait3A_206, %add3A_71, %dma_wait3A_215, %dma_wait3A_216] : memref<50x8x128x8x128xf32, #tpu.memory_space<hbm>> -> memref<1x1x1x8x128xf32, #tpu.memory_space<hbm>>
    %dma_wait3A_218 = tpu.memref_squeeze %dma_wait3A_217 : memref<1x1x1x8x128xf32, #tpu.memory_space<hbm>> -> memref<8x128xf32, #tpu.memory_space<hbm>>
    %dma_wait3A_219 = arith.constant 56 : i32
    %dma_wait3A_220 = arith.constant 0 : i32
    %dma_wait3A_221 = tpu.memref_slice %arg7[%dma_wait3A_204, %dma_wait3A_219, %dma_wait3A_220] : memref<2x64x128xf32, #tpu.memory_space<vmem>> -> memref<1x8x128xf32, #tpu.memory_space<vmem>>
    %dma_wait3A_222 = tpu.memref_squeeze %dma_wait3A_221 : memref<1x8x128xf32, #tpu.memory_space<vmem>> -> memref<8x128xf32, #tpu.memory_space<vmem>>
    tpu.wait_dma2 semaphore(%arg12 : memref<!tpu.dma_semaphore, #tpu.memory_space<semaphore_mem>>) src(%dma_wait3A_222 : memref<8x128xf32, #tpu.memory_space<vmem>>) dst(%dma_wait3A_218 : memref<8x128xf32, #tpu.memory_space<hbm>>)
    %mul3A_223 = arith.constant 4 : i32
    %mul3A_224 = arith.muli %add3A, %mul3A_223 : i32
    %rem3A_225 = arith.constant 199 : i32
    %rem3A_226 = arith.constant 4 : i32
    %rem3A_227 = arith.remsi %rem3A_225, %rem3A_226 : i32
    %add3A_228 = arith.addi %mul3A_224, %rem3A_227 : i32
    %dma_wait3A_229 = arith.constant 1 : i32
    %dma_wait3A_230 = arith.constant 49 : i32
    %dma_wait3A_231 = arith.constant 0 : i32
    %dma_wait3A_232 = arith.constant 0 : i32
    %dma_wait3A_233 = arith.constant 0 : i32
    %dma_wait3A_234 = tpu.memref_slice %arg7[%dma_wait3A_229, %dma_wait3A_232, %dma_wait3A_233] : memref<2x64x128xf32, #tpu.memory_space<vmem>> -> memref<1x8x128xf32, #tpu.memory_space<vmem>>
    %dma_wait3A_235 = tpu.memref_squeeze %dma_wait3A_234 : memref<1x8x128xf32, #tpu.memory_space<vmem>> -> memref<8x128xf32, #tpu.memory_space<vmem>>
    %dma_wait3A_236 = arith.constant 0 : i32
    %dma_wait3A_237 = arith.constant 0 : i32
    %dma_wait3A_238 = tpu.memref_slice %arg4[%dma_wait3A_230, %dma_wait3A_231, %add3A_228, %dma_wait3A_236, %dma_wait3A_237] : memref<50x8x128x8x128xf32, #tpu.memory_space<hbm>> -> memref<1x1x1x8x128xf32, #tpu.memory_space<hbm>>
    %dma_wait3A_239 = tpu.memref_squeeze %dma_wait3A_238 : memref<1x1x1x8x128xf32, #tpu.memory_space<hbm>> -> memref<8x128xf32, #tpu.memory_space<hbm>>
    %dma_wait3A_240 = arith.constant 0 : i32
    %dma_wait3A_241 = arith.constant 0 : i32
    %dma_wait3A_242 = tpu.memref_slice %arg4[%dma_wait3A_230, %dma_wait3A_231, %add3A_228, %dma_wait3A_240, %dma_wait3A_241] : memref<50x8x128x8x128xf32, #tpu.memory_space<hbm>> -> memref<1x1x1x8x128xf32, #tpu.memory_space<hbm>>
    %dma_wait3A_243 = tpu.memref_squeeze %dma_wait3A_242 : memref<1x1x1x8x128xf32, #tpu.memory_space<hbm>> -> memref<8x128xf32, #tpu.memory_space<hbm>>
    %dma_wait3A_244 = arith.constant 0 : i32
    %dma_wait3A_245 = arith.constant 0 : i32
    %dma_wait3A_246 = tpu.memref_slice %arg7[%dma_wait3A_229, %dma_wait3A_244, %dma_wait3A_245] : memref<2x64x128xf32, #tpu.memory_space<vmem>> -> memref<1x8x128xf32, #tpu.memory_space<vmem>>
    %dma_wait3A_247 = tpu.memref_squeeze %dma_wait3A_246 : memref<1x8x128xf32, #tpu.memory_space<vmem>> -> memref<8x128xf32, #tpu.memory_space<vmem>>
    tpu.wait_dma2 semaphore(%arg13 : memref<!tpu.dma_semaphore, #tpu.memory_space<semaphore_mem>>) src(%dma_wait3A_247 : memref<8x128xf32, #tpu.memory_space<vmem>>) dst(%dma_wait3A_243 : memref<8x128xf32, #tpu.memory_space<hbm>>)
    %dma_wait3A_248 = arith.constant 1 : i32
    %dma_wait3A_249 = arith.constant 49 : i32
    %dma_wait3A_250 = arith.constant 1 : i32
    %dma_wait3A_251 = arith.constant 8 : i32
    %dma_wait3A_252 = arith.constant 0 : i32
    %dma_wait3A_253 = tpu.memref_slice %arg7[%dma_wait3A_248, %dma_wait3A_251, %dma_wait3A_252] : memref<2x64x128xf32, #tpu.memory_space<vmem>> -> memref<1x8x128xf32, #tpu.memory_space<vmem>>
    %dma_wait3A_254 = tpu.memref_squeeze %dma_wait3A_253 : memref<1x8x128xf32, #tpu.memory_space<vmem>> -> memref<8x128xf32, #tpu.memory_space<vmem>>
    %dma_wait3A_255 = arith.constant 0 : i32
    %dma_wait3A_256 = arith.constant 0 : i32
    %dma_wait3A_257 = tpu.memref_slice %arg4[%dma_wait3A_249, %dma_wait3A_250, %add3A_228, %dma_wait3A_255, %dma_wait3A_256] : memref<50x8x128x8x128xf32, #tpu.memory_space<hbm>> -> memref<1x1x1x8x128xf32, #tpu.memory_space<hbm>>
    %dma_wait3A_258 = tpu.memref_squeeze %dma_wait3A_257 : memref<1x1x1x8x128xf32, #tpu.memory_space<hbm>> -> memref<8x128xf32, #tpu.memory_space<hbm>>
    %dma_wait3A_259 = arith.constant 0 : i32
    %dma_wait3A_260 = arith.constant 0 : i32
    %dma_wait3A_261 = tpu.memref_slice %arg4[%dma_wait3A_249, %dma_wait3A_250, %add3A_228, %dma_wait3A_259, %dma_wait3A_260] : memref<50x8x128x8x128xf32, #tpu.memory_space<hbm>> -> memref<1x1x1x8x128xf32, #tpu.memory_space<hbm>>
    %dma_wait3A_262 = tpu.memref_squeeze %dma_wait3A_261 : memref<1x1x1x8x128xf32, #tpu.memory_space<hbm>> -> memref<8x128xf32, #tpu.memory_space<hbm>>
    %dma_wait3A_263 = arith.constant 8 : i32
    %dma_wait3A_264 = arith.constant 0 : i32
    %dma_wait3A_265 = tpu.memref_slice %arg7[%dma_wait3A_248, %dma_wait3A_263, %dma_wait3A_264] : memref<2x64x128xf32, #tpu.memory_space<vmem>> -> memref<1x8x128xf32, #tpu.memory_space<vmem>>
    %dma_wait3A_266 = tpu.memref_squeeze %dma_wait3A_265 : memref<1x8x128xf32, #tpu.memory_space<vmem>> -> memref<8x128xf32, #tpu.memory_space<vmem>>
    tpu.wait_dma2 semaphore(%arg13 : memref<!tpu.dma_semaphore, #tpu.memory_space<semaphore_mem>>) src(%dma_wait3A_266 : memref<8x128xf32, #tpu.memory_space<vmem>>) dst(%dma_wait3A_262 : memref<8x128xf32, #tpu.memory_space<hbm>>)
    %dma_wait3A_267 = arith.constant 1 : i32
    %dma_wait3A_268 = arith.constant 49 : i32
    %dma_wait3A_269 = arith.constant 2 : i32
    %dma_wait3A_270 = arith.constant 16 : i32
    %dma_wait3A_271 = arith.constant 0 : i32
    %dma_wait3A_272 = tpu.memref_slice %arg7[%dma_wait3A_267, %dma_wait3A_270, %dma_wait3A_271] : memref<2x64x128xf32, #tpu.memory_space<vmem>> -> memref<1x8x128xf32, #tpu.memory_space<vmem>>
    %dma_wait3A_273 = tpu.memref_squeeze %dma_wait3A_272 : memref<1x8x128xf32, #tpu.memory_space<vmem>> -> memref<8x128xf32, #tpu.memory_space<vmem>>
    %dma_wait3A_274 = arith.constant 0 : i32
    %dma_wait3A_275 = arith.constant 0 : i32
    %dma_wait3A_276 = tpu.memref_slice %arg4[%dma_wait3A_268, %dma_wait3A_269, %add3A_228, %dma_wait3A_274, %dma_wait3A_275] : memref<50x8x128x8x128xf32, #tpu.memory_space<hbm>> -> memref<1x1x1x8x128xf32, #tpu.memory_space<hbm>>
    %dma_wait3A_277 = tpu.memref_squeeze %dma_wait3A_276 : memref<1x1x1x8x128xf32, #tpu.memory_space<hbm>> -> memref<8x128xf32, #tpu.memory_space<hbm>>
    %dma_wait3A_278 = arith.constant 0 : i32
    %dma_wait3A_279 = arith.constant 0 : i32
    %dma_wait3A_280 = tpu.memref_slice %arg4[%dma_wait3A_268, %dma_wait3A_269, %add3A_228, %dma_wait3A_278, %dma_wait3A_279] : memref<50x8x128x8x128xf32, #tpu.memory_space<hbm>> -> memref<1x1x1x8x128xf32, #tpu.memory_space<hbm>>
    %dma_wait3A_281 = tpu.memref_squeeze %dma_wait3A_280 : memref<1x1x1x8x128xf32, #tpu.memory_space<hbm>> -> memref<8x128xf32, #tpu.memory_space<hbm>>
    %dma_wait3A_282 = arith.constant 16 : i32
    %dma_wait3A_283 = arith.constant 0 : i32
    %dma_wait3A_284 = tpu.memref_slice %arg7[%dma_wait3A_267, %dma_wait3A_282, %dma_wait3A_283] : memref<2x64x128xf32, #tpu.memory_space<vmem>> -> memref<1x8x128xf32, #tpu.memory_space<vmem>>
    %dma_wait3A_285 = tpu.memref_squeeze %dma_wait3A_284 : memref<1x8x128xf32, #tpu.memory_space<vmem>> -> memref<8x128xf32, #tpu.memory_space<vmem>>
    tpu.wait_dma2 semaphore(%arg13 : memref<!tpu.dma_semaphore, #tpu.memory_space<semaphore_mem>>) src(%dma_wait3A_285 : memref<8x128xf32, #tpu.memory_space<vmem>>) dst(%dma_wait3A_281 : memref<8x128xf32, #tpu.memory_space<hbm>>)
    %dma_wait3A_286 = arith.constant 1 : i32
    %dma_wait3A_287 = arith.constant 49 : i32
    %dma_wait3A_288 = arith.constant 3 : i32
    %dma_wait3A_289 = arith.constant 24 : i32
    %dma_wait3A_290 = arith.constant 0 : i32
    %dma_wait3A_291 = tpu.memref_slice %arg7[%dma_wait3A_286, %dma_wait3A_289, %dma_wait3A_290] : memref<2x64x128xf32, #tpu.memory_space<vmem>> -> memref<1x8x128xf32, #tpu.memory_space<vmem>>
    %dma_wait3A_292 = tpu.memref_squeeze %dma_wait3A_291 : memref<1x8x128xf32, #tpu.memory_space<vmem>> -> memref<8x128xf32, #tpu.memory_space<vmem>>
    %dma_wait3A_293 = arith.constant 0 : i32
    %dma_wait3A_294 = arith.constant 0 : i32
    %dma_wait3A_295 = tpu.memref_slice %arg4[%dma_wait3A_287, %dma_wait3A_288, %add3A_228, %dma_wait3A_293, %dma_wait3A_294] : memref<50x8x128x8x128xf32, #tpu.memory_space<hbm>> -> memref<1x1x1x8x128xf32, #tpu.memory_space<hbm>>
    %dma_wait3A_296 = tpu.memref_squeeze %dma_wait3A_295 : memref<1x1x1x8x128xf32, #tpu.memory_space<hbm>> -> memref<8x128xf32, #tpu.memory_space<hbm>>
    %dma_wait3A_297 = arith.constant 0 : i32
    %dma_wait3A_298 = arith.constant 0 : i32
    %dma_wait3A_299 = tpu.memref_slice %arg4[%dma_wait3A_287, %dma_wait3A_288, %add3A_228, %dma_wait3A_297, %dma_wait3A_298] : memref<50x8x128x8x128xf32, #tpu.memory_space<hbm>> -> memref<1x1x1x8x128xf32, #tpu.memory_space<hbm>>
    %dma_wait3A_300 = tpu.memref_squeeze %dma_wait3A_299 : memref<1x1x1x8x128xf32, #tpu.memory_space<hbm>> -> memref<8x128xf32, #tpu.memory_space<hbm>>
    %dma_wait3A_301 = arith.constant 24 : i32
    %dma_wait3A_302 = arith.constant 0 : i32
    %dma_wait3A_303 = tpu.memref_slice %arg7[%dma_wait3A_286, %dma_wait3A_301, %dma_wait3A_302] : memref<2x64x128xf32, #tpu.memory_space<vmem>> -> memref<1x8x128xf32, #tpu.memory_space<vmem>>
    %dma_wait3A_304 = tpu.memref_squeeze %dma_wait3A_303 : memref<1x8x128xf32, #tpu.memory_space<vmem>> -> memref<8x128xf32, #tpu.memory_space<vmem>>
    tpu.wait_dma2 semaphore(%arg13 : memref<!tpu.dma_semaphore, #tpu.memory_space<semaphore_mem>>) src(%dma_wait3A_304 : memref<8x128xf32, #tpu.memory_space<vmem>>) dst(%dma_wait3A_300 : memref<8x128xf32, #tpu.memory_space<hbm>>)
    %dma_wait3A_305 = arith.constant 1 : i32
    %dma_wait3A_306 = arith.constant 49 : i32
    %dma_wait3A_307 = arith.constant 4 : i32
    %dma_wait3A_308 = arith.constant 32 : i32
    %dma_wait3A_309 = arith.constant 0 : i32
    %dma_wait3A_310 = tpu.memref_slice %arg7[%dma_wait3A_305, %dma_wait3A_308, %dma_wait3A_309] : memref<2x64x128xf32, #tpu.memory_space<vmem>> -> memref<1x8x128xf32, #tpu.memory_space<vmem>>
    %dma_wait3A_311 = tpu.memref_squeeze %dma_wait3A_310 : memref<1x8x128xf32, #tpu.memory_space<vmem>> -> memref<8x128xf32, #tpu.memory_space<vmem>>
    %dma_wait3A_312 = arith.constant 0 : i32
    %dma_wait3A_313 = arith.constant 0 : i32
    %dma_wait3A_314 = tpu.memref_slice %arg4[%dma_wait3A_306, %dma_wait3A_307, %add3A_228, %dma_wait3A_312, %dma_wait3A_313] : memref<50x8x128x8x128xf32, #tpu.memory_space<hbm>> -> memref<1x1x1x8x128xf32, #tpu.memory_space<hbm>>
    %dma_wait3A_315 = tpu.memref_squeeze %dma_wait3A_314 : memref<1x1x1x8x128xf32, #tpu.memory_space<hbm>> -> memref<8x128xf32, #tpu.memory_space<hbm>>
    %dma_wait3A_316 = arith.constant 0 : i32
    %dma_wait3A_317 = arith.constant 0 : i32
    %dma_wait3A_318 = tpu.memref_slice %arg4[%dma_wait3A_306, %dma_wait3A_307, %add3A_228, %dma_wait3A_316, %dma_wait3A_317] : memref<50x8x128x8x128xf32, #tpu.memory_space<hbm>> -> memref<1x1x1x8x128xf32, #tpu.memory_space<hbm>>
    %dma_wait3A_319 = tpu.memref_squeeze %dma_wait3A_318 : memref<1x1x1x8x128xf32, #tpu.memory_space<hbm>> -> memref<8x128xf32, #tpu.memory_space<hbm>>
    %dma_wait3A_320 = arith.constant 32 : i32
    %dma_wait3A_321 = arith.constant 0 : i32
    %dma_wait3A_322 = tpu.memref_slice %arg7[%dma_wait3A_305, %dma_wait3A_320, %dma_wait3A_321] : memref<2x64x128xf32, #tpu.memory_space<vmem>> -> memref<1x8x128xf32, #tpu.memory_space<vmem>>
    %dma_wait3A_323 = tpu.memref_squeeze %dma_wait3A_322 : memref<1x8x128xf32, #tpu.memory_space<vmem>> -> memref<8x128xf32, #tpu.memory_space<vmem>>
    tpu.wait_dma2 semaphore(%arg13 : memref<!tpu.dma_semaphore, #tpu.memory_space<semaphore_mem>>) src(%dma_wait3A_323 : memref<8x128xf32, #tpu.memory_space<vmem>>) dst(%dma_wait3A_319 : memref<8x128xf32, #tpu.memory_space<hbm>>)
    %dma_wait3A_324 = arith.constant 1 : i32
    %dma_wait3A_325 = arith.constant 49 : i32
    %dma_wait3A_326 = arith.constant 5 : i32
    %dma_wait3A_327 = arith.constant 40 : i32
    %dma_wait3A_328 = arith.constant 0 : i32
    %dma_wait3A_329 = tpu.memref_slice %arg7[%dma_wait3A_324, %dma_wait3A_327, %dma_wait3A_328] : memref<2x64x128xf32, #tpu.memory_space<vmem>> -> memref<1x8x128xf32, #tpu.memory_space<vmem>>
    %dma_wait3A_330 = tpu.memref_squeeze %dma_wait3A_329 : memref<1x8x128xf32, #tpu.memory_space<vmem>> -> memref<8x128xf32, #tpu.memory_space<vmem>>
    %dma_wait3A_331 = arith.constant 0 : i32
    %dma_wait3A_332 = arith.constant 0 : i32
    %dma_wait3A_333 = tpu.memref_slice %arg4[%dma_wait3A_325, %dma_wait3A_326, %add3A_228, %dma_wait3A_331, %dma_wait3A_332] : memref<50x8x128x8x128xf32, #tpu.memory_space<hbm>> -> memref<1x1x1x8x128xf32, #tpu.memory_space<hbm>>
    %dma_wait3A_334 = tpu.memref_squeeze %dma_wait3A_333 : memref<1x1x1x8x128xf32, #tpu.memory_space<hbm>> -> memref<8x128xf32, #tpu.memory_space<hbm>>
    %dma_wait3A_335 = arith.constant 0 : i32
    %dma_wait3A_336 = arith.constant 0 : i32
    %dma_wait3A_337 = tpu.memref_slice %arg4[%dma_wait3A_325, %dma_wait3A_326, %add3A_228, %dma_wait3A_335, %dma_wait3A_336] : memref<50x8x128x8x128xf32, #tpu.memory_space<hbm>> -> memref<1x1x1x8x128xf32, #tpu.memory_space<hbm>>
    %dma_wait3A_338 = tpu.memref_squeeze %dma_wait3A_337 : memref<1x1x1x8x128xf32, #tpu.memory_space<hbm>> -> memref<8x128xf32, #tpu.memory_space<hbm>>
    %dma_wait3A_339 = arith.constant 40 : i32
    %dma_wait3A_340 = arith.constant 0 : i32
    %dma_wait3A_341 = tpu.memref_slice %arg7[%dma_wait3A_324, %dma_wait3A_339, %dma_wait3A_340] : memref<2x64x128xf32, #tpu.memory_space<vmem>> -> memref<1x8x128xf32, #tpu.memory_space<vmem>>
    %dma_wait3A_342 = tpu.memref_squeeze %dma_wait3A_341 : memref<1x8x128xf32, #tpu.memory_space<vmem>> -> memref<8x128xf32, #tpu.memory_space<vmem>>
    tpu.wait_dma2 semaphore(%arg13 : memref<!tpu.dma_semaphore, #tpu.memory_space<semaphore_mem>>) src(%dma_wait3A_342 : memref<8x128xf32, #tpu.memory_space<vmem>>) dst(%dma_wait3A_338 : memref<8x128xf32, #tpu.memory_space<hbm>>)
    %dma_wait3A_343 = arith.constant 1 : i32
    %dma_wait3A_344 = arith.constant 49 : i32
    %dma_wait3A_345 = arith.constant 6 : i32
    %dma_wait3A_346 = arith.constant 48 : i32
    %dma_wait3A_347 = arith.constant 0 : i32
    %dma_wait3A_348 = tpu.memref_slice %arg7[%dma_wait3A_343, %dma_wait3A_346, %dma_wait3A_347] : memref<2x64x128xf32, #tpu.memory_space<vmem>> -> memref<1x8x128xf32, #tpu.memory_space<vmem>>
    %dma_wait3A_349 = tpu.memref_squeeze %dma_wait3A_348 : memref<1x8x128xf32, #tpu.memory_space<vmem>> -> memref<8x128xf32, #tpu.memory_space<vmem>>
    %dma_wait3A_350 = arith.constant 0 : i32
    %dma_wait3A_351 = arith.constant 0 : i32
    %dma_wait3A_352 = tpu.memref_slice %arg4[%dma_wait3A_344, %dma_wait3A_345, %add3A_228, %dma_wait3A_350, %dma_wait3A_351] : memref<50x8x128x8x128xf32, #tpu.memory_space<hbm>> -> memref<1x1x1x8x128xf32, #tpu.memory_space<hbm>>
    %dma_wait3A_353 = tpu.memref_squeeze %dma_wait3A_352 : memref<1x1x1x8x128xf32, #tpu.memory_space<hbm>> -> memref<8x128xf32, #tpu.memory_space<hbm>>
    %dma_wait3A_354 = arith.constant 0 : i32
    %dma_wait3A_355 = arith.constant 0 : i32
    %dma_wait3A_356 = tpu.memref_slice %arg4[%dma_wait3A_344, %dma_wait3A_345, %add3A_228, %dma_wait3A_354, %dma_wait3A_355] : memref<50x8x128x8x128xf32, #tpu.memory_space<hbm>> -> memref<1x1x1x8x128xf32, #tpu.memory_space<hbm>>
    %dma_wait3A_357 = tpu.memref_squeeze %dma_wait3A_356 : memref<1x1x1x8x128xf32, #tpu.memory_space<hbm>> -> memref<8x128xf32, #tpu.memory_space<hbm>>
    %dma_wait3A_358 = arith.constant 48 : i32
    %dma_wait3A_359 = arith.constant 0 : i32
    %dma_wait3A_360 = tpu.memref_slice %arg7[%dma_wait3A_343, %dma_wait3A_358, %dma_wait3A_359] : memref<2x64x128xf32, #tpu.memory_space<vmem>> -> memref<1x8x128xf32, #tpu.memory_space<vmem>>
    %dma_wait3A_361 = tpu.memref_squeeze %dma_wait3A_360 : memref<1x8x128xf32, #tpu.memory_space<vmem>> -> memref<8x128xf32, #tpu.memory_space<vmem>>
    tpu.wait_dma2 semaphore(%arg13 : memref<!tpu.dma_semaphore, #tpu.memory_space<semaphore_mem>>) src(%dma_wait3A_361 : memref<8x128xf32, #tpu.memory_space<vmem>>) dst(%dma_wait3A_357 : memref<8x128xf32, #tpu.memory_space<hbm>>)
    %dma_wait3A_362 = arith.constant 1 : i32
    %dma_wait3A_363 = arith.constant 49 : i32
    %dma_wait3A_364 = arith.constant 7 : i32
    %dma_wait3A_365 = arith.constant 56 : i32
    %dma_wait3A_366 = arith.constant 0 : i32
    %dma_wait3A_367 = tpu.memref_slice %arg7[%dma_wait3A_362, %dma_wait3A_365, %dma_wait3A_366] : memref<2x64x128xf32, #tpu.memory_space<vmem>> -> memref<1x8x128xf32, #tpu.memory_space<vmem>>
    %dma_wait3A_368 = tpu.memref_squeeze %dma_wait3A_367 : memref<1x8x128xf32, #tpu.memory_space<vmem>> -> memref<8x128xf32, #tpu.memory_space<vmem>>
    %dma_wait3A_369 = arith.constant 0 : i32
    %dma_wait3A_370 = arith.constant 0 : i32
    %dma_wait3A_371 = tpu.memref_slice %arg4[%dma_wait3A_363, %dma_wait3A_364, %add3A_228, %dma_wait3A_369, %dma_wait3A_370] : memref<50x8x128x8x128xf32, #tpu.memory_space<hbm>> -> memref<1x1x1x8x128xf32, #tpu.memory_space<hbm>>
    %dma_wait3A_372 = tpu.memref_squeeze %dma_wait3A_371 : memref<1x1x1x8x128xf32, #tpu.memory_space<hbm>> -> memref<8x128xf32, #tpu.memory_space<hbm>>
    %dma_wait3A_373 = arith.constant 0 : i32
    %dma_wait3A_374 = arith.constant 0 : i32
    %dma_wait3A_375 = tpu.memref_slice %arg4[%dma_wait3A_363, %dma_wait3A_364, %add3A_228, %dma_wait3A_373, %dma_wait3A_374] : memref<50x8x128x8x128xf32, #tpu.memory_space<hbm>> -> memref<1x1x1x8x128xf32, #tpu.memory_space<hbm>>
    %dma_wait3A_376 = tpu.memref_squeeze %dma_wait3A_375 : memref<1x1x1x8x128xf32, #tpu.memory_space<hbm>> -> memref<8x128xf32, #tpu.memory_space<hbm>>
    %dma_wait3A_377 = arith.constant 56 : i32
    %dma_wait3A_378 = arith.constant 0 : i32
    %dma_wait3A_379 = tpu.memref_slice %arg7[%dma_wait3A_362, %dma_wait3A_377, %dma_wait3A_378] : memref<2x64x128xf32, #tpu.memory_space<vmem>> -> memref<1x8x128xf32, #tpu.memory_space<vmem>>
    %dma_wait3A_380 = tpu.memref_squeeze %dma_wait3A_379 : memref<1x8x128xf32, #tpu.memory_space<vmem>> -> memref<8x128xf32, #tpu.memory_space<vmem>>
    tpu.wait_dma2 semaphore(%arg13 : memref<!tpu.dma_semaphore, #tpu.memory_space<semaphore_mem>>) src(%dma_wait3A_380 : memref<8x128xf32, #tpu.memory_space<vmem>>) dst(%dma_wait3A_376 : memref<8x128xf32, #tpu.memory_space<hbm>>)
    return
  }
}

module attributes {stable_mosaic.version = 14 : i64} {
  func.func @_norm_body(%arg0: i32, %arg1: memref<1280000xf32, #tpu.memory_space<vmem>>, %arg2: memref<1280000xf32, #tpu.memory_space<vmem>>) attributes {dimension_semantics = [#tpu.dimension_semantics<arbitrary>], iteration_bounds = array<i64: 5>, scalar_prefetch = 0 : i64, scratch_operands = 0 : i64, tpu.core_type = #tpu.core_type<tc>, window_params = [{transform_indices = @transform_0, window_bounds = array<i64: 1280000>}, {transform_indices = @transform_1, window_bounds = array<i64: 1280000>}]} {
    %get3A = arith.constant 0 : index
    %get3A_0 = vector.load %arg1[%get3A] : memref<1280000xf32, #tpu.memory_space<vmem>>, vector<1280000xf32>
    %reshape3A = vector.shape_cast %get3A_0 : vector<1280000xf32> to vector<10000x128xf32>
    %mul3A = arith.mulf %reshape3A, %reshape3A : vector<10000x128xf32>
    %slice3A = vector.extract_strided_slice %mul3A {offsets = [0, 0], sizes = [10000, 64], strides = [1, 1]} : vector<10000x128xf32> to vector<10000x64xf32>
    %reduce_sum3A = arith.constant dense<0.000000e+00> : vector<10000xf32>
    %reduce_sum3A_1 = vector.multi_reduction <add>, %slice3A, %reduce_sum3A [1] : vector<10000x64xf32> to vector<10000xf32>
    %broadcast_in_dim3A = vector.shape_cast %reduce_sum3A_1 : vector<10000xf32> to vector<10000x1xf32>
    %slice3A_2 = vector.extract_strided_slice %mul3A {offsets = [0, 64], sizes = [10000, 64], strides = [1, 1]} : vector<10000x128xf32> to vector<10000x64xf32>
    %reduce_sum3A_3 = arith.constant dense<0.000000e+00> : vector<10000xf32>
    %reduce_sum3A_4 = vector.multi_reduction <add>, %slice3A_2, %reduce_sum3A_3 [1] : vector<10000x64xf32> to vector<10000xf32>
    %broadcast_in_dim3A_5 = vector.shape_cast %reduce_sum3A_4 : vector<10000xf32> to vector<10000x1xf32>
    %max3A = arith.constant 1.000000e-24 : f32
    %max3A_6 = vector.broadcast %max3A : f32 to vector<10000x1xf32>
    %max3A_7 = arith.maximumf %broadcast_in_dim3A, %max3A_6 : vector<10000x1xf32>
    %rsqrt3A = math.rsqrt %max3A_7 : vector<10000x1xf32>
    %broadcast_in_dim3A_8 = vector.shape_cast %rsqrt3A : vector<10000x1xf32> to vector<10000x1xf32>
    %broadcast_in_dim3A_9 = vector.broadcast %broadcast_in_dim3A_8 : vector<10000x1xf32> to vector<10000x64xf32>
    %max3A_10 = arith.constant 1.000000e-24 : f32
    %max3A_11 = vector.broadcast %max3A_10 : f32 to vector<10000x1xf32>
    %max3A_12 = arith.maximumf %broadcast_in_dim3A_5, %max3A_11 : vector<10000x1xf32>
    %rsqrt3A_13 = math.rsqrt %max3A_12 : vector<10000x1xf32>
    %broadcast_in_dim3A_14 = vector.shape_cast %rsqrt3A_13 : vector<10000x1xf32> to vector<10000x1xf32>
    %broadcast_in_dim3A_15 = vector.broadcast %broadcast_in_dim3A_14 : vector<10000x1xf32> to vector<10000x64xf32>
    %concatenate3A = tpu.concatenate %broadcast_in_dim3A_9, %broadcast_in_dim3A_15 in 1 : vector<10000x64xf32>, vector<10000x64xf32> -> vector<10000x128xf32>
    %mul3A_16 = arith.mulf %reshape3A, %concatenate3A : vector<10000x128xf32>
    %reshape3A_17 = vector.shape_cast %mul3A_16 : vector<10000x128xf32> to vector<1280000xf32>
    %swap3A = arith.constant 0 : index
    %swap3A_18 = vector.load %arg2[%swap3A] : memref<1280000xf32, #tpu.memory_space<vmem>>, vector<1280000xf32>
    tpu.vector_store %arg2[%swap3A], %reshape3A_17 {strides = array<i32>} : memref<1280000xf32, #tpu.memory_space<vmem>>, vector<1280000xf32>,
    return
  }
  func.func @transform_0(%arg0: i32) -> i32 {
    %c0_i32 = arith.constant 0 : i32
    return %arg0 : i32
  }
  func.func @transform_1(%arg0: i32) -> i32 {
    %c0_i32 = arith.constant 0 : i32
    return %arg0 : i32
  }
}

</mosaic_0001>

<sc_bundles>
// kernel: kernel.4.cloned.1.call-start
scs
__scs_entry_jumppad:
0x0: {  	(pc) =	sbr.rel $0x88, $3  }
0x1: {  	(tag) =	ssettag $0x0;
	lr =	simm.s32 $0x1  }
0x2: {  	[smem:$0x3F9F] =	sst lr;
	_ =	strace $0xD0000000  }
0x3: {  	_ = 	snop  }
0x4: {  	_ = 	snop  }
0x5: {  	_ = 	snop  }
0x6: {  	_ = 	snop  }
0x7: {  	_ = 	snop  }
__scs_overlays_trampoline_lowered:
0x8: {  	[smem:$0x3FAE] =	sst s0  }
0x9: {  	[smem:$0x3FAF] =	sst s1  }
0xa: {  	[smem:$0x3FB0] =	sst s2  }
0xb: {  	[smem:$0x3FB1] =	sst s3  }
0xc: {  	[smem:$0x3FB2] =	sst s4  }
0xd: {  	[smem:$0x3FB3] =	sst s5  }
0xe: {  	[smem:$0x3FB4] =	sst s6  }
0xf: {  	[smem:$0x3FB5] =	sst s7  }
0x10: {  	[smem:$0x3FB6] =	sst s8  }
0x11: {  	[smem:$0x3FB7] =	sst s9;
	s0 =	simm.s32 @!p0 $0x0  }
0x12: {  	s1 =	sld [smem:$0x3F9D];
	s0 =	simm.s32 @p0 $0x1  }
0x13: {  	[smem:$0x3FB8] =	sst s0;
	s0 =	simm.s32 @!p1 $0x0  }
0x14: {  	s2 =	sld [smem:$0x3F9C];
	s0 =	simm.s32 @p1 $0x1  }
0x15: {  	[smem:$0x3FB9] =	sst s0;
	s0 =	simm.s32 @!p2 $0x0  }
0x16: {  	s3 =	sld [smem:$0x3FDB];
	s0 =	simm.s32 @p2 $0x1  }
0x17: {  	s4 =	simm.s32 $0x1BF5;
	[smem:$0x3FBB] =	sst s0  }
0x18: {  	s0 =	sld [smem:$0x3F9E];
	_ =	swait.ge [sflag:s4], $0x0  }
0x19: {  	s7 =	sld [smem:$0x3F9F]  }
0x1a: {  	s8 =	sadd.s32 $0xFFFFE003, lr  }
0x1b: {  	s9 =	sadd.s32 $0xFFFFFEF7, lr;
	s5 =	simm.s32 $0xFFFFFFFF;
	p2 =	slt.u32 s8, $0xFFFFF086  }
0x1c: {  	p1 =	slt.u32 s9, $0xF7A;
	s5 =	simm.s32 @!p2 $0x0  }
0x1d: {  	s5 =	simm.s32 @p1 $0x1;
	p0 =	seq.s32 s7, s2  }
0x1e: {  	s7 =	smul.u32 @!p0 $0xF7A, s2;
	p2 =	seq.s32 @!p0 s5, $0x0  }
0x1f: {  	s9 =	smul.u32 $0xF7A, s1;
	s8 =	simm.s32 @!p0 $0x1BF5;
	p2 =	por !p2, p0  }
0x20: {  	[sflag:s8] =	ssyncset.s32 @!p0 $0xFFFFF086;
	s6 =	sadd.s32 @!p0 s3, s7;
	s7 =	simm.s32 @!p0 $0x108  }
0x21: {  	s3 =	sadd.s32 s3, s9;
	s6 =	sadd.s32 @!p0 $0x88, s6;
	s7 =	simm.s32 @p2 $0x1082  }
0x22: {  	[simem:s7], [sflag:s8] =	dma.local @!p0 [hbm:s6], $0xF7A  }
0x23: {  	s9 =	sor.u32 $0xD0000000, s2;
	s6 =	simm.s32 $0x108;
	_ =	swait.ge @!p0 [sflag:s8], $0x0  }
0x24: {  	s3 =	sadd.s32 $0x88, s3;
	s6 =	simm.s32 @!p1 $0x1082;
	[sflag:s4] =	ssyncset.s32 $0xFFFFF086  }
0x25: {  	[simem:s6], [sflag:s4] =	dma.local [hbm:s3], $0xF7A  }
0x26: {  	[smem:$0x3F9F] =	sst s1;
	(tag) =	ssettag s2;
	_ =	strace s9  }
0x27: {  	s1 =	sld [smem:$0x3FAF]  }
0x28: {  	s2 =	sld [smem:$0x3FB0]  }
0x29: {  	s4 =	sld [smem:$0x3FB2]  }
0x2a: {  	p0 =	seq.s32 s5, $0x0;
	s5 =	sld [smem:$0x3FB3]  }
0x2b: {  	s6 =	sld [smem:$0x3FB4]  }
0x2c: {  	s7 =	sld [smem:$0x3FB5]  }
0x2d: {  	s3 =	simm.s32 $0x108;
	s8 =	sld [smem:$0x3FB6]  }
0x2e: {  	s3 =	simm.s32 @!p0 $0x1082;
	s9 =	sld [smem:$0x3FB7]  }
0x2f: {  	lr =	sadd.s32 s0, s3;
	s0 =	sld [smem:$0x3FAE]  }
0x30: {  	s3 =	sld [smem:$0x3FB1]  }
0x31: {  	[smem:$0x3FBA] =	sst s10  }
0x32: {  	s10 =	sld [smem:$0x3FB8];
	_ =	sdelay $0x3  }
0x33: {  	p0 =	seq.s32 s10, $0x1;
	s10 =	sld [smem:$0x3FBA];
	_ =	sdelay $0x3  }
0x34: {  	[smem:$0x3FBA] =	sst s10  }
0x35: {  	s10 =	sld [smem:$0x3FB9];
	_ =	sdelay $0x3  }
0x36: {  	p1 =	seq.s32 s10, $0x1;
	s10 =	sld [smem:$0x3FBA];
	_ =	sdelay $0x3  }
0x37: {  	[smem:$0x3FBA] =	sst s10  }
0x38: {  	s10 =	sld [smem:$0x3FBB]  }
0x39: {  	_ = 	snop;
	(pc) =	sbr.ind lr, $3  }
0x3a: {  	_ = 	snop  }
0x3b: {  	_ = 	snop  }
0x3c: {  	p2 =	seq.s32 s10, $0x1;
	s10 =	sld [smem:$0x3FBA]  }
0x3d: {  	_ =	shalt  }
0x3e: {  	_ =	shalt  }
0x3f: {  	_ =	shalt  }
0x40: {  	_ =	shalt  }
0x41: {  	_ =	shalt  }
0x42: {  	_ =	shalt  }
0x43: {  	_ =	shalt  }
0x44: {  	_ =	shalt  }
0x45: {  	_ =	shalt  }
0x46: {  	_ =	shalt  }
0x47: {  	_ =	shalt  }
0x48: {  	_ =	shalt  }
0x49: {  	_ =	shalt  }
0x4a: {  	_ =	shalt  }
0x4b: {  	_ =	shalt  }
0x4c: {  	_ =	shalt  }
0x4d: {  	_ =	shalt  }
0x4e: {  	_ =	shalt  }
0x4f: {  	_ =	shalt  }
0x50: {  	_ =	shalt  }
0x51: {  	_ =	shalt  }
0x52: {  	_ =	shalt  }
0x53: {  	_ =	shalt  }
0x54: {  	_ =	shalt  }
0x55: {  	_ =	shalt  }
0x56: {  	_ =	shalt  }
0x57: {  	_ =	shalt  }
0x58: {  	_ =	shalt  }
0x59: {  	_ =	shalt  }
0x5a: {  	_ =	shalt  }
0x5b: {  	_ =	shalt  }
0x5c: {  	_ =	shalt  }
0x5d: {  	_ =	shalt  }
0x5e: {  	_ =	shalt  }
0x5f: {  	_ =	shalt  }
0x60: {  	_ =	shalt  }
0x61: {  	_ =	shalt  }
0x62: {  	_ =	shalt  }
0x63: {  	_ =	shalt  }
0x64: {  	_ =	shalt  }
0x65: {  	_ =	shalt  }
0x66: {  	_ =	shalt  }
0x67: {  	_ =	shalt  }
0x68: {  	_ =	shalt  }
0x69: {  	_ =	shalt  }
0x6a: {  	_ =	shalt  }
0x6b: {  	_ =	shalt  }
0x6c: {  	_ =	shalt  }
0x6d: {  	_ =	shalt  }
0x6e: {  	_ =	shalt  }
0x6f: {  	_ =	shalt  }
0x70: {  	_ =	shalt  }
0x71: {  	_ =	shalt  }
0x72: {  	_ =	shalt  }
0x73: {  	_ =	shalt  }
0x74: {  	_ =	shalt  }
0x75: {  	_ =	shalt  }
0x76: {  	_ =	shalt  }
0x77: {  	_ =	shalt  }
0x78: {  	_ =	shalt  }
0x79: {  	_ =	shalt  }
0x7a: {  	_ =	shalt  }
0x7b: {  	_ =	shalt  }
0x7c: {  	_ =	shalt  }
0x7d: {  	_ =	shalt  }
0x7e: {  	_ =	shalt  }
0x7f: {  	_ =	shalt  }
0x80: {  	_ =	shalt  }
0x81: {  	_ =	shalt  }
0x82: {  	_ =	shalt  }
0x83: {  	_ =	shalt  }
0x84: {  	_ =	shalt  }
0x85: {  	_ =	shalt  }
0x86: {  	_ =	shalt  }
0x87: {  	_ =	shalt  }
.Lfunc_end0:
.L_simem_size_0:
called_computation_lowered:
.L_overlay_start_0:
0x88: {  	s2 =	sld [smem:$0x3FD9]  }
0x89: {  	s3 =	sld [smem:$0x3FFE];
	_ =	sdelay $0x1  }
0x8a: {  	s1 =	srdreg.scid  }
0x8b: {  	s0 =	sand.u32 $0x1, s1  }
0x8c: {  	s17 =	sshll.u32 s0, $0xA;
	s2 =	sadd.s32 s3, s2  }
0x8d: {  	s2 =	sadd.s32 s2, s17  }
0x8e: {  	[smem:$0x3FC6] =	sst s2  }
0x8f: {  	_ = 	snop  }
0x90: {  	s2 =	sld [smem:$0x3FD0];
	(tm) =	ssettm $0x1  }
0x91: {  	s18 =	sld [smem:$0x3FFB];
	_ =	sdelay $0x3  }
0x92: {  	_ =	strace s18  }
0x93: {  	s3 =	sld [smem:$0x3FFC];
	_ =	sdelay $0x3  }
0x94: {  	_ =	strace s3  }
0x95: {  	s3 =	sld [smem:$0x3FFD];
	_ =	sdelay $0x3  }
0x96: {  	_ =	strace s3  }
0x97: {  	_ =	strace $0x8FFFFFFF  }
0x98: {  	s19 =	sld [smem:$0x3FDB];
	_ =	sdelay $0x1  }
0x99: {  	s4 =	simm.s32 $_scs_section_size  }
0x9a: {  	s5 =	simm.s32 $_size__tile_overlayer_lowered;
	s6 =	simm.s32 $_tile_overlayer_lowered  }
0x9b: {  	s22 =	simm.s32 $0x1BFF;
	s21 =	sshll.u32 s6, $0x1;
	s3 =	sadd.s32 s4, s19  }
0x9c: {  	s7 =	simm.s32 $0x0;
	s20 =	sshll.u32 s5, $0x1;
	s5 =	sadd.s32 s21, s3  }
0x9d: {  	[timem:s7], [sflag:s22] =	dma.local [hbm:s5], s20  }
0x9e: {  	_ =	swait.ge [sflag:s22], s20  }
0x9f: {  	s4 =	ssub.s32 $0x0, s20;
	[sflag:s22] =	ssyncset.done $0x0  }
0xa0: {  	[sflag:s22] =	ssyncadd.s32 s4;
	_ =	sdelay $0x1  }
0xa1: {  	s23 =	simm.s32 $0x1B8B  }
0xa2: {  	_ =	swait.ge [sflag:s23], $0x1  }
0xa3: {  	[sflag:s23] =	ssyncset.done $0x0  }
0xa4: {  	s25 =	simm.s32 $0x1B8E;
	s24 =	sld [smem:$0x3FFE];
	[sflag:s23] =	ssyncadd.s32 $0xFFFFFFFF  }
0xa5: {  	s26 =	simm.s32 $execute0_lowered;
	[smem:$0x3FD2] =	sst s25  }
0xa6: {  	s5 =	sshll.u32 s26, $0x1;
	_ =	strace $0x80000046;
	[dreg:$0x1] =	wrdreg $0xFFFFFFFF  }
0xa7: {  	s28 =	simm.s32 $_size_execute0_lowered;
	s3 =	sadd.s32 s3, s5;
	[dreg:$0x0] =	wrdreg $0x0  }
0xa8: {  	s5 =	sshll.u32 s28, $0x1;
	[dreg:$0x2] =	wrdreg s3  }
0xa9: {  	[dreg:$0x3] =	wrdreg s5  }
0xaa: {  	[dreg:$0x4] =	wrdreg $0xC0  }
0xab: {  	_ =	task [dreg:s7], $0x5FFFF  }
0xac: {  	[dreg:$0x1] =	wrdreg $0xFFFFFFFF  }
0xad: {  	[dreg:$0x0] =	wrdreg $0x60  }
0xae: {  	[dreg:$0x2] =	wrdreg s24  }
0xaf: {  	[dreg:$0x3] =	wrdreg s2  }
0xb0: {  	[dreg:$0x4] =	wrdreg $0x9  }
0xb1: {  	_ =	task.clear_ibuf [dreg:s7], $0x5FFFF;
	_ =	strace $0x90000046  }
0xb2: {  	s29 =	simm.s32 $0x9;
	_ =	strace $0x80000048  }
0xb3: {  	_ =	swait.ge [sflag:s29], $0x1  }
0xb4: {  	[sflag:s29] =	ssyncadd.s32 $0xFFFFFFFF  }
0xb5: {  	_ =	strace $0x90000048  }
0xb6: {  	_ =	sfence  }
0xb7: {  	s30 =	sld [smem:$0x0];
	_ =	sdelay $0x2  }
0xb8: {  	s31 =	sshll.u32 s1, $0xD;
	s1 =	sshrl.u32 s1, $0x2  }
0xb9: {  	s3 =	sand.u32 $0x4000, s31;
	s1 =	sadd.s32 s1, s30  }
0xba: {  	s0 =	sor.u32 s3, s0;
	s1 =	sshll.u32 s1, $0x11  }
0xbb: {  	s0 =	sor.u32 s1, s0  }
0xbc: {  	s0 =	sadd.s32 $0x8F2B, s0  }
0xbd: {  	[sflag:s0] =	ssyncadd.remote.s32 $0x1  }
0xbe: {  	_ =	sfence.sel $0xFFFF  }
0xbf: {  	[dreg:$0x0] =	wrdreg $0xFFFFFFFF;
	(pc) =	sbr.abs _section_cstart, $3  }
0xc0: {  	[dreg:$0x1] =	wrdreg $0xFFFFFFFF  }
0xc1: {  	_ =	task.clear_ibuf [dreg:s7], $0x2FFFF;
	_ =	strace $0x9FFFFFFF  }
0xc2: {  	(tm) =	ssettm $0x7FFFFFFF  }
0xc3: {  	_ =	shalt  }
tec
execute0_lowered:
.L_overlay_start_1:
0x0: {  	(tag) =	ssettag $0x1  }
0x1: {  	s0 =	srdreg.scid  }
0x2: {  	s1 =	rddreg [dreg:$0x0];
	s3 =	stileid.u32  }
0x3: {  	s2 =	rddreg [dreg:$0x1];
	s28 =	simm.s32 $0xC400;
	s29 =	simm.s32 $0x1  }
0x4: {  	s30 =	simm.s32 $0xE400;
	s8 =	simm.s32 $0x11400;
	s9 =	simm.s32 $0x11800  }
0x5: {  	s10 =	simm.s32 $0x11C00;
	s11 =	simm.s32 $0x12000;
	s12 =	simm.s32 $0x3  }
0x6: {  	s13 =	simm.s32 $0x6;
	s4 =	sshll.u32 s3, $0x3;
	s3 =	simm.s32 $0x0  }
0x7: {  	s14 =	simm.s32 $0x4;
	s19 =	sadd.s32 $0x4000, s2;
	[smem:$0x7FF] =	sst s3  }
0x8: {  	s20 =	sadd.s32 $0x8000, s2;
	_ =	strace $0x80000047;
	[dreg:$0x5] =	wrdreg s19  }
0x9: {  	s0 =	sand.u32 $0x1, s0;
	s21 =	sadd.s32 $0xC000, s2;
	[dreg:$0x6] =	wrdreg s20  }
0xa: {  	s22 =	sadd.s32 $0x10000, s2;
	s23 =	sadd.s32 $0x14000, s2;
	[dreg:$0x7] =	wrdreg s21  }
0xb: {  	s24 =	sadd.s32 $0x18000, s2;
	s25 =	sadd.s32 $0x1C000, s2;
	[dreg:$0x8] =	wrdreg s22  }
0xc: {  	s5 =	sshll.u32 s0, $0x2;
	s0 =	ssub.s32 $0x2, s0;
	[dreg:$0x9] =	wrdreg s23  }
0xd: {  	s5 =	sor.u32 s5, s4;
	s7 =	sshrl.u32 s0, $0x1;
	[dreg:$0xa] =	wrdreg s24  }
0xe: {  	[dreg:$0xb] =	wrdreg s25;
	s22 =	simm.s32 $0x6400;
	s23 =	simm.s32 $0x8400  }
0xf: {  	s25 =	simm.s32 $0xA400;
	s19 =	simm.s32 $0xEC00;
	s24 =	simm.s32 $0xF400  }
0x10: {  	s20 =	simm.s32 $0x10800;
	s21 =	simm.s32 $0x10C00;
	s4 =	sshll.u32 s5, $0x4  }
0x11: {  	s0 =	ssub.s32 s0, s7;
	s18 =	sshll.u32 s5, $0xA;
	s5 =	simm.s32 $0x2  }
0x12: {  	v0 =	vlaneseq.u32;
	s7 =	simm.s32 $0x11000;
	s26 =	sor.u32 $0x400, s18;
	[dreg:$0x4] =	wrdreg s18  }
0x13: {  	v1 =	vmul.u32 $0x40, v0;
	v9 =	vor.u32 $0x10, v0;
	v10 =	vor.u32 $0x20, v0;
	s6 =	sadd.s32 s4, s1;
	s31 =	sor.u32 $0x800, s18;
	[dreg:$0xc] =	wrdreg s26  }
0x14: {  	v11 =	vor.u32 $0x30, v0;
	v12 =	vor.u32 $0x40, v0;
	v13 =	vor.u32 $0x50, v0;
	s4 =	sadd.s32 $0xDCA00, s1;
	s1 =	sor.u32 $0xC00, s18;
	[dreg:$0xd] =	wrdreg s31  }
0x15: {  	v14 =	vor.u32 $0x60, v0;
	v15 =	vor.u32 $0x70, v0;
	v2 =	vor.u32 $0x400, v1;
	s0 =	smax.u32 s0, $0x1;
	s17 =	sadd.s32 $0x400, s6;
	[dreg:$0xe] =	wrdreg s1  }
0x16: {  	v3 =	vor.u32 $0x800, v1;
	v4 =	vor.u32 $0xC00, v1;
	v5 =	vor.u32 $0x1000, v1;
	[dreg:$0xf] =	wrdreg s0;
	s26 =	simm.s32 $0xFC00;
	s6 =	simm.s32 $0x5  }
0x17: {  	v6 =	vor.u32 $0x1400, v1;
	v7 =	vor.u32 $0x1800, v1;
	v8 =	vor.u32 $0x1C00, v1;
	s1 =	simm.s32 $0x0;
	[dreg:$0x3] =	wrdreg s17;
	s17 =	simm.s32 $0x10400  }
.LBB2_1:
0x18: {  	s0 =	rddreg [dreg:$0x3];
	s31 =	simm.s32 $0x200;
	s15 =	simm.s32 $0x4000  }
0x19: {  	[tilespmem:s3], [sflag:$0x7] =	stream.strided.gather [hbm4b:s0+s31], $0x6400, s15, s31, $0x38;
	[tilespmem:$0x12400] =	vst v63  }
0x1a: {  	[dreg:$0x10] =	wrdreg s1;
	s15 =	simm.s32 $0x7  }
0x1b: {  	_ =	swait.ge [sflag:s15], $0x6400  }
0x1c: {  	[sflag:s15] =	ssyncset.done $0x0  }
0x1d: {  	s16 =	simm.s32 $0x80;
	[sflag:s15] =	ssyncadd.s32 $0xFFFF9C00  }
0x1e: {  	[tilespmem:s22], [sflag:$0x1] =	stream.indirect.gather [hbm4b:s4+s16], $0x40, s3, s16, $0xb8;
	[tilespmem:$0x12400] =	vst v63  }
0x1f: {  	_ = 	snop  }
0x20: {  	[tilespmem:s23], [sflag:$0x2] =	stream.indirect.gather [hbm4b:s4+s16], $0x40, s16, s16, $0xb8;
	[tilespmem:$0x12400] =	vst v63  }
0x21: {  	s18 =	simm.s32 $0x100  }
0x22: {  	[tilespmem:s25], [sflag:$0x3] =	stream.indirect.gather [hbm4b:s4+s16], $0x40, s18, s16, $0xb8;
	[tilespmem:$0x12400] =	vst v63  }
0x23: {  	s31 =	simm.s32 $0x180;
	s15 =	simm.s32 $0x0  }
0x24: {  	[tilespmem:s28], [sflag:$0x4] =	stream.indirect.gather [hbm4b:s4+s16], $0x40, s31, s16, $0xb8;
	[tilespmem:$0x12400] =	vst v63  }
.LBB2_2:
0x25: {  	p1 =	seq.s32 s15, $0x0  }
0x26: {  	s1 =	simm.s32 @!p1 $0x5  }
0x27: {  	_ =	swait.ge @!p1 [sflag:s1], $0x400  }
0x28: {  	[sflag:s1] =	ssyncset.done @!p1 $0x0  }
0x29: {  	[sflag:s1] =	ssyncadd.s32 @!p1 $0xFFFFFC00  }
0x2a: {  	_ =	swait.ge @!p1 [sflag:s1], $0x400  }
0x2b: {  	[sflag:s1] =	ssyncset.done @!p1 $0x0  }
0x2c: {  	[sflag:s1] =	ssyncadd.s32 @!p1 $0xFFFFFC00  }
0x2d: {  	_ =	swait.ge @!p1 [sflag:s1], $0x400  }
0x2e: {  	[sflag:s1] =	ssyncset.done @!p1 $0x0  }
0x2f: {  	[sflag:s1] =	ssyncadd.s32 @!p1 $0xFFFFFC00  }
0x30: {  	_ =	swait.ge @!p1 [sflag:s1], $0x400  }
0x31: {  	[sflag:s1] =	ssyncset.done @!p1 $0x0  }
0x32: {  	[sflag:s1] =	ssyncadd.s32 @!p1 $0xFFFFFC00  }
0x33: {  	_ =	swait.ge @!p1 [sflag:s1], $0x400  }
0x34: {  	[sflag:s1] =	ssyncset.done @!p1 $0x0  }
0x35: {  	[sflag:s1] =	ssyncadd.s32 @!p1 $0xFFFFFC00  }
0x36: {  	_ =	swait.ge @!p1 [sflag:s1], $0x400  }
0x37: {  	[sflag:s1] =	ssyncset.done @!p1 $0x0  }
0x38: {  	[sflag:s1] =	ssyncadd.s32 @!p1 $0xFFFFFC00  }
0x39: {  	_ =	swait.ge @!p1 [sflag:s1], $0x400  }
0x3a: {  	s16 =	simm.s32 $0x0;
	[sflag:s1] =	ssyncset.done @!p1 $0x0  }
0x3b: {  	v19 =	vadd.s32 s16, v0;
	[sflag:s1] =	ssyncadd.s32 @!p1 $0xFFFFFC00  }
0x3c: {  	v16 =	vand.u32 $0xF, v19;
	_ =	swait.ge @!p1 [sflag:s1], $0x400  }
0x3d: {  	v17 =	vor.u32 v1, v16;
	[sflag:s1] =	ssyncset.done @!p1 $0x0  }
0x3e: {  	v18 =	vor.u32 $0x10, v19;
	v30 =	vor.u32 v8, v16;
	[sflag:s1] =	ssyncadd.s32 @!p1 $0xFFFFFC00  }
0x3f: {  	v26 =	vor.u32 v2, v16;
	v23 =	vshll.u32 v16, $0x7;
	v29 =	vor.u32 v7, v16;
	_ =	swait.ge [sflag:s29], $0x2000  }
0x40: {  	v25 =	vor.u32 v4, v16;
	v24 =	vor.u32 v5, v16;
	v28 =	vor.u32 v3, v16;
	[sflag:s29] =	ssyncset.done $0x0  }
0x41: {  	v22 =	vand.u32 $0x1F, v18;
	v31 =	vor.u32 $0x20, v16;
	v20 =	vshll.u32 v18, $0x7;
	[sflag:s29] =	ssyncadd.s32 $0xFFFFE000  }
0x42: {  	v27 =	vor.u32 v6, v16;
	v16 =	vor.u32 $0x30, v19;
	v21 =	vand.u32 $0x28, v31;
	v32 =	vld.idx.msk [tilespmem:v17+s22+$0x0], $0xffff  }
0x43: {  	s16 =	simm.s32 $0x1;
	v18 =	vshll.u32 v31, $0x7;
	v17 =	vand.u32 $0x3F, v16;
	v16 =	vshll.u32 v16, $0x7;
	v33 =	vld.idx.msk [tilespmem:v30+s22+$0x0], $0xffff  }
.LBB2_3:
0x44: {  	p0 =	sne.s32 s16, $0xF;
	v34 =	vld.idx.msk [tilespmem:v29+s22+$0x0], $0xffff;
	s1 =	smov.u32 s16;
	s16 =	sadd.s32 $0x1, s16  }
0x45: {  	v36 =	vor.u32 v0, v23;
	v35 =	vld.idx.msk [tilespmem:v26+s22+$0x0], $0xffff  }
0x46: {  	v39 =	vor.u32 v9, v23;
	v40 =	vor.u32 v13, v23;
	v37 =	vadd.s32 s1, v0;
	v38 =	vld.idx.msk [tilespmem:v28+s22+$0x0], $0xffff  }
0x47: {  	v43 =	vor.u32 v10, v23;
	v44 =	vor.u32 v11, v23;
	v41 =	vand.u32 $0xF, v37;
	v42 =	vld.idx.msk [tilespmem:v25+s22+$0x0], $0xffff  }
0x48: {  	v30 =	vor.u32 v1, v41;
	v26 =	vor.u32 v2, v41;
	v45 =	vshll.u32 v41, $0x7;
	v46 =	vld.idx.msk [tilespmem:v24+s22+$0x0], $0xffff  }
0x49: {  	v48 =	vor.u32 v12, v23;
	v25 =	vor.u32 v4, v41;
	v24 =	vor.u32 v5, v41;
	v47 =	vld.idx.msk [tilespmem:v27+s22+$0x0], $0xffff  }
0x4a: {  	v29 =	vor.u32 v7, v41;
	v31 =	vor.u32 v8, v41;
	v27 =	vor.u32 $0x10, v37;
	[tilespmem:v36+s30+$0x0] =	vst.idx.msk $0xffff, v32  }
0x4b: {  	v28 =	vor.u32 v3, v41;
	v36 =	vand.u32 $0x1F, v27;
	[tilespmem:v39+s30+$0x0] =	vst.idx.msk $0xffff, v35;
	v35 =	vor.u32 v14, v23  }
0x4c: {  	v32 =	vor.u32 $0x20, v41;
	v39 =	vshll.u32 v27, $0x7;
	[tilespmem:v43+s30+$0x0] =	vst.idx.msk $0xffff, v38;
	v38 =	vor.u32 v15, v23;
	v23 =	vmovc v45  }
0x4d: {  	v27 =	vor.u32 v6, v41;
	v41 =	vand.u32 $0x28, v32;
	[tilespmem:v44+s30+$0x0] =	vst.idx.msk $0xffff, v42;
	v42 =	vor.u32 v3, v22  }
0x4e: {  	v43 =	vor.u32 $0x30, v37;
	v45 =	vor.u32 v2, v22;
	v44 =	vshll.u32 v32, $0x7;
	[tilespmem:v48+s30+$0x0] =	vst.idx.msk $0xffff, v46  }
0x4f: {  	v32 =	vshll.u32 v43, $0x7;
	v46 =	vand.u32 $0x3F, v43;
	[tilespmem:v40+s30+$0x0] =	vst.idx.msk $0xffff, v47;
	v40 =	vor.u32 v1, v22  }
0x50: {  	[tilespmem:v35+s30+$0x0] =	vst.idx.msk $0xffff, v34;
	v34 =	vor.u32 v4, v22  }
0x51: {  	[tilespmem:v38+s30+$0x0] =	vst.idx.msk $0xffff, v33;
	v33 =	vor.u32 v5, v22  }
0x52: {  	v38 =	vor.u32 v6, v22;
	v35 =	vld.idx.msk [tilespmem:v42+s22+$0x0], $0xffff  }
0x53: {  	v43 =	vor.u32 v7, v22;
	v42 =	vld.idx.msk [tilespmem:v45+s22+$0x0], $0xffff  }
0x54: {  	v45 =	vor.u32 v8, v22;
	v22 =	vmov v36;
	v40 =	vld.idx.msk [tilespmem:v40+s22+$0x0], $0xffff  }
0x55: {  	v36 =	vor.u32 v0, v20;
	v34 =	vld.idx.msk [tilespmem:v34+s22+$0x0], $0xffff  }
0x56: {  	v47 =	vor.u32 v9, v20;
	v33 =	vld.idx.msk [tilespmem:v33+s22+$0x0], $0xffff  }
0x57: {  	v48 =	vor.u32 v10, v20;
	v38 =	vld.idx.msk [tilespmem:v38+s22+$0x0], $0xffff  }
0x58: {  	v49 =	vor.u32 v11, v20;
	v43 =	vld.idx.msk [tilespmem:v43+s22+$0x0], $0xffff  }
0x59: {  	v50 =	vor.u32 v12, v20;
	v45 =	vld.idx.msk [tilespmem:v45+s22+$0x0], $0xffff  }
0x5a: {  	[tilespmem:v36+s30+$0x0] =	vst.idx.msk $0xffff, v40;
	v36 =	vor.u32 v13, v20  }
0x5b: {  	v40 =	vand.u32 $0x7, v19;
	v19 =	vmov v37;
	[tilespmem:v47+s30+$0x0] =	vst.idx.msk $0xffff, v42;
	v42 =	vor.u32 v14, v20  }
0x5c: {  	v37 =	vor.u32 v40, v21;
	[tilespmem:v48+s30+$0x0] =	vst.idx.msk $0xffff, v35;
	v35 =	vor.u32 v15, v20;
	v20 =	vmov v39  }
0x5d: {  	v21 =	vmov v41;
	[tilespmem:v49+s30+$0x0] =	vst.idx.msk $0xffff, v34;
	v34 =	vor.u32 v3, v37  }
0x5e: {  	[tilespmem:v50+s30+$0x0] =	vst.idx.msk $0xffff, v33;
	v33 =	vor.u32 v2, v37  }
0x5f: {  	[tilespmem:v36+s30+$0x0] =	vst.idx.msk $0xffff, v38;
	v36 =	vor.u32 v1, v37  }
0x60: {  	v38 =	vor.u32 v4, v37;
	[tilespmem:v42+s30+$0x0] =	vst.idx.msk $0xffff, v43  }
0x61: {  	[tilespmem:v35+s30+$0x0] =	vst.idx.msk $0xffff, v45;
	v35 =	vor.u32 v5, v37  }
0x62: {  	v39 =	vor.u32 v6, v37;
	v34 =	vld.idx.msk [tilespmem:v34+s22+$0x0], $0xffff  }
0x63: {  	v40 =	vor.u32 v8, v37;
	v33 =	vld.idx.msk [tilespmem:v33+s22+$0x0], $0xffff  }
0x64: {  	v37 =	vor.u32 v7, v37;
	v36 =	vld.idx.msk [tilespmem:v36+s22+$0x0], $0xffff  }
0x65: {  	v41 =	vor.u32 v0, v18;
	v38 =	vld.idx.msk [tilespmem:v38+s22+$0x0], $0xffff  }
0x66: {  	v42 =	vor.u32 v9, v18;
	v35 =	vld.idx.msk [tilespmem:v35+s22+$0x0], $0xffff  }
0x67: {  	v43 =	vor.u32 v10, v18;
	v39 =	vld.idx.msk [tilespmem:v39+s22+$0x0], $0xffff  }
0x68: {  	v45 =	vor.u32 v11, v18;
	v40 =	vld.idx.msk [tilespmem:v40+s22+$0x0], $0xffff  }
0x69: {  	v47 =	vor.u32 v12, v18;
	v37 =	vld.idx.msk [tilespmem:v37+s22+$0x0], $0xffff  }
0x6a: {  	[tilespmem:v41+s30+$0x0] =	vst.idx.msk $0xffff, v36;
	v36 =	vor.u32 v13, v18  }
0x6b: {  	[tilespmem:v42+s30+$0x0] =	vst.idx.msk $0xffff, v33;
	v33 =	vor.u32 v14, v18  }
0x6c: {  	[tilespmem:v43+s30+$0x0] =	vst.idx.msk $0xffff, v34;
	v34 =	vor.u32 v15, v18;
	v18 =	vmov v44  }
0x6d: {  	[tilespmem:v45+s30+$0x0] =	vst.idx.msk $0xffff, v38;
	v38 =	vor.u32 v3, v17  }
0x6e: {  	v41 =	vor.u32 v2, v17;
	[tilespmem:v47+s30+$0x0] =	vst.idx.msk $0xffff, v35;
	v35 =	vor.u32 v1, v17  }
0x6f: {  	[tilespmem:v36+s30+$0x0] =	vst.idx.msk $0xffff, v39  }
0x70: {  	[tilespmem:v33+s30+$0x0] =	vst.idx.msk $0xffff, v37;
	v33 =	vor.u32 v4, v17  }
0x71: {  	[tilespmem:v34+s30+$0x0] =	vst.idx.msk $0xffff, v40;
	v34 =	vor.u32 v5, v17  }
0x72: {  	v37 =	vor.u32 v6, v17;
	v36 =	vld.idx.msk [tilespmem:v38+s22+$0x0], $0xffff  }
0x73: {  	v39 =	vor.u32 v8, v17;
	v38 =	vld.idx.msk [tilespmem:v41+s22+$0x0], $0xffff  }
0x74: {  	v40 =	vor.u32 v7, v17;
	v17 =	vmov v46;
	v41 =	vor.u32 v0, v16;
	v35 =	vld.idx.msk [tilespmem:v35+s22+$0x0], $0xffff  }
0x75: {  	v42 =	vor.u32 v9, v16;
	v33 =	vld.idx.msk [tilespmem:v33+s22+$0x0], $0xffff  }
0x76: {  	v43 =	vor.u32 v10, v16;
	v34 =	vld.idx.msk [tilespmem:v34+s22+$0x0], $0xffff  }
0x77: {  	v44 =	vor.u32 v11, v16;
	v37 =	vld.idx.msk [tilespmem:v37+s22+$0x0], $0xffff  }
0x78: {  	v45 =	vor.u32 v12, v16;
	v39 =	vld.idx.msk [tilespmem:v39+s22+$0x0], $0xffff  }
0x79: {  	v46 =	vor.u32 v13, v16;
	v40 =	vld.idx.msk [tilespmem:v40+s22+$0x0], $0xffff  }
0x7a: {  	[tilespmem:v41+s30+$0x0] =	vst.idx.msk $0xffff, v35;
	v35 =	vor.u32 v14, v16  }
0x7b: {  	[tilespmem:v42+s30+$0x0] =	vst.idx.msk $0xffff, v38;
	v38 =	vor.u32 v15, v16;
	v16 =	vmov v32  }
0x7c: {  	[tilespmem:v43+s30+$0x0] =	vst.idx.msk $0xffff, v36  }
0x7d: {  	[tilespmem:v44+s30+$0x0] =	vst.idx.msk $0xffff, v33  }
0x7e: {  	[tilespmem:v45+s30+$0x0] =	vst.idx.msk $0xffff, v34  }
.Ltmp0:
0x7f: {  	[tilespmem:v46+s30+$0x0] =	vst.idx.msk $0xffff, v37;
	(pc) =	sbr.rel @p0 .LBB2_3-.Ltmp0, $4  }
0x80: {  	[tilespmem:v35+s30+$0x0] =	vst.idx.msk $0xffff, v40  }
0x81: {  	[tilespmem:v38+s30+$0x0] =	vst.idx.msk $0xffff, v39  }
0x82: {  	v32 =	vld.idx.msk [tilespmem:v30+s22+$0x0], $0xffff  }
0x83: {  	v33 =	vld.idx.msk [tilespmem:v31+s22+$0x0], $0xffff  }
0x84: {  	_ =	sdelay $0x3  }
0x85: {  	v29 =	vld.idx.msk [tilespmem:v29+s22+$0x0], $0xffff;
	v30 =	vor.u32 v0, v23  }
0x86: {  	v26 =	vld.idx.msk [tilespmem:v26+s22+$0x0], $0xffff;
	v31 =	vor.u32 v9, v23  }
0x87: {  	v28 =	vld.idx.msk [tilespmem:v28+s22+$0x0], $0xffff;
	v34 =	vor.u32 v10, v23  }
0x88: {  	v25 =	vld.idx.msk [tilespmem:v25+s22+$0x0], $0xffff;
	v35 =	vor.u32 v11, v23  }
0x89: {  	v24 =	vld.idx.msk [tilespmem:v24+s22+$0x0], $0xffff;
	v36 =	vor.u32 v12, v23  }
0x8a: {  	v27 =	vld.idx.msk [tilespmem:v27+s22+$0x0], $0xffff;
	v37 =	vor.u32 v13, v23;
	[tilespmem:v30+s30+$0x0] =	vst.idx.msk $0xffff, v32  }
0x8b: {  	[tilespmem:v31+s30+$0x0] =	vst.idx.msk $0xffff, v26;
	v26 =	vor.u32 v14, v23  }
0x8c: {  	v23 =	vor.u32 v15, v23;
	[tilespmem:v34+s30+$0x0] =	vst.idx.msk $0xffff, v28  }
0x8d: {  	[tilespmem:v35+s30+$0x0] =	vst.idx.msk $0xffff, v25;
	v25 =	vor.u32 v3, v22  }
0x8e: {  	v28 =	vor.u32 v6, v22;
	[tilespmem:v36+s30+$0x0] =	vst.idx.msk $0xffff, v24  }
0x8f: {  	[tilespmem:v37+s30+$0x0] =	vst.idx.msk $0xffff, v27;
	v27 =	vor.u32 v1, v22  }
0x90: {  	v24 =	vor.u32 v2, v22;
	[tilespmem:v26+s30+$0x0] =	vst.idx.msk $0xffff, v29  }
0x91: {  	v26 =	vor.u32 v4, v22;
	[tilespmem:v23+s30+$0x0] =	vst.idx.msk $0xffff, v33  }
0x92: {  	v29 =	vor.u32 v7, v22;
	v25 =	vld.idx.msk [tilespmem:v25+s22+$0x0], $0xffff  }
0x93: {  	v23 =	vor.u32 v5, v22;
	v28 =	vld.idx.msk [tilespmem:v28+s22+$0x0], $0xffff  }
0x94: {  	v30 =	vor.u32 v0, v20;
	v22 =	vor.u32 v8, v22;
	v27 =	vld.idx.msk [tilespmem:v27+s22+$0x0], $0xffff  }
0x95: {  	v31 =	vor.u32 v9, v20;
	v24 =	vld.idx.msk [tilespmem:v24+s22+$0x0], $0xffff  }
0x96: {  	v61 =	vor.u32 v10, v20;
	v26 =	vld.idx.msk [tilespmem:v26+s22+$0x0], $0xffff  }
0x97: {  	v62 =	vor.u32 v11, v20;
	v29 =	vld.idx.msk [tilespmem:v29+s22+$0x0], $0xffff  }
0x98: {  	v63 =	vor.u32 v12, v20;
	v23 =	vld.idx.msk [tilespmem:v23+s22+$0x0], $0xffff  }
0x99: {  	v22 =	vld.idx.msk [tilespmem:v22+s22+$0x0], $0xffff;
	[tilespmem:v30+s30+$0x0] =	vst.idx.msk $0xffff, v27;
	v27 =	vor.u32 v13, v20  }
0x9a: {  	v19 =	vand.u32 $0x7, v19;
	[tilespmem:v31+s30+$0x0] =	vst.idx.msk $0xffff, v24;
	v24 =	vor.u32 v14, v20  }
0x9b: {  	v19 =	vor.u32 v19, v21;
	v20 =	vor.u32 v15, v20;
	[tilespmem:v61+s30+$0x0] =	vst.idx.msk $0xffff, v25  }
0x9c: {  	v21 =	vor.u32 v3, v19;
	[tilespmem:v62+s30+$0x0] =	vst.idx.msk $0xffff, v26  }
0x9d: {  	v25 =	vor.u32 v1, v19;
	[tilespmem:v63+s30+$0x0] =	vst.idx.msk $0xffff, v23  }
0x9e: {  	v26 =	vor.u32 v8, v19;
	[tilespmem:v27+s30+$0x0] =	vst.idx.msk $0xffff, v28  }
0x9f: {  	v23 =	vor.u32 v2, v19;
	[tilespmem:v24+s30+$0x0] =	vst.idx.msk $0xffff, v29  }
0xa0: {  	v24 =	vor.u32 v4, v19;
	[tilespmem:v20+s30+$0x0] =	vst.idx.msk $0xffff, v22  }
0xa1: {  	v20 =	vor.u32 v5, v19;
	v21 =	vld.idx.msk [tilespmem:v21+s22+$0x0], $0xffff  }
0xa2: {  	v22 =	vor.u32 v6, v19;
	v25 =	vld.idx.msk [tilespmem:v25+s22+$0x0], $0xffff  }
0xa3: {  	v27 =	vor.u32 v0, v18;
	v19 =	vor.u32 v7, v19;
	v26 =	vld.idx.msk [tilespmem:v26+s22+$0x0], $0xffff  }
0xa4: {  	v28 =	vor.u32 v9, v18;
	v23 =	vld.idx.msk [tilespmem:v23+s22+$0x0], $0xffff  }
0xa5: {  	v29 =	vor.u32 v10, v18;
	v24 =	vld.idx.msk [tilespmem:v24+s22+$0x0], $0xffff  }
0xa6: {  	v30 =	vor.u32 v11, v18;
	v20 =	vld.idx.msk [tilespmem:v20+s22+$0x0], $0xffff  }
0xa7: {  	v31 =	vor.u32 v12, v18;
	v22 =	vld.idx.msk [tilespmem:v22+s22+$0x0], $0xffff  }
0xa8: {  	v19 =	vld.idx.msk [tilespmem:v19+s22+$0x0], $0xffff;
	[tilespmem:v27+s30+$0x0] =	vst.idx.msk $0xffff, v25;
	v25 =	vor.u32 v13, v18  }
0xa9: {  	[tilespmem:v28+s30+$0x0] =	vst.idx.msk $0xffff, v23;
	v23 =	vor.u32 v14, v18  }
0xaa: {  	v18 =	vor.u32 v15, v18;
	[tilespmem:v29+s30+$0x0] =	vst.idx.msk $0xffff, v21  }
0xab: {  	v21 =	vor.u32 v3, v17;
	[tilespmem:v30+s30+$0x0] =	vst.idx.msk $0xffff, v24  }
0xac: {  	v24 =	vor.u32 v1, v17;
	[tilespmem:v31+s30+$0x0] =	vst.idx.msk $0xffff, v20  }
0xad: {  	v20 =	vor.u32 v2, v17;
	[tilespmem:v25+s30+$0x0] =	vst.idx.msk $0xffff, v22  }
0xae: {  	v22 =	vor.u32 v6, v17;
	[tilespmem:v23+s30+$0x0] =	vst.idx.msk $0xffff, v19  }
0xaf: {  	v19 =	vor.u32 v4, v17;
	[tilespmem:v18+s30+$0x0] =	vst.idx.msk $0xffff, v26  }
0xb0: {  	v23 =	vor.u32 v8, v17;
	v21 =	vld.idx.msk [tilespmem:v21+s22+$0x0], $0xffff  }
0xb1: {  	v18 =	vor.u32 v5, v17;
	v24 =	vld.idx.msk [tilespmem:v24+s22+$0x0], $0xffff  }
0xb2: {  	v25 =	vor.u32 v0, v16;
	v17 =	vor.u32 v7, v17;
	v20 =	vld.idx.msk [tilespmem:v20+s22+$0x0], $0xffff  }
0xb3: {  	v26 =	vor.u32 v9, v16;
	v22 =	vld.idx.msk [tilespmem:v22+s22+$0x0], $0xffff  }
0xb4: {  	v27 =	vor.u32 v10, v16;
	v19 =	vld.idx.msk [tilespmem:v19+s22+$0x0], $0xffff  }
0xb5: {  	v28 =	vor.u32 v11, v16;
	v23 =	vld.idx.msk [tilespmem:v23+s22+$0x0], $0xffff  }
0xb6: {  	v29 =	vor.u32 v12, v16;
	v18 =	vld.idx.msk [tilespmem:v18+s22+$0x0], $0xffff  }
0xb7: {  	v30 =	vor.u32 v13, v16;
	v17 =	vld.idx.msk [tilespmem:v17+s22+$0x0], $0xffff;
	[tilespmem:v25+s30+$0x0] =	vst.idx.msk $0xffff, v24  }
0xb8: {  	v24 =	vor.u32 v14, v16;
	[tilespmem:v26+s30+$0x0] =	vst.idx.msk $0xffff, v20  }
0xb9: {  	v16 =	vor.u32 v15, v16;
	[tilespmem:v27+s30+$0x0] =	vst.idx.msk $0xffff, v21  }
0xba: {  	[tilespmem:v28+s30+$0x0] =	vst.idx.msk $0xffff, v19  }
0xbb: {  	p0 =	seq.s32 s15, $0x31;
	[tilespmem:v29+s30+$0x0] =	vst.idx.msk $0xffff, v18  }
0xbc: {  	s1 =	sshll.u32 @!p0 s15, $0x9;
	[tilespmem:v30+s30+$0x0] =	vst.idx.msk $0xffff, v22  }
0xbd: {  	s16 =	sand.u32 @!p0 $0x3FFFFE00, s1;
	[tilespmem:v24+s30+$0x0] =	vst.idx.msk $0xffff, v17  }
0xbe: {  	s31 =	simm.s32 @!p0 $0x80;
	s0 =	simm.s32 @!p0 $0x6400;
	s1 =	sadd.s32 @!p0 $0x200, s16;
	[tilespmem:v16+s30+$0x0] =	vst.idx.msk $0xffff, v23  }
0xbf: {  	[tilespmem:s0], [sflag:$0x1] =	stream.indirect.gather @!p0 [hbm4b:s4+s31], $0x40, s1, s31, $0xb8;
	[tilespmem:$0x12400] =	vst v63  }
0xc0: {  	s31 =	sshll.u32 s15, $0x14;
	s1 =	rddreg [dreg:$0x4]  }
0xc1: {  	s0 =	sor.u32 s1, s31  }
0xc2: {  	s0 =	sshrl.u32 s0, $0x3  }
0xc3: {  	s18 =	sadd.s32 s2, s0  }
0xc4: {  	[hbm4b:s18+s3] =	stream.linear.scatter [tilespmem:s30], [sflag:$0x5], $0x400, $0x38;
	[tilespmem:$0x12400] =	vst v63  }
0xc5: {  	s18 =	rddreg [dreg:$0x5]  }
0xc6: {  	s1 =	sadd.s32 s0, s18;
	s18 =	simm.s32 $0xE800  }
0xc7: {  	[hbm4b:s1+s3] =	stream.linear.scatter [tilespmem:s18], [sflag:$0x5], $0x400, $0x38;
	[tilespmem:$0x12400] =	vst v63  }
0xc8: {  	s18 =	rddreg [dreg:$0x6]  }
0xc9: {  	s1 =	sadd.s32 s0, s18;
	s18 =	rddreg [dreg:$0x7]  }
0xca: {  	[hbm4b:s1+s3] =	stream.linear.scatter [tilespmem:s19], [sflag:$0x5], $0x400, $0x38;
	[tilespmem:$0x12400] =	vst v63  }
0xcb: {  	s1 =	sadd.s32 s0, s18;
	s19 =	simm.s32 $0xF000;
	s18 =	rddreg [dreg:$0x8]  }
0xcc: {  	[hbm4b:s1+s3] =	stream.linear.scatter [tilespmem:s19], [sflag:$0x5], $0x400, $0x38;
	[tilespmem:$0x12400] =	vst v63  }
0xcd: {  	s1 =	sadd.s32 s0, s18;
	s19 =	rddreg [dreg:$0x9]  }
0xce: {  	[hbm4b:s1+s3] =	stream.linear.scatter [tilespmem:s24], [sflag:$0x5], $0x400, $0x38;
	[tilespmem:$0x12400] =	vst v63  }
0xcf: {  	s18 =	rddreg [dreg:$0xa];
	s1 =	sadd.s32 s0, s19;
	s24 =	simm.s32 $0xF800  }
0xd0: {  	[hbm4b:s1+s3] =	stream.linear.scatter [tilespmem:s24], [sflag:$0x5], $0x400, $0x38;
	[tilespmem:$0x12400] =	vst v63  }
0xd1: {  	s19 =	rddreg [dreg:$0xb];
	s1 =	sadd.s32 s0, s18  }
0xd2: {  	[hbm4b:s1+s3] =	stream.linear.scatter [tilespmem:s26], [sflag:$0x5], $0x400, $0x38;
	[tilespmem:$0x12400] =	vst v63  }
0xd3: {  	s0 =	sadd.s32 s0, s19;
	s24 =	simm.s32 $0x10000  }
0xd4: {  	[hbm4b:s0+s3] =	stream.linear.scatter [tilespmem:s24], [sflag:$0x5], $0x400, $0x38;
	[tilespmem:$0x12400] =	vst v63  }
0xd5: {  	s0 =	simm.s32 @!p1 $0x6  }
0xd6: {  	_ =	swait.ge @!p1 [sflag:s0], $0x400  }
0xd7: {  	[sflag:s0] =	ssyncset.done @!p1 $0x0  }
0xd8: {  	[sflag:s0] =	ssyncadd.s32 @!p1 $0xFFFFFC00  }
0xd9: {  	_ =	swait.ge @!p1 [sflag:s0], $0x400  }
0xda: {  	[sflag:s0] =	ssyncset.done @!p1 $0x0  }
0xdb: {  	[sflag:s0] =	ssyncadd.s32 @!p1 $0xFFFFFC00  }
0xdc: {  	_ =	swait.ge @!p1 [sflag:s0], $0x400  }
0xdd: {  	[sflag:s0] =	ssyncset.done @!p1 $0x0  }
0xde: {  	[sflag:s0] =	ssyncadd.s32 @!p1 $0xFFFFFC00  }
0xdf: {  	_ =	swait.ge @!p1 [sflag:s0], $0x400  }
0xe0: {  	[sflag:s0] =	ssyncset.done @!p1 $0x0  }
0xe1: {  	[sflag:s0] =	ssyncadd.s32 @!p1 $0xFFFFFC00  }
0xe2: {  	_ =	swait.ge @!p1 [sflag:s0], $0x400  }
0xe3: {  	[sflag:s0] =	ssyncset.done @!p1 $0x0  }
0xe4: {  	[sflag:s0] =	ssyncadd.s32 @!p1 $0xFFFFFC00  }
0xe5: {  	_ =	swait.ge @!p1 [sflag:s0], $0x400  }
0xe6: {  	[sflag:s0] =	ssyncset.done @!p1 $0x0  }
0xe7: {  	[sflag:s0] =	ssyncadd.s32 @!p1 $0xFFFFFC00  }
0xe8: {  	_ =	swait.ge @!p1 [sflag:s0], $0x400  }
0xe9: {  	s26 =	simm.s32 $0x0;
	[sflag:s0] =	ssyncset.done @!p1 $0x0  }
0xea: {  	v19 =	vadd.s32 s26, v0;
	[sflag:s0] =	ssyncadd.s32 @!p1 $0xFFFFFC00  }
0xeb: {  	v16 =	vand.u32 $0xF, v19;
	_ =	swait.ge @!p1 [sflag:s0], $0x400  }
0xec: {  	v17 =	vor.u32 v1, v16;
	[sflag:s0] =	ssyncset.done @!p1 $0x0  }
0xed: {  	v18 =	vor.u32 $0x10, v19;
	v30 =	vor.u32 v8, v16;
	[sflag:s0] =	ssyncadd.s32 @!p1 $0xFFFFFC00  }
0xee: {  	v26 =	vor.u32 v2, v16;
	v23 =	vshll.u32 v16, $0x7;
	v29 =	vor.u32 v7, v16;
	_ =	swait.ge [sflag:s5], $0x2000  }
0xef: {  	v25 =	vor.u32 v4, v16;
	v24 =	vor.u32 v5, v16;
	v28 =	vor.u32 v3, v16;
	[sflag:s5] =	ssyncset.done $0x0  }
0xf0: {  	v22 =	vand.u32 $0x1F, v18;
	v31 =	vor.u32 $0x20, v16;
	v20 =	vshll.u32 v18, $0x7;
	[sflag:s5] =	ssyncadd.s32 $0xFFFFE000  }
0xf1: {  	v27 =	vor.u32 v6, v16;
	v16 =	vor.u32 $0x30, v19;
	v21 =	vand.u32 $0x28, v31;
	v32 =	vld.idx.msk [tilespmem:v17+s23+$0x0], $0xffff  }
0xf2: {  	s1 =	simm.s32 $0x1;
	v18 =	vshll.u32 v31, $0x7;
	v17 =	vand.u32 $0x3F, v16;
	v16 =	vshll.u32 v16, $0x7;
	v33 =	vld.idx.msk [tilespmem:v30+s23+$0x0], $0xffff  }
.LBB2_5:
0xf3: {  	p1 =	sne.s32 s1, $0xF;
	v34 =	vld.idx.msk [tilespmem:v29+s23+$0x0], $0xffff;
	s0 =	smov.u32 s1;
	s1 =	sadd.s32 $0x1, s1  }
0xf4: {  	v36 =	vor.u32 v0, v23;
	v35 =	vld.idx.msk [tilespmem:v26+s23+$0x0], $0xffff  }
0xf5: {  	v39 =	vor.u32 v9, v23;
	v40 =	vor.u32 v13, v23;
	v37 =	vadd.s32 s0, v0;
	v38 =	vld.idx.msk [tilespmem:v28+s23+$0x0], $0xffff  }
0xf6: {  	v43 =	vor.u32 v10, v23;
	v44 =	vor.u32 v11, v23;
	v41 =	vand.u32 $0xF, v37;
	v42 =	vld.idx.msk [tilespmem:v25+s23+$0x0], $0xffff  }
0xf7: {  	v30 =	vor.u32 v1, v41;
	v26 =	vor.u32 v2, v41;
	v45 =	vshll.u32 v41, $0x7;
	v46 =	vld.idx.msk [tilespmem:v24+s23+$0x0], $0xffff  }
0xf8: {  	v48 =	vor.u32 v12, v23;
	v25 =	vor.u32 v4, v41;
	v24 =	vor.u32 v5, v41;
	v47 =	vld.idx.msk [tilespmem:v27+s23+$0x0], $0xffff  }
0xf9: {  	v29 =	vor.u32 v7, v41;
	v31 =	vor.u32 v8, v41;
	v27 =	vor.u32 $0x10, v37;
	[tilespmem:v36+s17+$0x0] =	vst.idx.msk $0xffff, v32  }
0xfa: {  	v28 =	vor.u32 v3, v41;
	v36 =	vand.u32 $0x1F, v27;
	[tilespmem:v39+s17+$0x0] =	vst.idx.msk $0xffff, v35;
	v35 =	vor.u32 v14, v23  }
0xfb: {  	v32 =	vor.u32 $0x20, v41;
	v39 =	vshll.u32 v27, $0x7;
	[tilespmem:v43+s17+$0x0] =	vst.idx.msk $0xffff, v38;
	v38 =	vor.u32 v15, v23;
	v23 =	vmovc v45  }
0xfc: {  	v27 =	vor.u32 v6, v41;
	v41 =	vand.u32 $0x28, v32;
	[tilespmem:v44+s17+$0x0] =	vst.idx.msk $0xffff, v42;
	v42 =	vor.u32 v3, v22  }
0xfd: {  	v43 =	vor.u32 $0x30, v37;
	v45 =	vor.u32 v2, v22;
	v44 =	vshll.u32 v32, $0x7;
	[tilespmem:v48+s17+$0x0] =	vst.idx.msk $0xffff, v46  }
0xfe: {  	v32 =	vshll.u32 v43, $0x7;
	v46 =	vand.u32 $0x3F, v43;
	[tilespmem:v40+s17+$0x0] =	vst.idx.msk $0xffff, v47;
	v40 =	vor.u32 v1, v22  }
0xff: {  	[tilespmem:v35+s17+$0x0] =	vst.idx.msk $0xffff, v34;
	v34 =	vor.u32 v4, v22  }
0x100: {  	[tilespmem:v38+s17+$0x0] =	vst.idx.msk $0xffff, v33;
	v33 =	vor.u32 v5, v22  }
0x101: {  	v38 =	vor.u32 v6, v22;
	v35 =	vld.idx.msk [tilespmem:v42+s23+$0x0], $0xffff  }
0x102: {  	v43 =	vor.u32 v7, v22;
	v42 =	vld.idx.msk [tilespmem:v45+s23+$0x0], $0xffff  }
0x103: {  	v45 =	vor.u32 v8, v22;
	v22 =	vmov v36;
	v40 =	vld.idx.msk [tilespmem:v40+s23+$0x0], $0xffff  }
0x104: {  	v36 =	vor.u32 v0, v20;
	v34 =	vld.idx.msk [tilespmem:v34+s23+$0x0], $0xffff  }
0x105: {  	v47 =	vor.u32 v9, v20;
	v33 =	vld.idx.msk [tilespmem:v33+s23+$0x0], $0xffff  }
0x106: {  	v48 =	vor.u32 v10, v20;
	v38 =	vld.idx.msk [tilespmem:v38+s23+$0x0], $0xffff  }
0x107: {  	v49 =	vor.u32 v11, v20;
	v43 =	vld.idx.msk [tilespmem:v43+s23+$0x0], $0xffff  }
0x108: {  	v50 =	vor.u32 v12, v20;
	v45 =	vld.idx.msk [tilespmem:v45+s23+$0x0], $0xffff  }
0x109: {  	[tilespmem:v36+s17+$0x0] =	vst.idx.msk $0xffff, v40;
	v36 =	vor.u32 v13, v20  }
0x10a: {  	v40 =	vand.u32 $0x7, v19;
	v19 =	vmov v37;
	[tilespmem:v47+s17+$0x0] =	vst.idx.msk $0xffff, v42;
	v42 =	vor.u32 v14, v20  }
0x10b: {  	v37 =	vor.u32 v40, v21;
	[tilespmem:v48+s17+$0x0] =	vst.idx.msk $0xffff, v35;
	v35 =	vor.u32 v15, v20;
	v20 =	vmov v39  }
0x10c: {  	v21 =	vmov v41;
	[tilespmem:v49+s17+$0x0] =	vst.idx.msk $0xffff, v34;
	v34 =	vor.u32 v3, v37  }
0x10d: {  	[tilespmem:v50+s17+$0x0] =	vst.idx.msk $0xffff, v33;
	v33 =	vor.u32 v2, v37  }
0x10e: {  	[tilespmem:v36+s17+$0x0] =	vst.idx.msk $0xffff, v38;
	v36 =	vor.u32 v1, v37  }
0x10f: {  	v38 =	vor.u32 v4, v37;
	[tilespmem:v42+s17+$0x0] =	vst.idx.msk $0xffff, v43  }
0x110: {  	[tilespmem:v35+s17+$0x0] =	vst.idx.msk $0xffff, v45;
	v35 =	vor.u32 v5, v37  }
0x111: {  	v39 =	vor.u32 v6, v37;
	v34 =	vld.idx.msk [tilespmem:v34+s23+$0x0], $0xffff  }
0x112: {  	v40 =	vor.u32 v8, v37;
	v33 =	vld.idx.msk [tilespmem:v33+s23+$0x0], $0xffff  }
0x113: {  	v37 =	vor.u32 v7, v37;
	v36 =	vld.idx.msk [tilespmem:v36+s23+$0x0], $0xffff  }
0x114: {  	v41 =	vor.u32 v0, v18;
	v38 =	vld.idx.msk [tilespmem:v38+s23+$0x0], $0xffff  }
0x115: {  	v42 =	vor.u32 v9, v18;
	v35 =	vld.idx.msk [tilespmem:v35+s23+$0x0], $0xffff  }
0x116: {  	v43 =	vor.u32 v10, v18;
	v39 =	vld.idx.msk [tilespmem:v39+s23+$0x0], $0xffff  }
0x117: {  	v45 =	vor.u32 v11, v18;
	v40 =	vld.idx.msk [tilespmem:v40+s23+$0x0], $0xffff  }
0x118: {  	v47 =	vor.u32 v12, v18;
	v37 =	vld.idx.msk [tilespmem:v37+s23+$0x0], $0xffff  }
0x119: {  	[tilespmem:v41+s17+$0x0] =	vst.idx.msk $0xffff, v36;
	v36 =	vor.u32 v13, v18  }
0x11a: {  	[tilespmem:v42+s17+$0x0] =	vst.idx.msk $0xffff, v33;
	v33 =	vor.u32 v14, v18  }
0x11b: {  	[tilespmem:v43+s17+$0x0] =	vst.idx.msk $0xffff, v34;
	v34 =	vor.u32 v15, v18;
	v18 =	vmov v44  }
0x11c: {  	[tilespmem:v45+s17+$0x0] =	vst.idx.msk $0xffff, v38;
	v38 =	vor.u32 v3, v17  }
0x11d: {  	v41 =	vor.u32 v2, v17;
	[tilespmem:v47+s17+$0x0] =	vst.idx.msk $0xffff, v35;
	v35 =	vor.u32 v1, v17  }
0x11e: {  	[tilespmem:v36+s17+$0x0] =	vst.idx.msk $0xffff, v39  }
0x11f: {  	[tilespmem:v33+s17+$0x0] =	vst.idx.msk $0xffff, v37;
	v33 =	vor.u32 v4, v17  }
0x120: {  	[tilespmem:v34+s17+$0x0] =	vst.idx.msk $0xffff, v40;
	v34 =	vor.u32 v5, v17  }
0x121: {  	v37 =	vor.u32 v6, v17;
	v36 =	vld.idx.msk [tilespmem:v38+s23+$0x0], $0xffff  }
0x122: {  	v39 =	vor.u32 v8, v17;
	v38 =	vld.idx.msk [tilespmem:v41+s23+$0x0], $0xffff  }
0x123: {  	v40 =	vor.u32 v7, v17;
	v17 =	vmov v46;
	v41 =	vor.u32 v0, v16;
	v35 =	vld.idx.msk [tilespmem:v35+s23+$0x0], $0xffff  }
0x124: {  	v42 =	vor.u32 v9, v16;
	v33 =	vld.idx.msk [tilespmem:v33+s23+$0x0], $0xffff  }
0x125: {  	v43 =	vor.u32 v10, v16;
	v34 =	vld.idx.msk [tilespmem:v34+s23+$0x0], $0xffff  }
0x126: {  	v44 =	vor.u32 v11, v16;
	v37 =	vld.idx.msk [tilespmem:v37+s23+$0x0], $0xffff  }
0x127: {  	v45 =	vor.u32 v12, v16;
	v39 =	vld.idx.msk [tilespmem:v39+s23+$0x0], $0xffff  }
0x128: {  	v46 =	vor.u32 v13, v16;
	v40 =	vld.idx.msk [tilespmem:v40+s23+$0x0], $0xffff  }
0x129: {  	[tilespmem:v41+s17+$0x0] =	vst.idx.msk $0xffff, v35;
	v35 =	vor.u32 v14, v16  }
0x12a: {  	[tilespmem:v42+s17+$0x0] =	vst.idx.msk $0xffff, v38;
	v38 =	vor.u32 v15, v16;
	v16 =	vmov v32  }
0x12b: {  	[tilespmem:v43+s17+$0x0] =	vst.idx.msk $0xffff, v36  }
0x12c: {  	[tilespmem:v44+s17+$0x0] =	vst.idx.msk $0xffff, v33  }
0x12d: {  	[tilespmem:v45+s17+$0x0] =	vst.idx.msk $0xffff, v34  }
.Ltmp1:
0x12e: {  	[tilespmem:v46+s17+$0x0] =	vst.idx.msk $0xffff, v37;
	(pc) =	sbr.rel @p1 .LBB2_5-.Ltmp1, $4  }
0x12f: {  	[tilespmem:v35+s17+$0x0] =	vst.idx.msk $0xffff, v40  }
0x130: {  	[tilespmem:v38+s17+$0x0] =	vst.idx.msk $0xffff, v39  }
0x131: {  	v32 =	vld.idx.msk [tilespmem:v30+s23+$0x0], $0xffff  }
0x132: {  	v33 =	vld.idx.msk [tilespmem:v31+s23+$0x0], $0xffff  }
0x133: {  	_ =	sdelay $0x3  }
0x134: {  	v29 =	vld.idx.msk [tilespmem:v29+s23+$0x0], $0xffff;
	v30 =	vor.u32 v0, v23  }
0x135: {  	v26 =	vld.idx.msk [tilespmem:v26+s23+$0x0], $0xffff;
	v31 =	vor.u32 v9, v23  }
0x136: {  	v28 =	vld.idx.msk [tilespmem:v28+s23+$0x0], $0xffff;
	v34 =	vor.u32 v10, v23  }
0x137: {  	v25 =	vld.idx.msk [tilespmem:v25+s23+$0x0], $0xffff;
	v35 =	vor.u32 v11, v23  }
0x138: {  	v24 =	vld.idx.msk [tilespmem:v24+s23+$0x0], $0xffff;
	v36 =	vor.u32 v12, v23  }
0x139: {  	v27 =	vld.idx.msk [tilespmem:v27+s23+$0x0], $0xffff;
	v37 =	vor.u32 v13, v23;
	[tilespmem:v30+s17+$0x0] =	vst.idx.msk $0xffff, v32  }
0x13a: {  	[tilespmem:v31+s17+$0x0] =	vst.idx.msk $0xffff, v26;
	v26 =	vor.u32 v14, v23  }
0x13b: {  	v23 =	vor.u32 v15, v23;
	[tilespmem:v34+s17+$0x0] =	vst.idx.msk $0xffff, v28  }
0x13c: {  	[tilespmem:v35+s17+$0x0] =	vst.idx.msk $0xffff, v25;
	v25 =	vor.u32 v3, v22  }
0x13d: {  	v28 =	vor.u32 v6, v22;
	[tilespmem:v36+s17+$0x0] =	vst.idx.msk $0xffff, v24  }
0x13e: {  	[tilespmem:v37+s17+$0x0] =	vst.idx.msk $0xffff, v27;
	v27 =	vor.u32 v1, v22  }
0x13f: {  	v24 =	vor.u32 v2, v22;
	[tilespmem:v26+s17+$0x0] =	vst.idx.msk $0xffff, v29  }
0x140: {  	v26 =	vor.u32 v4, v22;
	[tilespmem:v23+s17+$0x0] =	vst.idx.msk $0xffff, v33  }
0x141: {  	v29 =	vor.u32 v7, v22;
	v25 =	vld.idx.msk [tilespmem:v25+s23+$0x0], $0xffff  }
0x142: {  	v23 =	vor.u32 v5, v22;
	v28 =	vld.idx.msk [tilespmem:v28+s23+$0x0], $0xffff  }
0x143: {  	v30 =	vor.u32 v0, v20;
	v22 =	vor.u32 v8, v22;
	v27 =	vld.idx.msk [tilespmem:v27+s23+$0x0], $0xffff  }
0x144: {  	v31 =	vor.u32 v9, v20;
	v24 =	vld.idx.msk [tilespmem:v24+s23+$0x0], $0xffff  }
0x145: {  	v61 =	vor.u32 v10, v20;
	v26 =	vld.idx.msk [tilespmem:v26+s23+$0x0], $0xffff  }
0x146: {  	v62 =	vor.u32 v11, v20;
	v29 =	vld.idx.msk [tilespmem:v29+s23+$0x0], $0xffff  }
0x147: {  	v63 =	vor.u32 v12, v20;
	v23 =	vld.idx.msk [tilespmem:v23+s23+$0x0], $0xffff  }
0x148: {  	v22 =	vld.idx.msk [tilespmem:v22+s23+$0x0], $0xffff;
	[tilespmem:v30+s17+$0x0] =	vst.idx.msk $0xffff, v27;
	v27 =	vor.u32 v13, v20  }
0x149: {  	v19 =	vand.u32 $0x7, v19;
	[tilespmem:v31+s17+$0x0] =	vst.idx.msk $0xffff, v24;
	v24 =	vor.u32 v14, v20  }
0x14a: {  	v19 =	vor.u32 v19, v21;
	v20 =	vor.u32 v15, v20;
	[tilespmem:v61+s17+$0x0] =	vst.idx.msk $0xffff, v25  }
0x14b: {  	v21 =	vor.u32 v3, v19;
	[tilespmem:v62+s17+$0x0] =	vst.idx.msk $0xffff, v26  }
0x14c: {  	v25 =	vor.u32 v1, v19;
	[tilespmem:v63+s17+$0x0] =	vst.idx.msk $0xffff, v23  }
0x14d: {  	v26 =	vor.u32 v8, v19;
	[tilespmem:v27+s17+$0x0] =	vst.idx.msk $0xffff, v28  }
0x14e: {  	v23 =	vor.u32 v2, v19;
	[tilespmem:v24+s17+$0x0] =	vst.idx.msk $0xffff, v29  }
0x14f: {  	v24 =	vor.u32 v4, v19;
	[tilespmem:v20+s17+$0x0] =	vst.idx.msk $0xffff, v22  }
0x150: {  	v20 =	vor.u32 v5, v19;
	v21 =	vld.idx.msk [tilespmem:v21+s23+$0x0], $0xffff  }
0x151: {  	v22 =	vor.u32 v6, v19;
	v25 =	vld.idx.msk [tilespmem:v25+s23+$0x0], $0xffff  }
0x152: {  	v27 =	vor.u32 v0, v18;
	v19 =	vor.u32 v7, v19;
	v26 =	vld.idx.msk [tilespmem:v26+s23+$0x0], $0xffff  }
0x153: {  	v28 =	vor.u32 v9, v18;
	v23 =	vld.idx.msk [tilespmem:v23+s23+$0x0], $0xffff  }
0x154: {  	v29 =	vor.u32 v10, v18;
	v24 =	vld.idx.msk [tilespmem:v24+s23+$0x0], $0xffff  }
0x155: {  	v30 =	vor.u32 v11, v18;
	v20 =	vld.idx.msk [tilespmem:v20+s23+$0x0], $0xffff  }
0x156: {  	v31 =	vor.u32 v12, v18;
	v22 =	vld.idx.msk [tilespmem:v22+s23+$0x0], $0xffff  }
0x157: {  	v19 =	vld.idx.msk [tilespmem:v19+s23+$0x0], $0xffff;
	[tilespmem:v27+s17+$0x0] =	vst.idx.msk $0xffff, v25;
	v25 =	vor.u32 v13, v18  }
0x158: {  	[tilespmem:v28+s17+$0x0] =	vst.idx.msk $0xffff, v23;
	v23 =	vor.u32 v14, v18  }
0x159: {  	v18 =	vor.u32 v15, v18;
	[tilespmem:v29+s17+$0x0] =	vst.idx.msk $0xffff, v21  }
0x15a: {  	v21 =	vor.u32 v3, v17;
	[tilespmem:v30+s17+$0x0] =	vst.idx.msk $0xffff, v24  }
0x15b: {  	v24 =	vor.u32 v1, v17;
	[tilespmem:v31+s17+$0x0] =	vst.idx.msk $0xffff, v20  }
0x15c: {  	v20 =	vor.u32 v2, v17;
	[tilespmem:v25+s17+$0x0] =	vst.idx.msk $0xffff, v22  }
0x15d: {  	v22 =	vor.u32 v6, v17;
	[tilespmem:v23+s17+$0x0] =	vst.idx.msk $0xffff, v19  }
0x15e: {  	v19 =	vor.u32 v4, v17;
	[tilespmem:v18+s17+$0x0] =	vst.idx.msk $0xffff, v26  }
0x15f: {  	v23 =	vor.u32 v8, v17;
	v21 =	vld.idx.msk [tilespmem:v21+s23+$0x0], $0xffff  }
0x160: {  	v18 =	vor.u32 v5, v17;
	v24 =	vld.idx.msk [tilespmem:v24+s23+$0x0], $0xffff  }
0x161: {  	v25 =	vor.u32 v0, v16;
	v17 =	vor.u32 v7, v17;
	v20 =	vld.idx.msk [tilespmem:v20+s23+$0x0], $0xffff  }
0x162: {  	v26 =	vor.u32 v9, v16;
	v22 =	vld.idx.msk [tilespmem:v22+s23+$0x0], $0xffff  }
0x163: {  	v27 =	vor.u32 v10, v16;
	v19 =	vld.idx.msk [tilespmem:v19+s23+$0x0], $0xffff  }
0x164: {  	v28 =	vor.u32 v11, v16;
	v23 =	vld.idx.msk [tilespmem:v23+s23+$0x0], $0xffff  }
0x165: {  	v29 =	vor.u32 v12, v16;
	v18 =	vld.idx.msk [tilespmem:v18+s23+$0x0], $0xffff  }
0x166: {  	v30 =	vor.u32 v13, v16;
	v17 =	vld.idx.msk [tilespmem:v17+s23+$0x0], $0xffff;
	[tilespmem:v25+s17+$0x0] =	vst.idx.msk $0xffff, v24  }
0x167: {  	v24 =	vor.u32 v14, v16;
	[tilespmem:v26+s17+$0x0] =	vst.idx.msk $0xffff, v20  }
0x168: {  	v16 =	vor.u32 v15, v16;
	[tilespmem:v27+s17+$0x0] =	vst.idx.msk $0xffff, v21  }
0x169: {  	[tilespmem:v28+s17+$0x0] =	vst.idx.msk $0xffff, v19  }
0x16a: {  	[tilespmem:v29+s17+$0x0] =	vst.idx.msk $0xffff, v18  }
0x16b: {  	[tilespmem:v30+s17+$0x0] =	vst.idx.msk $0xffff, v22  }
0x16c: {  	s0 =	sadd.s32 @!p0 $0x280, s16;
	[tilespmem:v24+s17+$0x0] =	vst.idx.msk $0xffff, v17  }
0x16d: {  	s1 =	simm.s32 @!p0 $0x80;
	s18 =	simm.s32 @!p0 $0x8400;
	s24 =	rddreg [dreg:$0xc];
	[tilespmem:v16+s17+$0x0] =	vst.idx.msk $0xffff, v23  }
0x16e: {  	[tilespmem:s18], [sflag:$0x2] =	stream.indirect.gather @!p0 [hbm4b:s4+s1], $0x40, s0, s1, $0xb8;
	[tilespmem:$0x12400] =	vst v63  }
0x16f: {  	s0 =	sor.u32 s24, s31  }
0x170: {  	s0 =	sshrl.u32 s0, $0x3  }
0x171: {  	s18 =	simm.s32 $0x0;
	s26 =	sadd.s32 s2, s0;
	s19 =	sor.u32 $0x4000, s0  }
0x172: {  	[hbm4b:s26+s18] =	stream.linear.scatter [tilespmem:s17], [sflag:$0x6], $0x400, $0x38;
	[tilespmem:$0x12400] =	vst v63  }
0x173: {  	s24 =	sor.u32 $0x8000, s0;
	s1 =	sadd.s32 s2, s19  }
0x174: {  	[hbm4b:s1+s18] =	stream.linear.scatter [tilespmem:s20], [sflag:$0x6], $0x400, $0x38;
	[tilespmem:$0x12400] =	vst v63  }
0x175: {  	s26 =	sor.u32 $0xC000, s0;
	s1 =	sadd.s32 s2, s24  }
0x176: {  	[hbm4b:s1+s18] =	stream.linear.scatter [tilespmem:s21], [sflag:$0x6], $0x400, $0x38;
	[tilespmem:$0x12400] =	vst v63  }
0x177: {  	s19 =	sor.u32 $0x10000, s0;
	s1 =	sadd.s32 s2, s26  }
0x178: {  	[hbm4b:s1+s18] =	stream.linear.scatter [tilespmem:s7], [sflag:$0x6], $0x400, $0x38;
	[tilespmem:$0x12400] =	vst v63  }
0x179: {  	s24 =	sor.u32 $0x14000, s0;
	s1 =	sadd.s32 s2, s19  }
0x17a: {  	[hbm4b:s1+s18] =	stream.linear.scatter [tilespmem:s8], [sflag:$0x6], $0x400, $0x38;
	[tilespmem:$0x12400] =	vst v63  }
0x17b: {  	s26 =	sor.u32 $0x18000, s0;
	s1 =	sadd.s32 s2, s24  }
0x17c: {  	[hbm4b:s1+s18] =	stream.linear.scatter [tilespmem:s9], [sflag:$0x6], $0x400, $0x38;
	[tilespmem:$0x12400] =	vst v63  }
0x17d: {  	s0 =	sor.u32 $0x1C000, s0;
	s1 =	sadd.s32 s2, s26  }
0x17e: {  	[hbm4b:s1+s18] =	stream.linear.scatter [tilespmem:s10], [sflag:$0x6], $0x400, $0x38;
	[tilespmem:$0x12400] =	vst v63  }
0x17f: {  	s0 =	sadd.s32 s2, s0  }
0x180: {  	[hbm4b:s0+s18] =	stream.linear.scatter [tilespmem:s11], [sflag:$0x6], $0x400, $0x38;
	[tilespmem:$0x12400] =	vst v63  }
0x181: {  	_ =	swait.ge [sflag:s6], $0x400  }
0x182: {  	[sflag:s6] =	ssyncset.done $0x0  }
0x183: {  	[sflag:s6] =	ssyncadd.s32 $0xFFFFFC00  }
0x184: {  	_ =	swait.ge [sflag:s6], $0x400  }
0x185: {  	[sflag:s6] =	ssyncset.done $0x0  }
0x186: {  	[sflag:s6] =	ssyncadd.s32 $0xFFFFFC00  }
0x187: {  	_ =	swait.ge [sflag:s6], $0x400  }
0x188: {  	[sflag:s6] =	ssyncset.done $0x0  }
0x189: {  	[sflag:s6] =	ssyncadd.s32 $0xFFFFFC00  }
0x18a: {  	_ =	swait.ge [sflag:s6], $0x400  }
0x18b: {  	[sflag:s6] =	ssyncset.done $0x0  }
0x18c: {  	[sflag:s6] =	ssyncadd.s32 $0xFFFFFC00  }
0x18d: {  	_ =	swait.ge [sflag:s6], $0x400  }
0x18e: {  	[sflag:s6] =	ssyncset.done $0x0  }
0x18f: {  	[sflag:s6] =	ssyncadd.s32 $0xFFFFFC00  }
0x190: {  	_ =	swait.ge [sflag:s6], $0x400  }
0x191: {  	[sflag:s6] =	ssyncset.done $0x0  }
0x192: {  	[sflag:s6] =	ssyncadd.s32 $0xFFFFFC00  }
0x193: {  	_ =	swait.ge [sflag:s6], $0x400  }
0x194: {  	[sflag:s6] =	ssyncset.done $0x0  }
0x195: {  	v19 =	vadd.s32 s18, v0;
	[sflag:s6] =	ssyncadd.s32 $0xFFFFFC00  }
0x196: {  	v16 =	vand.u32 $0xF, v19;
	_ =	swait.ge [sflag:s6], $0x400  }
0x197: {  	v17 =	vor.u32 v1, v16;
	[sflag:s6] =	ssyncset.done $0x0  }
0x198: {  	v18 =	vor.u32 $0x10, v19;
	v30 =	vor.u32 v8, v16;
	[sflag:s6] =	ssyncadd.s32 $0xFFFFFC00  }
0x199: {  	v26 =	vor.u32 v2, v16;
	v23 =	vshll.u32 v16, $0x7;
	v29 =	vor.u32 v7, v16;
	_ =	swait.ge [sflag:s12], $0x2000  }
0x19a: {  	v25 =	vor.u32 v4, v16;
	v24 =	vor.u32 v5, v16;
	v28 =	vor.u32 v3, v16;
	[sflag:s12] =	ssyncset.done $0x0  }
0x19b: {  	v22 =	vand.u32 $0x1F, v18;
	v31 =	vor.u32 $0x20, v16;
	v20 =	vshll.u32 v18, $0x7;
	[sflag:s12] =	ssyncadd.s32 $0xFFFFE000  }
0x19c: {  	v27 =	vor.u32 v6, v16;
	v16 =	vor.u32 $0x30, v19;
	v21 =	vand.u32 $0x28, v31;
	v32 =	vld.idx.msk [tilespmem:v17+s25+$0x0], $0xffff  }
0x19d: {  	v18 =	vshll.u32 v31, $0x7;
	s1 =	simm.s32 $0x1;
	v17 =	vand.u32 $0x3F, v16;
	v16 =	vshll.u32 v16, $0x7;
	v33 =	vld.idx.msk [tilespmem:v30+s25+$0x0], $0xffff  }
.LBB2_7:
0x19e: {  	p1 =	sne.s32 s1, $0xF;
	v34 =	vld.idx.msk [tilespmem:v29+s25+$0x0], $0xffff;
	s0 =	smov.u32 s1;
	s1 =	sadd.s32 $0x1, s1  }
0x19f: {  	v36 =	vor.u32 v0, v23;
	v35 =	vld.idx.msk [tilespmem:v26+s25+$0x0], $0xffff  }
0x1a0: {  	v39 =	vor.u32 v9, v23;
	v40 =	vor.u32 v13, v23;
	v37 =	vadd.s32 s0, v0;
	v38 =	vld.idx.msk [tilespmem:v28+s25+$0x0], $0xffff  }
0x1a1: {  	v43 =	vor.u32 v10, v23;
	v44 =	vor.u32 v11, v23;
	v41 =	vand.u32 $0xF, v37;
	v42 =	vld.idx.msk [tilespmem:v25+s25+$0x0], $0xffff  }
0x1a2: {  	v30 =	vor.u32 v1, v41;
	v26 =	vor.u32 v2, v41;
	v45 =	vshll.u32 v41, $0x7;
	v46 =	vld.idx.msk [tilespmem:v24+s25+$0x0], $0xffff  }
0x1a3: {  	v48 =	vor.u32 v12, v23;
	v25 =	vor.u32 v4, v41;
	v24 =	vor.u32 v5, v41;
	v47 =	vld.idx.msk [tilespmem:v27+s25+$0x0], $0xffff  }
0x1a4: {  	v29 =	vor.u32 v7, v41;
	v31 =	vor.u32 v8, v41;
	v27 =	vor.u32 $0x10, v37;
	[tilespmem:v36+s30+$0x0] =	vst.idx.msk $0xffff, v32  }
0x1a5: {  	v28 =	vor.u32 v3, v41;
	v36 =	vand.u32 $0x1F, v27;
	[tilespmem:v39+s30+$0x0] =	vst.idx.msk $0xffff, v35;
	v35 =	vor.u32 v14, v23  }
0x1a6: {  	v32 =	vor.u32 $0x20, v41;
	v39 =	vshll.u32 v27, $0x7;
	[tilespmem:v43+s30+$0x0] =	vst.idx.msk $0xffff, v38;
	v38 =	vor.u32 v15, v23;
	v23 =	vmovc v45  }
0x1a7: {  	v27 =	vor.u32 v6, v41;
	v41 =	vand.u32 $0x28, v32;
	[tilespmem:v44+s30+$0x0] =	vst.idx.msk $0xffff, v42;
	v42 =	vor.u32 v3, v22  }
0x1a8: {  	v43 =	vor.u32 $0x30, v37;
	v45 =	vor.u32 v2, v22;
	v44 =	vshll.u32 v32, $0x7;
	[tilespmem:v48+s30+$0x0] =	vst.idx.msk $0xffff, v46  }
0x1a9: {  	v32 =	vshll.u32 v43, $0x7;
	v46 =	vand.u32 $0x3F, v43;
	[tilespmem:v40+s30+$0x0] =	vst.idx.msk $0xffff, v47;
	v40 =	vor.u32 v1, v22  }
0x1aa: {  	[tilespmem:v35+s30+$0x0] =	vst.idx.msk $0xffff, v34;
	v34 =	vor.u32 v4, v22  }
0x1ab: {  	[tilespmem:v38+s30+$0x0] =	vst.idx.msk $0xffff, v33;
	v33 =	vor.u32 v5, v22  }
0x1ac: {  	v38 =	vor.u32 v6, v22;
	v35 =	vld.idx.msk [tilespmem:v42+s25+$0x0], $0xffff  }
0x1ad: {  	v43 =	vor.u32 v7, v22;
	v42 =	vld.idx.msk [tilespmem:v45+s25+$0x0], $0xffff  }
0x1ae: {  	v45 =	vor.u32 v8, v22;
	v22 =	vmov v36;
	v40 =	vld.idx.msk [tilespmem:v40+s25+$0x0], $0xffff  }
0x1af: {  	v36 =	vor.u32 v0, v20;
	v34 =	vld.idx.msk [tilespmem:v34+s25+$0x0], $0xffff  }
0x1b0: {  	v47 =	vor.u32 v9, v20;
	v33 =	vld.idx.msk [tilespmem:v33+s25+$0x0], $0xffff  }
0x1b1: {  	v48 =	vor.u32 v10, v20;
	v38 =	vld.idx.msk [tilespmem:v38+s25+$0x0], $0xffff  }
0x1b2: {  	v49 =	vor.u32 v11, v20;
	v43 =	vld.idx.msk [tilespmem:v43+s25+$0x0], $0xffff  }
0x1b3: {  	v50 =	vor.u32 v12, v20;
	v45 =	vld.idx.msk [tilespmem:v45+s25+$0x0], $0xffff  }
0x1b4: {  	[tilespmem:v36+s30+$0x0] =	vst.idx.msk $0xffff, v40;
	v36 =	vor.u32 v13, v20  }
0x1b5: {  	v40 =	vand.u32 $0x7, v19;
	v19 =	vmov v37;
	[tilespmem:v47+s30+$0x0] =	vst.idx.msk $0xffff, v42;
	v42 =	vor.u32 v14, v20  }
0x1b6: {  	v37 =	vor.u32 v40, v21;
	[tilespmem:v48+s30+$0x0] =	vst.idx.msk $0xffff, v35;
	v35 =	vor.u32 v15, v20;
	v20 =	vmov v39  }
0x1b7: {  	v21 =	vmov v41;
	[tilespmem:v49+s30+$0x0] =	vst.idx.msk $0xffff, v34;
	v34 =	vor.u32 v3, v37  }
0x1b8: {  	[tilespmem:v50+s30+$0x0] =	vst.idx.msk $0xffff, v33;
	v33 =	vor.u32 v2, v37  }
0x1b9: {  	[tilespmem:v36+s30+$0x0] =	vst.idx.msk $0xffff, v38;
	v36 =	vor.u32 v1, v37  }
0x1ba: {  	v38 =	vor.u32 v4, v37;
	[tilespmem:v42+s30+$0x0] =	vst.idx.msk $0xffff, v43  }
0x1bb: {  	[tilespmem:v35+s30+$0x0] =	vst.idx.msk $0xffff, v45;
	v35 =	vor.u32 v5, v37  }
0x1bc: {  	v39 =	vor.u32 v6, v37;
	v34 =	vld.idx.msk [tilespmem:v34+s25+$0x0], $0xffff  }
0x1bd: {  	v40 =	vor.u32 v8, v37;
	v33 =	vld.idx.msk [tilespmem:v33+s25+$0x0], $0xffff  }
0x1be: {  	v37 =	vor.u32 v7, v37;
	v36 =	vld.idx.msk [tilespmem:v36+s25+$0x0], $0xffff  }
0x1bf: {  	v41 =	vor.u32 v0, v18;
	v38 =	vld.idx.msk [tilespmem:v38+s25+$0x0], $0xffff  }
0x1c0: {  	v42 =	vor.u32 v9, v18;
	v35 =	vld.idx.msk [tilespmem:v35+s25+$0x0], $0xffff  }
0x1c1: {  	v43 =	vor.u32 v10, v18;
	v39 =	vld.idx.msk [tilespmem:v39+s25+$0x0], $0xffff  }
0x1c2: {  	v45 =	vor.u32 v11, v18;
	v40 =	vld.idx.msk [tilespmem:v40+s25+$0x0], $0xffff  }
0x1c3: {  	v47 =	vor.u32 v12, v18;
	v37 =	vld.idx.msk [tilespmem:v37+s25+$0x0], $0xffff  }
0x1c4: {  	[tilespmem:v41+s30+$0x0] =	vst.idx.msk $0xffff, v36;
	v36 =	vor.u32 v13, v18  }
0x1c5: {  	[tilespmem:v42+s30+$0x0] =	vst.idx.msk $0xffff, v33;
	v33 =	vor.u32 v14, v18  }
0x1c6: {  	[tilespmem:v43+s30+$0x0] =	vst.idx.msk $0xffff, v34;
	v34 =	vor.u32 v15, v18;
	v18 =	vmov v44  }
0x1c7: {  	[tilespmem:v45+s30+$0x0] =	vst.idx.msk $0xffff, v38;
	v38 =	vor.u32 v3, v17  }
0x1c8: {  	v41 =	vor.u32 v2, v17;
	[tilespmem:v47+s30+$0x0] =	vst.idx.msk $0xffff, v35;
	v35 =	vor.u32 v1, v17  }
0x1c9: {  	[tilespmem:v36+s30+$0x0] =	vst.idx.msk $0xffff, v39  }
0x1ca: {  	[tilespmem:v33+s30+$0x0] =	vst.idx.msk $0xffff, v37;
	v33 =	vor.u32 v4, v17  }
0x1cb: {  	[tilespmem:v34+s30+$0x0] =	vst.idx.msk $0xffff, v40;
	v34 =	vor.u32 v5, v17  }
0x1cc: {  	v37 =	vor.u32 v6, v17;
	v36 =	vld.idx.msk [tilespmem:v38+s25+$0x0], $0xffff  }
0x1cd: {  	v39 =	vor.u32 v8, v17;
	v38 =	vld.idx.msk [tilespmem:v41+s25+$0x0], $0xffff  }
0x1ce: {  	v40 =	vor.u32 v7, v17;
	v17 =	vmov v46;
	v41 =	vor.u32 v0, v16;
	v35 =	vld.idx.msk [tilespmem:v35+s25+$0x0], $0xffff  }
0x1cf: {  	v42 =	vor.u32 v9, v16;
	v33 =	vld.idx.msk [tilespmem:v33+s25+$0x0], $0xffff  }
0x1d0: {  	v43 =	vor.u32 v10, v16;
	v34 =	vld.idx.msk [tilespmem:v34+s25+$0x0], $0xffff  }
0x1d1: {  	v44 =	vor.u32 v11, v16;
	v37 =	vld.idx.msk [tilespmem:v37+s25+$0x0], $0xffff  }
0x1d2: {  	v45 =	vor.u32 v12, v16;
	v39 =	vld.idx.msk [tilespmem:v39+s25+$0x0], $0xffff  }
0x1d3: {  	v46 =	vor.u32 v13, v16;
	v40 =	vld.idx.msk [tilespmem:v40+s25+$0x0], $0xffff  }
0x1d4: {  	[tilespmem:v41+s30+$0x0] =	vst.idx.msk $0xffff, v35;
	v35 =	vor.u32 v14, v16  }
0x1d5: {  	[tilespmem:v42+s30+$0x0] =	vst.idx.msk $0xffff, v38;
	v38 =	vor.u32 v15, v16;
	v16 =	vmov v32  }
0x1d6: {  	[tilespmem:v43+s30+$0x0] =	vst.idx.msk $0xffff, v36  }
0x1d7: {  	[tilespmem:v44+s30+$0x0] =	vst.idx.msk $0xffff, v33  }
0x1d8: {  	[tilespmem:v45+s30+$0x0] =	vst.idx.msk $0xffff, v34  }
.Ltmp2:
0x1d9: {  	[tilespmem:v46+s30+$0x0] =	vst.idx.msk $0xffff, v37;
	(pc) =	sbr.rel @p1 .LBB2_7-.Ltmp2, $4  }
0x1da: {  	[tilespmem:v35+s30+$0x0] =	vst.idx.msk $0xffff, v40  }
0x1db: {  	[tilespmem:v38+s30+$0x0] =	vst.idx.msk $0xffff, v39  }
0x1dc: {  	v32 =	vld.idx.msk [tilespmem:v30+s25+$0x0], $0xffff  }
0x1dd: {  	v33 =	vld.idx.msk [tilespmem:v31+s25+$0x0], $0xffff  }
0x1de: {  	_ =	sdelay $0x3  }
0x1df: {  	v29 =	vld.idx.msk [tilespmem:v29+s25+$0x0], $0xffff;
	v30 =	vor.u32 v0, v23  }
0x1e0: {  	v26 =	vld.idx.msk [tilespmem:v26+s25+$0x0], $0xffff;
	v31 =	vor.u32 v9, v23  }
0x1e1: {  	v28 =	vld.idx.msk [tilespmem:v28+s25+$0x0], $0xffff;
	v34 =	vor.u32 v10, v23  }
0x1e2: {  	v25 =	vld.idx.msk [tilespmem:v25+s25+$0x0], $0xffff;
	v35 =	vor.u32 v11, v23  }
0x1e3: {  	v24 =	vld.idx.msk [tilespmem:v24+s25+$0x0], $0xffff;
	v36 =	vor.u32 v12, v23  }
0x1e4: {  	v27 =	vld.idx.msk [tilespmem:v27+s25+$0x0], $0xffff;
	v37 =	vor.u32 v13, v23;
	[tilespmem:v30+s30+$0x0] =	vst.idx.msk $0xffff, v32  }
0x1e5: {  	[tilespmem:v31+s30+$0x0] =	vst.idx.msk $0xffff, v26;
	v26 =	vor.u32 v14, v23  }
0x1e6: {  	v23 =	vor.u32 v15, v23;
	[tilespmem:v34+s30+$0x0] =	vst.idx.msk $0xffff, v28  }
0x1e7: {  	[tilespmem:v35+s30+$0x0] =	vst.idx.msk $0xffff, v25;
	v25 =	vor.u32 v3, v22  }
0x1e8: {  	v28 =	vor.u32 v6, v22;
	[tilespmem:v36+s30+$0x0] =	vst.idx.msk $0xffff, v24  }
0x1e9: {  	[tilespmem:v37+s30+$0x0] =	vst.idx.msk $0xffff, v27;
	v27 =	vor.u32 v1, v22  }
0x1ea: {  	v24 =	vor.u32 v2, v22;
	[tilespmem:v26+s30+$0x0] =	vst.idx.msk $0xffff, v29  }
0x1eb: {  	v26 =	vor.u32 v4, v22;
	[tilespmem:v23+s30+$0x0] =	vst.idx.msk $0xffff, v33  }
0x1ec: {  	v29 =	vor.u32 v7, v22;
	v25 =	vld.idx.msk [tilespmem:v25+s25+$0x0], $0xffff  }
0x1ed: {  	v23 =	vor.u32 v5, v22;
	v28 =	vld.idx.msk [tilespmem:v28+s25+$0x0], $0xffff  }
0x1ee: {  	v30 =	vor.u32 v0, v20;
	v22 =	vor.u32 v8, v22;
	v27 =	vld.idx.msk [tilespmem:v27+s25+$0x0], $0xffff  }
0x1ef: {  	v31 =	vor.u32 v9, v20;
	v24 =	vld.idx.msk [tilespmem:v24+s25+$0x0], $0xffff  }
0x1f0: {  	v61 =	vor.u32 v10, v20;
	v26 =	vld.idx.msk [tilespmem:v26+s25+$0x0], $0xffff  }
0x1f1: {  	v62 =	vor.u32 v11, v20;
	v29 =	vld.idx.msk [tilespmem:v29+s25+$0x0], $0xffff  }
0x1f2: {  	v63 =	vor.u32 v12, v20;
	v23 =	vld.idx.msk [tilespmem:v23+s25+$0x0], $0xffff  }
0x1f3: {  	v22 =	vld.idx.msk [tilespmem:v22+s25+$0x0], $0xffff;
	[tilespmem:v30+s30+$0x0] =	vst.idx.msk $0xffff, v27;
	v27 =	vor.u32 v13, v20  }
0x1f4: {  	v19 =	vand.u32 $0x7, v19;
	[tilespmem:v31+s30+$0x0] =	vst.idx.msk $0xffff, v24;
	v24 =	vor.u32 v14, v20  }
0x1f5: {  	v19 =	vor.u32 v19, v21;
	v20 =	vor.u32 v15, v20;
	[tilespmem:v61+s30+$0x0] =	vst.idx.msk $0xffff, v25  }
0x1f6: {  	v21 =	vor.u32 v3, v19;
	[tilespmem:v62+s30+$0x0] =	vst.idx.msk $0xffff, v26  }
0x1f7: {  	v25 =	vor.u32 v1, v19;
	[tilespmem:v63+s30+$0x0] =	vst.idx.msk $0xffff, v23  }
0x1f8: {  	v26 =	vor.u32 v8, v19;
	[tilespmem:v27+s30+$0x0] =	vst.idx.msk $0xffff, v28  }
0x1f9: {  	v23 =	vor.u32 v2, v19;
	[tilespmem:v24+s30+$0x0] =	vst.idx.msk $0xffff, v29  }
0x1fa: {  	v24 =	vor.u32 v4, v19;
	[tilespmem:v20+s30+$0x0] =	vst.idx.msk $0xffff, v22  }
0x1fb: {  	v20 =	vor.u32 v5, v19;
	v21 =	vld.idx.msk [tilespmem:v21+s25+$0x0], $0xffff  }
0x1fc: {  	v22 =	vor.u32 v6, v19;
	v25 =	vld.idx.msk [tilespmem:v25+s25+$0x0], $0xffff  }
0x1fd: {  	v27 =	vor.u32 v0, v18;
	v19 =	vor.u32 v7, v19;
	v26 =	vld.idx.msk [tilespmem:v26+s25+$0x0], $0xffff  }
0x1fe: {  	v28 =	vor.u32 v9, v18;
	v23 =	vld.idx.msk [tilespmem:v23+s25+$0x0], $0xffff  }
0x1ff: {  	v29 =	vor.u32 v10, v18;
	v24 =	vld.idx.msk [tilespmem:v24+s25+$0x0], $0xffff  }
0x200: {  	v30 =	vor.u32 v11, v18;
	v20 =	vld.idx.msk [tilespmem:v20+s25+$0x0], $0xffff  }
0x201: {  	v31 =	vor.u32 v12, v18;
	v22 =	vld.idx.msk [tilespmem:v22+s25+$0x0], $0xffff  }
0x202: {  	v19 =	vld.idx.msk [tilespmem:v19+s25+$0x0], $0xffff;
	[tilespmem:v27+s30+$0x0] =	vst.idx.msk $0xffff, v25;
	v25 =	vor.u32 v13, v18  }
0x203: {  	[tilespmem:v28+s30+$0x0] =	vst.idx.msk $0xffff, v23;
	v23 =	vor.u32 v14, v18  }
0x204: {  	v18 =	vor.u32 v15, v18;
	[tilespmem:v29+s30+$0x0] =	vst.idx.msk $0xffff, v21  }
0x205: {  	v21 =	vor.u32 v3, v17;
	[tilespmem:v30+s30+$0x0] =	vst.idx.msk $0xffff, v24  }
0x206: {  	v24 =	vor.u32 v1, v17;
	[tilespmem:v31+s30+$0x0] =	vst.idx.msk $0xffff, v20  }
0x207: {  	v20 =	vor.u32 v2, v17;
	[tilespmem:v25+s30+$0x0] =	vst.idx.msk $0xffff, v22  }
0x208: {  	v22 =	vor.u32 v6, v17;
	[tilespmem:v23+s30+$0x0] =	vst.idx.msk $0xffff, v19  }
0x209: {  	v19 =	vor.u32 v4, v17;
	[tilespmem:v18+s30+$0x0] =	vst.idx.msk $0xffff, v26  }
0x20a: {  	v23 =	vor.u32 v8, v17;
	v21 =	vld.idx.msk [tilespmem:v21+s25+$0x0], $0xffff  }
0x20b: {  	v18 =	vor.u32 v5, v17;
	v24 =	vld.idx.msk [tilespmem:v24+s25+$0x0], $0xffff  }
0x20c: {  	v25 =	vor.u32 v0, v16;
	v17 =	vor.u32 v7, v17;
	v20 =	vld.idx.msk [tilespmem:v20+s25+$0x0], $0xffff  }
0x20d: {  	v26 =	vor.u32 v9, v16;
	v22 =	vld.idx.msk [tilespmem:v22+s25+$0x0], $0xffff  }
0x20e: {  	v27 =	vor.u32 v10, v16;
	v19 =	vld.idx.msk [tilespmem:v19+s25+$0x0], $0xffff  }
0x20f: {  	v28 =	vor.u32 v11, v16;
	v23 =	vld.idx.msk [tilespmem:v23+s25+$0x0], $0xffff  }
0x210: {  	v29 =	vor.u32 v12, v16;
	v18 =	vld.idx.msk [tilespmem:v18+s25+$0x0], $0xffff  }
0x211: {  	v30 =	vor.u32 v13, v16;
	v17 =	vld.idx.msk [tilespmem:v17+s25+$0x0], $0xffff;
	[tilespmem:v25+s30+$0x0] =	vst.idx.msk $0xffff, v24  }
0x212: {  	v24 =	vor.u32 v14, v16;
	[tilespmem:v26+s30+$0x0] =	vst.idx.msk $0xffff, v20  }
0x213: {  	v16 =	vor.u32 v15, v16;
	[tilespmem:v27+s30+$0x0] =	vst.idx.msk $0xffff, v21  }
0x214: {  	[tilespmem:v28+s30+$0x0] =	vst.idx.msk $0xffff, v19  }
0x215: {  	[tilespmem:v29+s30+$0x0] =	vst.idx.msk $0xffff, v18  }
0x216: {  	[tilespmem:v30+s30+$0x0] =	vst.idx.msk $0xffff, v22  }
0x217: {  	s0 =	sadd.s32 @!p0 $0x300, s16;
	[tilespmem:v24+s30+$0x0] =	vst.idx.msk $0xffff, v17  }
0x218: {  	s1 =	simm.s32 @!p0 $0x80;
	s18 =	simm.s32 @!p0 $0xA400;
	s24 =	rddreg [dreg:$0xd];
	[tilespmem:v16+s30+$0x0] =	vst.idx.msk $0xffff, v23  }
0x219: {  	[tilespmem:s18], [sflag:$0x3] =	stream.indirect.gather @!p0 [hbm4b:s4+s1], $0x40, s0, s1, $0xb8;
	[tilespmem:$0x12400] =	vst v63  }
0x21a: {  	s0 =	sor.u32 s24, s31  }
0x21b: {  	s0 =	sshrl.u32 s0, $0x3  }
0x21c: {  	s18 =	simm.s32 $0x0;
	s26 =	sadd.s32 s2, s0;
	s19 =	sor.u32 $0x4000, s0  }
0x21d: {  	[hbm4b:s26+s18] =	stream.linear.scatter [tilespmem:s30], [sflag:$0x5], $0x400, $0x38;
	[tilespmem:$0x12400] =	vst v63  }
0x21e: {  	s24 =	sor.u32 $0x8000, s0;
	s1 =	sadd.s32 s2, s19;
	s19 =	simm.s32 $0xE800  }
0x21f: {  	[hbm4b:s1+s18] =	stream.linear.scatter [tilespmem:s19], [sflag:$0x5], $0x400, $0x38;
	[tilespmem:$0x12400] =	vst v63  }
0x220: {  	s26 =	sor.u32 $0xC000, s0;
	s1 =	sadd.s32 s2, s24;
	s19 =	simm.s32 $0xEC00  }
0x221: {  	[hbm4b:s1+s18] =	stream.linear.scatter [tilespmem:s19], [sflag:$0x5], $0x400, $0x38;
	[tilespmem:$0x12400] =	vst v63  }
0x222: {  	s24 =	simm.s32 $0xF000;
	s1 =	sadd.s32 s2, s26  }
0x223: {  	[hbm4b:s1+s18] =	stream.linear.scatter [tilespmem:s24], [sflag:$0x5], $0x400, $0x38;
	[tilespmem:$0x12400] =	vst v63  }
0x224: {  	s24 =	sor.u32 $0x10000, s0  }
0x225: {  	s26 =	sor.u32 $0x14000, s0;
	s1 =	sadd.s32 s2, s24;
	s24 =	simm.s32 $0xF400  }
0x226: {  	[hbm4b:s1+s18] =	stream.linear.scatter [tilespmem:s24], [sflag:$0x5], $0x400, $0x38;
	[tilespmem:$0x12400] =	vst v63  }
0x227: {  	s1 =	sadd.s32 s2, s26;
	s26 =	simm.s32 $0xF800  }
0x228: {  	[hbm4b:s1+s18] =	stream.linear.scatter [tilespmem:s26], [sflag:$0x5], $0x400, $0x38;
	[tilespmem:$0x12400] =	vst v63  }
0x229: {  	s26 =	sor.u32 $0x18000, s0  }
0x22a: {  	s0 =	sor.u32 $0x1C000, s0;
	s1 =	sadd.s32 s2, s26;
	s26 =	simm.s32 $0xFC00  }
0x22b: {  	[hbm4b:s1+s18] =	stream.linear.scatter [tilespmem:s26], [sflag:$0x5], $0x400, $0x38;
	[tilespmem:$0x12400] =	vst v63  }
0x22c: {  	s0 =	sadd.s32 s2, s0;
	s1 =	simm.s32 $0x10000  }
0x22d: {  	[hbm4b:s0+s18] =	stream.linear.scatter [tilespmem:s1], [sflag:$0x5], $0x400, $0x38;
	[tilespmem:$0x12400] =	vst v63  }
0x22e: {  	_ =	swait.ge [sflag:s13], $0x400  }
0x22f: {  	[sflag:s13] =	ssyncset.done $0x0  }
0x230: {  	[sflag:s13] =	ssyncadd.s32 $0xFFFFFC00  }
0x231: {  	_ =	swait.ge [sflag:s13], $0x400  }
0x232: {  	[sflag:s13] =	ssyncset.done $0x0  }
0x233: {  	[sflag:s13] =	ssyncadd.s32 $0xFFFFFC00  }
0x234: {  	_ =	swait.ge [sflag:s13], $0x400  }
0x235: {  	[sflag:s13] =	ssyncset.done $0x0  }
0x236: {  	[sflag:s13] =	ssyncadd.s32 $0xFFFFFC00  }
0x237: {  	_ =	swait.ge [sflag:s13], $0x400  }
0x238: {  	[sflag:s13] =	ssyncset.done $0x0  }
0x239: {  	[sflag:s13] =	ssyncadd.s32 $0xFFFFFC00  }
0x23a: {  	_ =	swait.ge [sflag:s13], $0x400  }
0x23b: {  	[sflag:s13] =	ssyncset.done $0x0  }
0x23c: {  	[sflag:s13] =	ssyncadd.s32 $0xFFFFFC00  }
0x23d: {  	_ =	swait.ge [sflag:s13], $0x400  }
0x23e: {  	[sflag:s13] =	ssyncset.done $0x0  }
0x23f: {  	[sflag:s13] =	ssyncadd.s32 $0xFFFFFC00  }
0x240: {  	_ =	swait.ge [sflag:s13], $0x400  }
0x241: {  	[sflag:s13] =	ssyncset.done $0x0  }
0x242: {  	v19 =	vadd.s32 s18, v0;
	[sflag:s13] =	ssyncadd.s32 $0xFFFFFC00  }
0x243: {  	v16 =	vand.u32 $0xF, v19;
	_ =	swait.ge [sflag:s13], $0x400  }
0x244: {  	v17 =	vor.u32 v1, v16;
	[sflag:s13] =	ssyncset.done $0x0  }
0x245: {  	v18 =	vor.u32 $0x10, v19;
	v30 =	vor.u32 v8, v16;
	[sflag:s13] =	ssyncadd.s32 $0xFFFFFC00  }
0x246: {  	v26 =	vor.u32 v2, v16;
	v23 =	vshll.u32 v16, $0x7;
	v29 =	vor.u32 v7, v16;
	_ =	swait.ge [sflag:s14], $0x2000  }
0x247: {  	v25 =	vor.u32 v4, v16;
	v24 =	vor.u32 v5, v16;
	v28 =	vor.u32 v3, v16;
	[sflag:s14] =	ssyncset.done $0x0  }
0x248: {  	v22 =	vand.u32 $0x1F, v18;
	v31 =	vor.u32 $0x20, v16;
	v20 =	vshll.u32 v18, $0x7;
	[sflag:s14] =	ssyncadd.s32 $0xFFFFE000  }
0x249: {  	v27 =	vor.u32 v6, v16;
	v16 =	vor.u32 $0x30, v19;
	v21 =	vand.u32 $0x28, v31;
	v32 =	vld.idx.msk [tilespmem:v17+s28+$0x0], $0xffff  }
0x24a: {  	v18 =	vshll.u32 v31, $0x7;
	s1 =	simm.s32 $0x1;
	v17 =	vand.u32 $0x3F, v16;
	v16 =	vshll.u32 v16, $0x7;
	v33 =	vld.idx.msk [tilespmem:v30+s28+$0x0], $0xffff  }
.LBB2_9:
0x24b: {  	p1 =	sne.s32 s1, $0xF;
	v34 =	vld.idx.msk [tilespmem:v29+s28+$0x0], $0xffff;
	s0 =	smov.u32 s1;
	s1 =	sadd.s32 $0x1, s1  }
0x24c: {  	v36 =	vor.u32 v0, v23;
	v35 =	vld.idx.msk [tilespmem:v26+s28+$0x0], $0xffff  }
0x24d: {  	v39 =	vor.u32 v9, v23;
	v40 =	vor.u32 v13, v23;
	v37 =	vadd.s32 s0, v0;
	v38 =	vld.idx.msk [tilespmem:v28+s28+$0x0], $0xffff  }
0x24e: {  	v43 =	vor.u32 v10, v23;
	v44 =	vor.u32 v11, v23;
	v41 =	vand.u32 $0xF, v37;
	v42 =	vld.idx.msk [tilespmem:v25+s28+$0x0], $0xffff  }
0x24f: {  	v30 =	vor.u32 v1, v41;
	v26 =	vor.u32 v2, v41;
	v45 =	vshll.u32 v41, $0x7;
	v46 =	vld.idx.msk [tilespmem:v24+s28+$0x0], $0xffff  }
0x250: {  	v48 =	vor.u32 v12, v23;
	v25 =	vor.u32 v4, v41;
	v24 =	vor.u32 v5, v41;
	v47 =	vld.idx.msk [tilespmem:v27+s28+$0x0], $0xffff  }
0x251: {  	v29 =	vor.u32 v7, v41;
	v31 =	vor.u32 v8, v41;
	v27 =	vor.u32 $0x10, v37;
	[tilespmem:v36+s17+$0x0] =	vst.idx.msk $0xffff, v32  }
0x252: {  	v28 =	vor.u32 v3, v41;
	v36 =	vand.u32 $0x1F, v27;
	[tilespmem:v39+s17+$0x0] =	vst.idx.msk $0xffff, v35;
	v35 =	vor.u32 v14, v23  }
0x253: {  	v32 =	vor.u32 $0x20, v41;
	v39 =	vshll.u32 v27, $0x7;
	[tilespmem:v43+s17+$0x0] =	vst.idx.msk $0xffff, v38;
	v38 =	vor.u32 v15, v23;
	v23 =	vmovc v45  }
0x254: {  	v27 =	vor.u32 v6, v41;
	v41 =	vand.u32 $0x28, v32;
	[tilespmem:v44+s17+$0x0] =	vst.idx.msk $0xffff, v42;
	v42 =	vor.u32 v3, v22  }
0x255: {  	v43 =	vor.u32 $0x30, v37;
	v45 =	vor.u32 v2, v22;
	v44 =	vshll.u32 v32, $0x7;
	[tilespmem:v48+s17+$0x0] =	vst.idx.msk $0xffff, v46  }
0x256: {  	v32 =	vshll.u32 v43, $0x7;
	v46 =	vand.u32 $0x3F, v43;
	[tilespmem:v40+s17+$0x0] =	vst.idx.msk $0xffff, v47;
	v40 =	vor.u32 v1, v22  }
0x257: {  	[tilespmem:v35+s17+$0x0] =	vst.idx.msk $0xffff, v34;
	v34 =	vor.u32 v4, v22  }
0x258: {  	[tilespmem:v38+s17+$0x0] =	vst.idx.msk $0xffff, v33;
	v33 =	vor.u32 v5, v22  }
0x259: {  	v38 =	vor.u32 v6, v22;
	v35 =	vld.idx.msk [tilespmem:v42+s28+$0x0], $0xffff  }
0x25a: {  	v43 =	vor.u32 v7, v22;
	v42 =	vld.idx.msk [tilespmem:v45+s28+$0x0], $0xffff  }
0x25b: {  	v45 =	vor.u32 v8, v22;
	v22 =	vmov v36;
	v40 =	vld.idx.msk [tilespmem:v40+s28+$0x0], $0xffff  }
0x25c: {  	v36 =	vor.u32 v0, v20;
	v34 =	vld.idx.msk [tilespmem:v34+s28+$0x0], $0xffff  }
0x25d: {  	v47 =	vor.u32 v9, v20;
	v33 =	vld.idx.msk [tilespmem:v33+s28+$0x0], $0xffff  }
0x25e: {  	v48 =	vor.u32 v10, v20;
	v38 =	vld.idx.msk [tilespmem:v38+s28+$0x0], $0xffff  }
0x25f: {  	v49 =	vor.u32 v11, v20;
	v43 =	vld.idx.msk [tilespmem:v43+s28+$0x0], $0xffff  }
0x260: {  	v50 =	vor.u32 v12, v20;
	v45 =	vld.idx.msk [tilespmem:v45+s28+$0x0], $0xffff  }
0x261: {  	[tilespmem:v36+s17+$0x0] =	vst.idx.msk $0xffff, v40;
	v36 =	vor.u32 v13, v20  }
0x262: {  	v40 =	vand.u32 $0x7, v19;
	v19 =	vmov v37;
	[tilespmem:v47+s17+$0x0] =	vst.idx.msk $0xffff, v42;
	v42 =	vor.u32 v14, v20  }
0x263: {  	v37 =	vor.u32 v40, v21;
	[tilespmem:v48+s17+$0x0] =	vst.idx.msk $0xffff, v35;
	v35 =	vor.u32 v15, v20;
	v20 =	vmov v39  }
0x264: {  	v21 =	vmov v41;
	[tilespmem:v49+s17+$0x0] =	vst.idx.msk $0xffff, v34;
	v34 =	vor.u32 v3, v37  }
0x265: {  	[tilespmem:v50+s17+$0x0] =	vst.idx.msk $0xffff, v33;
	v33 =	vor.u32 v2, v37  }
0x266: {  	[tilespmem:v36+s17+$0x0] =	vst.idx.msk $0xffff, v38;
	v36 =	vor.u32 v1, v37  }
0x267: {  	v38 =	vor.u32 v4, v37;
	[tilespmem:v42+s17+$0x0] =	vst.idx.msk $0xffff, v43  }
0x268: {  	[tilespmem:v35+s17+$0x0] =	vst.idx.msk $0xffff, v45;
	v35 =	vor.u32 v5, v37  }
0x269: {  	v39 =	vor.u32 v6, v37;
	v34 =	vld.idx.msk [tilespmem:v34+s28+$0x0], $0xffff  }
0x26a: {  	v40 =	vor.u32 v8, v37;
	v33 =	vld.idx.msk [tilespmem:v33+s28+$0x0], $0xffff  }
0x26b: {  	v37 =	vor.u32 v7, v37;
	v36 =	vld.idx.msk [tilespmem:v36+s28+$0x0], $0xffff  }
0x26c: {  	v41 =	vor.u32 v0, v18;
	v38 =	vld.idx.msk [tilespmem:v38+s28+$0x0], $0xffff  }
0x26d: {  	v42 =	vor.u32 v9, v18;
	v35 =	vld.idx.msk [tilespmem:v35+s28+$0x0], $0xffff  }
0x26e: {  	v43 =	vor.u32 v10, v18;
	v39 =	vld.idx.msk [tilespmem:v39+s28+$0x0], $0xffff  }
0x26f: {  	v45 =	vor.u32 v11, v18;
	v40 =	vld.idx.msk [tilespmem:v40+s28+$0x0], $0xffff  }
0x270: {  	v47 =	vor.u32 v12, v18;
	v37 =	vld.idx.msk [tilespmem:v37+s28+$0x0], $0xffff  }
0x271: {  	[tilespmem:v41+s17+$0x0] =	vst.idx.msk $0xffff, v36;
	v36 =	vor.u32 v13, v18  }
0x272: {  	[tilespmem:v42+s17+$0x0] =	vst.idx.msk $0xffff, v33;
	v33 =	vor.u32 v14, v18  }
0x273: {  	[tilespmem:v43+s17+$0x0] =	vst.idx.msk $0xffff, v34;
	v34 =	vor.u32 v15, v18;
	v18 =	vmov v44  }
0x274: {  	[tilespmem:v45+s17+$0x0] =	vst.idx.msk $0xffff, v38;
	v38 =	vor.u32 v3, v17  }
0x275: {  	v41 =	vor.u32 v2, v17;
	[tilespmem:v47+s17+$0x0] =	vst.idx.msk $0xffff, v35;
	v35 =	vor.u32 v1, v17  }
0x276: {  	[tilespmem:v36+s17+$0x0] =	vst.idx.msk $0xffff, v39  }
0x277: {  	[tilespmem:v33+s17+$0x0] =	vst.idx.msk $0xffff, v37;
	v33 =	vor.u32 v4, v17  }
0x278: {  	[tilespmem:v34+s17+$0x0] =	vst.idx.msk $0xffff, v40;
	v34 =	vor.u32 v5, v17  }
0x279: {  	v37 =	vor.u32 v6, v17;
	v36 =	vld.idx.msk [tilespmem:v38+s28+$0x0], $0xffff  }
0x27a: {  	v39 =	vor.u32 v8, v17;
	v38 =	vld.idx.msk [tilespmem:v41+s28+$0x0], $0xffff  }
0x27b: {  	v40 =	vor.u32 v7, v17;
	v17 =	vmov v46;
	v41 =	vor.u32 v0, v16;
	v35 =	vld.idx.msk [tilespmem:v35+s28+$0x0], $0xffff  }
0x27c: {  	v42 =	vor.u32 v9, v16;
	v33 =	vld.idx.msk [tilespmem:v33+s28+$0x0], $0xffff  }
0x27d: {  	v43 =	vor.u32 v10, v16;
	v34 =	vld.idx.msk [tilespmem:v34+s28+$0x0], $0xffff  }
0x27e: {  	v44 =	vor.u32 v11, v16;
	v37 =	vld.idx.msk [tilespmem:v37+s28+$0x0], $0xffff  }
0x27f: {  	v45 =	vor.u32 v12, v16;
	v39 =	vld.idx.msk [tilespmem:v39+s28+$0x0], $0xffff  }
0x280: {  	v46 =	vor.u32 v13, v16;
	v40 =	vld.idx.msk [tilespmem:v40+s28+$0x0], $0xffff  }
0x281: {  	[tilespmem:v41+s17+$0x0] =	vst.idx.msk $0xffff, v35;
	v35 =	vor.u32 v14, v16  }
0x282: {  	[tilespmem:v42+s17+$0x0] =	vst.idx.msk $0xffff, v38;
	v38 =	vor.u32 v15, v16;
	v16 =	vmov v32  }
0x283: {  	[tilespmem:v43+s17+$0x0] =	vst.idx.msk $0xffff, v36  }
0x284: {  	[tilespmem:v44+s17+$0x0] =	vst.idx.msk $0xffff, v33  }
0x285: {  	[tilespmem:v45+s17+$0x0] =	vst.idx.msk $0xffff, v34  }
.Ltmp3:
0x286: {  	[tilespmem:v46+s17+$0x0] =	vst.idx.msk $0xffff, v37;
	(pc) =	sbr.rel @p1 .LBB2_9-.Ltmp3, $4  }
0x287: {  	[tilespmem:v35+s17+$0x0] =	vst.idx.msk $0xffff, v40  }
0x288: {  	[tilespmem:v38+s17+$0x0] =	vst.idx.msk $0xffff, v39  }
0x289: {  	v32 =	vld.idx.msk [tilespmem:v30+s28+$0x0], $0xffff  }
0x28a: {  	v33 =	vld.idx.msk [tilespmem:v31+s28+$0x0], $0xffff  }
0x28b: {  	_ =	sdelay $0x3  }
0x28c: {  	v29 =	vld.idx.msk [tilespmem:v29+s28+$0x0], $0xffff;
	v30 =	vor.u32 v0, v23  }
0x28d: {  	v26 =	vld.idx.msk [tilespmem:v26+s28+$0x0], $0xffff;
	v31 =	vor.u32 v9, v23  }
0x28e: {  	v28 =	vld.idx.msk [tilespmem:v28+s28+$0x0], $0xffff;
	v34 =	vor.u32 v10, v23  }
0x28f: {  	v25 =	vld.idx.msk [tilespmem:v25+s28+$0x0], $0xffff;
	v35 =	vor.u32 v11, v23  }
0x290: {  	v24 =	vld.idx.msk [tilespmem:v24+s28+$0x0], $0xffff;
	v36 =	vor.u32 v12, v23  }
0x291: {  	v27 =	vld.idx.msk [tilespmem:v27+s28+$0x0], $0xffff;
	v37 =	vor.u32 v13, v23;
	[tilespmem:v30+s17+$0x0] =	vst.idx.msk $0xffff, v32  }
0x292: {  	v49 =	vor.u32 v14, v23;
	[tilespmem:v31+s17+$0x0] =	vst.idx.msk $0xffff, v26  }
0x293: {  	v50 =	vor.u32 v15, v23;
	[tilespmem:v34+s17+$0x0] =	vst.idx.msk $0xffff, v28  }
0x294: {  	v51 =	vor.u32 v3, v22;
	[tilespmem:v35+s17+$0x0] =	vst.idx.msk $0xffff, v25  }
0x295: {  	v52 =	vor.u32 v2, v22;
	[tilespmem:v36+s17+$0x0] =	vst.idx.msk $0xffff, v24  }
0x296: {  	v53 =	vor.u32 v1, v22;
	[tilespmem:v37+s17+$0x0] =	vst.idx.msk $0xffff, v27  }
0x297: {  	v54 =	vor.u32 v4, v22;
	[tilespmem:v49+s17+$0x0] =	vst.idx.msk $0xffff, v29  }
0x298: {  	v55 =	vor.u32 v5, v22;
	[tilespmem:v50+s17+$0x0] =	vst.idx.msk $0xffff, v33  }
0x299: {  	v56 =	vor.u32 v6, v22;
	v25 =	vld.idx.msk [tilespmem:v51+s28+$0x0], $0xffff  }
0x29a: {  	v57 =	vor.u32 v7, v22;
	v24 =	vld.idx.msk [tilespmem:v52+s28+$0x0], $0xffff  }
0x29b: {  	v58 =	vor.u32 v8, v22;
	v59 =	vor.u32 v0, v20;
	v27 =	vld.idx.msk [tilespmem:v53+s28+$0x0], $0xffff  }
0x29c: {  	v60 =	vor.u32 v9, v20;
	v26 =	vld.idx.msk [tilespmem:v54+s28+$0x0], $0xffff  }
0x29d: {  	v61 =	vor.u32 v10, v20;
	v23 =	vld.idx.msk [tilespmem:v55+s28+$0x0], $0xffff  }
0x29e: {  	v62 =	vor.u32 v11, v20;
	v28 =	vld.idx.msk [tilespmem:v56+s28+$0x0], $0xffff  }
0x29f: {  	v63 =	vor.u32 v12, v20;
	v29 =	vld.idx.msk [tilespmem:v57+s28+$0x0], $0xffff  }
0x2a0: {  	v30 =	vor.u32 v13, v20;
	v22 =	vld.idx.msk [tilespmem:v58+s28+$0x0], $0xffff;
	[tilespmem:v59+s17+$0x0] =	vst.idx.msk $0xffff, v27  }
0x2a1: {  	v19 =	vand.u32 $0x7, v19;
	v31 =	vor.u32 v14, v20;
	[tilespmem:v60+s17+$0x0] =	vst.idx.msk $0xffff, v24  }
0x2a2: {  	v19 =	vor.u32 v19, v21;
	v35 =	vor.u32 v15, v20;
	[tilespmem:v61+s17+$0x0] =	vst.idx.msk $0xffff, v25  }
0x2a3: {  	v21 =	vor.u32 v3, v19;
	[tilespmem:v62+s17+$0x0] =	vst.idx.msk $0xffff, v26  }
0x2a4: {  	v36 =	vor.u32 v2, v19;
	[tilespmem:v63+s17+$0x0] =	vst.idx.msk $0xffff, v23  }
0x2a5: {  	v37 =	vor.u32 v1, v19;
	[tilespmem:v30+s17+$0x0] =	vst.idx.msk $0xffff, v28  }
0x2a6: {  	v38 =	vor.u32 v4, v19;
	[tilespmem:v31+s17+$0x0] =	vst.idx.msk $0xffff, v29  }
0x2a7: {  	v39 =	vor.u32 v5, v19;
	[tilespmem:v35+s17+$0x0] =	vst.idx.msk $0xffff, v22  }
0x2a8: {  	v40 =	vor.u32 v6, v19;
	v21 =	vld.idx.msk [tilespmem:v21+s28+$0x0], $0xffff  }
0x2a9: {  	v41 =	vor.u32 v8, v19;
	v23 =	vld.idx.msk [tilespmem:v36+s28+$0x0], $0xffff  }
0x2aa: {  	v42 =	vor.u32 v0, v18;
	v19 =	vor.u32 v7, v19;
	v25 =	vld.idx.msk [tilespmem:v37+s28+$0x0], $0xffff  }
0x2ab: {  	v43 =	vor.u32 v9, v18;
	v24 =	vld.idx.msk [tilespmem:v38+s28+$0x0], $0xffff  }
0x2ac: {  	v44 =	vor.u32 v10, v18;
	v20 =	vld.idx.msk [tilespmem:v39+s28+$0x0], $0xffff  }
0x2ad: {  	v45 =	vor.u32 v11, v18;
	v22 =	vld.idx.msk [tilespmem:v40+s28+$0x0], $0xffff  }
0x2ae: {  	v46 =	vor.u32 v12, v18;
	v26 =	vld.idx.msk [tilespmem:v41+s28+$0x0], $0xffff  }
0x2af: {  	v47 =	vor.u32 v13, v18;
	v19 =	vld.idx.msk [tilespmem:v19+s28+$0x0], $0xffff;
	[tilespmem:v42+s17+$0x0] =	vst.idx.msk $0xffff, v25  }
0x2b0: {  	v48 =	vor.u32 v14, v18;
	[tilespmem:v43+s17+$0x0] =	vst.idx.msk $0xffff, v23  }
0x2b1: {  	v49 =	vor.u32 v15, v18;
	[tilespmem:v44+s17+$0x0] =	vst.idx.msk $0xffff, v21  }
0x2b2: {  	v50 =	vor.u32 v3, v17;
	[tilespmem:v45+s17+$0x0] =	vst.idx.msk $0xffff, v24  }
0x2b3: {  	v51 =	vor.u32 v2, v17;
	[tilespmem:v46+s17+$0x0] =	vst.idx.msk $0xffff, v20  }
0x2b4: {  	v52 =	vor.u32 v1, v17;
	[tilespmem:v47+s17+$0x0] =	vst.idx.msk $0xffff, v22  }
0x2b5: {  	v53 =	vor.u32 v4, v17;
	[tilespmem:v48+s17+$0x0] =	vst.idx.msk $0xffff, v19  }
0x2b6: {  	v54 =	vor.u32 v5, v17;
	[tilespmem:v49+s17+$0x0] =	vst.idx.msk $0xffff, v26  }
0x2b7: {  	v55 =	vor.u32 v6, v17;
	v21 =	vld.idx.msk [tilespmem:v50+s28+$0x0], $0xffff  }
0x2b8: {  	v56 =	vor.u32 v8, v17;
	v20 =	vld.idx.msk [tilespmem:v51+s28+$0x0], $0xffff  }
0x2b9: {  	v17 =	vor.u32 v7, v17;
	v57 =	vor.u32 v0, v16;
	v24 =	vld.idx.msk [tilespmem:v52+s28+$0x0], $0xffff  }
0x2ba: {  	v58 =	vor.u32 v9, v16;
	v19 =	vld.idx.msk [tilespmem:v53+s28+$0x0], $0xffff  }
0x2bb: {  	v59 =	vor.u32 v10, v16;
	v18 =	vld.idx.msk [tilespmem:v54+s28+$0x0], $0xffff  }
0x2bc: {  	v60 =	vor.u32 v11, v16;
	v22 =	vld.idx.msk [tilespmem:v55+s28+$0x0], $0xffff  }
0x2bd: {  	v61 =	vor.u32 v12, v16;
	v23 =	vld.idx.msk [tilespmem:v56+s28+$0x0], $0xffff  }
0x2be: {  	v62 =	vor.u32 v13, v16;
	v17 =	vld.idx.msk [tilespmem:v17+s28+$0x0], $0xffff;
	[tilespmem:v57+s17+$0x0] =	vst.idx.msk $0xffff, v24  }
0x2bf: {  	v63 =	vor.u32 v14, v16;
	[tilespmem:v58+s17+$0x0] =	vst.idx.msk $0xffff, v20  }
0x2c0: {  	v16 =	vor.u32 v15, v16;
	[tilespmem:v59+s17+$0x0] =	vst.idx.msk $0xffff, v21  }
0x2c1: {  	[tilespmem:v60+s17+$0x0] =	vst.idx.msk $0xffff, v19  }
0x2c2: {  	[tilespmem:v61+s17+$0x0] =	vst.idx.msk $0xffff, v18  }
0x2c3: {  	[tilespmem:v62+s17+$0x0] =	vst.idx.msk $0xffff, v22  }
0x2c4: {  	s0 =	sadd.s32 @!p0 $0x380, s16;
	[tilespmem:v63+s17+$0x0] =	vst.idx.msk $0xffff, v17  }
0x2c5: {  	s1 =	simm.s32 @!p0 $0x80;
	s16 =	simm.s32 @!p0 $0xC400;
	s18 =	rddreg [dreg:$0xe];
	[tilespmem:v16+s17+$0x0] =	vst.idx.msk $0xffff, v23  }
0x2c6: {  	[tilespmem:s16], [sflag:$0x4] =	stream.indirect.gather @!p0 [hbm4b:s4+s1], $0x40, s0, s1, $0xb8;
	[tilespmem:$0x12400] =	vst v63  }
0x2c7: {  	s0 =	sor.u32 s18, s31  }
0x2c8: {  	s0 =	sshrl.u32 s0, $0x3  }
0x2c9: {  	s31 =	sadd.s32 s2, s0;
	s16 =	sor.u32 $0x4000, s0  }
0x2ca: {  	[hbm4b:s31+s3] =	stream.linear.scatter [tilespmem:s17], [sflag:$0x6], $0x400, $0x38;
	[tilespmem:$0x12400] =	vst v63  }
0x2cb: {  	s18 =	sor.u32 $0x8000, s0;
	s1 =	sadd.s32 s2, s16  }
0x2cc: {  	[hbm4b:s1+s3] =	stream.linear.scatter [tilespmem:s20], [sflag:$0x6], $0x400, $0x38;
	[tilespmem:$0x12400] =	vst v63  }
0x2cd: {  	s31 =	sor.u32 $0xC000, s0;
	s1 =	sadd.s32 s2, s18  }
0x2ce: {  	[hbm4b:s1+s3] =	stream.linear.scatter [tilespmem:s21], [sflag:$0x6], $0x400, $0x38;
	[tilespmem:$0x12400] =	vst v63  }
0x2cf: {  	s16 =	sor.u32 $0x10000, s0;
	s1 =	sadd.s32 s2, s31  }
0x2d0: {  	[hbm4b:s1+s3] =	stream.linear.scatter [tilespmem:s7], [sflag:$0x6], $0x400, $0x38;
	[tilespmem:$0x12400] =	vst v63  }
0x2d1: {  	s15 =	sadd.s32 $0x1, s15;
	s18 =	sor.u32 $0x14000, s0;
	s1 =	sadd.s32 s2, s16  }
0x2d2: {  	[hbm4b:s1+s3] =	stream.linear.scatter [tilespmem:s8], [sflag:$0x6], $0x400, $0x38;
	[tilespmem:$0x12400] =	vst v63  }
0x2d3: {  	p0 =	sne.s32 s15, $0x32;
	s1 =	sadd.s32 s2, s18  }
0x2d4: {  	[hbm4b:s1+s3] =	stream.linear.scatter [tilespmem:s9], [sflag:$0x6], $0x400, $0x38;
	[tilespmem:$0x12400] =	vst v63  }
.Ltmp4:
0x2d5: {  	s31 =	sor.u32 $0x18000, s0;
	(pc) =	sbr.rel @p0 .LBB2_2-.Ltmp4, $4  }
0x2d6: {  	s0 =	sor.u32 $0x1C000, s0;
	s1 =	sadd.s32 s2, s31  }
0x2d7: {  	[hbm4b:s1+s3] =	stream.linear.scatter [tilespmem:s10], [sflag:$0x6], $0x400, $0x38;
	[tilespmem:$0x12400] =	vst v63  }
0x2d8: {  	s0 =	sadd.s32 s2, s0  }
0x2d9: {  	[hbm4b:s0+s3] =	stream.linear.scatter [tilespmem:s11], [sflag:$0x6], $0x400, $0x38;
	[tilespmem:$0x12400] =	vst v63  }
0x2da: {  	_ =	swait.ge [sflag:s6], $0x400  }
0x2db: {  	[sflag:s6] =	ssyncset.done $0x0  }
0x2dc: {  	[sflag:s6] =	ssyncadd.s32 $0xFFFFFC00  }
0x2dd: {  	_ =	swait.ge [sflag:s6], $0x400  }
0x2de: {  	[sflag:s6] =	ssyncset.done $0x0  }
0x2df: {  	[sflag:s6] =	ssyncadd.s32 $0xFFFFFC00  }
0x2e0: {  	_ =	swait.ge [sflag:s6], $0x400  }
0x2e1: {  	[sflag:s6] =	ssyncset.done $0x0  }
0x2e2: {  	[sflag:s6] =	ssyncadd.s32 $0xFFFFFC00  }
0x2e3: {  	_ =	swait.ge [sflag:s6], $0x400  }
0x2e4: {  	[sflag:s6] =	ssyncset.done $0x0  }
0x2e5: {  	[sflag:s6] =	ssyncadd.s32 $0xFFFFFC00  }
0x2e6: {  	_ =	swait.ge [sflag:s6], $0x400  }
0x2e7: {  	[sflag:s6] =	ssyncset.done $0x0  }
0x2e8: {  	[sflag:s6] =	ssyncadd.s32 $0xFFFFFC00  }
0x2e9: {  	_ =	swait.ge [sflag:s6], $0x400  }
0x2ea: {  	[sflag:s6] =	ssyncset.done $0x0  }
0x2eb: {  	[sflag:s6] =	ssyncadd.s32 $0xFFFFFC00  }
0x2ec: {  	_ =	swait.ge [sflag:s6], $0x400  }
0x2ed: {  	[sflag:s6] =	ssyncset.done $0x0  }
0x2ee: {  	[sflag:s6] =	ssyncadd.s32 $0xFFFFFC00  }
0x2ef: {  	_ =	swait.ge [sflag:s6], $0x400  }
0x2f0: {  	[sflag:s6] =	ssyncset.done $0x0  }
0x2f1: {  	[sflag:s6] =	ssyncadd.s32 $0xFFFFFC00  }
0x2f2: {  	_ =	swait.ge [sflag:s13], $0x400  }
0x2f3: {  	[sflag:s13] =	ssyncset.done $0x0  }
0x2f4: {  	[sflag:s13] =	ssyncadd.s32 $0xFFFFFC00  }
0x2f5: {  	_ =	swait.ge [sflag:s13], $0x400  }
0x2f6: {  	[sflag:s13] =	ssyncset.done $0x0  }
0x2f7: {  	[sflag:s13] =	ssyncadd.s32 $0xFFFFFC00  }
0x2f8: {  	_ =	swait.ge [sflag:s13], $0x400  }
0x2f9: {  	[sflag:s13] =	ssyncset.done $0x0  }
0x2fa: {  	[sflag:s13] =	ssyncadd.s32 $0xFFFFFC00  }
0x2fb: {  	_ =	swait.ge [sflag:s13], $0x400  }
0x2fc: {  	[sflag:s13] =	ssyncset.done $0x0  }
0x2fd: {  	[sflag:s13] =	ssyncadd.s32 $0xFFFFFC00  }
0x2fe: {  	_ =	swait.ge [sflag:s13], $0x400  }
0x2ff: {  	[sflag:s13] =	ssyncset.done $0x0  }
0x300: {  	[sflag:s13] =	ssyncadd.s32 $0xFFFFFC00  }
0x301: {  	_ =	swait.ge [sflag:s13], $0x400  }
0x302: {  	[sflag:s13] =	ssyncset.done $0x0  }
0x303: {  	[sflag:s13] =	ssyncadd.s32 $0xFFFFFC00  }
0x304: {  	_ =	swait.ge [sflag:s13], $0x400  }
0x305: {  	[sflag:s13] =	ssyncset.done $0x0  }
0x306: {  	[sflag:s13] =	ssyncadd.s32 $0xFFFFFC00  }
0x307: {  	_ =	swait.ge [sflag:s13], $0x400  }
0x308: {  	s1 =	rddreg [dreg:$0x10]  }
0x309: {  	s0 =	rddreg [dreg:$0xf];
	s1 =	sadd.s32 $0x1, s1  }
0x30a: {  	p0 =	sne.s32 s1, s0  }
.Ltmp5:
0x30b: {  	_ = 	snop;
	(pc) =	sbr.rel @p0 .LBB2_1-.Ltmp5, $3  }
0x30c: {  	_ =	sdelay $0x1  }
0x30d: {  	[sflag:s13] =	ssyncset.done $0x0  }
0x30e: {  	[sflag:s13] =	ssyncadd.s32 $0xFFFFFC00  }
0x30f: {  	_ =	sfence.sel $0x180000  }
0x310: {  	[bflag:$0x0] =	sbarrier.arrive $0xFFFF  }
0x311: {  	_ =	strace $0x90000047  }
0x312: {  	s0 =	stileid.u32;
	[bflag:$0x2] =	sbarrier.arrive $0xFFFF  }
0x313: {  	p0 =	sne.s32 s0, $0x0;
	s0 =	rddreg [dreg:$0x2]  }
0x314: {  	s0 =	sadd.s32 @!p0 $0x100000, s0  }
0x315: {  	[sflag:s0] =	ssyncadd.tile.s32 @!p0 $0x1;
	_ =	shalt  }
.Lfunc_end2:
_tile_overlayer_lowered:
.L_overlay_start_2:
0x316: {  	(tag) =	ssettag $0x2  }
0x317: {  	s0 =	rddreg [dreg:$0x0];
	s2 =	stileid.u32  }
0x318: {  	s1 =	rddreg [dreg:$0x1];
	p0 =	sne.s32 s2, $0x0  }
0x319: {  	s3 =	rddreg [dreg:$0x2];
	[bflag:$0x3] =	sbarrier.arrive $0xFFFF;
	s2 =	simm.s32 @!p0 $0x1C07  }
0x31a: {  	[timem:s3], [sflag:s2] =	dma.local @!p0 [hbm:s0], s1  }
0x31b: {  	s0 =	simm.s32 @!p0 $0x7  }
0x31c: {  	_ =	swait.ge @!p0 [sflag:s0], s1  }
0x31d: {  	s1 =	ssub.s32 @!p0 $0x0, s1;
	[sflag:s0] =	ssyncset.done @!p0 $0x0  }
0x31e: {  	[sflag:s0] =	ssyncadd.s32 @!p0 s1  }
0x31f: {  	[bflag:$0x3] =	sbarrier.arrive $0xFFFF  }
0x320: {  	_ =	shalt  }

</sc_bundles>
